<compile_context>
chip_gen: v7x
topology: tpu7x:2x2x1
jax: 0.10.2.dev20260603
libtpu: 0.0.44.dev20260713+nightly
codegen_flags: <defaults>
</compile_context>

<pallas_src>
import functools

import jax
import jax.numpy as jnp
from jax import lax
from jax.experimental import pallas as pl
from jax.experimental.pallas import tpu as pltpu
from jax.experimental.pallas import tpu_sc as plsc

N = 50000
E = 800000
G = 64
N_PAD = 50048
NCH_E = E // 128
NEG_SLOPE = 0.2
EPS = 1.0 + 1e-16

R1 = N_PAD // 8
R2 = N_PAD // 16

_mesh = plsc.VectorSubcoreMesh(core_axis_name="c", subcore_axis_name="s")
_params = pltpu.CompilerParams(needs_layout_passes=False)


def _iota16():
    return lax.iota(jnp.int32, 16)


def _lrelu(z):
    return jnp.where(z > 0, z, NEG_SLOPE * z)


def _col(j):
    return jnp.full((16,), j, jnp.int32)


def _zero_rows(acc, nwords):
    iota = _iota16()
    zero16 = jnp.zeros((16,), jnp.float32)

    def zbody(i, carry):
        plsc.store_scatter(acc, [iota + i * 16], zero16)
        return carry

    lax.fori_loop(0, nwords // 16, zbody, 0)


@functools.partial(
    pl.kernel,
    out_type=tuple(jax.ShapeDtypeStruct((N_PAD * 8,), jnp.float32)
                   for _ in range(4)),
    mesh=_mesh,
    compiler_params=_params,
    scratch_types=[
        pltpu.VMEM((N_PAD,), jnp.float32),
        pltpu.VMEM((128,), jnp.int32),
        pltpu.VMEM((128,), jnp.int32),
        pltpu.VMEM((R1 * 8,), jnp.float32),
        pltpu.VMEM((16,), jnp.float32),
        pltpu.VMEM((16,), jnp.float32),
        pltpu.VMEM((16,), jnp.float32),
        pltpu.VMEM((16,), jnp.float32),
    ],
)
def _sck1(x_hbm, src_hbm, dst_hbm, par_hbm, o0, o1, o2, o3,
          x_v, src_v, dst_v, acc, pcs0, pcs1, pcd0, pcd1):
    cid = lax.axis_index("c")
    sid = lax.axis_index("s")
    wid = sid * 2 + cid
    eg = wid & 3
    ng = wid >> 2
    lo = ng * R1
    pltpu.sync_copy(x_hbm, x_v)
    pltpu.sync_copy(par_hbm.at[0], pcs0)
    pltpu.sync_copy(par_hbm.at[1], pcs1)
    pltpu.sync_copy(par_hbm.at[2], pcd0)
    pltpu.sync_copy(par_hbm.at[3], pcd1)
    _zero_rows(acc, R1 * 8)

    cs0 = pcs0[...]
    cs1 = pcs1[...]
    cd0 = pcd0[...]
    cd1 = pcd1[...]
    nch = 1562 + (eg < 2).astype(jnp.int32)

    def body(j, carry):
        base = (eg + 4 * j) * 128
        pltpu.sync_copy(src_hbm.at[pl.ds(base, 128)], src_v)
        pltpu.sync_copy(dst_hbm.at[pl.ds(base, 128)], dst_v)
        for i in range(8):
            sidx = src_v[pl.ds(i * 16, 16)]
            didx = dst_v[pl.ds(i * 16, 16)]
            xs = plsc.load_gather(x_v, [sidx])
            xd = plsc.load_gather(x_v, [didx])
            lidx = didx - lo
            msk = (lidx >= 0) & (lidx < R1)
            lidx = jnp.where(msk, lidx, 0)
            for h, (csv, cdv) in enumerate(((cs0, cd0), (cs1, cd1))):
                e = _lrelu(xs * csv + xd * cdv)
                es = _lrelu(xd * (csv + cdv))
                p = jnp.exp(e - es)
                fl = lidx * 8
                plsc.addupdate_scatter(acc, [fl + h], p, mask=msk)
                plsc.addupdate_scatter(acc, [fl + (2 + h)], p * xs, mask=msk)
        return carry

    lax.fori_loop(0, nch, body, 0)

    for k, o in enumerate((o0, o1, o2, o3)):
        @pl.when(eg == k)
        def _():
            pltpu.sync_copy(acc, o.at[pl.ds(lo * 8, R1 * 8)])


def _tck1_body(p0_ref, p1_ref, p2_ref, p3_ref, x_ref, s0_ref, s1_ref):
    ps = p0_ref[...] + p1_ref[...] + p2_ref[...] + p3_ref[...]
    x = x_ref[0]
    s0_ref[...] = ((ps[:, 2] + x) / (ps[:, 0] + EPS))[None, :]
    s1_ref[...] = ((ps[:, 3] + x) / (ps[:, 1] + EPS))[None, :]


@functools.partial(
    pl.kernel,
    out_type=(jax.ShapeDtypeStruct((N_PAD * 8,), jnp.float32),
              jax.ShapeDtypeStruct((N_PAD * 8,), jnp.float32)),
    mesh=_mesh,
    compiler_params=_params,
    scratch_types=[
        pltpu.VMEM((N_PAD,), jnp.float32),
        pltpu.VMEM((N_PAD,), jnp.float32),
        pltpu.VMEM((128,), jnp.int32),
        pltpu.VMEM((128,), jnp.int32),
        pltpu.VMEM((R2 * 8,), jnp.float32),
        pltpu.VMEM((16,), jnp.float32),
        pltpu.VMEM((16,), jnp.float32),
        pltpu.VMEM((16,), jnp.float32),
        pltpu.VMEM((16,), jnp.float32),
        pltpu.VMEM((16,), jnp.float32),
        pltpu.VMEM((16,), jnp.float32),
        pltpu.VMEM((16,), jnp.float32),
        pltpu.VMEM((16,), jnp.float32),
    ],
)
def _sck2(s0_hbm, s1_hbm, src_hbm, dst_hbm, par_hbm, oa, ob,
          s0_v, s1_v, src_v, dst_v, acc,
          pv0, pv1, pv2, pv3, pd0, pd1, pd2, pd3):
    cid = lax.axis_index("c")
    sid = lax.axis_index("s")
    eg = cid
    lo = sid * R2
    pltpu.sync_copy(s0_hbm, s0_v)
    pltpu.sync_copy(s1_hbm, s1_v)
    for k, ref in enumerate((pv0, pv1, pv2, pv3, pd0, pd1, pd2, pd3)):
        pltpu.sync_copy(par_hbm.at[k], ref)
    _zero_rows(acc, R2 * 8)
    vs = (pv0[...], pv1[...], pv2[...], pv3[...])
    vd = (pd0[...], pd1[...], pd2[...], pd3[...])

    def body(j, carry):
        base = (eg + 2 * j) * 128
        pltpu.sync_copy(src_hbm.at[pl.ds(base, 128)], src_v)
        pltpu.sync_copy(dst_hbm.at[pl.ds(base, 128)], dst_v)
        for i in range(8):
            sidx = src_v[pl.ds(i * 16, 16)]
            didx = dst_v[pl.ds(i * 16, 16)]
            s0s = plsc.load_gather(s0_v, [sidx])
            s1s = plsc.load_gather(s1_v, [sidx])
            s0d = plsc.load_gather(s0_v, [didx])
            s1d = plsc.load_gather(s1_v, [didx])
            ts = (jnp.maximum(s0s, 0.0), jnp.maximum(-s0s, 0.0),
                  jnp.maximum(s1s, 0.0), jnp.maximum(-s1s, 0.0))
            td = (jnp.maximum(s0d, 0.0), jnp.maximum(-s0d, 0.0),
                  jnp.maximum(s1d, 0.0), jnp.maximum(-s1d, 0.0))
            a_s = ts[0] * vs[0] + ts[1] * vs[1] + ts[2] * vs[2] + ts[3] * vs[3]
            asd = td[0] * vs[0] + td[1] * vs[1] + td[2] * vs[2] + td[3] * vs[3]
            add = td[0] * vd[0] + td[1] * vd[1] + td[2] * vd[2] + td[3] * vd[3]
            es = _lrelu(asd + add)
            p = jnp.exp(_lrelu(a_s + add) - es)
            lidx = didx - lo
            msk = (lidx >= 0) & (lidx < R2)
            lidx = jnp.where(msk, lidx, 0)
            fl = lidx * 8
            for j2 in range(4):
                plsc.addupdate_scatter(acc, [fl + j2], p * ts[j2], mask=msk)
            plsc.addupdate_scatter(acc, [fl + 4], p, mask=msk)
        return carry

    lax.fori_loop(0, 3125, body, 0)

    @pl.when(eg == 0)
    def _():
        pltpu.sync_copy(acc, oa.at[pl.ds(lo * 8, R2 * 8)])

    @pl.when(eg == 1)
    def _():
        pltpu.sync_copy(acc, ob.at[pl.ds(lo * 8, R2 * 8)])


NBLK = N_PAD // 128


def _tck2_body(pa_ref, pb_ref, s0_ref, s1_ref, b_ref, nd_ref, C_ref, b2_ref,
               wm1_ref, bm1_ref, wm2_ref, bm2_ref, wm3_ref, bm3_ref,
               wf_ref, bf_ref, o_ref, gacc_ref):
    f32 = jnp.float32
    ps = pa_ref[...] + pb_ref[...]
    s0 = s0_ref[0]
    s1 = s1_ref[0]
    T = jnp.stack([jnp.maximum(s0, 0.0), jnp.maximum(-s0, 0.0),
                   jnp.maximum(s1, 0.0), jnp.maximum(-s1, 0.0)], axis=1)
    i = pl.program_id(0)
    den2 = ps[:, 4] + EPS
    U = (ps[:, :4] + T) / den2[:, None]
    nid = i * 128 + lax.broadcasted_iota(jnp.int32, (128, 1), 0)
    valid = (nid < N).astype(f32)
    rows = jnp.concatenate([U, valid], axis=1)
    onehot = (lax.broadcasted_iota(jnp.int32, (G, 128), 0)
              == b_ref[0][None, :]).astype(f32)

    @pl.when(i == 0)
    def _():
        gacc_ref[...] = jnp.zeros((G, 5), f32)

    gacc_ref[...] += jnp.dot(onehot, rows, preferred_element_type=f32)

    @pl.when(i < NBLK - 1)
    def _():
        o_ref[...] = jnp.zeros((G, 2), f32)

    @pl.when(i == NBLK - 1)
    def _():
        _tck2_tail(gacc_ref, nd_ref, C_ref, b2_ref, wm1_ref, bm1_ref,
                   wm2_ref, bm2_ref, wm3_ref, bm3_ref, wf_ref, bf_ref, o_ref)


def _tck2_tail(gacc_ref, nd_ref, C_ref, b2_ref, wm1_ref, bm1_ref,
               wm2_ref, bm2_ref, wm3_ref, bm3_ref, wf_ref, bf_ref, o_ref):
    f32 = jnp.float32
    gs = gacc_ref[...]
    Gs = gs[:, :4]
    cnt = gs[:, 4]
    pooled = (jnp.dot(Gs, C_ref[...], preferred_element_type=f32)
              + cnt[:, None] * b2_ref[...])
    pooled = pooled / jnp.maximum(cnt, 1.0)[:, None]
    m = jnp.maximum(jnp.dot(nd_ref[...], wm1_ref[...], preferred_element_type=f32)
                    + bm1_ref[...], 0.0)
    m = jnp.maximum(jnp.dot(m, wm2_ref[...], preferred_element_type=f32)
                    + bm2_ref[...], 0.0)
    m = jnp.dot(m, wm3_ref[...], preferred_element_type=f32) + bm3_ref[...]
    comb = jnp.concatenate([pooled, m], axis=1)
    o_ref[...] = jnp.dot(comb, wf_ref[...], preferred_element_type=f32) + bf_ref[...]


def kernel(x, edge_index, batch, numerical_data, W1, a_src1, a_dst1, b1,
           W2, a_src2, a_dst2, b2, Wm1, bm1, Wm2, bm2, Wm3, bm3, Wf, bf):
    f32 = jnp.float32
    xf = x[:, 0].astype(f32)
    x_pad = jnp.zeros((N_PAD,), f32).at[:N].set(xf)
    src = edge_index[0].astype(jnp.int32)
    dst = edge_index[1].astype(jnp.int32)
    batch_pad = jnp.zeros((N_PAD,), jnp.int32).at[:N].set(batch.astype(jnp.int32))

    W1r = W1.reshape(2, 64)
    cs = jnp.sum(W1r * a_src1, axis=1)
    cd = jnp.sum(W1r * a_dst1, axis=1)
    par1 = jnp.broadcast_to(
        jnp.stack([cs[0], cs[1], cd[0], cd[1]])[:, None], (4, 16)).astype(f32)
    w1p = jnp.maximum(W1[0], 0.0)
    w1n = jnp.maximum(-W1[0], 0.0)
    zc = jnp.zeros((64,), f32)
    B = jnp.stack([
        jnp.concatenate([w1p[:64], zc]),
        jnp.concatenate([w1n[:64], zc]),
        jnp.concatenate([zc, w1p[64:]]),
        jnp.concatenate([zc, w1n[64:]]),
    ])
    C = B @ W2
    vs = C @ a_src2[0]
    vd = C @ a_dst2[0]
    par2 = jnp.broadcast_to(
        jnp.concatenate([vs, vd])[:, None], (8, 16)).astype(f32)

    q0, q1, q2, q3 = _sck1(x_pad, src, dst, par1)

    blk8 = pl.BlockSpec((128, 8), lambda i: (i, 0))
    blkr = pl.BlockSpec((1, 128), lambda i: (0, i))
    s0, s1 = pl.pallas_call(
        _tck1_body,
        grid=(N_PAD // 128,),
        in_specs=[blk8, blk8, blk8, blk8, blkr],
        out_specs=(blkr, blkr),
        out_shape=(jax.ShapeDtypeStruct((1, N_PAD), f32),
                   jax.ShapeDtypeStruct((1, N_PAD), f32)),
    )(q0.reshape(N_PAD, 8), q1.reshape(N_PAD, 8), q2.reshape(N_PAD, 8),
      q3.reshape(N_PAD, 8), x_pad.reshape(1, N_PAD))

    pa, pb = _sck2(s0.reshape(N_PAD), s1.reshape(N_PAD), src, dst, par2)

    def whole(shape):
        return pl.BlockSpec(shape, lambda i: tuple(0 for _ in shape))

    out = pl.pallas_call(
        _tck2_body,
        grid=(NBLK,),
        in_specs=[blk8, blk8, blkr, blkr, blkr,
                  whole((G, 128)), whole((4, 64)), whole((1, G)),
                  whole((128, 64)), whole((1, 64)), whole((64, 64)),
                  whole((1, 64)), whole((64, 64)), whole((1, 64)),
                  whole((128, 2)), whole((1, 2))],
        out_specs=whole((G, 2)),
        scratch_shapes=[pltpu.VMEM((G, 5), f32)],
        out_shape=jax.ShapeDtypeStruct((G, 2), f32),
    )(pa.reshape(N_PAD, 8), pb.reshape(N_PAD, 8), s0, s1,
      batch_pad.reshape(1, N_PAD), numerical_data, C,
      b2.reshape(1, G), Wm1, bm1.reshape(1, 64), Wm2, bm2.reshape(1, 64),
      Wm3, bm3.reshape(1, 64), Wf, bf.reshape(1, 2))
    return out

# --- scband reference (transcript-rebuilt; emitter-appended) ---
"""Pipeline reference for scband-gatmlpnet-6957847019826 (READ-ONLY COPY).

The authoritative reference and input builder live on the scoring server;
editing this copy changes nothing except your own understanding.
"""

import jax, jax.numpy as jnp
import numpy as np

N_NODES = 50000
N_EDGES = 800000
N_GRAPHS = 64


def gat_conv(x, edge_index, W, a_src, a_dst, b, heads, out_dim, negative_slope=0.2):
    N = x.shape[0]
    loops = jnp.arange(N, dtype=edge_index.dtype)
    src = jnp.concatenate([edge_index[0], loops])
    dst = jnp.concatenate([edge_index[1], loops])
    h = (x @ W).reshape(N, heads, out_dim)
    alpha_s = jnp.sum(h * a_src[None, :, :], axis=-1)  # [N, H]
    alpha_d = jnp.sum(h * a_dst[None, :, :], axis=-1)  # [N, H]
    e = alpha_s[src] + alpha_d[dst]                    # [E+N, H]
    e = jax.nn.leaky_relu(e, negative_slope)
    e_max = jax.ops.segment_max(e, dst, num_segments=N)
    e_max = jnp.where(jnp.isfinite(e_max), e_max, 0.0)
    e = jnp.exp(e - e_max[dst])
    denom = jax.ops.segment_sum(e, dst, num_segments=N)
    alpha = e / (denom[dst] + 1e-16)                   # [E+N, H]
    msg = h[src] * alpha[:, :, None]                   # [E+N, H, out]
    out = jax.ops.segment_sum(msg, dst, num_segments=N)
    return out.reshape(N, heads * out_dim) + b


def setup_inputs(seed: int = 0) -> dict:
    key = jax.random.key(seed)
    ks = jax.random.split(key, 24)
    x = jax.random.normal(ks[0], (N_NODES, 1), dtype=jnp.float32)
    edge_index = jax.random.randint(ks[1], (2, N_EDGES), 0, N_NODES, dtype=jnp.int64 if jax.config.jax_enable_x64 else jnp.int32)
    batch = jnp.sort(jax.random.randint(ks[2], (N_NODES,), 0, N_GRAPHS))
    numerical_data = jax.random.normal(ks[3], (N_GRAPHS, 128), dtype=jnp.float32)
    # GATConv 1: in=1, out=64, heads=2
    W1 = jax.random.normal(ks[4], (1, 128), dtype=jnp.float32)
    a_src1 = jax.random.normal(ks[5], (2, 64), dtype=jnp.float32) * 0.1
    a_dst1 = jax.random.normal(ks[6], (2, 64), dtype=jnp.float32) * 0.1
    b1 = jnp.zeros((128,), dtype=jnp.float32)
    # GATConv 2: in=128, out=64, heads=1
    W2 = jax.random.normal(ks[7], (128, 64), dtype=jnp.float32) * (1.0 / np.sqrt(128))
    a_src2 = jax.random.normal(ks[8], (1, 64), dtype=jnp.float32) * 0.1
    a_dst2 = jax.random.normal(ks[9], (1, 64), dtype=jnp.float32) * 0.1
    b2 = jnp.zeros((64,), dtype=jnp.float32)
    # MLP: 128 -> 64 -> 64 -> 64
    Wm1 = jax.random.normal(ks[10], (128, 64), dtype=jnp.float32) * (1.0 / np.sqrt(128))
    bm1 = jnp.zeros((64,), dtype=jnp.float32)
    Wm2 = jax.random.normal(ks[11], (64, 64), dtype=jnp.float32) * (1.0 / np.sqrt(64))
    bm2 = jnp.zeros((64,), dtype=jnp.float32)
    Wm3 = jax.random.normal(ks[12], (64, 64), dtype=jnp.float32) * (1.0 / np.sqrt(64))
    bm3 = jnp.zeros((64,), dtype=jnp.float32)
    # final fc: 128 -> 2
    Wf = jax.random.normal(ks[13], (128, 2), dtype=jnp.float32) * (1.0 / np.sqrt(128))
    bf = jnp.zeros((2,), dtype=jnp.float32)
    return {"x": x, "edge_index": edge_index, "batch": batch, "numerical_data": numerical_data,
            "W1": W1, "a_src1": a_src1, "a_dst1": a_dst1, "b1": b1,
            "W2": W2, "a_src2": a_src2, "a_dst2": a_dst2, "b2": b2,
            "Wm1": Wm1, "bm1": bm1, "Wm2": Wm2, "bm2": bm2, "Wm3": Wm3, "bm3": bm3,
            "Wf": Wf, "bf": bf}


def reference(x, edge_index, batch, numerical_data, W1, a_src1, a_dst1, b1, W2, a_src2, a_dst2, b2, Wm1, bm1, Wm2, bm2, Wm3, bm3, Wf, bf):
    # GAT branch
    h = gat_conv(x, edge_index, W1, a_src1, a_dst1, b1, heads=2, out_dim=64)
    h = jax.nn.relu(h)
    h = gat_conv(h, edge_index, W2, a_src2, a_dst2, b2, heads=1, out_dim=64)
    # global mean pool over graph batch ids
    G = numerical_data.shape[0]
    sums = jax.ops.segment_sum(h, batch, num_segments=G)
    cnt = jax.ops.segment_sum(jnp.ones((h.shape[0],), dtype=h.dtype), batch, num_segments=G)
    pooled = sums / jnp.clip(cnt, 1.0)[:, None]
    # MLP branch
    m = jax.nn.relu(numerical_data @ Wm1 + bm1)
    m = jax.nn.relu(m @ Wm2 + bm2)
    m = m @ Wm3 + bm3
    combined = jnp.concatenate([pooled, m], axis=1)
    return combined @ Wf + bf

if __name__ == "__main__":
    import jax
    _d = setup_inputs()
    print(jax.jit(kernel)(*tuple(_d.values())))

</pallas_src>

<mosaic_0001>
#map = affine_map<(d0, d1) -> (0)>
#map1 = affine_map<(d0, d1) -> (0, 0)>
module attributes {stable_mosaic.version = 14 : i64} {
  func.func @_sck2(%arg0: i32, %arg1: i32, %arg2: memref<50048xf32, #tpu.memory_space<hbm>>, %arg3: memref<50048xf32, #tpu.memory_space<hbm>>, %arg4: memref<800000xi32, #tpu.memory_space<hbm>>, %arg5: memref<800000xi32, #tpu.memory_space<hbm>>, %arg6: memref<8x16xf32, #tpu.memory_space<hbm>>, %arg7: memref<400384xf32, #tpu.memory_space<hbm>>, %arg8: memref<400384xf32, #tpu.memory_space<hbm>>, %arg9: memref<50048xf32, #tpu.memory_space<vmem>>, %arg10: memref<50048xf32, #tpu.memory_space<vmem>>, %arg11: memref<128xi32, #tpu.memory_space<vmem>>, %arg12: memref<128xi32, #tpu.memory_space<vmem>>, %arg13: memref<25024xf32, #tpu.memory_space<vmem>>, %arg14: memref<16xf32, #tpu.memory_space<vmem>>, %arg15: memref<16xf32, #tpu.memory_space<vmem>>, %arg16: memref<16xf32, #tpu.memory_space<vmem>>, %arg17: memref<16xf32, #tpu.memory_space<vmem>>, %arg18: memref<16xf32, #tpu.memory_space<vmem>>, %arg19: memref<16xf32, #tpu.memory_space<vmem>>, %arg20: memref<16xf32, #tpu.memory_space<vmem>>, %arg21: memref<16xf32, #tpu.memory_space<vmem>>) attributes {dimension_semantics = [#tpu.dimension_semantics<core_parallel>, #tpu.dimension_semantics<subcore_parallel>], iteration_bounds = array<i64: 2, 16>, scalar_prefetch = 0 : i64, scratch_operands = 13 : i64, tpu.core_type = #tpu.core_type<sc_vector_subcore>, window_params = [{transform_indices = #map}, {transform_indices = #map}, {transform_indices = #map}, {transform_indices = #map}, {transform_indices = #map1}, {transform_indices = #map}, {transform_indices = #map}]} {
    %mul3A = arith.constant 3128 : i32
    %mul3A_0 = arith.muli %arg1, %mul3A : i32
    "tpu.region"() ({
      %run_scoped3A_42 = tpu.sem_alloc : memref<!tpu.dma_semaphore, #tpu.memory_space<semaphore_mem>>
      tpu.enqueue_dma source(%arg2 : memref<50048xf32, #tpu.memory_space<hbm>>) target(%arg9 : memref<50048xf32, #tpu.memory_space<vmem>>) target_semaphore(%run_scoped3A_42 : memref<!tpu.dma_semaphore, #tpu.memory_space<semaphore_mem>>)
      tpu.wait_dma2 semaphore(%run_scoped3A_42 : memref<!tpu.dma_semaphore, #tpu.memory_space<semaphore_mem>>) src(%arg2 : memref<50048xf32, #tpu.memory_space<hbm>>) dst(%arg9 : memref<50048xf32, #tpu.memory_space<vmem>>)
      tpu.yield
    }) : () -> ()
    "tpu.region"() ({
      %run_scoped3A_42 = tpu.sem_alloc : memref<!tpu.dma_semaphore, #tpu.memory_space<semaphore_mem>>
      tpu.enqueue_dma source(%arg3 : memref<50048xf32, #tpu.memory_space<hbm>>) target(%arg10 : memref<50048xf32, #tpu.memory_space<vmem>>) target_semaphore(%run_scoped3A_42 : memref<!tpu.dma_semaphore, #tpu.memory_space<semaphore_mem>>)
      tpu.wait_dma2 semaphore(%run_scoped3A_42 : memref<!tpu.dma_semaphore, #tpu.memory_space<semaphore_mem>>) src(%arg3 : memref<50048xf32, #tpu.memory_space<hbm>>) dst(%arg10 : memref<50048xf32, #tpu.memory_space<vmem>>)
      tpu.yield
    }) : () -> ()
    %run_scoped3A = arith.constant 0 : i32
    "tpu.region"() ({
      %run_scoped3A_42 = tpu.sem_alloc : memref<!tpu.dma_semaphore, #tpu.memory_space<semaphore_mem>>
      %dma_start3A = arith.constant 0 : i32
      %dma_start3A_43 = tpu.memref_slice %arg6[%run_scoped3A, %dma_start3A] : memref<8x16xf32, #tpu.memory_space<hbm>> -> memref<1x16xf32, #tpu.memory_space<hbm>>
      %dma_start3A_44 = tpu.memref_squeeze %dma_start3A_43 : memref<1x16xf32, #tpu.memory_space<hbm>> -> memref<16xf32, #tpu.memory_space<hbm>>
      %dma_start3A_45 = arith.constant 0 : i32
      %dma_start3A_46 = tpu.memref_slice %arg6[%run_scoped3A, %dma_start3A_45] : memref<8x16xf32, #tpu.memory_space<hbm>> -> memref<1x16xf32, #tpu.memory_space<hbm>>
      %dma_start3A_47 = tpu.memref_squeeze %dma_start3A_46 : memref<1x16xf32, #tpu.memory_space<hbm>> -> memref<16xf32, #tpu.memory_space<hbm>>
      tpu.enqueue_dma source(%dma_start3A_47 : memref<16xf32, #tpu.memory_space<hbm>>) target(%arg14 : memref<16xf32, #tpu.memory_space<vmem>>) target_semaphore(%run_scoped3A_42 : memref<!tpu.dma_semaphore, #tpu.memory_space<semaphore_mem>>)
      %dma_wait3A = arith.constant 0 : i32
      %dma_wait3A_48 = tpu.memref_slice %arg6[%run_scoped3A, %dma_wait3A] : memref<8x16xf32, #tpu.memory_space<hbm>> -> memref<1x16xf32, #tpu.memory_space<hbm>>
      %dma_wait3A_49 = tpu.memref_squeeze %dma_wait3A_48 : memref<1x16xf32, #tpu.memory_space<hbm>> -> memref<16xf32, #tpu.memory_space<hbm>>
      %dma_wait3A_50 = arith.constant 0 : i32
      %dma_wait3A_51 = tpu.memref_slice %arg6[%run_scoped3A, %dma_wait3A_50] : memref<8x16xf32, #tpu.memory_space<hbm>> -> memref<1x16xf32, #tpu.memory_space<hbm>>
      %dma_wait3A_52 = tpu.memref_squeeze %dma_wait3A_51 : memref<1x16xf32, #tpu.memory_space<hbm>> -> memref<16xf32, #tpu.memory_space<hbm>>
      tpu.wait_dma2 semaphore(%run_scoped3A_42 : memref<!tpu.dma_semaphore, #tpu.memory_space<semaphore_mem>>) src(%dma_wait3A_52 : memref<16xf32, #tpu.memory_space<hbm>>) dst(%arg14 : memref<16xf32, #tpu.memory_space<vmem>>)
      tpu.yield
    }) : () -> ()
    %run_scoped3A_1 = arith.constant 1 : i32
    "tpu.region"() ({
      %run_scoped3A_42 = tpu.sem_alloc : memref<!tpu.dma_semaphore, #tpu.memory_space<semaphore_mem>>
      %dma_start3A = arith.constant 0 : i32
      %dma_start3A_43 = tpu.memref_slice %arg6[%run_scoped3A_1, %dma_start3A] : memref<8x16xf32, #tpu.memory_space<hbm>> -> memref<1x16xf32, #tpu.memory_space<hbm>>
      %dma_start3A_44 = tpu.memref_squeeze %dma_start3A_43 : memref<1x16xf32, #tpu.memory_space<hbm>> -> memref<16xf32, #tpu.memory_space<hbm>>
      %dma_start3A_45 = arith.constant 0 : i32
      %dma_start3A_46 = tpu.memref_slice %arg6[%run_scoped3A_1, %dma_start3A_45] : memref<8x16xf32, #tpu.memory_space<hbm>> -> memref<1x16xf32, #tpu.memory_space<hbm>>
      %dma_start3A_47 = tpu.memref_squeeze %dma_start3A_46 : memref<1x16xf32, #tpu.memory_space<hbm>> -> memref<16xf32, #tpu.memory_space<hbm>>
      tpu.enqueue_dma source(%dma_start3A_47 : memref<16xf32, #tpu.memory_space<hbm>>) target(%arg15 : memref<16xf32, #tpu.memory_space<vmem>>) target_semaphore(%run_scoped3A_42 : memref<!tpu.dma_semaphore, #tpu.memory_space<semaphore_mem>>)
      %dma_wait3A = arith.constant 0 : i32
      %dma_wait3A_48 = tpu.memref_slice %arg6[%run_scoped3A_1, %dma_wait3A] : memref<8x16xf32, #tpu.memory_space<hbm>> -> memref<1x16xf32, #tpu.memory_space<hbm>>
      %dma_wait3A_49 = tpu.memref_squeeze %dma_wait3A_48 : memref<1x16xf32, #tpu.memory_space<hbm>> -> memref<16xf32, #tpu.memory_space<hbm>>
      %dma_wait3A_50 = arith.constant 0 : i32
      %dma_wait3A_51 = tpu.memref_slice %arg6[%run_scoped3A_1, %dma_wait3A_50] : memref<8x16xf32, #tpu.memory_space<hbm>> -> memref<1x16xf32, #tpu.memory_space<hbm>>
      %dma_wait3A_52 = tpu.memref_squeeze %dma_wait3A_51 : memref<1x16xf32, #tpu.memory_space<hbm>> -> memref<16xf32, #tpu.memory_space<hbm>>
      tpu.wait_dma2 semaphore(%run_scoped3A_42 : memref<!tpu.dma_semaphore, #tpu.memory_space<semaphore_mem>>) src(%dma_wait3A_52 : memref<16xf32, #tpu.memory_space<hbm>>) dst(%arg15 : memref<16xf32, #tpu.memory_space<vmem>>)
      tpu.yield
    }) : () -> ()
    %run_scoped3A_2 = arith.constant 2 : i32
    "tpu.region"() ({
      %run_scoped3A_42 = tpu.sem_alloc : memref<!tpu.dma_semaphore, #tpu.memory_space<semaphore_mem>>
      %dma_start3A = arith.constant 0 : i32
      %dma_start3A_43 = tpu.memref_slice %arg6[%run_scoped3A_2, %dma_start3A] : memref<8x16xf32, #tpu.memory_space<hbm>> -> memref<1x16xf32, #tpu.memory_space<hbm>>
      %dma_start3A_44 = tpu.memref_squeeze %dma_start3A_43 : memref<1x16xf32, #tpu.memory_space<hbm>> -> memref<16xf32, #tpu.memory_space<hbm>>
      %dma_start3A_45 = arith.constant 0 : i32
      %dma_start3A_46 = tpu.memref_slice %arg6[%run_scoped3A_2, %dma_start3A_45] : memref<8x16xf32, #tpu.memory_space<hbm>> -> memref<1x16xf32, #tpu.memory_space<hbm>>
      %dma_start3A_47 = tpu.memref_squeeze %dma_start3A_46 : memref<1x16xf32, #tpu.memory_space<hbm>> -> memref<16xf32, #tpu.memory_space<hbm>>
      tpu.enqueue_dma source(%dma_start3A_47 : memref<16xf32, #tpu.memory_space<hbm>>) target(%arg16 : memref<16xf32, #tpu.memory_space<vmem>>) target_semaphore(%run_scoped3A_42 : memref<!tpu.dma_semaphore, #tpu.memory_space<semaphore_mem>>)
      %dma_wait3A = arith.constant 0 : i32
      %dma_wait3A_48 = tpu.memref_slice %arg6[%run_scoped3A_2, %dma_wait3A] : memref<8x16xf32, #tpu.memory_space<hbm>> -> memref<1x16xf32, #tpu.memory_space<hbm>>
      %dma_wait3A_49 = tpu.memref_squeeze %dma_wait3A_48 : memref<1x16xf32, #tpu.memory_space<hbm>> -> memref<16xf32, #tpu.memory_space<hbm>>
      %dma_wait3A_50 = arith.constant 0 : i32
      %dma_wait3A_51 = tpu.memref_slice %arg6[%run_scoped3A_2, %dma_wait3A_50] : memref<8x16xf32, #tpu.memory_space<hbm>> -> memref<1x16xf32, #tpu.memory_space<hbm>>
      %dma_wait3A_52 = tpu.memref_squeeze %dma_wait3A_51 : memref<1x16xf32, #tpu.memory_space<hbm>> -> memref<16xf32, #tpu.memory_space<hbm>>
      tpu.wait_dma2 semaphore(%run_scoped3A_42 : memref<!tpu.dma_semaphore, #tpu.memory_space<semaphore_mem>>) src(%dma_wait3A_52 : memref<16xf32, #tpu.memory_space<hbm>>) dst(%arg16 : memref<16xf32, #tpu.memory_space<vmem>>)
      tpu.yield
    }) : () -> ()
    %run_scoped3A_3 = arith.constant 3 : i32
    "tpu.region"() ({
      %run_scoped3A_42 = tpu.sem_alloc : memref<!tpu.dma_semaphore, #tpu.memory_space<semaphore_mem>>
      %dma_start3A = arith.constant 0 : i32
      %dma_start3A_43 = tpu.memref_slice %arg6[%run_scoped3A_3, %dma_start3A] : memref<8x16xf32, #tpu.memory_space<hbm>> -> memref<1x16xf32, #tpu.memory_space<hbm>>
      %dma_start3A_44 = tpu.memref_squeeze %dma_start3A_43 : memref<1x16xf32, #tpu.memory_space<hbm>> -> memref<16xf32, #tpu.memory_space<hbm>>
      %dma_start3A_45 = arith.constant 0 : i32
      %dma_start3A_46 = tpu.memref_slice %arg6[%run_scoped3A_3, %dma_start3A_45] : memref<8x16xf32, #tpu.memory_space<hbm>> -> memref<1x16xf32, #tpu.memory_space<hbm>>
      %dma_start3A_47 = tpu.memref_squeeze %dma_start3A_46 : memref<1x16xf32, #tpu.memory_space<hbm>> -> memref<16xf32, #tpu.memory_space<hbm>>
      tpu.enqueue_dma source(%dma_start3A_47 : memref<16xf32, #tpu.memory_space<hbm>>) target(%arg17 : memref<16xf32, #tpu.memory_space<vmem>>) target_semaphore(%run_scoped3A_42 : memref<!tpu.dma_semaphore, #tpu.memory_space<semaphore_mem>>)
      %dma_wait3A = arith.constant 0 : i32
      %dma_wait3A_48 = tpu.memref_slice %arg6[%run_scoped3A_3, %dma_wait3A] : memref<8x16xf32, #tpu.memory_space<hbm>> -> memref<1x16xf32, #tpu.memory_space<hbm>>
      %dma_wait3A_49 = tpu.memref_squeeze %dma_wait3A_48 : memref<1x16xf32, #tpu.memory_space<hbm>> -> memref<16xf32, #tpu.memory_space<hbm>>
      %dma_wait3A_50 = arith.constant 0 : i32
      %dma_wait3A_51 = tpu.memref_slice %arg6[%run_scoped3A_3, %dma_wait3A_50] : memref<8x16xf32, #tpu.memory_space<hbm>> -> memref<1x16xf32, #tpu.memory_space<hbm>>
      %dma_wait3A_52 = tpu.memref_squeeze %dma_wait3A_51 : memref<1x16xf32, #tpu.memory_space<hbm>> -> memref<16xf32, #tpu.memory_space<hbm>>
      tpu.wait_dma2 semaphore(%run_scoped3A_42 : memref<!tpu.dma_semaphore, #tpu.memory_space<semaphore_mem>>) src(%dma_wait3A_52 : memref<16xf32, #tpu.memory_space<hbm>>) dst(%arg17 : memref<16xf32, #tpu.memory_space<vmem>>)
      tpu.yield
    }) : () -> ()
    %run_scoped3A_4 = arith.constant 4 : i32
    "tpu.region"() ({
      %run_scoped3A_42 = tpu.sem_alloc : memref<!tpu.dma_semaphore, #tpu.memory_space<semaphore_mem>>
      %dma_start3A = arith.constant 0 : i32
      %dma_start3A_43 = tpu.memref_slice %arg6[%run_scoped3A_4, %dma_start3A] : memref<8x16xf32, #tpu.memory_space<hbm>> -> memref<1x16xf32, #tpu.memory_space<hbm>>
      %dma_start3A_44 = tpu.memref_squeeze %dma_start3A_43 : memref<1x16xf32, #tpu.memory_space<hbm>> -> memref<16xf32, #tpu.memory_space<hbm>>
      %dma_start3A_45 = arith.constant 0 : i32
      %dma_start3A_46 = tpu.memref_slice %arg6[%run_scoped3A_4, %dma_start3A_45] : memref<8x16xf32, #tpu.memory_space<hbm>> -> memref<1x16xf32, #tpu.memory_space<hbm>>
      %dma_start3A_47 = tpu.memref_squeeze %dma_start3A_46 : memref<1x16xf32, #tpu.memory_space<hbm>> -> memref<16xf32, #tpu.memory_space<hbm>>
      tpu.enqueue_dma source(%dma_start3A_47 : memref<16xf32, #tpu.memory_space<hbm>>) target(%arg18 : memref<16xf32, #tpu.memory_space<vmem>>) target_semaphore(%run_scoped3A_42 : memref<!tpu.dma_semaphore, #tpu.memory_space<semaphore_mem>>)
      %dma_wait3A = arith.constant 0 : i32
      %dma_wait3A_48 = tpu.memref_slice %arg6[%run_scoped3A_4, %dma_wait3A] : memref<8x16xf32, #tpu.memory_space<hbm>> -> memref<1x16xf32, #tpu.memory_space<hbm>>
      %dma_wait3A_49 = tpu.memref_squeeze %dma_wait3A_48 : memref<1x16xf32, #tpu.memory_space<hbm>> -> memref<16xf32, #tpu.memory_space<hbm>>
      %dma_wait3A_50 = arith.constant 0 : i32
      %dma_wait3A_51 = tpu.memref_slice %arg6[%run_scoped3A_4, %dma_wait3A_50] : memref<8x16xf32, #tpu.memory_space<hbm>> -> memref<1x16xf32, #tpu.memory_space<hbm>>
      %dma_wait3A_52 = tpu.memref_squeeze %dma_wait3A_51 : memref<1x16xf32, #tpu.memory_space<hbm>> -> memref<16xf32, #tpu.memory_space<hbm>>
      tpu.wait_dma2 semaphore(%run_scoped3A_42 : memref<!tpu.dma_semaphore, #tpu.memory_space<semaphore_mem>>) src(%dma_wait3A_52 : memref<16xf32, #tpu.memory_space<hbm>>) dst(%arg18 : memref<16xf32, #tpu.memory_space<vmem>>)
      tpu.yield
    }) : () -> ()
    %run_scoped3A_5 = arith.constant 5 : i32
    "tpu.region"() ({
      %run_scoped3A_42 = tpu.sem_alloc : memref<!tpu.dma_semaphore, #tpu.memory_space<semaphore_mem>>
      %dma_start3A = arith.constant 0 : i32
      %dma_start3A_43 = tpu.memref_slice %arg6[%run_scoped3A_5, %dma_start3A] : memref<8x16xf32, #tpu.memory_space<hbm>> -> memref<1x16xf32, #tpu.memory_space<hbm>>
      %dma_start3A_44 = tpu.memref_squeeze %dma_start3A_43 : memref<1x16xf32, #tpu.memory_space<hbm>> -> memref<16xf32, #tpu.memory_space<hbm>>
      %dma_start3A_45 = arith.constant 0 : i32
      %dma_start3A_46 = tpu.memref_slice %arg6[%run_scoped3A_5, %dma_start3A_45] : memref<8x16xf32, #tpu.memory_space<hbm>> -> memref<1x16xf32, #tpu.memory_space<hbm>>
      %dma_start3A_47 = tpu.memref_squeeze %dma_start3A_46 : memref<1x16xf32, #tpu.memory_space<hbm>> -> memref<16xf32, #tpu.memory_space<hbm>>
      tpu.enqueue_dma source(%dma_start3A_47 : memref<16xf32, #tpu.memory_space<hbm>>) target(%arg19 : memref<16xf32, #tpu.memory_space<vmem>>) target_semaphore(%run_scoped3A_42 : memref<!tpu.dma_semaphore, #tpu.memory_space<semaphore_mem>>)
      %dma_wait3A = arith.constant 0 : i32
      %dma_wait3A_48 = tpu.memref_slice %arg6[%run_scoped3A_5, %dma_wait3A] : memref<8x16xf32, #tpu.memory_space<hbm>> -> memref<1x16xf32, #tpu.memory_space<hbm>>
      %dma_wait3A_49 = tpu.memref_squeeze %dma_wait3A_48 : memref<1x16xf32, #tpu.memory_space<hbm>> -> memref<16xf32, #tpu.memory_space<hbm>>
      %dma_wait3A_50 = arith.constant 0 : i32
      %dma_wait3A_51 = tpu.memref_slice %arg6[%run_scoped3A_5, %dma_wait3A_50] : memref<8x16xf32, #tpu.memory_space<hbm>> -> memref<1x16xf32, #tpu.memory_space<hbm>>
      %dma_wait3A_52 = tpu.memref_squeeze %dma_wait3A_51 : memref<1x16xf32, #tpu.memory_space<hbm>> -> memref<16xf32, #tpu.memory_space<hbm>>
      tpu.wait_dma2 semaphore(%run_scoped3A_42 : memref<!tpu.dma_semaphore, #tpu.memory_space<semaphore_mem>>) src(%dma_wait3A_52 : memref<16xf32, #tpu.memory_space<hbm>>) dst(%arg19 : memref<16xf32, #tpu.memory_space<vmem>>)
      tpu.yield
    }) : () -> ()
    %run_scoped3A_6 = arith.constant 6 : i32
    "tpu.region"() ({
      %run_scoped3A_42 = tpu.sem_alloc : memref<!tpu.dma_semaphore, #tpu.memory_space<semaphore_mem>>
      %dma_start3A = arith.constant 0 : i32
      %dma_start3A_43 = tpu.memref_slice %arg6[%run_scoped3A_6, %dma_start3A] : memref<8x16xf32, #tpu.memory_space<hbm>> -> memref<1x16xf32, #tpu.memory_space<hbm>>
      %dma_start3A_44 = tpu.memref_squeeze %dma_start3A_43 : memref<1x16xf32, #tpu.memory_space<hbm>> -> memref<16xf32, #tpu.memory_space<hbm>>
      %dma_start3A_45 = arith.constant 0 : i32
      %dma_start3A_46 = tpu.memref_slice %arg6[%run_scoped3A_6, %dma_start3A_45] : memref<8x16xf32, #tpu.memory_space<hbm>> -> memref<1x16xf32, #tpu.memory_space<hbm>>
      %dma_start3A_47 = tpu.memref_squeeze %dma_start3A_46 : memref<1x16xf32, #tpu.memory_space<hbm>> -> memref<16xf32, #tpu.memory_space<hbm>>
      tpu.enqueue_dma source(%dma_start3A_47 : memref<16xf32, #tpu.memory_space<hbm>>) target(%arg20 : memref<16xf32, #tpu.memory_space<vmem>>) target_semaphore(%run_scoped3A_42 : memref<!tpu.dma_semaphore, #tpu.memory_space<semaphore_mem>>)
      %dma_wait3A = arith.constant 0 : i32
      %dma_wait3A_48 = tpu.memref_slice %arg6[%run_scoped3A_6, %dma_wait3A] : memref<8x16xf32, #tpu.memory_space<hbm>> -> memref<1x16xf32, #tpu.memory_space<hbm>>
      %dma_wait3A_49 = tpu.memref_squeeze %dma_wait3A_48 : memref<1x16xf32, #tpu.memory_space<hbm>> -> memref<16xf32, #tpu.memory_space<hbm>>
      %dma_wait3A_50 = arith.constant 0 : i32
      %dma_wait3A_51 = tpu.memref_slice %arg6[%run_scoped3A_6, %dma_wait3A_50] : memref<8x16xf32, #tpu.memory_space<hbm>> -> memref<1x16xf32, #tpu.memory_space<hbm>>
      %dma_wait3A_52 = tpu.memref_squeeze %dma_wait3A_51 : memref<1x16xf32, #tpu.memory_space<hbm>> -> memref<16xf32, #tpu.memory_space<hbm>>
      tpu.wait_dma2 semaphore(%run_scoped3A_42 : memref<!tpu.dma_semaphore, #tpu.memory_space<semaphore_mem>>) src(%dma_wait3A_52 : memref<16xf32, #tpu.memory_space<hbm>>) dst(%arg20 : memref<16xf32, #tpu.memory_space<vmem>>)
      tpu.yield
    }) : () -> ()
    %run_scoped3A_7 = arith.constant 7 : i32
    "tpu.region"() ({
      %run_scoped3A_42 = tpu.sem_alloc : memref<!tpu.dma_semaphore, #tpu.memory_space<semaphore_mem>>
      %dma_start3A = arith.constant 0 : i32
      %dma_start3A_43 = tpu.memref_slice %arg6[%run_scoped3A_7, %dma_start3A] : memref<8x16xf32, #tpu.memory_space<hbm>> -> memref<1x16xf32, #tpu.memory_space<hbm>>
      %dma_start3A_44 = tpu.memref_squeeze %dma_start3A_43 : memref<1x16xf32, #tpu.memory_space<hbm>> -> memref<16xf32, #tpu.memory_space<hbm>>
      %dma_start3A_45 = arith.constant 0 : i32
      %dma_start3A_46 = tpu.memref_slice %arg6[%run_scoped3A_7, %dma_start3A_45] : memref<8x16xf32, #tpu.memory_space<hbm>> -> memref<1x16xf32, #tpu.memory_space<hbm>>
      %dma_start3A_47 = tpu.memref_squeeze %dma_start3A_46 : memref<1x16xf32, #tpu.memory_space<hbm>> -> memref<16xf32, #tpu.memory_space<hbm>>
      tpu.enqueue_dma source(%dma_start3A_47 : memref<16xf32, #tpu.memory_space<hbm>>) target(%arg21 : memref<16xf32, #tpu.memory_space<vmem>>) target_semaphore(%run_scoped3A_42 : memref<!tpu.dma_semaphore, #tpu.memory_space<semaphore_mem>>)
      %dma_wait3A = arith.constant 0 : i32
      %dma_wait3A_48 = tpu.memref_slice %arg6[%run_scoped3A_7, %dma_wait3A] : memref<8x16xf32, #tpu.memory_space<hbm>> -> memref<1x16xf32, #tpu.memory_space<hbm>>
      %dma_wait3A_49 = tpu.memref_squeeze %dma_wait3A_48 : memref<1x16xf32, #tpu.memory_space<hbm>> -> memref<16xf32, #tpu.memory_space<hbm>>
      %dma_wait3A_50 = arith.constant 0 : i32
      %dma_wait3A_51 = tpu.memref_slice %arg6[%run_scoped3A_7, %dma_wait3A_50] : memref<8x16xf32, #tpu.memory_space<hbm>> -> memref<1x16xf32, #tpu.memory_space<hbm>>
      %dma_wait3A_52 = tpu.memref_squeeze %dma_wait3A_51 : memref<1x16xf32, #tpu.memory_space<hbm>> -> memref<16xf32, #tpu.memory_space<hbm>>
      tpu.wait_dma2 semaphore(%run_scoped3A_42 : memref<!tpu.dma_semaphore, #tpu.memory_space<semaphore_mem>>) src(%dma_wait3A_52 : memref<16xf32, #tpu.memory_space<hbm>>) dst(%arg21 : memref<16xf32, #tpu.memory_space<vmem>>)
      tpu.yield
    }) : () -> ()
    %iota3A = tpu.iota {dimensions = array<i32: 0>} : vector<16xi32>
    %broadcast_in_dim3A = arith.constant 0.000000e+00 : f32
    %broadcast_in_dim3A_8 = vector.broadcast %broadcast_in_dim3A : f32 to vector<16xf32>
    %scan3A = arith.constant 0 : i32
    %scan3A_9 = arith.constant 0 : i32
    %scan3A_10 = arith.constant 1564 : i32
    %scan3A_11 = arith.addi %scan3A_9, %scan3A_10 : i32
    %scan3A_12 = arith.constant 1 : i32
    scf.for %scan3A_42 = %scan3A_9 to %scan3A_11 step %scan3A_12  : i32 {
      %mul3A_43 = arith.constant 16 : i32
      %mul3A_44 = arith.muli %scan3A_42, %mul3A_43 : i32
      %add3A = vector.broadcast %mul3A_44 : i32 to vector<16xi32>
      %add3A_45 = arith.addi %iota3A, %add3A : vector<16xi32>
      tpu.vector_store_idx %arg13[%add3A_45], %broadcast_in_dim3A_8 : memref<25024xf32, #tpu.memory_space<vmem>>[vector<16xi32>], vector<16xf32>,
    }
    %scan3A_13 = arith.constant 1564 : i32
    %get3A = arith.constant 0 : index
    %get3A_14 = tpu.vector_load %arg14[%get3A] {strides = array<i32>} : memref<16xf32, #tpu.memory_space<vmem>>, vector<16xf32>,
    %get3A_15 = arith.constant 0 : index
    %get3A_16 = tpu.vector_load %arg15[%get3A_15] {strides = array<i32>} : memref<16xf32, #tpu.memory_space<vmem>>, vector<16xf32>,
    %get3A_17 = arith.constant 0 : index
    %get3A_18 = tpu.vector_load %arg16[%get3A_17] {strides = array<i32>} : memref<16xf32, #tpu.memory_space<vmem>>, vector<16xf32>,
    %get3A_19 = arith.constant 0 : index
    %get3A_20 = tpu.vector_load %arg17[%get3A_19] {strides = array<i32>} : memref<16xf32, #tpu.memory_space<vmem>>, vector<16xf32>,
    %get3A_21 = arith.constant 0 : index
    %get3A_22 = tpu.vector_load %arg18[%get3A_21] {strides = array<i32>} : memref<16xf32, #tpu.memory_space<vmem>>, vector<16xf32>,
    %get3A_23 = arith.constant 0 : index
    %get3A_24 = tpu.vector_load %arg19[%get3A_23] {strides = array<i32>} : memref<16xf32, #tpu.memory_space<vmem>>, vector<16xf32>,
    %get3A_25 = arith.constant 0 : index
    %get3A_26 = tpu.vector_load %arg20[%get3A_25] {strides = array<i32>} : memref<16xf32, #tpu.memory_space<vmem>>, vector<16xf32>,
    %get3A_27 = arith.constant 0 : index
    %get3A_28 = tpu.vector_load %arg21[%get3A_27] {strides = array<i32>} : memref<16xf32, #tpu.memory_space<vmem>>, vector<16xf32>,
    %scan3A_29 = arith.constant 0 : i32
    %scan3A_30 = arith.constant 0 : i32
    %scan3A_31 = arith.constant 3125 : i32
    %scan3A_32 = arith.addi %scan3A_30, %scan3A_31 : i32
    %scan3A_33 = arith.constant 1 : i32
    scf.for %scan3A_42 = %scan3A_30 to %scan3A_32 step %scan3A_33  : i32 {
      %mul3A_43 = arith.constant 2 : i32
      %mul3A_44 = arith.muli %mul3A_43, %scan3A_42 : i32
      %add3A = arith.addi %arg0, %mul3A_44 : i32
      %mul3A_45 = arith.constant 128 : i32
      %mul3A_46 = arith.muli %add3A, %mul3A_45 : i32
      "tpu.region"() ({
        %run_scoped3A_972 = tpu.sem_alloc : memref<!tpu.dma_semaphore, #tpu.memory_space<semaphore_mem>>
        %dma_start3A = tpu.memref_slice %arg4[%mul3A_46] : memref<800000xi32, #tpu.memory_space<hbm>> -> memref<128xi32, #tpu.memory_space<hbm>>
        %dma_start3A_973 = tpu.memref_slice %arg4[%mul3A_46] : memref<800000xi32, #tpu.memory_space<hbm>> -> memref<128xi32, #tpu.memory_space<hbm>>
        tpu.enqueue_dma source(%dma_start3A_973 : memref<128xi32, #tpu.memory_space<hbm>>) target(%arg11 : memref<128xi32, #tpu.memory_space<vmem>>) target_semaphore(%run_scoped3A_972 : memref<!tpu.dma_semaphore, #tpu.memory_space<semaphore_mem>>)
        %dma_wait3A = tpu.memref_slice %arg4[%mul3A_46] : memref<800000xi32, #tpu.memory_space<hbm>> -> memref<128xi32, #tpu.memory_space<hbm>>
        %dma_wait3A_974 = tpu.memref_slice %arg4[%mul3A_46] : memref<800000xi32, #tpu.memory_space<hbm>> -> memref<128xi32, #tpu.memory_space<hbm>>
        tpu.wait_dma2 semaphore(%run_scoped3A_972 : memref<!tpu.dma_semaphore, #tpu.memory_space<semaphore_mem>>) src(%dma_wait3A_974 : memref<128xi32, #tpu.memory_space<hbm>>) dst(%arg11 : memref<128xi32, #tpu.memory_space<vmem>>)
        tpu.yield
      }) : () -> ()
      "tpu.region"() ({
        %run_scoped3A_972 = tpu.sem_alloc : memref<!tpu.dma_semaphore, #tpu.memory_space<semaphore_mem>>
        %dma_start3A = tpu.memref_slice %arg5[%mul3A_46] : memref<800000xi32, #tpu.memory_space<hbm>> -> memref<128xi32, #tpu.memory_space<hbm>>
        %dma_start3A_973 = tpu.memref_slice %arg5[%mul3A_46] : memref<800000xi32, #tpu.memory_space<hbm>> -> memref<128xi32, #tpu.memory_space<hbm>>
        tpu.enqueue_dma source(%dma_start3A_973 : memref<128xi32, #tpu.memory_space<hbm>>) target(%arg12 : memref<128xi32, #tpu.memory_space<vmem>>) target_semaphore(%run_scoped3A_972 : memref<!tpu.dma_semaphore, #tpu.memory_space<semaphore_mem>>)
        %dma_wait3A = tpu.memref_slice %arg5[%mul3A_46] : memref<800000xi32, #tpu.memory_space<hbm>> -> memref<128xi32, #tpu.memory_space<hbm>>
        %dma_wait3A_974 = tpu.memref_slice %arg5[%mul3A_46] : memref<800000xi32, #tpu.memory_space<hbm>> -> memref<128xi32, #tpu.memory_space<hbm>>
        tpu.wait_dma2 semaphore(%run_scoped3A_972 : memref<!tpu.dma_semaphore, #tpu.memory_space<semaphore_mem>>) src(%dma_wait3A_974 : memref<128xi32, #tpu.memory_space<hbm>>) dst(%arg12 : memref<128xi32, #tpu.memory_space<vmem>>)
        tpu.yield
      }) : () -> ()
      %get3A_47 = arith.constant 0 : index
      %get3A_48 = tpu.vector_load %arg11[%get3A_47] {strides = array<i32>} : memref<128xi32, #tpu.memory_space<vmem>>, vector<16xi32>,
      %get3A_49 = arith.constant 0 : index
      %get3A_50 = tpu.vector_load %arg12[%get3A_49] {strides = array<i32>} : memref<128xi32, #tpu.memory_space<vmem>>, vector<16xi32>,
      %gather3A = tpu.vector_load_idx %arg9[%get3A_48] : memref<50048xf32, #tpu.memory_space<vmem>>[vector<16xi32>], vector<16xf32>,
      %gather3A_51 = tpu.vector_load_idx %arg10[%get3A_48] : memref<50048xf32, #tpu.memory_space<vmem>>[vector<16xi32>], vector<16xf32>,
      %gather3A_52 = tpu.vector_load_idx %arg9[%get3A_50] : memref<50048xf32, #tpu.memory_space<vmem>>[vector<16xi32>], vector<16xf32>,
      %gather3A_53 = tpu.vector_load_idx %arg10[%get3A_50] : memref<50048xf32, #tpu.memory_space<vmem>>[vector<16xi32>], vector<16xf32>,
      %max3A = arith.constant 0.000000e+00 : f32
      %max3A_54 = vector.broadcast %max3A : f32 to vector<16xf32>
      %max3A_55 = arith.maximumf %gather3A, %max3A_54 : vector<16xf32>
      %neg3A = arith.constant 0.000000e+00 : f32
      %neg3A_56 = vector.broadcast %neg3A : f32 to vector<16xf32>
      %neg3A_57 = arith.subf %neg3A_56, %gather3A : vector<16xf32>
      %max3A_58 = arith.constant 0.000000e+00 : f32
      %max3A_59 = vector.broadcast %max3A_58 : f32 to vector<16xf32>
      %max3A_60 = arith.maximumf %neg3A_57, %max3A_59 : vector<16xf32>
      %max3A_61 = arith.constant 0.000000e+00 : f32
      %max3A_62 = vector.broadcast %max3A_61 : f32 to vector<16xf32>
      %max3A_63 = arith.maximumf %gather3A_51, %max3A_62 : vector<16xf32>
      %neg3A_64 = arith.constant 0.000000e+00 : f32
      %neg3A_65 = vector.broadcast %neg3A_64 : f32 to vector<16xf32>
      %neg3A_66 = arith.subf %neg3A_65, %gather3A_51 : vector<16xf32>
      %max3A_67 = arith.constant 0.000000e+00 : f32
      %max3A_68 = vector.broadcast %max3A_67 : f32 to vector<16xf32>
      %max3A_69 = arith.maximumf %neg3A_66, %max3A_68 : vector<16xf32>
      %max3A_70 = arith.constant 0.000000e+00 : f32
      %max3A_71 = vector.broadcast %max3A_70 : f32 to vector<16xf32>
      %max3A_72 = arith.maximumf %gather3A_52, %max3A_71 : vector<16xf32>
      %neg3A_73 = arith.constant 0.000000e+00 : f32
      %neg3A_74 = vector.broadcast %neg3A_73 : f32 to vector<16xf32>
      %neg3A_75 = arith.subf %neg3A_74, %gather3A_52 : vector<16xf32>
      %max3A_76 = arith.constant 0.000000e+00 : f32
      %max3A_77 = vector.broadcast %max3A_76 : f32 to vector<16xf32>
      %max3A_78 = arith.maximumf %neg3A_75, %max3A_77 : vector<16xf32>
      %max3A_79 = arith.constant 0.000000e+00 : f32
      %max3A_80 = vector.broadcast %max3A_79 : f32 to vector<16xf32>
      %max3A_81 = arith.maximumf %gather3A_53, %max3A_80 : vector<16xf32>
      %neg3A_82 = arith.constant 0.000000e+00 : f32
      %neg3A_83 = vector.broadcast %neg3A_82 : f32 to vector<16xf32>
      %neg3A_84 = arith.subf %neg3A_83, %gather3A_53 : vector<16xf32>
      %max3A_85 = arith.constant 0.000000e+00 : f32
      %max3A_86 = vector.broadcast %max3A_85 : f32 to vector<16xf32>
      %max3A_87 = arith.maximumf %neg3A_84, %max3A_86 : vector<16xf32>
      %mul3A_88 = arith.mulf %max3A_55, %get3A_14 : vector<16xf32>
      %mul3A_89 = arith.mulf %max3A_60, %get3A_16 : vector<16xf32>
      %add3A_90 = arith.addf %mul3A_88, %mul3A_89 : vector<16xf32>
      %mul3A_91 = arith.mulf %max3A_63, %get3A_18 : vector<16xf32>
      %add3A_92 = arith.addf %add3A_90, %mul3A_91 : vector<16xf32>
      %mul3A_93 = arith.mulf %max3A_69, %get3A_20 : vector<16xf32>
      %add3A_94 = arith.addf %add3A_92, %mul3A_93 : vector<16xf32>
      %mul3A_95 = arith.mulf %max3A_72, %get3A_14 : vector<16xf32>
      %mul3A_96 = arith.mulf %max3A_78, %get3A_16 : vector<16xf32>
      %add3A_97 = arith.addf %mul3A_95, %mul3A_96 : vector<16xf32>
      %mul3A_98 = arith.mulf %max3A_81, %get3A_18 : vector<16xf32>
      %add3A_99 = arith.addf %add3A_97, %mul3A_98 : vector<16xf32>
      %mul3A_100 = arith.mulf %max3A_87, %get3A_20 : vector<16xf32>
      %add3A_101 = arith.addf %add3A_99, %mul3A_100 : vector<16xf32>
      %mul3A_102 = arith.mulf %max3A_72, %get3A_22 : vector<16xf32>
      %mul3A_103 = arith.mulf %max3A_78, %get3A_24 : vector<16xf32>
      %add3A_104 = arith.addf %mul3A_102, %mul3A_103 : vector<16xf32>
      %mul3A_105 = arith.mulf %max3A_81, %get3A_26 : vector<16xf32>
      %add3A_106 = arith.addf %add3A_104, %mul3A_105 : vector<16xf32>
      %mul3A_107 = arith.mulf %max3A_87, %get3A_28 : vector<16xf32>
      %add3A_108 = arith.addf %add3A_106, %mul3A_107 : vector<16xf32>
      %add3A_109 = arith.addf %add3A_101, %add3A_108 : vector<16xf32>
      %gt3A = arith.constant 0.000000e+00 : f32
      %gt3A_110 = vector.broadcast %gt3A : f32 to vector<16xf32>
      %gt3A_111 = arith.cmpf ogt, %add3A_109, %gt3A_110 : vector<16xf32>
      %mul3A_112 = arith.constant 2.000000e-01 : f32
      %mul3A_113 = vector.broadcast %mul3A_112 : f32 to vector<16xf32>
      %mul3A_114 = arith.mulf %mul3A_113, %add3A_109 : vector<16xf32>
      %select_n3A = arith.select %gt3A_111, %add3A_109, %mul3A_114 : vector<16xi1>, vector<16xf32>
      %add3A_115 = arith.addf %add3A_94, %add3A_108 : vector<16xf32>
      %gt3A_116 = arith.constant 0.000000e+00 : f32
      %gt3A_117 = vector.broadcast %gt3A_116 : f32 to vector<16xf32>
      %gt3A_118 = arith.cmpf ogt, %add3A_115, %gt3A_117 : vector<16xf32>
      %mul3A_119 = arith.constant 2.000000e-01 : f32
      %mul3A_120 = vector.broadcast %mul3A_119 : f32 to vector<16xf32>
      %mul3A_121 = arith.mulf %mul3A_120, %add3A_115 : vector<16xf32>
      %select_n3A_122 = arith.select %gt3A_118, %add3A_115, %mul3A_121 : vector<16xi1>, vector<16xf32>
      %sub3A = arith.subf %select_n3A_122, %select_n3A : vector<16xf32>
      %exp3A = math.exp %sub3A : vector<16xf32>
      %sub3A_123 = vector.broadcast %mul3A_0 : i32 to vector<16xi32>
      %sub3A_124 = arith.subi %get3A_50, %sub3A_123 : vector<16xi32>
      %ge3A = arith.constant 0 : i32
      %ge3A_125 = vector.broadcast %ge3A : i32 to vector<16xi32>
      %ge3A_126 = arith.cmpi sge, %sub3A_124, %ge3A_125 : vector<16xi32>
      %lt3A = arith.constant 3128 : i32
      %lt3A_127 = vector.broadcast %lt3A : i32 to vector<16xi32>
      %lt3A_128 = arith.cmpi slt, %sub3A_124, %lt3A_127 : vector<16xi32>
      %and3A = arith.andi %ge3A_126, %lt3A_128 : vector<16xi1>
      %jit3A = arith.constant 0 : i32
      %broadcast_in_dim3A_129 = vector.broadcast %jit3A : i32 to vector<16xi32>
      %select_n3A_130 = arith.select %and3A, %sub3A_124, %broadcast_in_dim3A_129 : vector<16xi1>, vector<16xi32>
      %mul3A_131 = arith.constant 8 : i32
      %mul3A_132 = vector.broadcast %mul3A_131 : i32 to vector<16xi32>
      %mul3A_133 = arith.muli %select_n3A_130, %mul3A_132 : vector<16xi32>
      %add3A_134 = arith.constant 0 : i32
      %add3A_135 = vector.broadcast %add3A_134 : i32 to vector<16xi32>
      %add3A_136 = arith.addi %mul3A_133, %add3A_135 : vector<16xi32>
      %mul3A_137 = arith.mulf %exp3A, %max3A_55 : vector<16xf32>
      tpu.vector_store_idx %arg13[%add3A_136], %mul3A_137 masked %and3A {add = true} : memref<25024xf32, #tpu.memory_space<vmem>>[vector<16xi32>], vector<16xf32>, vector<16xi1>
      %add3A_138 = arith.constant 1 : i32
      %add3A_139 = vector.broadcast %add3A_138 : i32 to vector<16xi32>
      %add3A_140 = arith.addi %mul3A_133, %add3A_139 : vector<16xi32>
      %mul3A_141 = arith.mulf %exp3A, %max3A_60 : vector<16xf32>
      tpu.vector_store_idx %arg13[%add3A_140], %mul3A_141 masked %and3A {add = true} : memref<25024xf32, #tpu.memory_space<vmem>>[vector<16xi32>], vector<16xf32>, vector<16xi1>
      %add3A_142 = arith.constant 2 : i32
      %add3A_143 = vector.broadcast %add3A_142 : i32 to vector<16xi32>
      %add3A_144 = arith.addi %mul3A_133, %add3A_143 : vector<16xi32>
      %mul3A_145 = arith.mulf %exp3A, %max3A_63 : vector<16xf32>
      tpu.vector_store_idx %arg13[%add3A_144], %mul3A_145 masked %and3A {add = true} : memref<25024xf32, #tpu.memory_space<vmem>>[vector<16xi32>], vector<16xf32>, vector<16xi1>
      %add3A_146 = arith.constant 3 : i32
      %add3A_147 = vector.broadcast %add3A_146 : i32 to vector<16xi32>
      %add3A_148 = arith.addi %mul3A_133, %add3A_147 : vector<16xi32>
      %mul3A_149 = arith.mulf %exp3A, %max3A_69 : vector<16xf32>
      tpu.vector_store_idx %arg13[%add3A_148], %mul3A_149 masked %and3A {add = true} : memref<25024xf32, #tpu.memory_space<vmem>>[vector<16xi32>], vector<16xf32>, vector<16xi1>
      %add3A_150 = arith.constant 4 : i32
      %add3A_151 = vector.broadcast %add3A_150 : i32 to vector<16xi32>
      %add3A_152 = arith.addi %mul3A_133, %add3A_151 : vector<16xi32>
      tpu.vector_store_idx %arg13[%add3A_152], %exp3A masked %and3A {add = true} : memref<25024xf32, #tpu.memory_space<vmem>>[vector<16xi32>], vector<16xf32>, vector<16xi1>
      %get3A_153 = arith.constant 16 : index
      %get3A_154 = tpu.vector_load %arg11[%get3A_153] {strides = array<i32>} : memref<128xi32, #tpu.memory_space<vmem>>, vector<16xi32>,
      %get3A_155 = arith.constant 16 : index
      %get3A_156 = tpu.vector_load %arg12[%get3A_155] {strides = array<i32>} : memref<128xi32, #tpu.memory_space<vmem>>, vector<16xi32>,
      %gather3A_157 = tpu.vector_load_idx %arg9[%get3A_154] : memref<50048xf32, #tpu.memory_space<vmem>>[vector<16xi32>], vector<16xf32>,
      %gather3A_158 = tpu.vector_load_idx %arg10[%get3A_154] : memref<50048xf32, #tpu.memory_space<vmem>>[vector<16xi32>], vector<16xf32>,
      %gather3A_159 = tpu.vector_load_idx %arg9[%get3A_156] : memref<50048xf32, #tpu.memory_space<vmem>>[vector<16xi32>], vector<16xf32>,
      %gather3A_160 = tpu.vector_load_idx %arg10[%get3A_156] : memref<50048xf32, #tpu.memory_space<vmem>>[vector<16xi32>], vector<16xf32>,
      %max3A_161 = arith.constant 0.000000e+00 : f32
      %max3A_162 = vector.broadcast %max3A_161 : f32 to vector<16xf32>
      %max3A_163 = arith.maximumf %gather3A_157, %max3A_162 : vector<16xf32>
      %neg3A_164 = arith.constant 0.000000e+00 : f32
      %neg3A_165 = vector.broadcast %neg3A_164 : f32 to vector<16xf32>
      %neg3A_166 = arith.subf %neg3A_165, %gather3A_157 : vector<16xf32>
      %max3A_167 = arith.constant 0.000000e+00 : f32
      %max3A_168 = vector.broadcast %max3A_167 : f32 to vector<16xf32>
      %max3A_169 = arith.maximumf %neg3A_166, %max3A_168 : vector<16xf32>
      %max3A_170 = arith.constant 0.000000e+00 : f32
      %max3A_171 = vector.broadcast %max3A_170 : f32 to vector<16xf32>
      %max3A_172 = arith.maximumf %gather3A_158, %max3A_171 : vector<16xf32>
      %neg3A_173 = arith.constant 0.000000e+00 : f32
      %neg3A_174 = vector.broadcast %neg3A_173 : f32 to vector<16xf32>
      %neg3A_175 = arith.subf %neg3A_174, %gather3A_158 : vector<16xf32>
      %max3A_176 = arith.constant 0.000000e+00 : f32
      %max3A_177 = vector.broadcast %max3A_176 : f32 to vector<16xf32>
      %max3A_178 = arith.maximumf %neg3A_175, %max3A_177 : vector<16xf32>
      %max3A_179 = arith.constant 0.000000e+00 : f32
      %max3A_180 = vector.broadcast %max3A_179 : f32 to vector<16xf32>
      %max3A_181 = arith.maximumf %gather3A_159, %max3A_180 : vector<16xf32>
      %neg3A_182 = arith.constant 0.000000e+00 : f32
      %neg3A_183 = vector.broadcast %neg3A_182 : f32 to vector<16xf32>
      %neg3A_184 = arith.subf %neg3A_183, %gather3A_159 : vector<16xf32>
      %max3A_185 = arith.constant 0.000000e+00 : f32
      %max3A_186 = vector.broadcast %max3A_185 : f32 to vector<16xf32>
      %max3A_187 = arith.maximumf %neg3A_184, %max3A_186 : vector<16xf32>
      %max3A_188 = arith.constant 0.000000e+00 : f32
      %max3A_189 = vector.broadcast %max3A_188 : f32 to vector<16xf32>
      %max3A_190 = arith.maximumf %gather3A_160, %max3A_189 : vector<16xf32>
      %neg3A_191 = arith.constant 0.000000e+00 : f32
      %neg3A_192 = vector.broadcast %neg3A_191 : f32 to vector<16xf32>
      %neg3A_193 = arith.subf %neg3A_192, %gather3A_160 : vector<16xf32>
      %max3A_194 = arith.constant 0.000000e+00 : f32
      %max3A_195 = vector.broadcast %max3A_194 : f32 to vector<16xf32>
      %max3A_196 = arith.maximumf %neg3A_193, %max3A_195 : vector<16xf32>
      %mul3A_197 = arith.mulf %max3A_163, %get3A_14 : vector<16xf32>
      %mul3A_198 = arith.mulf %max3A_169, %get3A_16 : vector<16xf32>
      %add3A_199 = arith.addf %mul3A_197, %mul3A_198 : vector<16xf32>
      %mul3A_200 = arith.mulf %max3A_172, %get3A_18 : vector<16xf32>
      %add3A_201 = arith.addf %add3A_199, %mul3A_200 : vector<16xf32>
      %mul3A_202 = arith.mulf %max3A_178, %get3A_20 : vector<16xf32>
      %add3A_203 = arith.addf %add3A_201, %mul3A_202 : vector<16xf32>
      %mul3A_204 = arith.mulf %max3A_181, %get3A_14 : vector<16xf32>
      %mul3A_205 = arith.mulf %max3A_187, %get3A_16 : vector<16xf32>
      %add3A_206 = arith.addf %mul3A_204, %mul3A_205 : vector<16xf32>
      %mul3A_207 = arith.mulf %max3A_190, %get3A_18 : vector<16xf32>
      %add3A_208 = arith.addf %add3A_206, %mul3A_207 : vector<16xf32>
      %mul3A_209 = arith.mulf %max3A_196, %get3A_20 : vector<16xf32>
      %add3A_210 = arith.addf %add3A_208, %mul3A_209 : vector<16xf32>
      %mul3A_211 = arith.mulf %max3A_181, %get3A_22 : vector<16xf32>
      %mul3A_212 = arith.mulf %max3A_187, %get3A_24 : vector<16xf32>
      %add3A_213 = arith.addf %mul3A_211, %mul3A_212 : vector<16xf32>
      %mul3A_214 = arith.mulf %max3A_190, %get3A_26 : vector<16xf32>
      %add3A_215 = arith.addf %add3A_213, %mul3A_214 : vector<16xf32>
      %mul3A_216 = arith.mulf %max3A_196, %get3A_28 : vector<16xf32>
      %add3A_217 = arith.addf %add3A_215, %mul3A_216 : vector<16xf32>
      %add3A_218 = arith.addf %add3A_210, %add3A_217 : vector<16xf32>
      %gt3A_219 = arith.constant 0.000000e+00 : f32
      %gt3A_220 = vector.broadcast %gt3A_219 : f32 to vector<16xf32>
      %gt3A_221 = arith.cmpf ogt, %add3A_218, %gt3A_220 : vector<16xf32>
      %mul3A_222 = arith.constant 2.000000e-01 : f32
      %mul3A_223 = vector.broadcast %mul3A_222 : f32 to vector<16xf32>
      %mul3A_224 = arith.mulf %mul3A_223, %add3A_218 : vector<16xf32>
      %select_n3A_225 = arith.select %gt3A_221, %add3A_218, %mul3A_224 : vector<16xi1>, vector<16xf32>
      %add3A_226 = arith.addf %add3A_203, %add3A_217 : vector<16xf32>
      %gt3A_227 = arith.constant 0.000000e+00 : f32
      %gt3A_228 = vector.broadcast %gt3A_227 : f32 to vector<16xf32>
      %gt3A_229 = arith.cmpf ogt, %add3A_226, %gt3A_228 : vector<16xf32>
      %mul3A_230 = arith.constant 2.000000e-01 : f32
      %mul3A_231 = vector.broadcast %mul3A_230 : f32 to vector<16xf32>
      %mul3A_232 = arith.mulf %mul3A_231, %add3A_226 : vector<16xf32>
      %select_n3A_233 = arith.select %gt3A_229, %add3A_226, %mul3A_232 : vector<16xi1>, vector<16xf32>
      %sub3A_234 = arith.subf %select_n3A_233, %select_n3A_225 : vector<16xf32>
      %exp3A_235 = math.exp %sub3A_234 : vector<16xf32>
      %sub3A_236 = vector.broadcast %mul3A_0 : i32 to vector<16xi32>
      %sub3A_237 = arith.subi %get3A_156, %sub3A_236 : vector<16xi32>
      %ge3A_238 = arith.constant 0 : i32
      %ge3A_239 = vector.broadcast %ge3A_238 : i32 to vector<16xi32>
      %ge3A_240 = arith.cmpi sge, %sub3A_237, %ge3A_239 : vector<16xi32>
      %lt3A_241 = arith.constant 3128 : i32
      %lt3A_242 = vector.broadcast %lt3A_241 : i32 to vector<16xi32>
      %lt3A_243 = arith.cmpi slt, %sub3A_237, %lt3A_242 : vector<16xi32>
      %and3A_244 = arith.andi %ge3A_240, %lt3A_243 : vector<16xi1>
      %jit3A_245 = arith.constant 0 : i32
      %broadcast_in_dim3A_246 = vector.broadcast %jit3A_245 : i32 to vector<16xi32>
      %select_n3A_247 = arith.select %and3A_244, %sub3A_237, %broadcast_in_dim3A_246 : vector<16xi1>, vector<16xi32>
      %mul3A_248 = arith.constant 8 : i32
      %mul3A_249 = vector.broadcast %mul3A_248 : i32 to vector<16xi32>
      %mul3A_250 = arith.muli %select_n3A_247, %mul3A_249 : vector<16xi32>
      %add3A_251 = arith.constant 0 : i32
      %add3A_252 = vector.broadcast %add3A_251 : i32 to vector<16xi32>
      %add3A_253 = arith.addi %mul3A_250, %add3A_252 : vector<16xi32>
      %mul3A_254 = arith.mulf %exp3A_235, %max3A_163 : vector<16xf32>
      tpu.vector_store_idx %arg13[%add3A_253], %mul3A_254 masked %and3A_244 {add = true} : memref<25024xf32, #tpu.memory_space<vmem>>[vector<16xi32>], vector<16xf32>, vector<16xi1>
      %add3A_255 = arith.constant 1 : i32
      %add3A_256 = vector.broadcast %add3A_255 : i32 to vector<16xi32>
      %add3A_257 = arith.addi %mul3A_250, %add3A_256 : vector<16xi32>
      %mul3A_258 = arith.mulf %exp3A_235, %max3A_169 : vector<16xf32>
      tpu.vector_store_idx %arg13[%add3A_257], %mul3A_258 masked %and3A_244 {add = true} : memref<25024xf32, #tpu.memory_space<vmem>>[vector<16xi32>], vector<16xf32>, vector<16xi1>
      %add3A_259 = arith.constant 2 : i32
      %add3A_260 = vector.broadcast %add3A_259 : i32 to vector<16xi32>
      %add3A_261 = arith.addi %mul3A_250, %add3A_260 : vector<16xi32>
      %mul3A_262 = arith.mulf %exp3A_235, %max3A_172 : vector<16xf32>
      tpu.vector_store_idx %arg13[%add3A_261], %mul3A_262 masked %and3A_244 {add = true} : memref<25024xf32, #tpu.memory_space<vmem>>[vector<16xi32>], vector<16xf32>, vector<16xi1>
      %add3A_263 = arith.constant 3 : i32
      %add3A_264 = vector.broadcast %add3A_263 : i32 to vector<16xi32>
      %add3A_265 = arith.addi %mul3A_250, %add3A_264 : vector<16xi32>
      %mul3A_266 = arith.mulf %exp3A_235, %max3A_178 : vector<16xf32>
      tpu.vector_store_idx %arg13[%add3A_265], %mul3A_266 masked %and3A_244 {add = true} : memref<25024xf32, #tpu.memory_space<vmem>>[vector<16xi32>], vector<16xf32>, vector<16xi1>
      %add3A_267 = arith.constant 4 : i32
      %add3A_268 = vector.broadcast %add3A_267 : i32 to vector<16xi32>
      %add3A_269 = arith.addi %mul3A_250, %add3A_268 : vector<16xi32>
      tpu.vector_store_idx %arg13[%add3A_269], %exp3A_235 masked %and3A_244 {add = true} : memref<25024xf32, #tpu.memory_space<vmem>>[vector<16xi32>], vector<16xf32>, vector<16xi1>
      %get3A_270 = arith.constant 32 : index
      %get3A_271 = tpu.vector_load %arg11[%get3A_270] {strides = array<i32>} : memref<128xi32, #tpu.memory_space<vmem>>, vector<16xi32>,
      %get3A_272 = arith.constant 32 : index
      %get3A_273 = tpu.vector_load %arg12[%get3A_272] {strides = array<i32>} : memref<128xi32, #tpu.memory_space<vmem>>, vector<16xi32>,
      %gather3A_274 = tpu.vector_load_idx %arg9[%get3A_271] : memref<50048xf32, #tpu.memory_space<vmem>>[vector<16xi32>], vector<16xf32>,
      %gather3A_275 = tpu.vector_load_idx %arg10[%get3A_271] : memref<50048xf32, #tpu.memory_space<vmem>>[vector<16xi32>], vector<16xf32>,
      %gather3A_276 = tpu.vector_load_idx %arg9[%get3A_273] : memref<50048xf32, #tpu.memory_space<vmem>>[vector<16xi32>], vector<16xf32>,
      %gather3A_277 = tpu.vector_load_idx %arg10[%get3A_273] : memref<50048xf32, #tpu.memory_space<vmem>>[vector<16xi32>], vector<16xf32>,
      %max3A_278 = arith.constant 0.000000e+00 : f32
      %max3A_279 = vector.broadcast %max3A_278 : f32 to vector<16xf32>
      %max3A_280 = arith.maximumf %gather3A_274, %max3A_279 : vector<16xf32>
      %neg3A_281 = arith.constant 0.000000e+00 : f32
      %neg3A_282 = vector.broadcast %neg3A_281 : f32 to vector<16xf32>
      %neg3A_283 = arith.subf %neg3A_282, %gather3A_274 : vector<16xf32>
      %max3A_284 = arith.constant 0.000000e+00 : f32
      %max3A_285 = vector.broadcast %max3A_284 : f32 to vector<16xf32>
      %max3A_286 = arith.maximumf %neg3A_283, %max3A_285 : vector<16xf32>
      %max3A_287 = arith.constant 0.000000e+00 : f32
      %max3A_288 = vector.broadcast %max3A_287 : f32 to vector<16xf32>
      %max3A_289 = arith.maximumf %gather3A_275, %max3A_288 : vector<16xf32>
      %neg3A_290 = arith.constant 0.000000e+00 : f32
      %neg3A_291 = vector.broadcast %neg3A_290 : f32 to vector<16xf32>
      %neg3A_292 = arith.subf %neg3A_291, %gather3A_275 : vector<16xf32>
      %max3A_293 = arith.constant 0.000000e+00 : f32
      %max3A_294 = vector.broadcast %max3A_293 : f32 to vector<16xf32>
      %max3A_295 = arith.maximumf %neg3A_292, %max3A_294 : vector<16xf32>
      %max3A_296 = arith.constant 0.000000e+00 : f32
      %max3A_297 = vector.broadcast %max3A_296 : f32 to vector<16xf32>
      %max3A_298 = arith.maximumf %gather3A_276, %max3A_297 : vector<16xf32>
      %neg3A_299 = arith.constant 0.000000e+00 : f32
      %neg3A_300 = vector.broadcast %neg3A_299 : f32 to vector<16xf32>
      %neg3A_301 = arith.subf %neg3A_300, %gather3A_276 : vector<16xf32>
      %max3A_302 = arith.constant 0.000000e+00 : f32
      %max3A_303 = vector.broadcast %max3A_302 : f32 to vector<16xf32>
      %max3A_304 = arith.maximumf %neg3A_301, %max3A_303 : vector<16xf32>
      %max3A_305 = arith.constant 0.000000e+00 : f32
      %max3A_306 = vector.broadcast %max3A_305 : f32 to vector<16xf32>
      %max3A_307 = arith.maximumf %gather3A_277, %max3A_306 : vector<16xf32>
      %neg3A_308 = arith.constant 0.000000e+00 : f32
      %neg3A_309 = vector.broadcast %neg3A_308 : f32 to vector<16xf32>
      %neg3A_310 = arith.subf %neg3A_309, %gather3A_277 : vector<16xf32>
      %max3A_311 = arith.constant 0.000000e+00 : f32
      %max3A_312 = vector.broadcast %max3A_311 : f32 to vector<16xf32>
      %max3A_313 = arith.maximumf %neg3A_310, %max3A_312 : vector<16xf32>
      %mul3A_314 = arith.mulf %max3A_280, %get3A_14 : vector<16xf32>
      %mul3A_315 = arith.mulf %max3A_286, %get3A_16 : vector<16xf32>
      %add3A_316 = arith.addf %mul3A_314, %mul3A_315 : vector<16xf32>
      %mul3A_317 = arith.mulf %max3A_289, %get3A_18 : vector<16xf32>
      %add3A_318 = arith.addf %add3A_316, %mul3A_317 : vector<16xf32>
      %mul3A_319 = arith.mulf %max3A_295, %get3A_20 : vector<16xf32>
      %add3A_320 = arith.addf %add3A_318, %mul3A_319 : vector<16xf32>
      %mul3A_321 = arith.mulf %max3A_298, %get3A_14 : vector<16xf32>
      %mul3A_322 = arith.mulf %max3A_304, %get3A_16 : vector<16xf32>
      %add3A_323 = arith.addf %mul3A_321, %mul3A_322 : vector<16xf32>
      %mul3A_324 = arith.mulf %max3A_307, %get3A_18 : vector<16xf32>
      %add3A_325 = arith.addf %add3A_323, %mul3A_324 : vector<16xf32>
      %mul3A_326 = arith.mulf %max3A_313, %get3A_20 : vector<16xf32>
      %add3A_327 = arith.addf %add3A_325, %mul3A_326 : vector<16xf32>
      %mul3A_328 = arith.mulf %max3A_298, %get3A_22 : vector<16xf32>
      %mul3A_329 = arith.mulf %max3A_304, %get3A_24 : vector<16xf32>
      %add3A_330 = arith.addf %mul3A_328, %mul3A_329 : vector<16xf32>
      %mul3A_331 = arith.mulf %max3A_307, %get3A_26 : vector<16xf32>
      %add3A_332 = arith.addf %add3A_330, %mul3A_331 : vector<16xf32>
      %mul3A_333 = arith.mulf %max3A_313, %get3A_28 : vector<16xf32>
      %add3A_334 = arith.addf %add3A_332, %mul3A_333 : vector<16xf32>
      %add3A_335 = arith.addf %add3A_327, %add3A_334 : vector<16xf32>
      %gt3A_336 = arith.constant 0.000000e+00 : f32
      %gt3A_337 = vector.broadcast %gt3A_336 : f32 to vector<16xf32>
      %gt3A_338 = arith.cmpf ogt, %add3A_335, %gt3A_337 : vector<16xf32>
      %mul3A_339 = arith.constant 2.000000e-01 : f32
      %mul3A_340 = vector.broadcast %mul3A_339 : f32 to vector<16xf32>
      %mul3A_341 = arith.mulf %mul3A_340, %add3A_335 : vector<16xf32>
      %select_n3A_342 = arith.select %gt3A_338, %add3A_335, %mul3A_341 : vector<16xi1>, vector<16xf32>
      %add3A_343 = arith.addf %add3A_320, %add3A_334 : vector<16xf32>
      %gt3A_344 = arith.constant 0.000000e+00 : f32
      %gt3A_345 = vector.broadcast %gt3A_344 : f32 to vector<16xf32>
      %gt3A_346 = arith.cmpf ogt, %add3A_343, %gt3A_345 : vector<16xf32>
      %mul3A_347 = arith.constant 2.000000e-01 : f32
      %mul3A_348 = vector.broadcast %mul3A_347 : f32 to vector<16xf32>
      %mul3A_349 = arith.mulf %mul3A_348, %add3A_343 : vector<16xf32>
      %select_n3A_350 = arith.select %gt3A_346, %add3A_343, %mul3A_349 : vector<16xi1>, vector<16xf32>
      %sub3A_351 = arith.subf %select_n3A_350, %select_n3A_342 : vector<16xf32>
      %exp3A_352 = math.exp %sub3A_351 : vector<16xf32>
      %sub3A_353 = vector.broadcast %mul3A_0 : i32 to vector<16xi32>
      %sub3A_354 = arith.subi %get3A_273, %sub3A_353 : vector<16xi32>
      %ge3A_355 = arith.constant 0 : i32
      %ge3A_356 = vector.broadcast %ge3A_355 : i32 to vector<16xi32>
      %ge3A_357 = arith.cmpi sge, %sub3A_354, %ge3A_356 : vector<16xi32>
      %lt3A_358 = arith.constant 3128 : i32
      %lt3A_359 = vector.broadcast %lt3A_358 : i32 to vector<16xi32>
      %lt3A_360 = arith.cmpi slt, %sub3A_354, %lt3A_359 : vector<16xi32>
      %and3A_361 = arith.andi %ge3A_357, %lt3A_360 : vector<16xi1>
      %jit3A_362 = arith.constant 0 : i32
      %broadcast_in_dim3A_363 = vector.broadcast %jit3A_362 : i32 to vector<16xi32>
      %select_n3A_364 = arith.select %and3A_361, %sub3A_354, %broadcast_in_dim3A_363 : vector<16xi1>, vector<16xi32>
      %mul3A_365 = arith.constant 8 : i32
      %mul3A_366 = vector.broadcast %mul3A_365 : i32 to vector<16xi32>
      %mul3A_367 = arith.muli %select_n3A_364, %mul3A_366 : vector<16xi32>
      %add3A_368 = arith.constant 0 : i32
      %add3A_369 = vector.broadcast %add3A_368 : i32 to vector<16xi32>
      %add3A_370 = arith.addi %mul3A_367, %add3A_369 : vector<16xi32>
      %mul3A_371 = arith.mulf %exp3A_352, %max3A_280 : vector<16xf32>
      tpu.vector_store_idx %arg13[%add3A_370], %mul3A_371 masked %and3A_361 {add = true} : memref<25024xf32, #tpu.memory_space<vmem>>[vector<16xi32>], vector<16xf32>, vector<16xi1>
      %add3A_372 = arith.constant 1 : i32
      %add3A_373 = vector.broadcast %add3A_372 : i32 to vector<16xi32>
      %add3A_374 = arith.addi %mul3A_367, %add3A_373 : vector<16xi32>
      %mul3A_375 = arith.mulf %exp3A_352, %max3A_286 : vector<16xf32>
      tpu.vector_store_idx %arg13[%add3A_374], %mul3A_375 masked %and3A_361 {add = true} : memref<25024xf32, #tpu.memory_space<vmem>>[vector<16xi32>], vector<16xf32>, vector<16xi1>
      %add3A_376 = arith.constant 2 : i32
      %add3A_377 = vector.broadcast %add3A_376 : i32 to vector<16xi32>
      %add3A_378 = arith.addi %mul3A_367, %add3A_377 : vector<16xi32>
      %mul3A_379 = arith.mulf %exp3A_352, %max3A_289 : vector<16xf32>
      tpu.vector_store_idx %arg13[%add3A_378], %mul3A_379 masked %and3A_361 {add = true} : memref<25024xf32, #tpu.memory_space<vmem>>[vector<16xi32>], vector<16xf32>, vector<16xi1>
      %add3A_380 = arith.constant 3 : i32
      %add3A_381 = vector.broadcast %add3A_380 : i32 to vector<16xi32>
      %add3A_382 = arith.addi %mul3A_367, %add3A_381 : vector<16xi32>
      %mul3A_383 = arith.mulf %exp3A_352, %max3A_295 : vector<16xf32>
      tpu.vector_store_idx %arg13[%add3A_382], %mul3A_383 masked %and3A_361 {add = true} : memref<25024xf32, #tpu.memory_space<vmem>>[vector<16xi32>], vector<16xf32>, vector<16xi1>
      %add3A_384 = arith.constant 4 : i32
      %add3A_385 = vector.broadcast %add3A_384 : i32 to vector<16xi32>
      %add3A_386 = arith.addi %mul3A_367, %add3A_385 : vector<16xi32>
      tpu.vector_store_idx %arg13[%add3A_386], %exp3A_352 masked %and3A_361 {add = true} : memref<25024xf32, #tpu.memory_space<vmem>>[vector<16xi32>], vector<16xf32>, vector<16xi1>
      %get3A_387 = arith.constant 48 : index
      %get3A_388 = tpu.vector_load %arg11[%get3A_387] {strides = array<i32>} : memref<128xi32, #tpu.memory_space<vmem>>, vector<16xi32>,
      %get3A_389 = arith.constant 48 : index
      %get3A_390 = tpu.vector_load %arg12[%get3A_389] {strides = array<i32>} : memref<128xi32, #tpu.memory_space<vmem>>, vector<16xi32>,
      %gather3A_391 = tpu.vector_load_idx %arg9[%get3A_388] : memref<50048xf32, #tpu.memory_space<vmem>>[vector<16xi32>], vector<16xf32>,
      %gather3A_392 = tpu.vector_load_idx %arg10[%get3A_388] : memref<50048xf32, #tpu.memory_space<vmem>>[vector<16xi32>], vector<16xf32>,
      %gather3A_393 = tpu.vector_load_idx %arg9[%get3A_390] : memref<50048xf32, #tpu.memory_space<vmem>>[vector<16xi32>], vector<16xf32>,
      %gather3A_394 = tpu.vector_load_idx %arg10[%get3A_390] : memref<50048xf32, #tpu.memory_space<vmem>>[vector<16xi32>], vector<16xf32>,
      %max3A_395 = arith.constant 0.000000e+00 : f32
      %max3A_396 = vector.broadcast %max3A_395 : f32 to vector<16xf32>
      %max3A_397 = arith.maximumf %gather3A_391, %max3A_396 : vector<16xf32>
      %neg3A_398 = arith.constant 0.000000e+00 : f32
      %neg3A_399 = vector.broadcast %neg3A_398 : f32 to vector<16xf32>
      %neg3A_400 = arith.subf %neg3A_399, %gather3A_391 : vector<16xf32>
      %max3A_401 = arith.constant 0.000000e+00 : f32
      %max3A_402 = vector.broadcast %max3A_401 : f32 to vector<16xf32>
      %max3A_403 = arith.maximumf %neg3A_400, %max3A_402 : vector<16xf32>
      %max3A_404 = arith.constant 0.000000e+00 : f32
      %max3A_405 = vector.broadcast %max3A_404 : f32 to vector<16xf32>
      %max3A_406 = arith.maximumf %gather3A_392, %max3A_405 : vector<16xf32>
      %neg3A_407 = arith.constant 0.000000e+00 : f32
      %neg3A_408 = vector.broadcast %neg3A_407 : f32 to vector<16xf32>
      %neg3A_409 = arith.subf %neg3A_408, %gather3A_392 : vector<16xf32>
      %max3A_410 = arith.constant 0.000000e+00 : f32
      %max3A_411 = vector.broadcast %max3A_410 : f32 to vector<16xf32>
      %max3A_412 = arith.maximumf %neg3A_409, %max3A_411 : vector<16xf32>
      %max3A_413 = arith.constant 0.000000e+00 : f32
      %max3A_414 = vector.broadcast %max3A_413 : f32 to vector<16xf32>
      %max3A_415 = arith.maximumf %gather3A_393, %max3A_414 : vector<16xf32>
      %neg3A_416 = arith.constant 0.000000e+00 : f32
      %neg3A_417 = vector.broadcast %neg3A_416 : f32 to vector<16xf32>
      %neg3A_418 = arith.subf %neg3A_417, %gather3A_393 : vector<16xf32>
      %max3A_419 = arith.constant 0.000000e+00 : f32
      %max3A_420 = vector.broadcast %max3A_419 : f32 to vector<16xf32>
      %max3A_421 = arith.maximumf %neg3A_418, %max3A_420 : vector<16xf32>
      %max3A_422 = arith.constant 0.000000e+00 : f32
      %max3A_423 = vector.broadcast %max3A_422 : f32 to vector<16xf32>
      %max3A_424 = arith.maximumf %gather3A_394, %max3A_423 : vector<16xf32>
      %neg3A_425 = arith.constant 0.000000e+00 : f32
      %neg3A_426 = vector.broadcast %neg3A_425 : f32 to vector<16xf32>
      %neg3A_427 = arith.subf %neg3A_426, %gather3A_394 : vector<16xf32>
      %max3A_428 = arith.constant 0.000000e+00 : f32
      %max3A_429 = vector.broadcast %max3A_428 : f32 to vector<16xf32>
      %max3A_430 = arith.maximumf %neg3A_427, %max3A_429 : vector<16xf32>
      %mul3A_431 = arith.mulf %max3A_397, %get3A_14 : vector<16xf32>
      %mul3A_432 = arith.mulf %max3A_403, %get3A_16 : vector<16xf32>
      %add3A_433 = arith.addf %mul3A_431, %mul3A_432 : vector<16xf32>
      %mul3A_434 = arith.mulf %max3A_406, %get3A_18 : vector<16xf32>
      %add3A_435 = arith.addf %add3A_433, %mul3A_434 : vector<16xf32>
      %mul3A_436 = arith.mulf %max3A_412, %get3A_20 : vector<16xf32>
      %add3A_437 = arith.addf %add3A_435, %mul3A_436 : vector<16xf32>
      %mul3A_438 = arith.mulf %max3A_415, %get3A_14 : vector<16xf32>
      %mul3A_439 = arith.mulf %max3A_421, %get3A_16 : vector<16xf32>
      %add3A_440 = arith.addf %mul3A_438, %mul3A_439 : vector<16xf32>
      %mul3A_441 = arith.mulf %max3A_424, %get3A_18 : vector<16xf32>
      %add3A_442 = arith.addf %add3A_440, %mul3A_441 : vector<16xf32>
      %mul3A_443 = arith.mulf %max3A_430, %get3A_20 : vector<16xf32>
      %add3A_444 = arith.addf %add3A_442, %mul3A_443 : vector<16xf32>
      %mul3A_445 = arith.mulf %max3A_415, %get3A_22 : vector<16xf32>
      %mul3A_446 = arith.mulf %max3A_421, %get3A_24 : vector<16xf32>
      %add3A_447 = arith.addf %mul3A_445, %mul3A_446 : vector<16xf32>
      %mul3A_448 = arith.mulf %max3A_424, %get3A_26 : vector<16xf32>
      %add3A_449 = arith.addf %add3A_447, %mul3A_448 : vector<16xf32>
      %mul3A_450 = arith.mulf %max3A_430, %get3A_28 : vector<16xf32>
      %add3A_451 = arith.addf %add3A_449, %mul3A_450 : vector<16xf32>
      %add3A_452 = arith.addf %add3A_444, %add3A_451 : vector<16xf32>
      %gt3A_453 = arith.constant 0.000000e+00 : f32
      %gt3A_454 = vector.broadcast %gt3A_453 : f32 to vector<16xf32>
      %gt3A_455 = arith.cmpf ogt, %add3A_452, %gt3A_454 : vector<16xf32>
      %mul3A_456 = arith.constant 2.000000e-01 : f32
      %mul3A_457 = vector.broadcast %mul3A_456 : f32 to vector<16xf32>
      %mul3A_458 = arith.mulf %mul3A_457, %add3A_452 : vector<16xf32>
      %select_n3A_459 = arith.select %gt3A_455, %add3A_452, %mul3A_458 : vector<16xi1>, vector<16xf32>
      %add3A_460 = arith.addf %add3A_437, %add3A_451 : vector<16xf32>
      %gt3A_461 = arith.constant 0.000000e+00 : f32
      %gt3A_462 = vector.broadcast %gt3A_461 : f32 to vector<16xf32>
      %gt3A_463 = arith.cmpf ogt, %add3A_460, %gt3A_462 : vector<16xf32>
      %mul3A_464 = arith.constant 2.000000e-01 : f32
      %mul3A_465 = vector.broadcast %mul3A_464 : f32 to vector<16xf32>
      %mul3A_466 = arith.mulf %mul3A_465, %add3A_460 : vector<16xf32>
      %select_n3A_467 = arith.select %gt3A_463, %add3A_460, %mul3A_466 : vector<16xi1>, vector<16xf32>
      %sub3A_468 = arith.subf %select_n3A_467, %select_n3A_459 : vector<16xf32>
      %exp3A_469 = math.exp %sub3A_468 : vector<16xf32>
      %sub3A_470 = vector.broadcast %mul3A_0 : i32 to vector<16xi32>
      %sub3A_471 = arith.subi %get3A_390, %sub3A_470 : vector<16xi32>
      %ge3A_472 = arith.constant 0 : i32
      %ge3A_473 = vector.broadcast %ge3A_472 : i32 to vector<16xi32>
      %ge3A_474 = arith.cmpi sge, %sub3A_471, %ge3A_473 : vector<16xi32>
      %lt3A_475 = arith.constant 3128 : i32
      %lt3A_476 = vector.broadcast %lt3A_475 : i32 to vector<16xi32>
      %lt3A_477 = arith.cmpi slt, %sub3A_471, %lt3A_476 : vector<16xi32>
      %and3A_478 = arith.andi %ge3A_474, %lt3A_477 : vector<16xi1>
      %jit3A_479 = arith.constant 0 : i32
      %broadcast_in_dim3A_480 = vector.broadcast %jit3A_479 : i32 to vector<16xi32>
      %select_n3A_481 = arith.select %and3A_478, %sub3A_471, %broadcast_in_dim3A_480 : vector<16xi1>, vector<16xi32>
      %mul3A_482 = arith.constant 8 : i32
      %mul3A_483 = vector.broadcast %mul3A_482 : i32 to vector<16xi32>
      %mul3A_484 = arith.muli %select_n3A_481, %mul3A_483 : vector<16xi32>
      %add3A_485 = arith.constant 0 : i32
      %add3A_486 = vector.broadcast %add3A_485 : i32 to vector<16xi32>
      %add3A_487 = arith.addi %mul3A_484, %add3A_486 : vector<16xi32>
      %mul3A_488 = arith.mulf %exp3A_469, %max3A_397 : vector<16xf32>
      tpu.vector_store_idx %arg13[%add3A_487], %mul3A_488 masked %and3A_478 {add = true} : memref<25024xf32, #tpu.memory_space<vmem>>[vector<16xi32>], vector<16xf32>, vector<16xi1>
      %add3A_489 = arith.constant 1 : i32
      %add3A_490 = vector.broadcast %add3A_489 : i32 to vector<16xi32>
      %add3A_491 = arith.addi %mul3A_484, %add3A_490 : vector<16xi32>
      %mul3A_492 = arith.mulf %exp3A_469, %max3A_403 : vector<16xf32>
      tpu.vector_store_idx %arg13[%add3A_491], %mul3A_492 masked %and3A_478 {add = true} : memref<25024xf32, #tpu.memory_space<vmem>>[vector<16xi32>], vector<16xf32>, vector<16xi1>
      %add3A_493 = arith.constant 2 : i32
      %add3A_494 = vector.broadcast %add3A_493 : i32 to vector<16xi32>
      %add3A_495 = arith.addi %mul3A_484, %add3A_494 : vector<16xi32>
      %mul3A_496 = arith.mulf %exp3A_469, %max3A_406 : vector<16xf32>
      tpu.vector_store_idx %arg13[%add3A_495], %mul3A_496 masked %and3A_478 {add = true} : memref<25024xf32, #tpu.memory_space<vmem>>[vector<16xi32>], vector<16xf32>, vector<16xi1>
      %add3A_497 = arith.constant 3 : i32
      %add3A_498 = vector.broadcast %add3A_497 : i32 to vector<16xi32>
      %add3A_499 = arith.addi %mul3A_484, %add3A_498 : vector<16xi32>
      %mul3A_500 = arith.mulf %exp3A_469, %max3A_412 : vector<16xf32>
      tpu.vector_store_idx %arg13[%add3A_499], %mul3A_500 masked %and3A_478 {add = true} : memref<25024xf32, #tpu.memory_space<vmem>>[vector<16xi32>], vector<16xf32>, vector<16xi1>
      %add3A_501 = arith.constant 4 : i32
      %add3A_502 = vector.broadcast %add3A_501 : i32 to vector<16xi32>
      %add3A_503 = arith.addi %mul3A_484, %add3A_502 : vector<16xi32>
      tpu.vector_store_idx %arg13[%add3A_503], %exp3A_469 masked %and3A_478 {add = true} : memref<25024xf32, #tpu.memory_space<vmem>>[vector<16xi32>], vector<16xf32>, vector<16xi1>
      %get3A_504 = arith.constant 64 : index
      %get3A_505 = tpu.vector_load %arg11[%get3A_504] {strides = array<i32>} : memref<128xi32, #tpu.memory_space<vmem>>, vector<16xi32>,
      %get3A_506 = arith.constant 64 : index
      %get3A_507 = tpu.vector_load %arg12[%get3A_506] {strides = array<i32>} : memref<128xi32, #tpu.memory_space<vmem>>, vector<16xi32>,
      %gather3A_508 = tpu.vector_load_idx %arg9[%get3A_505] : memref<50048xf32, #tpu.memory_space<vmem>>[vector<16xi32>], vector<16xf32>,
      %gather3A_509 = tpu.vector_load_idx %arg10[%get3A_505] : memref<50048xf32, #tpu.memory_space<vmem>>[vector<16xi32>], vector<16xf32>,
      %gather3A_510 = tpu.vector_load_idx %arg9[%get3A_507] : memref<50048xf32, #tpu.memory_space<vmem>>[vector<16xi32>], vector<16xf32>,
      %gather3A_511 = tpu.vector_load_idx %arg10[%get3A_507] : memref<50048xf32, #tpu.memory_space<vmem>>[vector<16xi32>], vector<16xf32>,
      %max3A_512 = arith.constant 0.000000e+00 : f32
      %max3A_513 = vector.broadcast %max3A_512 : f32 to vector<16xf32>
      %max3A_514 = arith.maximumf %gather3A_508, %max3A_513 : vector<16xf32>
      %neg3A_515 = arith.constant 0.000000e+00 : f32
      %neg3A_516 = vector.broadcast %neg3A_515 : f32 to vector<16xf32>
      %neg3A_517 = arith.subf %neg3A_516, %gather3A_508 : vector<16xf32>
      %max3A_518 = arith.constant 0.000000e+00 : f32
      %max3A_519 = vector.broadcast %max3A_518 : f32 to vector<16xf32>
      %max3A_520 = arith.maximumf %neg3A_517, %max3A_519 : vector<16xf32>
      %max3A_521 = arith.constant 0.000000e+00 : f32
      %max3A_522 = vector.broadcast %max3A_521 : f32 to vector<16xf32>
      %max3A_523 = arith.maximumf %gather3A_509, %max3A_522 : vector<16xf32>
      %neg3A_524 = arith.constant 0.000000e+00 : f32
      %neg3A_525 = vector.broadcast %neg3A_524 : f32 to vector<16xf32>
      %neg3A_526 = arith.subf %neg3A_525, %gather3A_509 : vector<16xf32>
      %max3A_527 = arith.constant 0.000000e+00 : f32
      %max3A_528 = vector.broadcast %max3A_527 : f32 to vector<16xf32>
      %max3A_529 = arith.maximumf %neg3A_526, %max3A_528 : vector<16xf32>
      %max3A_530 = arith.constant 0.000000e+00 : f32
      %max3A_531 = vector.broadcast %max3A_530 : f32 to vector<16xf32>
      %max3A_532 = arith.maximumf %gather3A_510, %max3A_531 : vector<16xf32>
      %neg3A_533 = arith.constant 0.000000e+00 : f32
      %neg3A_534 = vector.broadcast %neg3A_533 : f32 to vector<16xf32>
      %neg3A_535 = arith.subf %neg3A_534, %gather3A_510 : vector<16xf32>
      %max3A_536 = arith.constant 0.000000e+00 : f32
      %max3A_537 = vector.broadcast %max3A_536 : f32 to vector<16xf32>
      %max3A_538 = arith.maximumf %neg3A_535, %max3A_537 : vector<16xf32>
      %max3A_539 = arith.constant 0.000000e+00 : f32
      %max3A_540 = vector.broadcast %max3A_539 : f32 to vector<16xf32>
      %max3A_541 = arith.maximumf %gather3A_511, %max3A_540 : vector<16xf32>
      %neg3A_542 = arith.constant 0.000000e+00 : f32
      %neg3A_543 = vector.broadcast %neg3A_542 : f32 to vector<16xf32>
      %neg3A_544 = arith.subf %neg3A_543, %gather3A_511 : vector<16xf32>
      %max3A_545 = arith.constant 0.000000e+00 : f32
      %max3A_546 = vector.broadcast %max3A_545 : f32 to vector<16xf32>
      %max3A_547 = arith.maximumf %neg3A_544, %max3A_546 : vector<16xf32>
      %mul3A_548 = arith.mulf %max3A_514, %get3A_14 : vector<16xf32>
      %mul3A_549 = arith.mulf %max3A_520, %get3A_16 : vector<16xf32>
      %add3A_550 = arith.addf %mul3A_548, %mul3A_549 : vector<16xf32>
      %mul3A_551 = arith.mulf %max3A_523, %get3A_18 : vector<16xf32>
      %add3A_552 = arith.addf %add3A_550, %mul3A_551 : vector<16xf32>
      %mul3A_553 = arith.mulf %max3A_529, %get3A_20 : vector<16xf32>
      %add3A_554 = arith.addf %add3A_552, %mul3A_553 : vector<16xf32>
      %mul3A_555 = arith.mulf %max3A_532, %get3A_14 : vector<16xf32>
      %mul3A_556 = arith.mulf %max3A_538, %get3A_16 : vector<16xf32>
      %add3A_557 = arith.addf %mul3A_555, %mul3A_556 : vector<16xf32>
      %mul3A_558 = arith.mulf %max3A_541, %get3A_18 : vector<16xf32>
      %add3A_559 = arith.addf %add3A_557, %mul3A_558 : vector<16xf32>
      %mul3A_560 = arith.mulf %max3A_547, %get3A_20 : vector<16xf32>
      %add3A_561 = arith.addf %add3A_559, %mul3A_560 : vector<16xf32>
      %mul3A_562 = arith.mulf %max3A_532, %get3A_22 : vector<16xf32>
      %mul3A_563 = arith.mulf %max3A_538, %get3A_24 : vector<16xf32>
      %add3A_564 = arith.addf %mul3A_562, %mul3A_563 : vector<16xf32>
      %mul3A_565 = arith.mulf %max3A_541, %get3A_26 : vector<16xf32>
      %add3A_566 = arith.addf %add3A_564, %mul3A_565 : vector<16xf32>
      %mul3A_567 = arith.mulf %max3A_547, %get3A_28 : vector<16xf32>
      %add3A_568 = arith.addf %add3A_566, %mul3A_567 : vector<16xf32>
      %add3A_569 = arith.addf %add3A_561, %add3A_568 : vector<16xf32>
      %gt3A_570 = arith.constant 0.000000e+00 : f32
      %gt3A_571 = vector.broadcast %gt3A_570 : f32 to vector<16xf32>
      %gt3A_572 = arith.cmpf ogt, %add3A_569, %gt3A_571 : vector<16xf32>
      %mul3A_573 = arith.constant 2.000000e-01 : f32
      %mul3A_574 = vector.broadcast %mul3A_573 : f32 to vector<16xf32>
      %mul3A_575 = arith.mulf %mul3A_574, %add3A_569 : vector<16xf32>
      %select_n3A_576 = arith.select %gt3A_572, %add3A_569, %mul3A_575 : vector<16xi1>, vector<16xf32>
      %add3A_577 = arith.addf %add3A_554, %add3A_568 : vector<16xf32>
      %gt3A_578 = arith.constant 0.000000e+00 : f32
      %gt3A_579 = vector.broadcast %gt3A_578 : f32 to vector<16xf32>
      %gt3A_580 = arith.cmpf ogt, %add3A_577, %gt3A_579 : vector<16xf32>
      %mul3A_581 = arith.constant 2.000000e-01 : f32
      %mul3A_582 = vector.broadcast %mul3A_581 : f32 to vector<16xf32>
      %mul3A_583 = arith.mulf %mul3A_582, %add3A_577 : vector<16xf32>
      %select_n3A_584 = arith.select %gt3A_580, %add3A_577, %mul3A_583 : vector<16xi1>, vector<16xf32>
      %sub3A_585 = arith.subf %select_n3A_584, %select_n3A_576 : vector<16xf32>
      %exp3A_586 = math.exp %sub3A_585 : vector<16xf32>
      %sub3A_587 = vector.broadcast %mul3A_0 : i32 to vector<16xi32>
      %sub3A_588 = arith.subi %get3A_507, %sub3A_587 : vector<16xi32>
      %ge3A_589 = arith.constant 0 : i32
      %ge3A_590 = vector.broadcast %ge3A_589 : i32 to vector<16xi32>
      %ge3A_591 = arith.cmpi sge, %sub3A_588, %ge3A_590 : vector<16xi32>
      %lt3A_592 = arith.constant 3128 : i32
      %lt3A_593 = vector.broadcast %lt3A_592 : i32 to vector<16xi32>
      %lt3A_594 = arith.cmpi slt, %sub3A_588, %lt3A_593 : vector<16xi32>
      %and3A_595 = arith.andi %ge3A_591, %lt3A_594 : vector<16xi1>
      %jit3A_596 = arith.constant 0 : i32
      %broadcast_in_dim3A_597 = vector.broadcast %jit3A_596 : i32 to vector<16xi32>
      %select_n3A_598 = arith.select %and3A_595, %sub3A_588, %broadcast_in_dim3A_597 : vector<16xi1>, vector<16xi32>
      %mul3A_599 = arith.constant 8 : i32
      %mul3A_600 = vector.broadcast %mul3A_599 : i32 to vector<16xi32>
      %mul3A_601 = arith.muli %select_n3A_598, %mul3A_600 : vector<16xi32>
      %add3A_602 = arith.constant 0 : i32
      %add3A_603 = vector.broadcast %add3A_602 : i32 to vector<16xi32>
      %add3A_604 = arith.addi %mul3A_601, %add3A_603 : vector<16xi32>
      %mul3A_605 = arith.mulf %exp3A_586, %max3A_514 : vector<16xf32>
      tpu.vector_store_idx %arg13[%add3A_604], %mul3A_605 masked %and3A_595 {add = true} : memref<25024xf32, #tpu.memory_space<vmem>>[vector<16xi32>], vector<16xf32>, vector<16xi1>
      %add3A_606 = arith.constant 1 : i32
      %add3A_607 = vector.broadcast %add3A_606 : i32 to vector<16xi32>
      %add3A_608 = arith.addi %mul3A_601, %add3A_607 : vector<16xi32>
      %mul3A_609 = arith.mulf %exp3A_586, %max3A_520 : vector<16xf32>
      tpu.vector_store_idx %arg13[%add3A_608], %mul3A_609 masked %and3A_595 {add = true} : memref<25024xf32, #tpu.memory_space<vmem>>[vector<16xi32>], vector<16xf32>, vector<16xi1>
      %add3A_610 = arith.constant 2 : i32
      %add3A_611 = vector.broadcast %add3A_610 : i32 to vector<16xi32>
      %add3A_612 = arith.addi %mul3A_601, %add3A_611 : vector<16xi32>
      %mul3A_613 = arith.mulf %exp3A_586, %max3A_523 : vector<16xf32>
      tpu.vector_store_idx %arg13[%add3A_612], %mul3A_613 masked %and3A_595 {add = true} : memref<25024xf32, #tpu.memory_space<vmem>>[vector<16xi32>], vector<16xf32>, vector<16xi1>
      %add3A_614 = arith.constant 3 : i32
      %add3A_615 = vector.broadcast %add3A_614 : i32 to vector<16xi32>
      %add3A_616 = arith.addi %mul3A_601, %add3A_615 : vector<16xi32>
      %mul3A_617 = arith.mulf %exp3A_586, %max3A_529 : vector<16xf32>
      tpu.vector_store_idx %arg13[%add3A_616], %mul3A_617 masked %and3A_595 {add = true} : memref<25024xf32, #tpu.memory_space<vmem>>[vector<16xi32>], vector<16xf32>, vector<16xi1>
      %add3A_618 = arith.constant 4 : i32
      %add3A_619 = vector.broadcast %add3A_618 : i32 to vector<16xi32>
      %add3A_620 = arith.addi %mul3A_601, %add3A_619 : vector<16xi32>
      tpu.vector_store_idx %arg13[%add3A_620], %exp3A_586 masked %and3A_595 {add = true} : memref<25024xf32, #tpu.memory_space<vmem>>[vector<16xi32>], vector<16xf32>, vector<16xi1>
      %get3A_621 = arith.constant 80 : index
      %get3A_622 = tpu.vector_load %arg11[%get3A_621] {strides = array<i32>} : memref<128xi32, #tpu.memory_space<vmem>>, vector<16xi32>,
      %get3A_623 = arith.constant 80 : index
      %get3A_624 = tpu.vector_load %arg12[%get3A_623] {strides = array<i32>} : memref<128xi32, #tpu.memory_space<vmem>>, vector<16xi32>,
      %gather3A_625 = tpu.vector_load_idx %arg9[%get3A_622] : memref<50048xf32, #tpu.memory_space<vmem>>[vector<16xi32>], vector<16xf32>,
      %gather3A_626 = tpu.vector_load_idx %arg10[%get3A_622] : memref<50048xf32, #tpu.memory_space<vmem>>[vector<16xi32>], vector<16xf32>,
      %gather3A_627 = tpu.vector_load_idx %arg9[%get3A_624] : memref<50048xf32, #tpu.memory_space<vmem>>[vector<16xi32>], vector<16xf32>,
      %gather3A_628 = tpu.vector_load_idx %arg10[%get3A_624] : memref<50048xf32, #tpu.memory_space<vmem>>[vector<16xi32>], vector<16xf32>,
      %max3A_629 = arith.constant 0.000000e+00 : f32
      %max3A_630 = vector.broadcast %max3A_629 : f32 to vector<16xf32>
      %max3A_631 = arith.maximumf %gather3A_625, %max3A_630 : vector<16xf32>
      %neg3A_632 = arith.constant 0.000000e+00 : f32
      %neg3A_633 = vector.broadcast %neg3A_632 : f32 to vector<16xf32>
      %neg3A_634 = arith.subf %neg3A_633, %gather3A_625 : vector<16xf32>
      %max3A_635 = arith.constant 0.000000e+00 : f32
      %max3A_636 = vector.broadcast %max3A_635 : f32 to vector<16xf32>
      %max3A_637 = arith.maximumf %neg3A_634, %max3A_636 : vector<16xf32>
      %max3A_638 = arith.constant 0.000000e+00 : f32
      %max3A_639 = vector.broadcast %max3A_638 : f32 to vector<16xf32>
      %max3A_640 = arith.maximumf %gather3A_626, %max3A_639 : vector<16xf32>
      %neg3A_641 = arith.constant 0.000000e+00 : f32
      %neg3A_642 = vector.broadcast %neg3A_641 : f32 to vector<16xf32>
      %neg3A_643 = arith.subf %neg3A_642, %gather3A_626 : vector<16xf32>
      %max3A_644 = arith.constant 0.000000e+00 : f32
      %max3A_645 = vector.broadcast %max3A_644 : f32 to vector<16xf32>
      %max3A_646 = arith.maximumf %neg3A_643, %max3A_645 : vector<16xf32>
      %max3A_647 = arith.constant 0.000000e+00 : f32
      %max3A_648 = vector.broadcast %max3A_647 : f32 to vector<16xf32>
      %max3A_649 = arith.maximumf %gather3A_627, %max3A_648 : vector<16xf32>
      %neg3A_650 = arith.constant 0.000000e+00 : f32
      %neg3A_651 = vector.broadcast %neg3A_650 : f32 to vector<16xf32>
      %neg3A_652 = arith.subf %neg3A_651, %gather3A_627 : vector<16xf32>
      %max3A_653 = arith.constant 0.000000e+00 : f32
      %max3A_654 = vector.broadcast %max3A_653 : f32 to vector<16xf32>
      %max3A_655 = arith.maximumf %neg3A_652, %max3A_654 : vector<16xf32>
      %max3A_656 = arith.constant 0.000000e+00 : f32
      %max3A_657 = vector.broadcast %max3A_656 : f32 to vector<16xf32>
      %max3A_658 = arith.maximumf %gather3A_628, %max3A_657 : vector<16xf32>
      %neg3A_659 = arith.constant 0.000000e+00 : f32
      %neg3A_660 = vector.broadcast %neg3A_659 : f32 to vector<16xf32>
      %neg3A_661 = arith.subf %neg3A_660, %gather3A_628 : vector<16xf32>
      %max3A_662 = arith.constant 0.000000e+00 : f32
      %max3A_663 = vector.broadcast %max3A_662 : f32 to vector<16xf32>
      %max3A_664 = arith.maximumf %neg3A_661, %max3A_663 : vector<16xf32>
      %mul3A_665 = arith.mulf %max3A_631, %get3A_14 : vector<16xf32>
      %mul3A_666 = arith.mulf %max3A_637, %get3A_16 : vector<16xf32>
      %add3A_667 = arith.addf %mul3A_665, %mul3A_666 : vector<16xf32>
      %mul3A_668 = arith.mulf %max3A_640, %get3A_18 : vector<16xf32>
      %add3A_669 = arith.addf %add3A_667, %mul3A_668 : vector<16xf32>
      %mul3A_670 = arith.mulf %max3A_646, %get3A_20 : vector<16xf32>
      %add3A_671 = arith.addf %add3A_669, %mul3A_670 : vector<16xf32>
      %mul3A_672 = arith.mulf %max3A_649, %get3A_14 : vector<16xf32>
      %mul3A_673 = arith.mulf %max3A_655, %get3A_16 : vector<16xf32>
      %add3A_674 = arith.addf %mul3A_672, %mul3A_673 : vector<16xf32>
      %mul3A_675 = arith.mulf %max3A_658, %get3A_18 : vector<16xf32>
      %add3A_676 = arith.addf %add3A_674, %mul3A_675 : vector<16xf32>
      %mul3A_677 = arith.mulf %max3A_664, %get3A_20 : vector<16xf32>
      %add3A_678 = arith.addf %add3A_676, %mul3A_677 : vector<16xf32>
      %mul3A_679 = arith.mulf %max3A_649, %get3A_22 : vector<16xf32>
      %mul3A_680 = arith.mulf %max3A_655, %get3A_24 : vector<16xf32>
      %add3A_681 = arith.addf %mul3A_679, %mul3A_680 : vector<16xf32>
      %mul3A_682 = arith.mulf %max3A_658, %get3A_26 : vector<16xf32>
      %add3A_683 = arith.addf %add3A_681, %mul3A_682 : vector<16xf32>
      %mul3A_684 = arith.mulf %max3A_664, %get3A_28 : vector<16xf32>
      %add3A_685 = arith.addf %add3A_683, %mul3A_684 : vector<16xf32>
      %add3A_686 = arith.addf %add3A_678, %add3A_685 : vector<16xf32>
      %gt3A_687 = arith.constant 0.000000e+00 : f32
      %gt3A_688 = vector.broadcast %gt3A_687 : f32 to vector<16xf32>
      %gt3A_689 = arith.cmpf ogt, %add3A_686, %gt3A_688 : vector<16xf32>
      %mul3A_690 = arith.constant 2.000000e-01 : f32
      %mul3A_691 = vector.broadcast %mul3A_690 : f32 to vector<16xf32>
      %mul3A_692 = arith.mulf %mul3A_691, %add3A_686 : vector<16xf32>
      %select_n3A_693 = arith.select %gt3A_689, %add3A_686, %mul3A_692 : vector<16xi1>, vector<16xf32>
      %add3A_694 = arith.addf %add3A_671, %add3A_685 : vector<16xf32>
      %gt3A_695 = arith.constant 0.000000e+00 : f32
      %gt3A_696 = vector.broadcast %gt3A_695 : f32 to vector<16xf32>
      %gt3A_697 = arith.cmpf ogt, %add3A_694, %gt3A_696 : vector<16xf32>
      %mul3A_698 = arith.constant 2.000000e-01 : f32
      %mul3A_699 = vector.broadcast %mul3A_698 : f32 to vector<16xf32>
      %mul3A_700 = arith.mulf %mul3A_699, %add3A_694 : vector<16xf32>
      %select_n3A_701 = arith.select %gt3A_697, %add3A_694, %mul3A_700 : vector<16xi1>, vector<16xf32>
      %sub3A_702 = arith.subf %select_n3A_701, %select_n3A_693 : vector<16xf32>
      %exp3A_703 = math.exp %sub3A_702 : vector<16xf32>
      %sub3A_704 = vector.broadcast %mul3A_0 : i32 to vector<16xi32>
      %sub3A_705 = arith.subi %get3A_624, %sub3A_704 : vector<16xi32>
      %ge3A_706 = arith.constant 0 : i32
      %ge3A_707 = vector.broadcast %ge3A_706 : i32 to vector<16xi32>
      %ge3A_708 = arith.cmpi sge, %sub3A_705, %ge3A_707 : vector<16xi32>
      %lt3A_709 = arith.constant 3128 : i32
      %lt3A_710 = vector.broadcast %lt3A_709 : i32 to vector<16xi32>
      %lt3A_711 = arith.cmpi slt, %sub3A_705, %lt3A_710 : vector<16xi32>
      %and3A_712 = arith.andi %ge3A_708, %lt3A_711 : vector<16xi1>
      %jit3A_713 = arith.constant 0 : i32
      %broadcast_in_dim3A_714 = vector.broadcast %jit3A_713 : i32 to vector<16xi32>
      %select_n3A_715 = arith.select %and3A_712, %sub3A_705, %broadcast_in_dim3A_714 : vector<16xi1>, vector<16xi32>
      %mul3A_716 = arith.constant 8 : i32
      %mul3A_717 = vector.broadcast %mul3A_716 : i32 to vector<16xi32>
      %mul3A_718 = arith.muli %select_n3A_715, %mul3A_717 : vector<16xi32>
      %add3A_719 = arith.constant 0 : i32
      %add3A_720 = vector.broadcast %add3A_719 : i32 to vector<16xi32>
      %add3A_721 = arith.addi %mul3A_718, %add3A_720 : vector<16xi32>
      %mul3A_722 = arith.mulf %exp3A_703, %max3A_631 : vector<16xf32>
      tpu.vector_store_idx %arg13[%add3A_721], %mul3A_722 masked %and3A_712 {add = true} : memref<25024xf32, #tpu.memory_space<vmem>>[vector<16xi32>], vector<16xf32>, vector<16xi1>
      %add3A_723 = arith.constant 1 : i32
      %add3A_724 = vector.broadcast %add3A_723 : i32 to vector<16xi32>
      %add3A_725 = arith.addi %mul3A_718, %add3A_724 : vector<16xi32>
      %mul3A_726 = arith.mulf %exp3A_703, %max3A_637 : vector<16xf32>
      tpu.vector_store_idx %arg13[%add3A_725], %mul3A_726 masked %and3A_712 {add = true} : memref<25024xf32, #tpu.memory_space<vmem>>[vector<16xi32>], vector<16xf32>, vector<16xi1>
      %add3A_727 = arith.constant 2 : i32
      %add3A_728 = vector.broadcast %add3A_727 : i32 to vector<16xi32>
      %add3A_729 = arith.addi %mul3A_718, %add3A_728 : vector<16xi32>
      %mul3A_730 = arith.mulf %exp3A_703, %max3A_640 : vector<16xf32>
      tpu.vector_store_idx %arg13[%add3A_729], %mul3A_730 masked %and3A_712 {add = true} : memref<25024xf32, #tpu.memory_space<vmem>>[vector<16xi32>], vector<16xf32>, vector<16xi1>
      %add3A_731 = arith.constant 3 : i32
      %add3A_732 = vector.broadcast %add3A_731 : i32 to vector<16xi32>
      %add3A_733 = arith.addi %mul3A_718, %add3A_732 : vector<16xi32>
      %mul3A_734 = arith.mulf %exp3A_703, %max3A_646 : vector<16xf32>
      tpu.vector_store_idx %arg13[%add3A_733], %mul3A_734 masked %and3A_712 {add = true} : memref<25024xf32, #tpu.memory_space<vmem>>[vector<16xi32>], vector<16xf32>, vector<16xi1>
      %add3A_735 = arith.constant 4 : i32
      %add3A_736 = vector.broadcast %add3A_735 : i32 to vector<16xi32>
      %add3A_737 = arith.addi %mul3A_718, %add3A_736 : vector<16xi32>
      tpu.vector_store_idx %arg13[%add3A_737], %exp3A_703 masked %and3A_712 {add = true} : memref<25024xf32, #tpu.memory_space<vmem>>[vector<16xi32>], vector<16xf32>, vector<16xi1>
      %get3A_738 = arith.constant 96 : index
      %get3A_739 = tpu.vector_load %arg11[%get3A_738] {strides = array<i32>} : memref<128xi32, #tpu.memory_space<vmem>>, vector<16xi32>,
      %get3A_740 = arith.constant 96 : index
      %get3A_741 = tpu.vector_load %arg12[%get3A_740] {strides = array<i32>} : memref<128xi32, #tpu.memory_space<vmem>>, vector<16xi32>,
      %gather3A_742 = tpu.vector_load_idx %arg9[%get3A_739] : memref<50048xf32, #tpu.memory_space<vmem>>[vector<16xi32>], vector<16xf32>,
      %gather3A_743 = tpu.vector_load_idx %arg10[%get3A_739] : memref<50048xf32, #tpu.memory_space<vmem>>[vector<16xi32>], vector<16xf32>,
      %gather3A_744 = tpu.vector_load_idx %arg9[%get3A_741] : memref<50048xf32, #tpu.memory_space<vmem>>[vector<16xi32>], vector<16xf32>,
      %gather3A_745 = tpu.vector_load_idx %arg10[%get3A_741] : memref<50048xf32, #tpu.memory_space<vmem>>[vector<16xi32>], vector<16xf32>,
      %max3A_746 = arith.constant 0.000000e+00 : f32
      %max3A_747 = vector.broadcast %max3A_746 : f32 to vector<16xf32>
      %max3A_748 = arith.maximumf %gather3A_742, %max3A_747 : vector<16xf32>
      %neg3A_749 = arith.constant 0.000000e+00 : f32
      %neg3A_750 = vector.broadcast %neg3A_749 : f32 to vector<16xf32>
      %neg3A_751 = arith.subf %neg3A_750, %gather3A_742 : vector<16xf32>
      %max3A_752 = arith.constant 0.000000e+00 : f32
      %max3A_753 = vector.broadcast %max3A_752 : f32 to vector<16xf32>
      %max3A_754 = arith.maximumf %neg3A_751, %max3A_753 : vector<16xf32>
      %max3A_755 = arith.constant 0.000000e+00 : f32
      %max3A_756 = vector.broadcast %max3A_755 : f32 to vector<16xf32>
      %max3A_757 = arith.maximumf %gather3A_743, %max3A_756 : vector<16xf32>
      %neg3A_758 = arith.constant 0.000000e+00 : f32
      %neg3A_759 = vector.broadcast %neg3A_758 : f32 to vector<16xf32>
      %neg3A_760 = arith.subf %neg3A_759, %gather3A_743 : vector<16xf32>
      %max3A_761 = arith.constant 0.000000e+00 : f32
      %max3A_762 = vector.broadcast %max3A_761 : f32 to vector<16xf32>
      %max3A_763 = arith.maximumf %neg3A_760, %max3A_762 : vector<16xf32>
      %max3A_764 = arith.constant 0.000000e+00 : f32
      %max3A_765 = vector.broadcast %max3A_764 : f32 to vector<16xf32>
      %max3A_766 = arith.maximumf %gather3A_744, %max3A_765 : vector<16xf32>
      %neg3A_767 = arith.constant 0.000000e+00 : f32
      %neg3A_768 = vector.broadcast %neg3A_767 : f32 to vector<16xf32>
      %neg3A_769 = arith.subf %neg3A_768, %gather3A_744 : vector<16xf32>
      %max3A_770 = arith.constant 0.000000e+00 : f32
      %max3A_771 = vector.broadcast %max3A_770 : f32 to vector<16xf32>
      %max3A_772 = arith.maximumf %neg3A_769, %max3A_771 : vector<16xf32>
      %max3A_773 = arith.constant 0.000000e+00 : f32
      %max3A_774 = vector.broadcast %max3A_773 : f32 to vector<16xf32>
      %max3A_775 = arith.maximumf %gather3A_745, %max3A_774 : vector<16xf32>
      %neg3A_776 = arith.constant 0.000000e+00 : f32
      %neg3A_777 = vector.broadcast %neg3A_776 : f32 to vector<16xf32>
      %neg3A_778 = arith.subf %neg3A_777, %gather3A_745 : vector<16xf32>
      %max3A_779 = arith.constant 0.000000e+00 : f32
      %max3A_780 = vector.broadcast %max3A_779 : f32 to vector<16xf32>
      %max3A_781 = arith.maximumf %neg3A_778, %max3A_780 : vector<16xf32>
      %mul3A_782 = arith.mulf %max3A_748, %get3A_14 : vector<16xf32>
      %mul3A_783 = arith.mulf %max3A_754, %get3A_16 : vector<16xf32>
      %add3A_784 = arith.addf %mul3A_782, %mul3A_783 : vector<16xf32>
      %mul3A_785 = arith.mulf %max3A_757, %get3A_18 : vector<16xf32>
      %add3A_786 = arith.addf %add3A_784, %mul3A_785 : vector<16xf32>
      %mul3A_787 = arith.mulf %max3A_763, %get3A_20 : vector<16xf32>
      %add3A_788 = arith.addf %add3A_786, %mul3A_787 : vector<16xf32>
      %mul3A_789 = arith.mulf %max3A_766, %get3A_14 : vector<16xf32>
      %mul3A_790 = arith.mulf %max3A_772, %get3A_16 : vector<16xf32>
      %add3A_791 = arith.addf %mul3A_789, %mul3A_790 : vector<16xf32>
      %mul3A_792 = arith.mulf %max3A_775, %get3A_18 : vector<16xf32>
      %add3A_793 = arith.addf %add3A_791, %mul3A_792 : vector<16xf32>
      %mul3A_794 = arith.mulf %max3A_781, %get3A_20 : vector<16xf32>
      %add3A_795 = arith.addf %add3A_793, %mul3A_794 : vector<16xf32>
      %mul3A_796 = arith.mulf %max3A_766, %get3A_22 : vector<16xf32>
      %mul3A_797 = arith.mulf %max3A_772, %get3A_24 : vector<16xf32>
      %add3A_798 = arith.addf %mul3A_796, %mul3A_797 : vector<16xf32>
      %mul3A_799 = arith.mulf %max3A_775, %get3A_26 : vector<16xf32>
      %add3A_800 = arith.addf %add3A_798, %mul3A_799 : vector<16xf32>
      %mul3A_801 = arith.mulf %max3A_781, %get3A_28 : vector<16xf32>
      %add3A_802 = arith.addf %add3A_800, %mul3A_801 : vector<16xf32>
      %add3A_803 = arith.addf %add3A_795, %add3A_802 : vector<16xf32>
      %gt3A_804 = arith.constant 0.000000e+00 : f32
      %gt3A_805 = vector.broadcast %gt3A_804 : f32 to vector<16xf32>
      %gt3A_806 = arith.cmpf ogt, %add3A_803, %gt3A_805 : vector<16xf32>
      %mul3A_807 = arith.constant 2.000000e-01 : f32
      %mul3A_808 = vector.broadcast %mul3A_807 : f32 to vector<16xf32>
      %mul3A_809 = arith.mulf %mul3A_808, %add3A_803 : vector<16xf32>
      %select_n3A_810 = arith.select %gt3A_806, %add3A_803, %mul3A_809 : vector<16xi1>, vector<16xf32>
      %add3A_811 = arith.addf %add3A_788, %add3A_802 : vector<16xf32>
      %gt3A_812 = arith.constant 0.000000e+00 : f32
      %gt3A_813 = vector.broadcast %gt3A_812 : f32 to vector<16xf32>
      %gt3A_814 = arith.cmpf ogt, %add3A_811, %gt3A_813 : vector<16xf32>
      %mul3A_815 = arith.constant 2.000000e-01 : f32
      %mul3A_816 = vector.broadcast %mul3A_815 : f32 to vector<16xf32>
      %mul3A_817 = arith.mulf %mul3A_816, %add3A_811 : vector<16xf32>
      %select_n3A_818 = arith.select %gt3A_814, %add3A_811, %mul3A_817 : vector<16xi1>, vector<16xf32>
      %sub3A_819 = arith.subf %select_n3A_818, %select_n3A_810 : vector<16xf32>
      %exp3A_820 = math.exp %sub3A_819 : vector<16xf32>
      %sub3A_821 = vector.broadcast %mul3A_0 : i32 to vector<16xi32>
      %sub3A_822 = arith.subi %get3A_741, %sub3A_821 : vector<16xi32>
      %ge3A_823 = arith.constant 0 : i32
      %ge3A_824 = vector.broadcast %ge3A_823 : i32 to vector<16xi32>
      %ge3A_825 = arith.cmpi sge, %sub3A_822, %ge3A_824 : vector<16xi32>
      %lt3A_826 = arith.constant 3128 : i32
      %lt3A_827 = vector.broadcast %lt3A_826 : i32 to vector<16xi32>
      %lt3A_828 = arith.cmpi slt, %sub3A_822, %lt3A_827 : vector<16xi32>
      %and3A_829 = arith.andi %ge3A_825, %lt3A_828 : vector<16xi1>
      %jit3A_830 = arith.constant 0 : i32
      %broadcast_in_dim3A_831 = vector.broadcast %jit3A_830 : i32 to vector<16xi32>
      %select_n3A_832 = arith.select %and3A_829, %sub3A_822, %broadcast_in_dim3A_831 : vector<16xi1>, vector<16xi32>
      %mul3A_833 = arith.constant 8 : i32
      %mul3A_834 = vector.broadcast %mul3A_833 : i32 to vector<16xi32>
      %mul3A_835 = arith.muli %select_n3A_832, %mul3A_834 : vector<16xi32>
      %add3A_836 = arith.constant 0 : i32
      %add3A_837 = vector.broadcast %add3A_836 : i32 to vector<16xi32>
      %add3A_838 = arith.addi %mul3A_835, %add3A_837 : vector<16xi32>
      %mul3A_839 = arith.mulf %exp3A_820, %max3A_748 : vector<16xf32>
      tpu.vector_store_idx %arg13[%add3A_838], %mul3A_839 masked %and3A_829 {add = true} : memref<25024xf32, #tpu.memory_space<vmem>>[vector<16xi32>], vector<16xf32>, vector<16xi1>
      %add3A_840 = arith.constant 1 : i32
      %add3A_841 = vector.broadcast %add3A_840 : i32 to vector<16xi32>
      %add3A_842 = arith.addi %mul3A_835, %add3A_841 : vector<16xi32>
      %mul3A_843 = arith.mulf %exp3A_820, %max3A_754 : vector<16xf32>
      tpu.vector_store_idx %arg13[%add3A_842], %mul3A_843 masked %and3A_829 {add = true} : memref<25024xf32, #tpu.memory_space<vmem>>[vector<16xi32>], vector<16xf32>, vector<16xi1>
      %add3A_844 = arith.constant 2 : i32
      %add3A_845 = vector.broadcast %add3A_844 : i32 to vector<16xi32>
      %add3A_846 = arith.addi %mul3A_835, %add3A_845 : vector<16xi32>
      %mul3A_847 = arith.mulf %exp3A_820, %max3A_757 : vector<16xf32>
      tpu.vector_store_idx %arg13[%add3A_846], %mul3A_847 masked %and3A_829 {add = true} : memref<25024xf32, #tpu.memory_space<vmem>>[vector<16xi32>], vector<16xf32>, vector<16xi1>
      %add3A_848 = arith.constant 3 : i32
      %add3A_849 = vector.broadcast %add3A_848 : i32 to vector<16xi32>
      %add3A_850 = arith.addi %mul3A_835, %add3A_849 : vector<16xi32>
      %mul3A_851 = arith.mulf %exp3A_820, %max3A_763 : vector<16xf32>
      tpu.vector_store_idx %arg13[%add3A_850], %mul3A_851 masked %and3A_829 {add = true} : memref<25024xf32, #tpu.memory_space<vmem>>[vector<16xi32>], vector<16xf32>, vector<16xi1>
      %add3A_852 = arith.constant 4 : i32
      %add3A_853 = vector.broadcast %add3A_852 : i32 to vector<16xi32>
      %add3A_854 = arith.addi %mul3A_835, %add3A_853 : vector<16xi32>
      tpu.vector_store_idx %arg13[%add3A_854], %exp3A_820 masked %and3A_829 {add = true} : memref<25024xf32, #tpu.memory_space<vmem>>[vector<16xi32>], vector<16xf32>, vector<16xi1>
      %get3A_855 = arith.constant 112 : index
      %get3A_856 = tpu.vector_load %arg11[%get3A_855] {strides = array<i32>} : memref<128xi32, #tpu.memory_space<vmem>>, vector<16xi32>,
      %get3A_857 = arith.constant 112 : index
      %get3A_858 = tpu.vector_load %arg12[%get3A_857] {strides = array<i32>} : memref<128xi32, #tpu.memory_space<vmem>>, vector<16xi32>,
      %gather3A_859 = tpu.vector_load_idx %arg9[%get3A_856] : memref<50048xf32, #tpu.memory_space<vmem>>[vector<16xi32>], vector<16xf32>,
      %gather3A_860 = tpu.vector_load_idx %arg10[%get3A_856] : memref<50048xf32, #tpu.memory_space<vmem>>[vector<16xi32>], vector<16xf32>,
      %gather3A_861 = tpu.vector_load_idx %arg9[%get3A_858] : memref<50048xf32, #tpu.memory_space<vmem>>[vector<16xi32>], vector<16xf32>,
      %gather3A_862 = tpu.vector_load_idx %arg10[%get3A_858] : memref<50048xf32, #tpu.memory_space<vmem>>[vector<16xi32>], vector<16xf32>,
      %max3A_863 = arith.constant 0.000000e+00 : f32
      %max3A_864 = vector.broadcast %max3A_863 : f32 to vector<16xf32>
      %max3A_865 = arith.maximumf %gather3A_859, %max3A_864 : vector<16xf32>
      %neg3A_866 = arith.constant 0.000000e+00 : f32
      %neg3A_867 = vector.broadcast %neg3A_866 : f32 to vector<16xf32>
      %neg3A_868 = arith.subf %neg3A_867, %gather3A_859 : vector<16xf32>
      %max3A_869 = arith.constant 0.000000e+00 : f32
      %max3A_870 = vector.broadcast %max3A_869 : f32 to vector<16xf32>
      %max3A_871 = arith.maximumf %neg3A_868, %max3A_870 : vector<16xf32>
      %max3A_872 = arith.constant 0.000000e+00 : f32
      %max3A_873 = vector.broadcast %max3A_872 : f32 to vector<16xf32>
      %max3A_874 = arith.maximumf %gather3A_860, %max3A_873 : vector<16xf32>
      %neg3A_875 = arith.constant 0.000000e+00 : f32
      %neg3A_876 = vector.broadcast %neg3A_875 : f32 to vector<16xf32>
      %neg3A_877 = arith.subf %neg3A_876, %gather3A_860 : vector<16xf32>
      %max3A_878 = arith.constant 0.000000e+00 : f32
      %max3A_879 = vector.broadcast %max3A_878 : f32 to vector<16xf32>
      %max3A_880 = arith.maximumf %neg3A_877, %max3A_879 : vector<16xf32>
      %max3A_881 = arith.constant 0.000000e+00 : f32
      %max3A_882 = vector.broadcast %max3A_881 : f32 to vector<16xf32>
      %max3A_883 = arith.maximumf %gather3A_861, %max3A_882 : vector<16xf32>
      %neg3A_884 = arith.constant 0.000000e+00 : f32
      %neg3A_885 = vector.broadcast %neg3A_884 : f32 to vector<16xf32>
      %neg3A_886 = arith.subf %neg3A_885, %gather3A_861 : vector<16xf32>
      %max3A_887 = arith.constant 0.000000e+00 : f32
      %max3A_888 = vector.broadcast %max3A_887 : f32 to vector<16xf32>
      %max3A_889 = arith.maximumf %neg3A_886, %max3A_888 : vector<16xf32>
      %max3A_890 = arith.constant 0.000000e+00 : f32
      %max3A_891 = vector.broadcast %max3A_890 : f32 to vector<16xf32>
      %max3A_892 = arith.maximumf %gather3A_862, %max3A_891 : vector<16xf32>
      %neg3A_893 = arith.constant 0.000000e+00 : f32
      %neg3A_894 = vector.broadcast %neg3A_893 : f32 to vector<16xf32>
      %neg3A_895 = arith.subf %neg3A_894, %gather3A_862 : vector<16xf32>
      %max3A_896 = arith.constant 0.000000e+00 : f32
      %max3A_897 = vector.broadcast %max3A_896 : f32 to vector<16xf32>
      %max3A_898 = arith.maximumf %neg3A_895, %max3A_897 : vector<16xf32>
      %mul3A_899 = arith.mulf %max3A_865, %get3A_14 : vector<16xf32>
      %mul3A_900 = arith.mulf %max3A_871, %get3A_16 : vector<16xf32>
      %add3A_901 = arith.addf %mul3A_899, %mul3A_900 : vector<16xf32>
      %mul3A_902 = arith.mulf %max3A_874, %get3A_18 : vector<16xf32>
      %add3A_903 = arith.addf %add3A_901, %mul3A_902 : vector<16xf32>
      %mul3A_904 = arith.mulf %max3A_880, %get3A_20 : vector<16xf32>
      %add3A_905 = arith.addf %add3A_903, %mul3A_904 : vector<16xf32>
      %mul3A_906 = arith.mulf %max3A_883, %get3A_14 : vector<16xf32>
      %mul3A_907 = arith.mulf %max3A_889, %get3A_16 : vector<16xf32>
      %add3A_908 = arith.addf %mul3A_906, %mul3A_907 : vector<16xf32>
      %mul3A_909 = arith.mulf %max3A_892, %get3A_18 : vector<16xf32>
      %add3A_910 = arith.addf %add3A_908, %mul3A_909 : vector<16xf32>
      %mul3A_911 = arith.mulf %max3A_898, %get3A_20 : vector<16xf32>
      %add3A_912 = arith.addf %add3A_910, %mul3A_911 : vector<16xf32>
      %mul3A_913 = arith.mulf %max3A_883, %get3A_22 : vector<16xf32>
      %mul3A_914 = arith.mulf %max3A_889, %get3A_24 : vector<16xf32>
      %add3A_915 = arith.addf %mul3A_913, %mul3A_914 : vector<16xf32>
      %mul3A_916 = arith.mulf %max3A_892, %get3A_26 : vector<16xf32>
      %add3A_917 = arith.addf %add3A_915, %mul3A_916 : vector<16xf32>
      %mul3A_918 = arith.mulf %max3A_898, %get3A_28 : vector<16xf32>
      %add3A_919 = arith.addf %add3A_917, %mul3A_918 : vector<16xf32>
      %add3A_920 = arith.addf %add3A_912, %add3A_919 : vector<16xf32>
      %gt3A_921 = arith.constant 0.000000e+00 : f32
      %gt3A_922 = vector.broadcast %gt3A_921 : f32 to vector<16xf32>
      %gt3A_923 = arith.cmpf ogt, %add3A_920, %gt3A_922 : vector<16xf32>
      %mul3A_924 = arith.constant 2.000000e-01 : f32
      %mul3A_925 = vector.broadcast %mul3A_924 : f32 to vector<16xf32>
      %mul3A_926 = arith.mulf %mul3A_925, %add3A_920 : vector<16xf32>
      %select_n3A_927 = arith.select %gt3A_923, %add3A_920, %mul3A_926 : vector<16xi1>, vector<16xf32>
      %add3A_928 = arith.addf %add3A_905, %add3A_919 : vector<16xf32>
      %gt3A_929 = arith.constant 0.000000e+00 : f32
      %gt3A_930 = vector.broadcast %gt3A_929 : f32 to vector<16xf32>
      %gt3A_931 = arith.cmpf ogt, %add3A_928, %gt3A_930 : vector<16xf32>
      %mul3A_932 = arith.constant 2.000000e-01 : f32
      %mul3A_933 = vector.broadcast %mul3A_932 : f32 to vector<16xf32>
      %mul3A_934 = arith.mulf %mul3A_933, %add3A_928 : vector<16xf32>
      %select_n3A_935 = arith.select %gt3A_931, %add3A_928, %mul3A_934 : vector<16xi1>, vector<16xf32>
      %sub3A_936 = arith.subf %select_n3A_935, %select_n3A_927 : vector<16xf32>
      %exp3A_937 = math.exp %sub3A_936 : vector<16xf32>
      %sub3A_938 = vector.broadcast %mul3A_0 : i32 to vector<16xi32>
      %sub3A_939 = arith.subi %get3A_858, %sub3A_938 : vector<16xi32>
      %ge3A_940 = arith.constant 0 : i32
      %ge3A_941 = vector.broadcast %ge3A_940 : i32 to vector<16xi32>
      %ge3A_942 = arith.cmpi sge, %sub3A_939, %ge3A_941 : vector<16xi32>
      %lt3A_943 = arith.constant 3128 : i32
      %lt3A_944 = vector.broadcast %lt3A_943 : i32 to vector<16xi32>
      %lt3A_945 = arith.cmpi slt, %sub3A_939, %lt3A_944 : vector<16xi32>
      %and3A_946 = arith.andi %ge3A_942, %lt3A_945 : vector<16xi1>
      %jit3A_947 = arith.constant 0 : i32
      %broadcast_in_dim3A_948 = vector.broadcast %jit3A_947 : i32 to vector<16xi32>
      %select_n3A_949 = arith.select %and3A_946, %sub3A_939, %broadcast_in_dim3A_948 : vector<16xi1>, vector<16xi32>
      %mul3A_950 = arith.constant 8 : i32
      %mul3A_951 = vector.broadcast %mul3A_950 : i32 to vector<16xi32>
      %mul3A_952 = arith.muli %select_n3A_949, %mul3A_951 : vector<16xi32>
      %add3A_953 = arith.constant 0 : i32
      %add3A_954 = vector.broadcast %add3A_953 : i32 to vector<16xi32>
      %add3A_955 = arith.addi %mul3A_952, %add3A_954 : vector<16xi32>
      %mul3A_956 = arith.mulf %exp3A_937, %max3A_865 : vector<16xf32>
      tpu.vector_store_idx %arg13[%add3A_955], %mul3A_956 masked %and3A_946 {add = true} : memref<25024xf32, #tpu.memory_space<vmem>>[vector<16xi32>], vector<16xf32>, vector<16xi1>
      %add3A_957 = arith.constant 1 : i32
      %add3A_958 = vector.broadcast %add3A_957 : i32 to vector<16xi32>
      %add3A_959 = arith.addi %mul3A_952, %add3A_958 : vector<16xi32>
      %mul3A_960 = arith.mulf %exp3A_937, %max3A_871 : vector<16xf32>
      tpu.vector_store_idx %arg13[%add3A_959], %mul3A_960 masked %and3A_946 {add = true} : memref<25024xf32, #tpu.memory_space<vmem>>[vector<16xi32>], vector<16xf32>, vector<16xi1>
      %add3A_961 = arith.constant 2 : i32
      %add3A_962 = vector.broadcast %add3A_961 : i32 to vector<16xi32>
      %add3A_963 = arith.addi %mul3A_952, %add3A_962 : vector<16xi32>
      %mul3A_964 = arith.mulf %exp3A_937, %max3A_874 : vector<16xf32>
      tpu.vector_store_idx %arg13[%add3A_963], %mul3A_964 masked %and3A_946 {add = true} : memref<25024xf32, #tpu.memory_space<vmem>>[vector<16xi32>], vector<16xf32>, vector<16xi1>
      %add3A_965 = arith.constant 3 : i32
      %add3A_966 = vector.broadcast %add3A_965 : i32 to vector<16xi32>
      %add3A_967 = arith.addi %mul3A_952, %add3A_966 : vector<16xi32>
      %mul3A_968 = arith.mulf %exp3A_937, %max3A_880 : vector<16xf32>
      tpu.vector_store_idx %arg13[%add3A_967], %mul3A_968 masked %and3A_946 {add = true} : memref<25024xf32, #tpu.memory_space<vmem>>[vector<16xi32>], vector<16xf32>, vector<16xi1>
      %add3A_969 = arith.constant 4 : i32
      %add3A_970 = vector.broadcast %add3A_969 : i32 to vector<16xi32>
      %add3A_971 = arith.addi %mul3A_952, %add3A_970 : vector<16xi32>
      tpu.vector_store_idx %arg13[%add3A_971], %exp3A_937 masked %and3A_946 {add = true} : memref<25024xf32, #tpu.memory_space<vmem>>[vector<16xi32>], vector<16xf32>, vector<16xi1>
    }
    %scan3A_34 = arith.constant 3125 : i32
    %eq3A = arith.constant 0 : i32
    %eq3A_35 = arith.cmpi eq, %arg0, %eq3A : i32
    %convert_element_type3A = arith.extui %eq3A_35 : i1 to i32
    %cond3A = arith.constant 0 : i32
    %cond3A_36 = arith.cmpi ne, %convert_element_type3A, %cond3A : i32
    scf.if %cond3A_36 {
      %mul3A_42 = arith.constant 8 : i32
      %mul3A_43 = arith.muli %mul3A_0, %mul3A_42 : i32
      "tpu.region"() ({
        %run_scoped3A_44 = tpu.sem_alloc : memref<!tpu.dma_semaphore, #tpu.memory_space<semaphore_mem>>
        %dma_start3A = tpu.memref_slice %arg7[%mul3A_43] : memref<400384xf32, #tpu.memory_space<hbm>> -> memref<25024xf32, #tpu.memory_space<hbm>>
        %dma_start3A_45 = tpu.memref_slice %arg7[%mul3A_43] : memref<400384xf32, #tpu.memory_space<hbm>> -> memref<25024xf32, #tpu.memory_space<hbm>>
        tpu.enqueue_dma source(%arg13 : memref<25024xf32, #tpu.memory_space<vmem>>) target(%dma_start3A_45 : memref<25024xf32, #tpu.memory_space<hbm>>) target_semaphore(%run_scoped3A_44 : memref<!tpu.dma_semaphore, #tpu.memory_space<semaphore_mem>>)
        %dma_wait3A = tpu.memref_slice %arg7[%mul3A_43] : memref<400384xf32, #tpu.memory_space<hbm>> -> memref<25024xf32, #tpu.memory_space<hbm>>
        %dma_wait3A_46 = tpu.memref_slice %arg7[%mul3A_43] : memref<400384xf32, #tpu.memory_space<hbm>> -> memref<25024xf32, #tpu.memory_space<hbm>>
        tpu.wait_dma2 semaphore(%run_scoped3A_44 : memref<!tpu.dma_semaphore, #tpu.memory_space<semaphore_mem>>) src(%arg13 : memref<25024xf32, #tpu.memory_space<vmem>>) dst(%dma_wait3A_46 : memref<25024xf32, #tpu.memory_space<hbm>>)
        tpu.yield
      }) : () -> ()
    } else {
    }
    %eq3A_37 = arith.constant 1 : i32
    %eq3A_38 = arith.cmpi eq, %arg0, %eq3A_37 : i32
    %convert_element_type3A_39 = arith.extui %eq3A_38 : i1 to i32
    %cond3A_40 = arith.constant 0 : i32
    %cond3A_41 = arith.cmpi ne, %convert_element_type3A_39, %cond3A_40 : i32
    scf.if %cond3A_41 {
      %mul3A_42 = arith.constant 8 : i32
      %mul3A_43 = arith.muli %mul3A_0, %mul3A_42 : i32
      "tpu.region"() ({
        %run_scoped3A_44 = tpu.sem_alloc : memref<!tpu.dma_semaphore, #tpu.memory_space<semaphore_mem>>
        %dma_start3A = tpu.memref_slice %arg8[%mul3A_43] : memref<400384xf32, #tpu.memory_space<hbm>> -> memref<25024xf32, #tpu.memory_space<hbm>>
        %dma_start3A_45 = tpu.memref_slice %arg8[%mul3A_43] : memref<400384xf32, #tpu.memory_space<hbm>> -> memref<25024xf32, #tpu.memory_space<hbm>>
        tpu.enqueue_dma source(%arg13 : memref<25024xf32, #tpu.memory_space<vmem>>) target(%dma_start3A_45 : memref<25024xf32, #tpu.memory_space<hbm>>) target_semaphore(%run_scoped3A_44 : memref<!tpu.dma_semaphore, #tpu.memory_space<semaphore_mem>>)
        %dma_wait3A = tpu.memref_slice %arg8[%mul3A_43] : memref<400384xf32, #tpu.memory_space<hbm>> -> memref<25024xf32, #tpu.memory_space<hbm>>
        %dma_wait3A_46 = tpu.memref_slice %arg8[%mul3A_43] : memref<400384xf32, #tpu.memory_space<hbm>> -> memref<25024xf32, #tpu.memory_space<hbm>>
        tpu.wait_dma2 semaphore(%run_scoped3A_44 : memref<!tpu.dma_semaphore, #tpu.memory_space<semaphore_mem>>) src(%arg13 : memref<25024xf32, #tpu.memory_space<vmem>>) dst(%dma_wait3A_46 : memref<25024xf32, #tpu.memory_space<hbm>>)
        tpu.yield
      }) : () -> ()
    } else {
    }
    return
  }
}

#map = affine_map<(d0, d1) -> (0)>
#map1 = affine_map<(d0, d1) -> (0, 0)>
module attributes {stable_mosaic.version = 14 : i64} {
  func.func @_sck1(%arg0: i32, %arg1: i32, %arg2: memref<50048xf32, #tpu.memory_space<hbm>>, %arg3: memref<800000xi32, #tpu.memory_space<hbm>>, %arg4: memref<800000xi32, #tpu.memory_space<hbm>>, %arg5: memref<4x16xf32, #tpu.memory_space<hbm>>, %arg6: memref<400384xf32, #tpu.memory_space<hbm>>, %arg7: memref<400384xf32, #tpu.memory_space<hbm>>, %arg8: memref<400384xf32, #tpu.memory_space<hbm>>, %arg9: memref<400384xf32, #tpu.memory_space<hbm>>, %arg10: memref<50048xf32, #tpu.memory_space<vmem>>, %arg11: memref<128xi32, #tpu.memory_space<vmem>>, %arg12: memref<128xi32, #tpu.memory_space<vmem>>, %arg13: memref<50048xf32, #tpu.memory_space<vmem>>, %arg14: memref<16xf32, #tpu.memory_space<vmem>>, %arg15: memref<16xf32, #tpu.memory_space<vmem>>, %arg16: memref<16xf32, #tpu.memory_space<vmem>>, %arg17: memref<16xf32, #tpu.memory_space<vmem>>) attributes {dimension_semantics = [#tpu.dimension_semantics<core_parallel>, #tpu.dimension_semantics<subcore_parallel>], iteration_bounds = array<i64: 2, 16>, scalar_prefetch = 0 : i64, scratch_operands = 8 : i64, tpu.core_type = #tpu.core_type<sc_vector_subcore>, window_params = [{transform_indices = #map}, {transform_indices = #map}, {transform_indices = #map}, {transform_indices = #map1}, {transform_indices = #map}, {transform_indices = #map}, {transform_indices = #map}, {transform_indices = #map}]} {
    %mul3A = arith.constant 2 : i32
    %mul3A_0 = arith.muli %arg1, %mul3A : i32
    %add3A = arith.addi %mul3A_0, %arg0 : i32
    %and3A = arith.constant 3 : i32
    %and3A_1 = arith.andi %add3A, %and3A : i32
    %shift_right_arithmetic3A = arith.constant 2 : i32
    %shift_right_arithmetic3A_2 = arith.shrsi %add3A, %shift_right_arithmetic3A : i32
    %mul3A_3 = arith.constant 6256 : i32
    %mul3A_4 = arith.muli %shift_right_arithmetic3A_2, %mul3A_3 : i32
    "tpu.region"() ({
      %run_scoped3A_51 = tpu.sem_alloc : memref<!tpu.dma_semaphore, #tpu.memory_space<semaphore_mem>>
      tpu.enqueue_dma source(%arg2 : memref<50048xf32, #tpu.memory_space<hbm>>) target(%arg10 : memref<50048xf32, #tpu.memory_space<vmem>>) target_semaphore(%run_scoped3A_51 : memref<!tpu.dma_semaphore, #tpu.memory_space<semaphore_mem>>)
      tpu.wait_dma2 semaphore(%run_scoped3A_51 : memref<!tpu.dma_semaphore, #tpu.memory_space<semaphore_mem>>) src(%arg2 : memref<50048xf32, #tpu.memory_space<hbm>>) dst(%arg10 : memref<50048xf32, #tpu.memory_space<vmem>>)
      tpu.yield
    }) : () -> ()
    %run_scoped3A = arith.constant 0 : i32
    "tpu.region"() ({
      %run_scoped3A_51 = tpu.sem_alloc : memref<!tpu.dma_semaphore, #tpu.memory_space<semaphore_mem>>
      %dma_start3A = arith.constant 0 : i32
      %dma_start3A_52 = tpu.memref_slice %arg5[%run_scoped3A, %dma_start3A] : memref<4x16xf32, #tpu.memory_space<hbm>> -> memref<1x16xf32, #tpu.memory_space<hbm>>
      %dma_start3A_53 = tpu.memref_squeeze %dma_start3A_52 : memref<1x16xf32, #tpu.memory_space<hbm>> -> memref<16xf32, #tpu.memory_space<hbm>>
      %dma_start3A_54 = arith.constant 0 : i32
      %dma_start3A_55 = tpu.memref_slice %arg5[%run_scoped3A, %dma_start3A_54] : memref<4x16xf32, #tpu.memory_space<hbm>> -> memref<1x16xf32, #tpu.memory_space<hbm>>
      %dma_start3A_56 = tpu.memref_squeeze %dma_start3A_55 : memref<1x16xf32, #tpu.memory_space<hbm>> -> memref<16xf32, #tpu.memory_space<hbm>>
      tpu.enqueue_dma source(%dma_start3A_56 : memref<16xf32, #tpu.memory_space<hbm>>) target(%arg14 : memref<16xf32, #tpu.memory_space<vmem>>) target_semaphore(%run_scoped3A_51 : memref<!tpu.dma_semaphore, #tpu.memory_space<semaphore_mem>>)
      %dma_wait3A = arith.constant 0 : i32
      %dma_wait3A_57 = tpu.memref_slice %arg5[%run_scoped3A, %dma_wait3A] : memref<4x16xf32, #tpu.memory_space<hbm>> -> memref<1x16xf32, #tpu.memory_space<hbm>>
      %dma_wait3A_58 = tpu.memref_squeeze %dma_wait3A_57 : memref<1x16xf32, #tpu.memory_space<hbm>> -> memref<16xf32, #tpu.memory_space<hbm>>
      %dma_wait3A_59 = arith.constant 0 : i32
      %dma_wait3A_60 = tpu.memref_slice %arg5[%run_scoped3A, %dma_wait3A_59] : memref<4x16xf32, #tpu.memory_space<hbm>> -> memref<1x16xf32, #tpu.memory_space<hbm>>
      %dma_wait3A_61 = tpu.memref_squeeze %dma_wait3A_60 : memref<1x16xf32, #tpu.memory_space<hbm>> -> memref<16xf32, #tpu.memory_space<hbm>>
      tpu.wait_dma2 semaphore(%run_scoped3A_51 : memref<!tpu.dma_semaphore, #tpu.memory_space<semaphore_mem>>) src(%dma_wait3A_61 : memref<16xf32, #tpu.memory_space<hbm>>) dst(%arg14 : memref<16xf32, #tpu.memory_space<vmem>>)
      tpu.yield
    }) : () -> ()
    %run_scoped3A_5 = arith.constant 1 : i32
    "tpu.region"() ({
      %run_scoped3A_51 = tpu.sem_alloc : memref<!tpu.dma_semaphore, #tpu.memory_space<semaphore_mem>>
      %dma_start3A = arith.constant 0 : i32
      %dma_start3A_52 = tpu.memref_slice %arg5[%run_scoped3A_5, %dma_start3A] : memref<4x16xf32, #tpu.memory_space<hbm>> -> memref<1x16xf32, #tpu.memory_space<hbm>>
      %dma_start3A_53 = tpu.memref_squeeze %dma_start3A_52 : memref<1x16xf32, #tpu.memory_space<hbm>> -> memref<16xf32, #tpu.memory_space<hbm>>
      %dma_start3A_54 = arith.constant 0 : i32
      %dma_start3A_55 = tpu.memref_slice %arg5[%run_scoped3A_5, %dma_start3A_54] : memref<4x16xf32, #tpu.memory_space<hbm>> -> memref<1x16xf32, #tpu.memory_space<hbm>>
      %dma_start3A_56 = tpu.memref_squeeze %dma_start3A_55 : memref<1x16xf32, #tpu.memory_space<hbm>> -> memref<16xf32, #tpu.memory_space<hbm>>
      tpu.enqueue_dma source(%dma_start3A_56 : memref<16xf32, #tpu.memory_space<hbm>>) target(%arg15 : memref<16xf32, #tpu.memory_space<vmem>>) target_semaphore(%run_scoped3A_51 : memref<!tpu.dma_semaphore, #tpu.memory_space<semaphore_mem>>)
      %dma_wait3A = arith.constant 0 : i32
      %dma_wait3A_57 = tpu.memref_slice %arg5[%run_scoped3A_5, %dma_wait3A] : memref<4x16xf32, #tpu.memory_space<hbm>> -> memref<1x16xf32, #tpu.memory_space<hbm>>
      %dma_wait3A_58 = tpu.memref_squeeze %dma_wait3A_57 : memref<1x16xf32, #tpu.memory_space<hbm>> -> memref<16xf32, #tpu.memory_space<hbm>>
      %dma_wait3A_59 = arith.constant 0 : i32
      %dma_wait3A_60 = tpu.memref_slice %arg5[%run_scoped3A_5, %dma_wait3A_59] : memref<4x16xf32, #tpu.memory_space<hbm>> -> memref<1x16xf32, #tpu.memory_space<hbm>>
      %dma_wait3A_61 = tpu.memref_squeeze %dma_wait3A_60 : memref<1x16xf32, #tpu.memory_space<hbm>> -> memref<16xf32, #tpu.memory_space<hbm>>
      tpu.wait_dma2 semaphore(%run_scoped3A_51 : memref<!tpu.dma_semaphore, #tpu.memory_space<semaphore_mem>>) src(%dma_wait3A_61 : memref<16xf32, #tpu.memory_space<hbm>>) dst(%arg15 : memref<16xf32, #tpu.memory_space<vmem>>)
      tpu.yield
    }) : () -> ()
    %run_scoped3A_6 = arith.constant 2 : i32
    "tpu.region"() ({
      %run_scoped3A_51 = tpu.sem_alloc : memref<!tpu.dma_semaphore, #tpu.memory_space<semaphore_mem>>
      %dma_start3A = arith.constant 0 : i32
      %dma_start3A_52 = tpu.memref_slice %arg5[%run_scoped3A_6, %dma_start3A] : memref<4x16xf32, #tpu.memory_space<hbm>> -> memref<1x16xf32, #tpu.memory_space<hbm>>
      %dma_start3A_53 = tpu.memref_squeeze %dma_start3A_52 : memref<1x16xf32, #tpu.memory_space<hbm>> -> memref<16xf32, #tpu.memory_space<hbm>>
      %dma_start3A_54 = arith.constant 0 : i32
      %dma_start3A_55 = tpu.memref_slice %arg5[%run_scoped3A_6, %dma_start3A_54] : memref<4x16xf32, #tpu.memory_space<hbm>> -> memref<1x16xf32, #tpu.memory_space<hbm>>
      %dma_start3A_56 = tpu.memref_squeeze %dma_start3A_55 : memref<1x16xf32, #tpu.memory_space<hbm>> -> memref<16xf32, #tpu.memory_space<hbm>>
      tpu.enqueue_dma source(%dma_start3A_56 : memref<16xf32, #tpu.memory_space<hbm>>) target(%arg16 : memref<16xf32, #tpu.memory_space<vmem>>) target_semaphore(%run_scoped3A_51 : memref<!tpu.dma_semaphore, #tpu.memory_space<semaphore_mem>>)
      %dma_wait3A = arith.constant 0 : i32
      %dma_wait3A_57 = tpu.memref_slice %arg5[%run_scoped3A_6, %dma_wait3A] : memref<4x16xf32, #tpu.memory_space<hbm>> -> memref<1x16xf32, #tpu.memory_space<hbm>>
      %dma_wait3A_58 = tpu.memref_squeeze %dma_wait3A_57 : memref<1x16xf32, #tpu.memory_space<hbm>> -> memref<16xf32, #tpu.memory_space<hbm>>
      %dma_wait3A_59 = arith.constant 0 : i32
      %dma_wait3A_60 = tpu.memref_slice %arg5[%run_scoped3A_6, %dma_wait3A_59] : memref<4x16xf32, #tpu.memory_space<hbm>> -> memref<1x16xf32, #tpu.memory_space<hbm>>
      %dma_wait3A_61 = tpu.memref_squeeze %dma_wait3A_60 : memref<1x16xf32, #tpu.memory_space<hbm>> -> memref<16xf32, #tpu.memory_space<hbm>>
      tpu.wait_dma2 semaphore(%run_scoped3A_51 : memref<!tpu.dma_semaphore, #tpu.memory_space<semaphore_mem>>) src(%dma_wait3A_61 : memref<16xf32, #tpu.memory_space<hbm>>) dst(%arg16 : memref<16xf32, #tpu.memory_space<vmem>>)
      tpu.yield
    }) : () -> ()
    %run_scoped3A_7 = arith.constant 3 : i32
    "tpu.region"() ({
      %run_scoped3A_51 = tpu.sem_alloc : memref<!tpu.dma_semaphore, #tpu.memory_space<semaphore_mem>>
      %dma_start3A = arith.constant 0 : i32
      %dma_start3A_52 = tpu.memref_slice %arg5[%run_scoped3A_7, %dma_start3A] : memref<4x16xf32, #tpu.memory_space<hbm>> -> memref<1x16xf32, #tpu.memory_space<hbm>>
      %dma_start3A_53 = tpu.memref_squeeze %dma_start3A_52 : memref<1x16xf32, #tpu.memory_space<hbm>> -> memref<16xf32, #tpu.memory_space<hbm>>
      %dma_start3A_54 = arith.constant 0 : i32
      %dma_start3A_55 = tpu.memref_slice %arg5[%run_scoped3A_7, %dma_start3A_54] : memref<4x16xf32, #tpu.memory_space<hbm>> -> memref<1x16xf32, #tpu.memory_space<hbm>>
      %dma_start3A_56 = tpu.memref_squeeze %dma_start3A_55 : memref<1x16xf32, #tpu.memory_space<hbm>> -> memref<16xf32, #tpu.memory_space<hbm>>
      tpu.enqueue_dma source(%dma_start3A_56 : memref<16xf32, #tpu.memory_space<hbm>>) target(%arg17 : memref<16xf32, #tpu.memory_space<vmem>>) target_semaphore(%run_scoped3A_51 : memref<!tpu.dma_semaphore, #tpu.memory_space<semaphore_mem>>)
      %dma_wait3A = arith.constant 0 : i32
      %dma_wait3A_57 = tpu.memref_slice %arg5[%run_scoped3A_7, %dma_wait3A] : memref<4x16xf32, #tpu.memory_space<hbm>> -> memref<1x16xf32, #tpu.memory_space<hbm>>
      %dma_wait3A_58 = tpu.memref_squeeze %dma_wait3A_57 : memref<1x16xf32, #tpu.memory_space<hbm>> -> memref<16xf32, #tpu.memory_space<hbm>>
      %dma_wait3A_59 = arith.constant 0 : i32
      %dma_wait3A_60 = tpu.memref_slice %arg5[%run_scoped3A_7, %dma_wait3A_59] : memref<4x16xf32, #tpu.memory_space<hbm>> -> memref<1x16xf32, #tpu.memory_space<hbm>>
      %dma_wait3A_61 = tpu.memref_squeeze %dma_wait3A_60 : memref<1x16xf32, #tpu.memory_space<hbm>> -> memref<16xf32, #tpu.memory_space<hbm>>
      tpu.wait_dma2 semaphore(%run_scoped3A_51 : memref<!tpu.dma_semaphore, #tpu.memory_space<semaphore_mem>>) src(%dma_wait3A_61 : memref<16xf32, #tpu.memory_space<hbm>>) dst(%arg17 : memref<16xf32, #tpu.memory_space<vmem>>)
      tpu.yield
    }) : () -> ()
    %iota3A = tpu.iota {dimensions = array<i32: 0>} : vector<16xi32>
    %broadcast_in_dim3A = arith.constant 0.000000e+00 : f32
    %broadcast_in_dim3A_8 = vector.broadcast %broadcast_in_dim3A : f32 to vector<16xf32>
    %scan3A = arith.constant 0 : i32
    %scan3A_9 = arith.constant 0 : i32
    %scan3A_10 = arith.constant 3128 : i32
    %scan3A_11 = arith.addi %scan3A_9, %scan3A_10 : i32
    %scan3A_12 = arith.constant 1 : i32
    scf.for %scan3A_51 = %scan3A_9 to %scan3A_11 step %scan3A_12  : i32 {
      %mul3A_52 = arith.constant 16 : i32
      %mul3A_53 = arith.muli %scan3A_51, %mul3A_52 : i32
      %add3A_54 = vector.broadcast %mul3A_53 : i32 to vector<16xi32>
      %add3A_55 = arith.addi %iota3A, %add3A_54 : vector<16xi32>
      tpu.vector_store_idx %arg13[%add3A_55], %broadcast_in_dim3A_8 : memref<50048xf32, #tpu.memory_space<vmem>>[vector<16xi32>], vector<16xf32>,
    }
    %scan3A_13 = arith.constant 3128 : i32
    %get3A = arith.constant 0 : index
    %get3A_14 = tpu.vector_load %arg14[%get3A] {strides = array<i32>} : memref<16xf32, #tpu.memory_space<vmem>>, vector<16xf32>,
    %get3A_15 = arith.constant 0 : index
    %get3A_16 = tpu.vector_load %arg15[%get3A_15] {strides = array<i32>} : memref<16xf32, #tpu.memory_space<vmem>>, vector<16xf32>,
    %get3A_17 = arith.constant 0 : index
    %get3A_18 = tpu.vector_load %arg16[%get3A_17] {strides = array<i32>} : memref<16xf32, #tpu.memory_space<vmem>>, vector<16xf32>,
    %get3A_19 = arith.constant 0 : index
    %get3A_20 = tpu.vector_load %arg17[%get3A_19] {strides = array<i32>} : memref<16xf32, #tpu.memory_space<vmem>>, vector<16xf32>,
    %lt3A = arith.constant 2 : i32
    %lt3A_21 = arith.cmpi slt, %and3A_1, %lt3A : i32
    %convert_element_type3A = arith.extui %lt3A_21 : i1 to i32
    %add3A_22 = arith.constant 1562 : i32
    %add3A_23 = arith.addi %add3A_22, %convert_element_type3A : i32
    %while3A = arith.constant 0 : i32
    %while3A_24 = arith.constant 0 : i32
    %while3A_25 = arith.subi %add3A_23, %while3A_24 : i32
    %while3A_26 = arith.addi %while3A_24, %while3A_25 : i32
    %while3A_27 = arith.constant 1 : i32
    %while3A_28 = arith.divsi %while3A_25, %while3A_27 : i32
    %while3A_29 = arith.muli %while3A_28, %while3A_27 : i32
    %while3A_30 = arith.addi %while3A_24, %while3A_29 : i32
    %while3A_31 = arith.constant 1 : i32
    scf.for %while3A_51 = %while3A_24 to %while3A_30 step %while3A_31  : i32 {
      %mul3A_52 = arith.constant 4 : i32
      %mul3A_53 = arith.muli %mul3A_52, %while3A_51 : i32
      %add3A_54 = arith.addi %and3A_1, %mul3A_53 : i32
      %mul3A_55 = arith.constant 128 : i32
      %mul3A_56 = arith.muli %add3A_54, %mul3A_55 : i32
      "tpu.region"() ({
        %run_scoped3A_690 = tpu.sem_alloc : memref<!tpu.dma_semaphore, #tpu.memory_space<semaphore_mem>>
        %dma_start3A = tpu.memref_slice %arg3[%mul3A_56] : memref<800000xi32, #tpu.memory_space<hbm>> -> memref<128xi32, #tpu.memory_space<hbm>>
        %dma_start3A_691 = tpu.memref_slice %arg3[%mul3A_56] : memref<800000xi32, #tpu.memory_space<hbm>> -> memref<128xi32, #tpu.memory_space<hbm>>
        tpu.enqueue_dma source(%dma_start3A_691 : memref<128xi32, #tpu.memory_space<hbm>>) target(%arg11 : memref<128xi32, #tpu.memory_space<vmem>>) target_semaphore(%run_scoped3A_690 : memref<!tpu.dma_semaphore, #tpu.memory_space<semaphore_mem>>)
        %dma_wait3A = tpu.memref_slice %arg3[%mul3A_56] : memref<800000xi32, #tpu.memory_space<hbm>> -> memref<128xi32, #tpu.memory_space<hbm>>
        %dma_wait3A_692 = tpu.memref_slice %arg3[%mul3A_56] : memref<800000xi32, #tpu.memory_space<hbm>> -> memref<128xi32, #tpu.memory_space<hbm>>
        tpu.wait_dma2 semaphore(%run_scoped3A_690 : memref<!tpu.dma_semaphore, #tpu.memory_space<semaphore_mem>>) src(%dma_wait3A_692 : memref<128xi32, #tpu.memory_space<hbm>>) dst(%arg11 : memref<128xi32, #tpu.memory_space<vmem>>)
        tpu.yield
      }) : () -> ()
      "tpu.region"() ({
        %run_scoped3A_690 = tpu.sem_alloc : memref<!tpu.dma_semaphore, #tpu.memory_space<semaphore_mem>>
        %dma_start3A = tpu.memref_slice %arg4[%mul3A_56] : memref<800000xi32, #tpu.memory_space<hbm>> -> memref<128xi32, #tpu.memory_space<hbm>>
        %dma_start3A_691 = tpu.memref_slice %arg4[%mul3A_56] : memref<800000xi32, #tpu.memory_space<hbm>> -> memref<128xi32, #tpu.memory_space<hbm>>
        tpu.enqueue_dma source(%dma_start3A_691 : memref<128xi32, #tpu.memory_space<hbm>>) target(%arg12 : memref<128xi32, #tpu.memory_space<vmem>>) target_semaphore(%run_scoped3A_690 : memref<!tpu.dma_semaphore, #tpu.memory_space<semaphore_mem>>)
        %dma_wait3A = tpu.memref_slice %arg4[%mul3A_56] : memref<800000xi32, #tpu.memory_space<hbm>> -> memref<128xi32, #tpu.memory_space<hbm>>
        %dma_wait3A_692 = tpu.memref_slice %arg4[%mul3A_56] : memref<800000xi32, #tpu.memory_space<hbm>> -> memref<128xi32, #tpu.memory_space<hbm>>
        tpu.wait_dma2 semaphore(%run_scoped3A_690 : memref<!tpu.dma_semaphore, #tpu.memory_space<semaphore_mem>>) src(%dma_wait3A_692 : memref<128xi32, #tpu.memory_space<hbm>>) dst(%arg12 : memref<128xi32, #tpu.memory_space<vmem>>)
        tpu.yield
      }) : () -> ()
      %get3A_57 = arith.constant 0 : index
      %get3A_58 = tpu.vector_load %arg11[%get3A_57] {strides = array<i32>} : memref<128xi32, #tpu.memory_space<vmem>>, vector<16xi32>,
      %get3A_59 = arith.constant 0 : index
      %get3A_60 = tpu.vector_load %arg12[%get3A_59] {strides = array<i32>} : memref<128xi32, #tpu.memory_space<vmem>>, vector<16xi32>,
      %gather3A = tpu.vector_load_idx %arg10[%get3A_58] : memref<50048xf32, #tpu.memory_space<vmem>>[vector<16xi32>], vector<16xf32>,
      %gather3A_61 = tpu.vector_load_idx %arg10[%get3A_60] : memref<50048xf32, #tpu.memory_space<vmem>>[vector<16xi32>], vector<16xf32>,
      %sub3A = vector.broadcast %mul3A_4 : i32 to vector<16xi32>
      %sub3A_62 = arith.subi %get3A_60, %sub3A : vector<16xi32>
      %ge3A = arith.constant 0 : i32
      %ge3A_63 = vector.broadcast %ge3A : i32 to vector<16xi32>
      %ge3A_64 = arith.cmpi sge, %sub3A_62, %ge3A_63 : vector<16xi32>
      %lt3A_65 = arith.constant 6256 : i32
      %lt3A_66 = vector.broadcast %lt3A_65 : i32 to vector<16xi32>
      %lt3A_67 = arith.cmpi slt, %sub3A_62, %lt3A_66 : vector<16xi32>
      %and3A_68 = arith.andi %ge3A_64, %lt3A_67 : vector<16xi1>
      %jit3A = arith.constant 0 : i32
      %broadcast_in_dim3A_69 = vector.broadcast %jit3A : i32 to vector<16xi32>
      %select_n3A = arith.select %and3A_68, %sub3A_62, %broadcast_in_dim3A_69 : vector<16xi1>, vector<16xi32>
      %mul3A_70 = arith.mulf %gather3A, %get3A_14 : vector<16xf32>
      %mul3A_71 = arith.mulf %gather3A_61, %get3A_18 : vector<16xf32>
      %add3A_72 = arith.addf %mul3A_70, %mul3A_71 : vector<16xf32>
      %gt3A = arith.constant 0.000000e+00 : f32
      %gt3A_73 = vector.broadcast %gt3A : f32 to vector<16xf32>
      %gt3A_74 = arith.cmpf ogt, %add3A_72, %gt3A_73 : vector<16xf32>
      %mul3A_75 = arith.constant 2.000000e-01 : f32
      %mul3A_76 = vector.broadcast %mul3A_75 : f32 to vector<16xf32>
      %mul3A_77 = arith.mulf %mul3A_76, %add3A_72 : vector<16xf32>
      %select_n3A_78 = arith.select %gt3A_74, %add3A_72, %mul3A_77 : vector<16xi1>, vector<16xf32>
      %add3A_79 = arith.addf %get3A_14, %get3A_18 : vector<16xf32>
      %mul3A_80 = arith.mulf %gather3A_61, %add3A_79 : vector<16xf32>
      %gt3A_81 = arith.constant 0.000000e+00 : f32
      %gt3A_82 = vector.broadcast %gt3A_81 : f32 to vector<16xf32>
      %gt3A_83 = arith.cmpf ogt, %mul3A_80, %gt3A_82 : vector<16xf32>
      %mul3A_84 = arith.constant 2.000000e-01 : f32
      %mul3A_85 = vector.broadcast %mul3A_84 : f32 to vector<16xf32>
      %mul3A_86 = arith.mulf %mul3A_85, %mul3A_80 : vector<16xf32>
      %select_n3A_87 = arith.select %gt3A_83, %mul3A_80, %mul3A_86 : vector<16xi1>, vector<16xf32>
      %sub3A_88 = arith.subf %select_n3A_78, %select_n3A_87 : vector<16xf32>
      %exp3A = math.exp %sub3A_88 : vector<16xf32>
      %mul3A_89 = arith.constant 8 : i32
      %mul3A_90 = vector.broadcast %mul3A_89 : i32 to vector<16xi32>
      %mul3A_91 = arith.muli %select_n3A, %mul3A_90 : vector<16xi32>
      %add3A_92 = arith.constant 0 : i32
      %add3A_93 = vector.broadcast %add3A_92 : i32 to vector<16xi32>
      %add3A_94 = arith.addi %mul3A_91, %add3A_93 : vector<16xi32>
      tpu.vector_store_idx %arg13[%add3A_94], %exp3A masked %and3A_68 {add = true} : memref<50048xf32, #tpu.memory_space<vmem>>[vector<16xi32>], vector<16xf32>, vector<16xi1>
      %add3A_95 = arith.constant 2 : i32
      %add3A_96 = vector.broadcast %add3A_95 : i32 to vector<16xi32>
      %add3A_97 = arith.addi %mul3A_91, %add3A_96 : vector<16xi32>
      %mul3A_98 = arith.mulf %exp3A, %gather3A : vector<16xf32>
      tpu.vector_store_idx %arg13[%add3A_97], %mul3A_98 masked %and3A_68 {add = true} : memref<50048xf32, #tpu.memory_space<vmem>>[vector<16xi32>], vector<16xf32>, vector<16xi1>
      %mul3A_99 = arith.mulf %gather3A, %get3A_16 : vector<16xf32>
      %mul3A_100 = arith.mulf %gather3A_61, %get3A_20 : vector<16xf32>
      %add3A_101 = arith.addf %mul3A_99, %mul3A_100 : vector<16xf32>
      %gt3A_102 = arith.constant 0.000000e+00 : f32
      %gt3A_103 = vector.broadcast %gt3A_102 : f32 to vector<16xf32>
      %gt3A_104 = arith.cmpf ogt, %add3A_101, %gt3A_103 : vector<16xf32>
      %mul3A_105 = arith.constant 2.000000e-01 : f32
      %mul3A_106 = vector.broadcast %mul3A_105 : f32 to vector<16xf32>
      %mul3A_107 = arith.mulf %mul3A_106, %add3A_101 : vector<16xf32>
      %select_n3A_108 = arith.select %gt3A_104, %add3A_101, %mul3A_107 : vector<16xi1>, vector<16xf32>
      %add3A_109 = arith.addf %get3A_16, %get3A_20 : vector<16xf32>
      %mul3A_110 = arith.mulf %gather3A_61, %add3A_109 : vector<16xf32>
      %gt3A_111 = arith.constant 0.000000e+00 : f32
      %gt3A_112 = vector.broadcast %gt3A_111 : f32 to vector<16xf32>
      %gt3A_113 = arith.cmpf ogt, %mul3A_110, %gt3A_112 : vector<16xf32>
      %mul3A_114 = arith.constant 2.000000e-01 : f32
      %mul3A_115 = vector.broadcast %mul3A_114 : f32 to vector<16xf32>
      %mul3A_116 = arith.mulf %mul3A_115, %mul3A_110 : vector<16xf32>
      %select_n3A_117 = arith.select %gt3A_113, %mul3A_110, %mul3A_116 : vector<16xi1>, vector<16xf32>
      %sub3A_118 = arith.subf %select_n3A_108, %select_n3A_117 : vector<16xf32>
      %exp3A_119 = math.exp %sub3A_118 : vector<16xf32>
      %mul3A_120 = arith.constant 8 : i32
      %mul3A_121 = vector.broadcast %mul3A_120 : i32 to vector<16xi32>
      %mul3A_122 = arith.muli %select_n3A, %mul3A_121 : vector<16xi32>
      %add3A_123 = arith.constant 1 : i32
      %add3A_124 = vector.broadcast %add3A_123 : i32 to vector<16xi32>
      %add3A_125 = arith.addi %mul3A_122, %add3A_124 : vector<16xi32>
      tpu.vector_store_idx %arg13[%add3A_125], %exp3A_119 masked %and3A_68 {add = true} : memref<50048xf32, #tpu.memory_space<vmem>>[vector<16xi32>], vector<16xf32>, vector<16xi1>
      %add3A_126 = arith.constant 3 : i32
      %add3A_127 = vector.broadcast %add3A_126 : i32 to vector<16xi32>
      %add3A_128 = arith.addi %mul3A_122, %add3A_127 : vector<16xi32>
      %mul3A_129 = arith.mulf %exp3A_119, %gather3A : vector<16xf32>
      tpu.vector_store_idx %arg13[%add3A_128], %mul3A_129 masked %and3A_68 {add = true} : memref<50048xf32, #tpu.memory_space<vmem>>[vector<16xi32>], vector<16xf32>, vector<16xi1>
      %get3A_130 = arith.constant 16 : index
      %get3A_131 = tpu.vector_load %arg11[%get3A_130] {strides = array<i32>} : memref<128xi32, #tpu.memory_space<vmem>>, vector<16xi32>,
      %get3A_132 = arith.constant 16 : index
      %get3A_133 = tpu.vector_load %arg12[%get3A_132] {strides = array<i32>} : memref<128xi32, #tpu.memory_space<vmem>>, vector<16xi32>,
      %gather3A_134 = tpu.vector_load_idx %arg10[%get3A_131] : memref<50048xf32, #tpu.memory_space<vmem>>[vector<16xi32>], vector<16xf32>,
      %gather3A_135 = tpu.vector_load_idx %arg10[%get3A_133] : memref<50048xf32, #tpu.memory_space<vmem>>[vector<16xi32>], vector<16xf32>,
      %sub3A_136 = vector.broadcast %mul3A_4 : i32 to vector<16xi32>
      %sub3A_137 = arith.subi %get3A_133, %sub3A_136 : vector<16xi32>
      %ge3A_138 = arith.constant 0 : i32
      %ge3A_139 = vector.broadcast %ge3A_138 : i32 to vector<16xi32>
      %ge3A_140 = arith.cmpi sge, %sub3A_137, %ge3A_139 : vector<16xi32>
      %lt3A_141 = arith.constant 6256 : i32
      %lt3A_142 = vector.broadcast %lt3A_141 : i32 to vector<16xi32>
      %lt3A_143 = arith.cmpi slt, %sub3A_137, %lt3A_142 : vector<16xi32>
      %and3A_144 = arith.andi %ge3A_140, %lt3A_143 : vector<16xi1>
      %jit3A_145 = arith.constant 0 : i32
      %broadcast_in_dim3A_146 = vector.broadcast %jit3A_145 : i32 to vector<16xi32>
      %select_n3A_147 = arith.select %and3A_144, %sub3A_137, %broadcast_in_dim3A_146 : vector<16xi1>, vector<16xi32>
      %mul3A_148 = arith.mulf %gather3A_134, %get3A_14 : vector<16xf32>
      %mul3A_149 = arith.mulf %gather3A_135, %get3A_18 : vector<16xf32>
      %add3A_150 = arith.addf %mul3A_148, %mul3A_149 : vector<16xf32>
      %gt3A_151 = arith.constant 0.000000e+00 : f32
      %gt3A_152 = vector.broadcast %gt3A_151 : f32 to vector<16xf32>
      %gt3A_153 = arith.cmpf ogt, %add3A_150, %gt3A_152 : vector<16xf32>
      %mul3A_154 = arith.constant 2.000000e-01 : f32
      %mul3A_155 = vector.broadcast %mul3A_154 : f32 to vector<16xf32>
      %mul3A_156 = arith.mulf %mul3A_155, %add3A_150 : vector<16xf32>
      %select_n3A_157 = arith.select %gt3A_153, %add3A_150, %mul3A_156 : vector<16xi1>, vector<16xf32>
      %add3A_158 = arith.addf %get3A_14, %get3A_18 : vector<16xf32>
      %mul3A_159 = arith.mulf %gather3A_135, %add3A_158 : vector<16xf32>
      %gt3A_160 = arith.constant 0.000000e+00 : f32
      %gt3A_161 = vector.broadcast %gt3A_160 : f32 to vector<16xf32>
      %gt3A_162 = arith.cmpf ogt, %mul3A_159, %gt3A_161 : vector<16xf32>
      %mul3A_163 = arith.constant 2.000000e-01 : f32
      %mul3A_164 = vector.broadcast %mul3A_163 : f32 to vector<16xf32>
      %mul3A_165 = arith.mulf %mul3A_164, %mul3A_159 : vector<16xf32>
      %select_n3A_166 = arith.select %gt3A_162, %mul3A_159, %mul3A_165 : vector<16xi1>, vector<16xf32>
      %sub3A_167 = arith.subf %select_n3A_157, %select_n3A_166 : vector<16xf32>
      %exp3A_168 = math.exp %sub3A_167 : vector<16xf32>
      %mul3A_169 = arith.constant 8 : i32
      %mul3A_170 = vector.broadcast %mul3A_169 : i32 to vector<16xi32>
      %mul3A_171 = arith.muli %select_n3A_147, %mul3A_170 : vector<16xi32>
      %add3A_172 = arith.constant 0 : i32
      %add3A_173 = vector.broadcast %add3A_172 : i32 to vector<16xi32>
      %add3A_174 = arith.addi %mul3A_171, %add3A_173 : vector<16xi32>
      tpu.vector_store_idx %arg13[%add3A_174], %exp3A_168 masked %and3A_144 {add = true} : memref<50048xf32, #tpu.memory_space<vmem>>[vector<16xi32>], vector<16xf32>, vector<16xi1>
      %add3A_175 = arith.constant 2 : i32
      %add3A_176 = vector.broadcast %add3A_175 : i32 to vector<16xi32>
      %add3A_177 = arith.addi %mul3A_171, %add3A_176 : vector<16xi32>
      %mul3A_178 = arith.mulf %exp3A_168, %gather3A_134 : vector<16xf32>
      tpu.vector_store_idx %arg13[%add3A_177], %mul3A_178 masked %and3A_144 {add = true} : memref<50048xf32, #tpu.memory_space<vmem>>[vector<16xi32>], vector<16xf32>, vector<16xi1>
      %mul3A_179 = arith.mulf %gather3A_134, %get3A_16 : vector<16xf32>
      %mul3A_180 = arith.mulf %gather3A_135, %get3A_20 : vector<16xf32>
      %add3A_181 = arith.addf %mul3A_179, %mul3A_180 : vector<16xf32>
      %gt3A_182 = arith.constant 0.000000e+00 : f32
      %gt3A_183 = vector.broadcast %gt3A_182 : f32 to vector<16xf32>
      %gt3A_184 = arith.cmpf ogt, %add3A_181, %gt3A_183 : vector<16xf32>
      %mul3A_185 = arith.constant 2.000000e-01 : f32
      %mul3A_186 = vector.broadcast %mul3A_185 : f32 to vector<16xf32>
      %mul3A_187 = arith.mulf %mul3A_186, %add3A_181 : vector<16xf32>
      %select_n3A_188 = arith.select %gt3A_184, %add3A_181, %mul3A_187 : vector<16xi1>, vector<16xf32>
      %add3A_189 = arith.addf %get3A_16, %get3A_20 : vector<16xf32>
      %mul3A_190 = arith.mulf %gather3A_135, %add3A_189 : vector<16xf32>
      %gt3A_191 = arith.constant 0.000000e+00 : f32
      %gt3A_192 = vector.broadcast %gt3A_191 : f32 to vector<16xf32>
      %gt3A_193 = arith.cmpf ogt, %mul3A_190, %gt3A_192 : vector<16xf32>
      %mul3A_194 = arith.constant 2.000000e-01 : f32
      %mul3A_195 = vector.broadcast %mul3A_194 : f32 to vector<16xf32>
      %mul3A_196 = arith.mulf %mul3A_195, %mul3A_190 : vector<16xf32>
      %select_n3A_197 = arith.select %gt3A_193, %mul3A_190, %mul3A_196 : vector<16xi1>, vector<16xf32>
      %sub3A_198 = arith.subf %select_n3A_188, %select_n3A_197 : vector<16xf32>
      %exp3A_199 = math.exp %sub3A_198 : vector<16xf32>
      %mul3A_200 = arith.constant 8 : i32
      %mul3A_201 = vector.broadcast %mul3A_200 : i32 to vector<16xi32>
      %mul3A_202 = arith.muli %select_n3A_147, %mul3A_201 : vector<16xi32>
      %add3A_203 = arith.constant 1 : i32
      %add3A_204 = vector.broadcast %add3A_203 : i32 to vector<16xi32>
      %add3A_205 = arith.addi %mul3A_202, %add3A_204 : vector<16xi32>
      tpu.vector_store_idx %arg13[%add3A_205], %exp3A_199 masked %and3A_144 {add = true} : memref<50048xf32, #tpu.memory_space<vmem>>[vector<16xi32>], vector<16xf32>, vector<16xi1>
      %add3A_206 = arith.constant 3 : i32
      %add3A_207 = vector.broadcast %add3A_206 : i32 to vector<16xi32>
      %add3A_208 = arith.addi %mul3A_202, %add3A_207 : vector<16xi32>
      %mul3A_209 = arith.mulf %exp3A_199, %gather3A_134 : vector<16xf32>
      tpu.vector_store_idx %arg13[%add3A_208], %mul3A_209 masked %and3A_144 {add = true} : memref<50048xf32, #tpu.memory_space<vmem>>[vector<16xi32>], vector<16xf32>, vector<16xi1>
      %get3A_210 = arith.constant 32 : index
      %get3A_211 = tpu.vector_load %arg11[%get3A_210] {strides = array<i32>} : memref<128xi32, #tpu.memory_space<vmem>>, vector<16xi32>,
      %get3A_212 = arith.constant 32 : index
      %get3A_213 = tpu.vector_load %arg12[%get3A_212] {strides = array<i32>} : memref<128xi32, #tpu.memory_space<vmem>>, vector<16xi32>,
      %gather3A_214 = tpu.vector_load_idx %arg10[%get3A_211] : memref<50048xf32, #tpu.memory_space<vmem>>[vector<16xi32>], vector<16xf32>,
      %gather3A_215 = tpu.vector_load_idx %arg10[%get3A_213] : memref<50048xf32, #tpu.memory_space<vmem>>[vector<16xi32>], vector<16xf32>,
      %sub3A_216 = vector.broadcast %mul3A_4 : i32 to vector<16xi32>
      %sub3A_217 = arith.subi %get3A_213, %sub3A_216 : vector<16xi32>
      %ge3A_218 = arith.constant 0 : i32
      %ge3A_219 = vector.broadcast %ge3A_218 : i32 to vector<16xi32>
      %ge3A_220 = arith.cmpi sge, %sub3A_217, %ge3A_219 : vector<16xi32>
      %lt3A_221 = arith.constant 6256 : i32
      %lt3A_222 = vector.broadcast %lt3A_221 : i32 to vector<16xi32>
      %lt3A_223 = arith.cmpi slt, %sub3A_217, %lt3A_222 : vector<16xi32>
      %and3A_224 = arith.andi %ge3A_220, %lt3A_223 : vector<16xi1>
      %jit3A_225 = arith.constant 0 : i32
      %broadcast_in_dim3A_226 = vector.broadcast %jit3A_225 : i32 to vector<16xi32>
      %select_n3A_227 = arith.select %and3A_224, %sub3A_217, %broadcast_in_dim3A_226 : vector<16xi1>, vector<16xi32>
      %mul3A_228 = arith.mulf %gather3A_214, %get3A_14 : vector<16xf32>
      %mul3A_229 = arith.mulf %gather3A_215, %get3A_18 : vector<16xf32>
      %add3A_230 = arith.addf %mul3A_228, %mul3A_229 : vector<16xf32>
      %gt3A_231 = arith.constant 0.000000e+00 : f32
      %gt3A_232 = vector.broadcast %gt3A_231 : f32 to vector<16xf32>
      %gt3A_233 = arith.cmpf ogt, %add3A_230, %gt3A_232 : vector<16xf32>
      %mul3A_234 = arith.constant 2.000000e-01 : f32
      %mul3A_235 = vector.broadcast %mul3A_234 : f32 to vector<16xf32>
      %mul3A_236 = arith.mulf %mul3A_235, %add3A_230 : vector<16xf32>
      %select_n3A_237 = arith.select %gt3A_233, %add3A_230, %mul3A_236 : vector<16xi1>, vector<16xf32>
      %add3A_238 = arith.addf %get3A_14, %get3A_18 : vector<16xf32>
      %mul3A_239 = arith.mulf %gather3A_215, %add3A_238 : vector<16xf32>
      %gt3A_240 = arith.constant 0.000000e+00 : f32
      %gt3A_241 = vector.broadcast %gt3A_240 : f32 to vector<16xf32>
      %gt3A_242 = arith.cmpf ogt, %mul3A_239, %gt3A_241 : vector<16xf32>
      %mul3A_243 = arith.constant 2.000000e-01 : f32
      %mul3A_244 = vector.broadcast %mul3A_243 : f32 to vector<16xf32>
      %mul3A_245 = arith.mulf %mul3A_244, %mul3A_239 : vector<16xf32>
      %select_n3A_246 = arith.select %gt3A_242, %mul3A_239, %mul3A_245 : vector<16xi1>, vector<16xf32>
      %sub3A_247 = arith.subf %select_n3A_237, %select_n3A_246 : vector<16xf32>
      %exp3A_248 = math.exp %sub3A_247 : vector<16xf32>
      %mul3A_249 = arith.constant 8 : i32
      %mul3A_250 = vector.broadcast %mul3A_249 : i32 to vector<16xi32>
      %mul3A_251 = arith.muli %select_n3A_227, %mul3A_250 : vector<16xi32>
      %add3A_252 = arith.constant 0 : i32
      %add3A_253 = vector.broadcast %add3A_252 : i32 to vector<16xi32>
      %add3A_254 = arith.addi %mul3A_251, %add3A_253 : vector<16xi32>
      tpu.vector_store_idx %arg13[%add3A_254], %exp3A_248 masked %and3A_224 {add = true} : memref<50048xf32, #tpu.memory_space<vmem>>[vector<16xi32>], vector<16xf32>, vector<16xi1>
      %add3A_255 = arith.constant 2 : i32
      %add3A_256 = vector.broadcast %add3A_255 : i32 to vector<16xi32>
      %add3A_257 = arith.addi %mul3A_251, %add3A_256 : vector<16xi32>
      %mul3A_258 = arith.mulf %exp3A_248, %gather3A_214 : vector<16xf32>
      tpu.vector_store_idx %arg13[%add3A_257], %mul3A_258 masked %and3A_224 {add = true} : memref<50048xf32, #tpu.memory_space<vmem>>[vector<16xi32>], vector<16xf32>, vector<16xi1>
      %mul3A_259 = arith.mulf %gather3A_214, %get3A_16 : vector<16xf32>
      %mul3A_260 = arith.mulf %gather3A_215, %get3A_20 : vector<16xf32>
      %add3A_261 = arith.addf %mul3A_259, %mul3A_260 : vector<16xf32>
      %gt3A_262 = arith.constant 0.000000e+00 : f32
      %gt3A_263 = vector.broadcast %gt3A_262 : f32 to vector<16xf32>
      %gt3A_264 = arith.cmpf ogt, %add3A_261, %gt3A_263 : vector<16xf32>
      %mul3A_265 = arith.constant 2.000000e-01 : f32
      %mul3A_266 = vector.broadcast %mul3A_265 : f32 to vector<16xf32>
      %mul3A_267 = arith.mulf %mul3A_266, %add3A_261 : vector<16xf32>
      %select_n3A_268 = arith.select %gt3A_264, %add3A_261, %mul3A_267 : vector<16xi1>, vector<16xf32>
      %add3A_269 = arith.addf %get3A_16, %get3A_20 : vector<16xf32>
      %mul3A_270 = arith.mulf %gather3A_215, %add3A_269 : vector<16xf32>
      %gt3A_271 = arith.constant 0.000000e+00 : f32
      %gt3A_272 = vector.broadcast %gt3A_271 : f32 to vector<16xf32>
      %gt3A_273 = arith.cmpf ogt, %mul3A_270, %gt3A_272 : vector<16xf32>
      %mul3A_274 = arith.constant 2.000000e-01 : f32
      %mul3A_275 = vector.broadcast %mul3A_274 : f32 to vector<16xf32>
      %mul3A_276 = arith.mulf %mul3A_275, %mul3A_270 : vector<16xf32>
      %select_n3A_277 = arith.select %gt3A_273, %mul3A_270, %mul3A_276 : vector<16xi1>, vector<16xf32>
      %sub3A_278 = arith.subf %select_n3A_268, %select_n3A_277 : vector<16xf32>
      %exp3A_279 = math.exp %sub3A_278 : vector<16xf32>
      %mul3A_280 = arith.constant 8 : i32
      %mul3A_281 = vector.broadcast %mul3A_280 : i32 to vector<16xi32>
      %mul3A_282 = arith.muli %select_n3A_227, %mul3A_281 : vector<16xi32>
      %add3A_283 = arith.constant 1 : i32
      %add3A_284 = vector.broadcast %add3A_283 : i32 to vector<16xi32>
      %add3A_285 = arith.addi %mul3A_282, %add3A_284 : vector<16xi32>
      tpu.vector_store_idx %arg13[%add3A_285], %exp3A_279 masked %and3A_224 {add = true} : memref<50048xf32, #tpu.memory_space<vmem>>[vector<16xi32>], vector<16xf32>, vector<16xi1>
      %add3A_286 = arith.constant 3 : i32
      %add3A_287 = vector.broadcast %add3A_286 : i32 to vector<16xi32>
      %add3A_288 = arith.addi %mul3A_282, %add3A_287 : vector<16xi32>
      %mul3A_289 = arith.mulf %exp3A_279, %gather3A_214 : vector<16xf32>
      tpu.vector_store_idx %arg13[%add3A_288], %mul3A_289 masked %and3A_224 {add = true} : memref<50048xf32, #tpu.memory_space<vmem>>[vector<16xi32>], vector<16xf32>, vector<16xi1>
      %get3A_290 = arith.constant 48 : index
      %get3A_291 = tpu.vector_load %arg11[%get3A_290] {strides = array<i32>} : memref<128xi32, #tpu.memory_space<vmem>>, vector<16xi32>,
      %get3A_292 = arith.constant 48 : index
      %get3A_293 = tpu.vector_load %arg12[%get3A_292] {strides = array<i32>} : memref<128xi32, #tpu.memory_space<vmem>>, vector<16xi32>,
      %gather3A_294 = tpu.vector_load_idx %arg10[%get3A_291] : memref<50048xf32, #tpu.memory_space<vmem>>[vector<16xi32>], vector<16xf32>,
      %gather3A_295 = tpu.vector_load_idx %arg10[%get3A_293] : memref<50048xf32, #tpu.memory_space<vmem>>[vector<16xi32>], vector<16xf32>,
      %sub3A_296 = vector.broadcast %mul3A_4 : i32 to vector<16xi32>
      %sub3A_297 = arith.subi %get3A_293, %sub3A_296 : vector<16xi32>
      %ge3A_298 = arith.constant 0 : i32
      %ge3A_299 = vector.broadcast %ge3A_298 : i32 to vector<16xi32>
      %ge3A_300 = arith.cmpi sge, %sub3A_297, %ge3A_299 : vector<16xi32>
      %lt3A_301 = arith.constant 6256 : i32
      %lt3A_302 = vector.broadcast %lt3A_301 : i32 to vector<16xi32>
      %lt3A_303 = arith.cmpi slt, %sub3A_297, %lt3A_302 : vector<16xi32>
      %and3A_304 = arith.andi %ge3A_300, %lt3A_303 : vector<16xi1>
      %jit3A_305 = arith.constant 0 : i32
      %broadcast_in_dim3A_306 = vector.broadcast %jit3A_305 : i32 to vector<16xi32>
      %select_n3A_307 = arith.select %and3A_304, %sub3A_297, %broadcast_in_dim3A_306 : vector<16xi1>, vector<16xi32>
      %mul3A_308 = arith.mulf %gather3A_294, %get3A_14 : vector<16xf32>
      %mul3A_309 = arith.mulf %gather3A_295, %get3A_18 : vector<16xf32>
      %add3A_310 = arith.addf %mul3A_308, %mul3A_309 : vector<16xf32>
      %gt3A_311 = arith.constant 0.000000e+00 : f32
      %gt3A_312 = vector.broadcast %gt3A_311 : f32 to vector<16xf32>
      %gt3A_313 = arith.cmpf ogt, %add3A_310, %gt3A_312 : vector<16xf32>
      %mul3A_314 = arith.constant 2.000000e-01 : f32
      %mul3A_315 = vector.broadcast %mul3A_314 : f32 to vector<16xf32>
      %mul3A_316 = arith.mulf %mul3A_315, %add3A_310 : vector<16xf32>
      %select_n3A_317 = arith.select %gt3A_313, %add3A_310, %mul3A_316 : vector<16xi1>, vector<16xf32>
      %add3A_318 = arith.addf %get3A_14, %get3A_18 : vector<16xf32>
      %mul3A_319 = arith.mulf %gather3A_295, %add3A_318 : vector<16xf32>
      %gt3A_320 = arith.constant 0.000000e+00 : f32
      %gt3A_321 = vector.broadcast %gt3A_320 : f32 to vector<16xf32>
      %gt3A_322 = arith.cmpf ogt, %mul3A_319, %gt3A_321 : vector<16xf32>
      %mul3A_323 = arith.constant 2.000000e-01 : f32
      %mul3A_324 = vector.broadcast %mul3A_323 : f32 to vector<16xf32>
      %mul3A_325 = arith.mulf %mul3A_324, %mul3A_319 : vector<16xf32>
      %select_n3A_326 = arith.select %gt3A_322, %mul3A_319, %mul3A_325 : vector<16xi1>, vector<16xf32>
      %sub3A_327 = arith.subf %select_n3A_317, %select_n3A_326 : vector<16xf32>
      %exp3A_328 = math.exp %sub3A_327 : vector<16xf32>
      %mul3A_329 = arith.constant 8 : i32
      %mul3A_330 = vector.broadcast %mul3A_329 : i32 to vector<16xi32>
      %mul3A_331 = arith.muli %select_n3A_307, %mul3A_330 : vector<16xi32>
      %add3A_332 = arith.constant 0 : i32
      %add3A_333 = vector.broadcast %add3A_332 : i32 to vector<16xi32>
      %add3A_334 = arith.addi %mul3A_331, %add3A_333 : vector<16xi32>
      tpu.vector_store_idx %arg13[%add3A_334], %exp3A_328 masked %and3A_304 {add = true} : memref<50048xf32, #tpu.memory_space<vmem>>[vector<16xi32>], vector<16xf32>, vector<16xi1>
      %add3A_335 = arith.constant 2 : i32
      %add3A_336 = vector.broadcast %add3A_335 : i32 to vector<16xi32>
      %add3A_337 = arith.addi %mul3A_331, %add3A_336 : vector<16xi32>
      %mul3A_338 = arith.mulf %exp3A_328, %gather3A_294 : vector<16xf32>
      tpu.vector_store_idx %arg13[%add3A_337], %mul3A_338 masked %and3A_304 {add = true} : memref<50048xf32, #tpu.memory_space<vmem>>[vector<16xi32>], vector<16xf32>, vector<16xi1>
      %mul3A_339 = arith.mulf %gather3A_294, %get3A_16 : vector<16xf32>
      %mul3A_340 = arith.mulf %gather3A_295, %get3A_20 : vector<16xf32>
      %add3A_341 = arith.addf %mul3A_339, %mul3A_340 : vector<16xf32>
      %gt3A_342 = arith.constant 0.000000e+00 : f32
      %gt3A_343 = vector.broadcast %gt3A_342 : f32 to vector<16xf32>
      %gt3A_344 = arith.cmpf ogt, %add3A_341, %gt3A_343 : vector<16xf32>
      %mul3A_345 = arith.constant 2.000000e-01 : f32
      %mul3A_346 = vector.broadcast %mul3A_345 : f32 to vector<16xf32>
      %mul3A_347 = arith.mulf %mul3A_346, %add3A_341 : vector<16xf32>
      %select_n3A_348 = arith.select %gt3A_344, %add3A_341, %mul3A_347 : vector<16xi1>, vector<16xf32>
      %add3A_349 = arith.addf %get3A_16, %get3A_20 : vector<16xf32>
      %mul3A_350 = arith.mulf %gather3A_295, %add3A_349 : vector<16xf32>
      %gt3A_351 = arith.constant 0.000000e+00 : f32
      %gt3A_352 = vector.broadcast %gt3A_351 : f32 to vector<16xf32>
      %gt3A_353 = arith.cmpf ogt, %mul3A_350, %gt3A_352 : vector<16xf32>
      %mul3A_354 = arith.constant 2.000000e-01 : f32
      %mul3A_355 = vector.broadcast %mul3A_354 : f32 to vector<16xf32>
      %mul3A_356 = arith.mulf %mul3A_355, %mul3A_350 : vector<16xf32>
      %select_n3A_357 = arith.select %gt3A_353, %mul3A_350, %mul3A_356 : vector<16xi1>, vector<16xf32>
      %sub3A_358 = arith.subf %select_n3A_348, %select_n3A_357 : vector<16xf32>
      %exp3A_359 = math.exp %sub3A_358 : vector<16xf32>
      %mul3A_360 = arith.constant 8 : i32
      %mul3A_361 = vector.broadcast %mul3A_360 : i32 to vector<16xi32>
      %mul3A_362 = arith.muli %select_n3A_307, %mul3A_361 : vector<16xi32>
      %add3A_363 = arith.constant 1 : i32
      %add3A_364 = vector.broadcast %add3A_363 : i32 to vector<16xi32>
      %add3A_365 = arith.addi %mul3A_362, %add3A_364 : vector<16xi32>
      tpu.vector_store_idx %arg13[%add3A_365], %exp3A_359 masked %and3A_304 {add = true} : memref<50048xf32, #tpu.memory_space<vmem>>[vector<16xi32>], vector<16xf32>, vector<16xi1>
      %add3A_366 = arith.constant 3 : i32
      %add3A_367 = vector.broadcast %add3A_366 : i32 to vector<16xi32>
      %add3A_368 = arith.addi %mul3A_362, %add3A_367 : vector<16xi32>
      %mul3A_369 = arith.mulf %exp3A_359, %gather3A_294 : vector<16xf32>
      tpu.vector_store_idx %arg13[%add3A_368], %mul3A_369 masked %and3A_304 {add = true} : memref<50048xf32, #tpu.memory_space<vmem>>[vector<16xi32>], vector<16xf32>, vector<16xi1>
      %get3A_370 = arith.constant 64 : index
      %get3A_371 = tpu.vector_load %arg11[%get3A_370] {strides = array<i32>} : memref<128xi32, #tpu.memory_space<vmem>>, vector<16xi32>,
      %get3A_372 = arith.constant 64 : index
      %get3A_373 = tpu.vector_load %arg12[%get3A_372] {strides = array<i32>} : memref<128xi32, #tpu.memory_space<vmem>>, vector<16xi32>,
      %gather3A_374 = tpu.vector_load_idx %arg10[%get3A_371] : memref<50048xf32, #tpu.memory_space<vmem>>[vector<16xi32>], vector<16xf32>,
      %gather3A_375 = tpu.vector_load_idx %arg10[%get3A_373] : memref<50048xf32, #tpu.memory_space<vmem>>[vector<16xi32>], vector<16xf32>,
      %sub3A_376 = vector.broadcast %mul3A_4 : i32 to vector<16xi32>
      %sub3A_377 = arith.subi %get3A_373, %sub3A_376 : vector<16xi32>
      %ge3A_378 = arith.constant 0 : i32
      %ge3A_379 = vector.broadcast %ge3A_378 : i32 to vector<16xi32>
      %ge3A_380 = arith.cmpi sge, %sub3A_377, %ge3A_379 : vector<16xi32>
      %lt3A_381 = arith.constant 6256 : i32
      %lt3A_382 = vector.broadcast %lt3A_381 : i32 to vector<16xi32>
      %lt3A_383 = arith.cmpi slt, %sub3A_377, %lt3A_382 : vector<16xi32>
      %and3A_384 = arith.andi %ge3A_380, %lt3A_383 : vector<16xi1>
      %jit3A_385 = arith.constant 0 : i32
      %broadcast_in_dim3A_386 = vector.broadcast %jit3A_385 : i32 to vector<16xi32>
      %select_n3A_387 = arith.select %and3A_384, %sub3A_377, %broadcast_in_dim3A_386 : vector<16xi1>, vector<16xi32>
      %mul3A_388 = arith.mulf %gather3A_374, %get3A_14 : vector<16xf32>
      %mul3A_389 = arith.mulf %gather3A_375, %get3A_18 : vector<16xf32>
      %add3A_390 = arith.addf %mul3A_388, %mul3A_389 : vector<16xf32>
      %gt3A_391 = arith.constant 0.000000e+00 : f32
      %gt3A_392 = vector.broadcast %gt3A_391 : f32 to vector<16xf32>
      %gt3A_393 = arith.cmpf ogt, %add3A_390, %gt3A_392 : vector<16xf32>
      %mul3A_394 = arith.constant 2.000000e-01 : f32
      %mul3A_395 = vector.broadcast %mul3A_394 : f32 to vector<16xf32>
      %mul3A_396 = arith.mulf %mul3A_395, %add3A_390 : vector<16xf32>
      %select_n3A_397 = arith.select %gt3A_393, %add3A_390, %mul3A_396 : vector<16xi1>, vector<16xf32>
      %add3A_398 = arith.addf %get3A_14, %get3A_18 : vector<16xf32>
      %mul3A_399 = arith.mulf %gather3A_375, %add3A_398 : vector<16xf32>
      %gt3A_400 = arith.constant 0.000000e+00 : f32
      %gt3A_401 = vector.broadcast %gt3A_400 : f32 to vector<16xf32>
      %gt3A_402 = arith.cmpf ogt, %mul3A_399, %gt3A_401 : vector<16xf32>
      %mul3A_403 = arith.constant 2.000000e-01 : f32
      %mul3A_404 = vector.broadcast %mul3A_403 : f32 to vector<16xf32>
      %mul3A_405 = arith.mulf %mul3A_404, %mul3A_399 : vector<16xf32>
      %select_n3A_406 = arith.select %gt3A_402, %mul3A_399, %mul3A_405 : vector<16xi1>, vector<16xf32>
      %sub3A_407 = arith.subf %select_n3A_397, %select_n3A_406 : vector<16xf32>
      %exp3A_408 = math.exp %sub3A_407 : vector<16xf32>
      %mul3A_409 = arith.constant 8 : i32
      %mul3A_410 = vector.broadcast %mul3A_409 : i32 to vector<16xi32>
      %mul3A_411 = arith.muli %select_n3A_387, %mul3A_410 : vector<16xi32>
      %add3A_412 = arith.constant 0 : i32
      %add3A_413 = vector.broadcast %add3A_412 : i32 to vector<16xi32>
      %add3A_414 = arith.addi %mul3A_411, %add3A_413 : vector<16xi32>
      tpu.vector_store_idx %arg13[%add3A_414], %exp3A_408 masked %and3A_384 {add = true} : memref<50048xf32, #tpu.memory_space<vmem>>[vector<16xi32>], vector<16xf32>, vector<16xi1>
      %add3A_415 = arith.constant 2 : i32
      %add3A_416 = vector.broadcast %add3A_415 : i32 to vector<16xi32>
      %add3A_417 = arith.addi %mul3A_411, %add3A_416 : vector<16xi32>
      %mul3A_418 = arith.mulf %exp3A_408, %gather3A_374 : vector<16xf32>
      tpu.vector_store_idx %arg13[%add3A_417], %mul3A_418 masked %and3A_384 {add = true} : memref<50048xf32, #tpu.memory_space<vmem>>[vector<16xi32>], vector<16xf32>, vector<16xi1>
      %mul3A_419 = arith.mulf %gather3A_374, %get3A_16 : vector<16xf32>
      %mul3A_420 = arith.mulf %gather3A_375, %get3A_20 : vector<16xf32>
      %add3A_421 = arith.addf %mul3A_419, %mul3A_420 : vector<16xf32>
      %gt3A_422 = arith.constant 0.000000e+00 : f32
      %gt3A_423 = vector.broadcast %gt3A_422 : f32 to vector<16xf32>
      %gt3A_424 = arith.cmpf ogt, %add3A_421, %gt3A_423 : vector<16xf32>
      %mul3A_425 = arith.constant 2.000000e-01 : f32
      %mul3A_426 = vector.broadcast %mul3A_425 : f32 to vector<16xf32>
      %mul3A_427 = arith.mulf %mul3A_426, %add3A_421 : vector<16xf32>
      %select_n3A_428 = arith.select %gt3A_424, %add3A_421, %mul3A_427 : vector<16xi1>, vector<16xf32>
      %add3A_429 = arith.addf %get3A_16, %get3A_20 : vector<16xf32>
      %mul3A_430 = arith.mulf %gather3A_375, %add3A_429 : vector<16xf32>
      %gt3A_431 = arith.constant 0.000000e+00 : f32
      %gt3A_432 = vector.broadcast %gt3A_431 : f32 to vector<16xf32>
      %gt3A_433 = arith.cmpf ogt, %mul3A_430, %gt3A_432 : vector<16xf32>
      %mul3A_434 = arith.constant 2.000000e-01 : f32
      %mul3A_435 = vector.broadcast %mul3A_434 : f32 to vector<16xf32>
      %mul3A_436 = arith.mulf %mul3A_435, %mul3A_430 : vector<16xf32>
      %select_n3A_437 = arith.select %gt3A_433, %mul3A_430, %mul3A_436 : vector<16xi1>, vector<16xf32>
      %sub3A_438 = arith.subf %select_n3A_428, %select_n3A_437 : vector<16xf32>
      %exp3A_439 = math.exp %sub3A_438 : vector<16xf32>
      %mul3A_440 = arith.constant 8 : i32
      %mul3A_441 = vector.broadcast %mul3A_440 : i32 to vector<16xi32>
      %mul3A_442 = arith.muli %select_n3A_387, %mul3A_441 : vector<16xi32>
      %add3A_443 = arith.constant 1 : i32
      %add3A_444 = vector.broadcast %add3A_443 : i32 to vector<16xi32>
      %add3A_445 = arith.addi %mul3A_442, %add3A_444 : vector<16xi32>
      tpu.vector_store_idx %arg13[%add3A_445], %exp3A_439 masked %and3A_384 {add = true} : memref<50048xf32, #tpu.memory_space<vmem>>[vector<16xi32>], vector<16xf32>, vector<16xi1>
      %add3A_446 = arith.constant 3 : i32
      %add3A_447 = vector.broadcast %add3A_446 : i32 to vector<16xi32>
      %add3A_448 = arith.addi %mul3A_442, %add3A_447 : vector<16xi32>
      %mul3A_449 = arith.mulf %exp3A_439, %gather3A_374 : vector<16xf32>
      tpu.vector_store_idx %arg13[%add3A_448], %mul3A_449 masked %and3A_384 {add = true} : memref<50048xf32, #tpu.memory_space<vmem>>[vector<16xi32>], vector<16xf32>, vector<16xi1>
      %get3A_450 = arith.constant 80 : index
      %get3A_451 = tpu.vector_load %arg11[%get3A_450] {strides = array<i32>} : memref<128xi32, #tpu.memory_space<vmem>>, vector<16xi32>,
      %get3A_452 = arith.constant 80 : index
      %get3A_453 = tpu.vector_load %arg12[%get3A_452] {strides = array<i32>} : memref<128xi32, #tpu.memory_space<vmem>>, vector<16xi32>,
      %gather3A_454 = tpu.vector_load_idx %arg10[%get3A_451] : memref<50048xf32, #tpu.memory_space<vmem>>[vector<16xi32>], vector<16xf32>,
      %gather3A_455 = tpu.vector_load_idx %arg10[%get3A_453] : memref<50048xf32, #tpu.memory_space<vmem>>[vector<16xi32>], vector<16xf32>,
      %sub3A_456 = vector.broadcast %mul3A_4 : i32 to vector<16xi32>
      %sub3A_457 = arith.subi %get3A_453, %sub3A_456 : vector<16xi32>
      %ge3A_458 = arith.constant 0 : i32
      %ge3A_459 = vector.broadcast %ge3A_458 : i32 to vector<16xi32>
      %ge3A_460 = arith.cmpi sge, %sub3A_457, %ge3A_459 : vector<16xi32>
      %lt3A_461 = arith.constant 6256 : i32
      %lt3A_462 = vector.broadcast %lt3A_461 : i32 to vector<16xi32>
      %lt3A_463 = arith.cmpi slt, %sub3A_457, %lt3A_462 : vector<16xi32>
      %and3A_464 = arith.andi %ge3A_460, %lt3A_463 : vector<16xi1>
      %jit3A_465 = arith.constant 0 : i32
      %broadcast_in_dim3A_466 = vector.broadcast %jit3A_465 : i32 to vector<16xi32>
      %select_n3A_467 = arith.select %and3A_464, %sub3A_457, %broadcast_in_dim3A_466 : vector<16xi1>, vector<16xi32>
      %mul3A_468 = arith.mulf %gather3A_454, %get3A_14 : vector<16xf32>
      %mul3A_469 = arith.mulf %gather3A_455, %get3A_18 : vector<16xf32>
      %add3A_470 = arith.addf %mul3A_468, %mul3A_469 : vector<16xf32>
      %gt3A_471 = arith.constant 0.000000e+00 : f32
      %gt3A_472 = vector.broadcast %gt3A_471 : f32 to vector<16xf32>
      %gt3A_473 = arith.cmpf ogt, %add3A_470, %gt3A_472 : vector<16xf32>
      %mul3A_474 = arith.constant 2.000000e-01 : f32
      %mul3A_475 = vector.broadcast %mul3A_474 : f32 to vector<16xf32>
      %mul3A_476 = arith.mulf %mul3A_475, %add3A_470 : vector<16xf32>
      %select_n3A_477 = arith.select %gt3A_473, %add3A_470, %mul3A_476 : vector<16xi1>, vector<16xf32>
      %add3A_478 = arith.addf %get3A_14, %get3A_18 : vector<16xf32>
      %mul3A_479 = arith.mulf %gather3A_455, %add3A_478 : vector<16xf32>
      %gt3A_480 = arith.constant 0.000000e+00 : f32
      %gt3A_481 = vector.broadcast %gt3A_480 : f32 to vector<16xf32>
      %gt3A_482 = arith.cmpf ogt, %mul3A_479, %gt3A_481 : vector<16xf32>
      %mul3A_483 = arith.constant 2.000000e-01 : f32
      %mul3A_484 = vector.broadcast %mul3A_483 : f32 to vector<16xf32>
      %mul3A_485 = arith.mulf %mul3A_484, %mul3A_479 : vector<16xf32>
      %select_n3A_486 = arith.select %gt3A_482, %mul3A_479, %mul3A_485 : vector<16xi1>, vector<16xf32>
      %sub3A_487 = arith.subf %select_n3A_477, %select_n3A_486 : vector<16xf32>
      %exp3A_488 = math.exp %sub3A_487 : vector<16xf32>
      %mul3A_489 = arith.constant 8 : i32
      %mul3A_490 = vector.broadcast %mul3A_489 : i32 to vector<16xi32>
      %mul3A_491 = arith.muli %select_n3A_467, %mul3A_490 : vector<16xi32>
      %add3A_492 = arith.constant 0 : i32
      %add3A_493 = vector.broadcast %add3A_492 : i32 to vector<16xi32>
      %add3A_494 = arith.addi %mul3A_491, %add3A_493 : vector<16xi32>
      tpu.vector_store_idx %arg13[%add3A_494], %exp3A_488 masked %and3A_464 {add = true} : memref<50048xf32, #tpu.memory_space<vmem>>[vector<16xi32>], vector<16xf32>, vector<16xi1>
      %add3A_495 = arith.constant 2 : i32
      %add3A_496 = vector.broadcast %add3A_495 : i32 to vector<16xi32>
      %add3A_497 = arith.addi %mul3A_491, %add3A_496 : vector<16xi32>
      %mul3A_498 = arith.mulf %exp3A_488, %gather3A_454 : vector<16xf32>
      tpu.vector_store_idx %arg13[%add3A_497], %mul3A_498 masked %and3A_464 {add = true} : memref<50048xf32, #tpu.memory_space<vmem>>[vector<16xi32>], vector<16xf32>, vector<16xi1>
      %mul3A_499 = arith.mulf %gather3A_454, %get3A_16 : vector<16xf32>
      %mul3A_500 = arith.mulf %gather3A_455, %get3A_20 : vector<16xf32>
      %add3A_501 = arith.addf %mul3A_499, %mul3A_500 : vector<16xf32>
      %gt3A_502 = arith.constant 0.000000e+00 : f32
      %gt3A_503 = vector.broadcast %gt3A_502 : f32 to vector<16xf32>
      %gt3A_504 = arith.cmpf ogt, %add3A_501, %gt3A_503 : vector<16xf32>
      %mul3A_505 = arith.constant 2.000000e-01 : f32
      %mul3A_506 = vector.broadcast %mul3A_505 : f32 to vector<16xf32>
      %mul3A_507 = arith.mulf %mul3A_506, %add3A_501 : vector<16xf32>
      %select_n3A_508 = arith.select %gt3A_504, %add3A_501, %mul3A_507 : vector<16xi1>, vector<16xf32>
      %add3A_509 = arith.addf %get3A_16, %get3A_20 : vector<16xf32>
      %mul3A_510 = arith.mulf %gather3A_455, %add3A_509 : vector<16xf32>
      %gt3A_511 = arith.constant 0.000000e+00 : f32
      %gt3A_512 = vector.broadcast %gt3A_511 : f32 to vector<16xf32>
      %gt3A_513 = arith.cmpf ogt, %mul3A_510, %gt3A_512 : vector<16xf32>
      %mul3A_514 = arith.constant 2.000000e-01 : f32
      %mul3A_515 = vector.broadcast %mul3A_514 : f32 to vector<16xf32>
      %mul3A_516 = arith.mulf %mul3A_515, %mul3A_510 : vector<16xf32>
      %select_n3A_517 = arith.select %gt3A_513, %mul3A_510, %mul3A_516 : vector<16xi1>, vector<16xf32>
      %sub3A_518 = arith.subf %select_n3A_508, %select_n3A_517 : vector<16xf32>
      %exp3A_519 = math.exp %sub3A_518 : vector<16xf32>
      %mul3A_520 = arith.constant 8 : i32
      %mul3A_521 = vector.broadcast %mul3A_520 : i32 to vector<16xi32>
      %mul3A_522 = arith.muli %select_n3A_467, %mul3A_521 : vector<16xi32>
      %add3A_523 = arith.constant 1 : i32
      %add3A_524 = vector.broadcast %add3A_523 : i32 to vector<16xi32>
      %add3A_525 = arith.addi %mul3A_522, %add3A_524 : vector<16xi32>
      tpu.vector_store_idx %arg13[%add3A_525], %exp3A_519 masked %and3A_464 {add = true} : memref<50048xf32, #tpu.memory_space<vmem>>[vector<16xi32>], vector<16xf32>, vector<16xi1>
      %add3A_526 = arith.constant 3 : i32
      %add3A_527 = vector.broadcast %add3A_526 : i32 to vector<16xi32>
      %add3A_528 = arith.addi %mul3A_522, %add3A_527 : vector<16xi32>
      %mul3A_529 = arith.mulf %exp3A_519, %gather3A_454 : vector<16xf32>
      tpu.vector_store_idx %arg13[%add3A_528], %mul3A_529 masked %and3A_464 {add = true} : memref<50048xf32, #tpu.memory_space<vmem>>[vector<16xi32>], vector<16xf32>, vector<16xi1>
      %get3A_530 = arith.constant 96 : index
      %get3A_531 = tpu.vector_load %arg11[%get3A_530] {strides = array<i32>} : memref<128xi32, #tpu.memory_space<vmem>>, vector<16xi32>,
      %get3A_532 = arith.constant 96 : index
      %get3A_533 = tpu.vector_load %arg12[%get3A_532] {strides = array<i32>} : memref<128xi32, #tpu.memory_space<vmem>>, vector<16xi32>,
      %gather3A_534 = tpu.vector_load_idx %arg10[%get3A_531] : memref<50048xf32, #tpu.memory_space<vmem>>[vector<16xi32>], vector<16xf32>,
      %gather3A_535 = tpu.vector_load_idx %arg10[%get3A_533] : memref<50048xf32, #tpu.memory_space<vmem>>[vector<16xi32>], vector<16xf32>,
      %sub3A_536 = vector.broadcast %mul3A_4 : i32 to vector<16xi32>
      %sub3A_537 = arith.subi %get3A_533, %sub3A_536 : vector<16xi32>
      %ge3A_538 = arith.constant 0 : i32
      %ge3A_539 = vector.broadcast %ge3A_538 : i32 to vector<16xi32>
      %ge3A_540 = arith.cmpi sge, %sub3A_537, %ge3A_539 : vector<16xi32>
      %lt3A_541 = arith.constant 6256 : i32
      %lt3A_542 = vector.broadcast %lt3A_541 : i32 to vector<16xi32>
      %lt3A_543 = arith.cmpi slt, %sub3A_537, %lt3A_542 : vector<16xi32>
      %and3A_544 = arith.andi %ge3A_540, %lt3A_543 : vector<16xi1>
      %jit3A_545 = arith.constant 0 : i32
      %broadcast_in_dim3A_546 = vector.broadcast %jit3A_545 : i32 to vector<16xi32>
      %select_n3A_547 = arith.select %and3A_544, %sub3A_537, %broadcast_in_dim3A_546 : vector<16xi1>, vector<16xi32>
      %mul3A_548 = arith.mulf %gather3A_534, %get3A_14 : vector<16xf32>
      %mul3A_549 = arith.mulf %gather3A_535, %get3A_18 : vector<16xf32>
      %add3A_550 = arith.addf %mul3A_548, %mul3A_549 : vector<16xf32>
      %gt3A_551 = arith.constant 0.000000e+00 : f32
      %gt3A_552 = vector.broadcast %gt3A_551 : f32 to vector<16xf32>
      %gt3A_553 = arith.cmpf ogt, %add3A_550, %gt3A_552 : vector<16xf32>
      %mul3A_554 = arith.constant 2.000000e-01 : f32
      %mul3A_555 = vector.broadcast %mul3A_554 : f32 to vector<16xf32>
      %mul3A_556 = arith.mulf %mul3A_555, %add3A_550 : vector<16xf32>
      %select_n3A_557 = arith.select %gt3A_553, %add3A_550, %mul3A_556 : vector<16xi1>, vector<16xf32>
      %add3A_558 = arith.addf %get3A_14, %get3A_18 : vector<16xf32>
      %mul3A_559 = arith.mulf %gather3A_535, %add3A_558 : vector<16xf32>
      %gt3A_560 = arith.constant 0.000000e+00 : f32
      %gt3A_561 = vector.broadcast %gt3A_560 : f32 to vector<16xf32>
      %gt3A_562 = arith.cmpf ogt, %mul3A_559, %gt3A_561 : vector<16xf32>
      %mul3A_563 = arith.constant 2.000000e-01 : f32
      %mul3A_564 = vector.broadcast %mul3A_563 : f32 to vector<16xf32>
      %mul3A_565 = arith.mulf %mul3A_564, %mul3A_559 : vector<16xf32>
      %select_n3A_566 = arith.select %gt3A_562, %mul3A_559, %mul3A_565 : vector<16xi1>, vector<16xf32>
      %sub3A_567 = arith.subf %select_n3A_557, %select_n3A_566 : vector<16xf32>
      %exp3A_568 = math.exp %sub3A_567 : vector<16xf32>
      %mul3A_569 = arith.constant 8 : i32
      %mul3A_570 = vector.broadcast %mul3A_569 : i32 to vector<16xi32>
      %mul3A_571 = arith.muli %select_n3A_547, %mul3A_570 : vector<16xi32>
      %add3A_572 = arith.constant 0 : i32
      %add3A_573 = vector.broadcast %add3A_572 : i32 to vector<16xi32>
      %add3A_574 = arith.addi %mul3A_571, %add3A_573 : vector<16xi32>
      tpu.vector_store_idx %arg13[%add3A_574], %exp3A_568 masked %and3A_544 {add = true} : memref<50048xf32, #tpu.memory_space<vmem>>[vector<16xi32>], vector<16xf32>, vector<16xi1>
      %add3A_575 = arith.constant 2 : i32
      %add3A_576 = vector.broadcast %add3A_575 : i32 to vector<16xi32>
      %add3A_577 = arith.addi %mul3A_571, %add3A_576 : vector<16xi32>
      %mul3A_578 = arith.mulf %exp3A_568, %gather3A_534 : vector<16xf32>
      tpu.vector_store_idx %arg13[%add3A_577], %mul3A_578 masked %and3A_544 {add = true} : memref<50048xf32, #tpu.memory_space<vmem>>[vector<16xi32>], vector<16xf32>, vector<16xi1>
      %mul3A_579 = arith.mulf %gather3A_534, %get3A_16 : vector<16xf32>
      %mul3A_580 = arith.mulf %gather3A_535, %get3A_20 : vector<16xf32>
      %add3A_581 = arith.addf %mul3A_579, %mul3A_580 : vector<16xf32>
      %gt3A_582 = arith.constant 0.000000e+00 : f32
      %gt3A_583 = vector.broadcast %gt3A_582 : f32 to vector<16xf32>
      %gt3A_584 = arith.cmpf ogt, %add3A_581, %gt3A_583 : vector<16xf32>
      %mul3A_585 = arith.constant 2.000000e-01 : f32
      %mul3A_586 = vector.broadcast %mul3A_585 : f32 to vector<16xf32>
      %mul3A_587 = arith.mulf %mul3A_586, %add3A_581 : vector<16xf32>
      %select_n3A_588 = arith.select %gt3A_584, %add3A_581, %mul3A_587 : vector<16xi1>, vector<16xf32>
      %add3A_589 = arith.addf %get3A_16, %get3A_20 : vector<16xf32>
      %mul3A_590 = arith.mulf %gather3A_535, %add3A_589 : vector<16xf32>
      %gt3A_591 = arith.constant 0.000000e+00 : f32
      %gt3A_592 = vector.broadcast %gt3A_591 : f32 to vector<16xf32>
      %gt3A_593 = arith.cmpf ogt, %mul3A_590, %gt3A_592 : vector<16xf32>
      %mul3A_594 = arith.constant 2.000000e-01 : f32
      %mul3A_595 = vector.broadcast %mul3A_594 : f32 to vector<16xf32>
      %mul3A_596 = arith.mulf %mul3A_595, %mul3A_590 : vector<16xf32>
      %select_n3A_597 = arith.select %gt3A_593, %mul3A_590, %mul3A_596 : vector<16xi1>, vector<16xf32>
      %sub3A_598 = arith.subf %select_n3A_588, %select_n3A_597 : vector<16xf32>
      %exp3A_599 = math.exp %sub3A_598 : vector<16xf32>
      %mul3A_600 = arith.constant 8 : i32
      %mul3A_601 = vector.broadcast %mul3A_600 : i32 to vector<16xi32>
      %mul3A_602 = arith.muli %select_n3A_547, %mul3A_601 : vector<16xi32>
      %add3A_603 = arith.constant 1 : i32
      %add3A_604 = vector.broadcast %add3A_603 : i32 to vector<16xi32>
      %add3A_605 = arith.addi %mul3A_602, %add3A_604 : vector<16xi32>
      tpu.vector_store_idx %arg13[%add3A_605], %exp3A_599 masked %and3A_544 {add = true} : memref<50048xf32, #tpu.memory_space<vmem>>[vector<16xi32>], vector<16xf32>, vector<16xi1>
      %add3A_606 = arith.constant 3 : i32
      %add3A_607 = vector.broadcast %add3A_606 : i32 to vector<16xi32>
      %add3A_608 = arith.addi %mul3A_602, %add3A_607 : vector<16xi32>
      %mul3A_609 = arith.mulf %exp3A_599, %gather3A_534 : vector<16xf32>
      tpu.vector_store_idx %arg13[%add3A_608], %mul3A_609 masked %and3A_544 {add = true} : memref<50048xf32, #tpu.memory_space<vmem>>[vector<16xi32>], vector<16xf32>, vector<16xi1>
      %get3A_610 = arith.constant 112 : index
      %get3A_611 = tpu.vector_load %arg11[%get3A_610] {strides = array<i32>} : memref<128xi32, #tpu.memory_space<vmem>>, vector<16xi32>,
      %get3A_612 = arith.constant 112 : index
      %get3A_613 = tpu.vector_load %arg12[%get3A_612] {strides = array<i32>} : memref<128xi32, #tpu.memory_space<vmem>>, vector<16xi32>,
      %gather3A_614 = tpu.vector_load_idx %arg10[%get3A_611] : memref<50048xf32, #tpu.memory_space<vmem>>[vector<16xi32>], vector<16xf32>,
      %gather3A_615 = tpu.vector_load_idx %arg10[%get3A_613] : memref<50048xf32, #tpu.memory_space<vmem>>[vector<16xi32>], vector<16xf32>,
      %sub3A_616 = vector.broadcast %mul3A_4 : i32 to vector<16xi32>
      %sub3A_617 = arith.subi %get3A_613, %sub3A_616 : vector<16xi32>
      %ge3A_618 = arith.constant 0 : i32
      %ge3A_619 = vector.broadcast %ge3A_618 : i32 to vector<16xi32>
      %ge3A_620 = arith.cmpi sge, %sub3A_617, %ge3A_619 : vector<16xi32>
      %lt3A_621 = arith.constant 6256 : i32
      %lt3A_622 = vector.broadcast %lt3A_621 : i32 to vector<16xi32>
      %lt3A_623 = arith.cmpi slt, %sub3A_617, %lt3A_622 : vector<16xi32>
      %and3A_624 = arith.andi %ge3A_620, %lt3A_623 : vector<16xi1>
      %jit3A_625 = arith.constant 0 : i32
      %broadcast_in_dim3A_626 = vector.broadcast %jit3A_625 : i32 to vector<16xi32>
      %select_n3A_627 = arith.select %and3A_624, %sub3A_617, %broadcast_in_dim3A_626 : vector<16xi1>, vector<16xi32>
      %mul3A_628 = arith.mulf %gather3A_614, %get3A_14 : vector<16xf32>
      %mul3A_629 = arith.mulf %gather3A_615, %get3A_18 : vector<16xf32>
      %add3A_630 = arith.addf %mul3A_628, %mul3A_629 : vector<16xf32>
      %gt3A_631 = arith.constant 0.000000e+00 : f32
      %gt3A_632 = vector.broadcast %gt3A_631 : f32 to vector<16xf32>
      %gt3A_633 = arith.cmpf ogt, %add3A_630, %gt3A_632 : vector<16xf32>
      %mul3A_634 = arith.constant 2.000000e-01 : f32
      %mul3A_635 = vector.broadcast %mul3A_634 : f32 to vector<16xf32>
      %mul3A_636 = arith.mulf %mul3A_635, %add3A_630 : vector<16xf32>
      %select_n3A_637 = arith.select %gt3A_633, %add3A_630, %mul3A_636 : vector<16xi1>, vector<16xf32>
      %add3A_638 = arith.addf %get3A_14, %get3A_18 : vector<16xf32>
      %mul3A_639 = arith.mulf %gather3A_615, %add3A_638 : vector<16xf32>
      %gt3A_640 = arith.constant 0.000000e+00 : f32
      %gt3A_641 = vector.broadcast %gt3A_640 : f32 to vector<16xf32>
      %gt3A_642 = arith.cmpf ogt, %mul3A_639, %gt3A_641 : vector<16xf32>
      %mul3A_643 = arith.constant 2.000000e-01 : f32
      %mul3A_644 = vector.broadcast %mul3A_643 : f32 to vector<16xf32>
      %mul3A_645 = arith.mulf %mul3A_644, %mul3A_639 : vector<16xf32>
      %select_n3A_646 = arith.select %gt3A_642, %mul3A_639, %mul3A_645 : vector<16xi1>, vector<16xf32>
      %sub3A_647 = arith.subf %select_n3A_637, %select_n3A_646 : vector<16xf32>
      %exp3A_648 = math.exp %sub3A_647 : vector<16xf32>
      %mul3A_649 = arith.constant 8 : i32
      %mul3A_650 = vector.broadcast %mul3A_649 : i32 to vector<16xi32>
      %mul3A_651 = arith.muli %select_n3A_627, %mul3A_650 : vector<16xi32>
      %add3A_652 = arith.constant 0 : i32
      %add3A_653 = vector.broadcast %add3A_652 : i32 to vector<16xi32>
      %add3A_654 = arith.addi %mul3A_651, %add3A_653 : vector<16xi32>
      tpu.vector_store_idx %arg13[%add3A_654], %exp3A_648 masked %and3A_624 {add = true} : memref<50048xf32, #tpu.memory_space<vmem>>[vector<16xi32>], vector<16xf32>, vector<16xi1>
      %add3A_655 = arith.constant 2 : i32
      %add3A_656 = vector.broadcast %add3A_655 : i32 to vector<16xi32>
      %add3A_657 = arith.addi %mul3A_651, %add3A_656 : vector<16xi32>
      %mul3A_658 = arith.mulf %exp3A_648, %gather3A_614 : vector<16xf32>
      tpu.vector_store_idx %arg13[%add3A_657], %mul3A_658 masked %and3A_624 {add = true} : memref<50048xf32, #tpu.memory_space<vmem>>[vector<16xi32>], vector<16xf32>, vector<16xi1>
      %mul3A_659 = arith.mulf %gather3A_614, %get3A_16 : vector<16xf32>
      %mul3A_660 = arith.mulf %gather3A_615, %get3A_20 : vector<16xf32>
      %add3A_661 = arith.addf %mul3A_659, %mul3A_660 : vector<16xf32>
      %gt3A_662 = arith.constant 0.000000e+00 : f32
      %gt3A_663 = vector.broadcast %gt3A_662 : f32 to vector<16xf32>
      %gt3A_664 = arith.cmpf ogt, %add3A_661, %gt3A_663 : vector<16xf32>
      %mul3A_665 = arith.constant 2.000000e-01 : f32
      %mul3A_666 = vector.broadcast %mul3A_665 : f32 to vector<16xf32>
      %mul3A_667 = arith.mulf %mul3A_666, %add3A_661 : vector<16xf32>
      %select_n3A_668 = arith.select %gt3A_664, %add3A_661, %mul3A_667 : vector<16xi1>, vector<16xf32>
      %add3A_669 = arith.addf %get3A_16, %get3A_20 : vector<16xf32>
      %mul3A_670 = arith.mulf %gather3A_615, %add3A_669 : vector<16xf32>
      %gt3A_671 = arith.constant 0.000000e+00 : f32
      %gt3A_672 = vector.broadcast %gt3A_671 : f32 to vector<16xf32>
      %gt3A_673 = arith.cmpf ogt, %mul3A_670, %gt3A_672 : vector<16xf32>
      %mul3A_674 = arith.constant 2.000000e-01 : f32
      %mul3A_675 = vector.broadcast %mul3A_674 : f32 to vector<16xf32>
      %mul3A_676 = arith.mulf %mul3A_675, %mul3A_670 : vector<16xf32>
      %select_n3A_677 = arith.select %gt3A_673, %mul3A_670, %mul3A_676 : vector<16xi1>, vector<16xf32>
      %sub3A_678 = arith.subf %select_n3A_668, %select_n3A_677 : vector<16xf32>
      %exp3A_679 = math.exp %sub3A_678 : vector<16xf32>
      %mul3A_680 = arith.constant 8 : i32
      %mul3A_681 = vector.broadcast %mul3A_680 : i32 to vector<16xi32>
      %mul3A_682 = arith.muli %select_n3A_627, %mul3A_681 : vector<16xi32>
      %add3A_683 = arith.constant 1 : i32
      %add3A_684 = vector.broadcast %add3A_683 : i32 to vector<16xi32>
      %add3A_685 = arith.addi %mul3A_682, %add3A_684 : vector<16xi32>
      tpu.vector_store_idx %arg13[%add3A_685], %exp3A_679 masked %and3A_624 {add = true} : memref<50048xf32, #tpu.memory_space<vmem>>[vector<16xi32>], vector<16xf32>, vector<16xi1>
      %add3A_686 = arith.constant 3 : i32
      %add3A_687 = vector.broadcast %add3A_686 : i32 to vector<16xi32>
      %add3A_688 = arith.addi %mul3A_682, %add3A_687 : vector<16xi32>
      %mul3A_689 = arith.mulf %exp3A_679, %gather3A_614 : vector<16xf32>
      tpu.vector_store_idx %arg13[%add3A_688], %mul3A_689 masked %and3A_624 {add = true} : memref<50048xf32, #tpu.memory_space<vmem>>[vector<16xi32>], vector<16xf32>, vector<16xi1>
    }
    %while3A_32 = arith.constant 1 : i32
    scf.for %while3A_51 = %while3A_30 to %while3A_26 step %while3A_32  : i32 {
      %mul3A_52 = arith.constant 4 : i32
      %mul3A_53 = arith.muli %mul3A_52, %while3A_51 : i32
      %add3A_54 = arith.addi %and3A_1, %mul3A_53 : i32
      %mul3A_55 = arith.constant 128 : i32
      %mul3A_56 = arith.muli %add3A_54, %mul3A_55 : i32
      "tpu.region"() ({
        %run_scoped3A_690 = tpu.sem_alloc : memref<!tpu.dma_semaphore, #tpu.memory_space<semaphore_mem>>
        %dma_start3A = tpu.memref_slice %arg3[%mul3A_56] : memref<800000xi32, #tpu.memory_space<hbm>> -> memref<128xi32, #tpu.memory_space<hbm>>
        %dma_start3A_691 = tpu.memref_slice %arg3[%mul3A_56] : memref<800000xi32, #tpu.memory_space<hbm>> -> memref<128xi32, #tpu.memory_space<hbm>>
        tpu.enqueue_dma source(%dma_start3A_691 : memref<128xi32, #tpu.memory_space<hbm>>) target(%arg11 : memref<128xi32, #tpu.memory_space<vmem>>) target_semaphore(%run_scoped3A_690 : memref<!tpu.dma_semaphore, #tpu.memory_space<semaphore_mem>>)
        %dma_wait3A = tpu.memref_slice %arg3[%mul3A_56] : memref<800000xi32, #tpu.memory_space<hbm>> -> memref<128xi32, #tpu.memory_space<hbm>>
        %dma_wait3A_692 = tpu.memref_slice %arg3[%mul3A_56] : memref<800000xi32, #tpu.memory_space<hbm>> -> memref<128xi32, #tpu.memory_space<hbm>>
        tpu.wait_dma2 semaphore(%run_scoped3A_690 : memref<!tpu.dma_semaphore, #tpu.memory_space<semaphore_mem>>) src(%dma_wait3A_692 : memref<128xi32, #tpu.memory_space<hbm>>) dst(%arg11 : memref<128xi32, #tpu.memory_space<vmem>>)
        tpu.yield
      }) : () -> ()
      "tpu.region"() ({
        %run_scoped3A_690 = tpu.sem_alloc : memref<!tpu.dma_semaphore, #tpu.memory_space<semaphore_mem>>
        %dma_start3A = tpu.memref_slice %arg4[%mul3A_56] : memref<800000xi32, #tpu.memory_space<hbm>> -> memref<128xi32, #tpu.memory_space<hbm>>
        %dma_start3A_691 = tpu.memref_slice %arg4[%mul3A_56] : memref<800000xi32, #tpu.memory_space<hbm>> -> memref<128xi32, #tpu.memory_space<hbm>>
        tpu.enqueue_dma source(%dma_start3A_691 : memref<128xi32, #tpu.memory_space<hbm>>) target(%arg12 : memref<128xi32, #tpu.memory_space<vmem>>) target_semaphore(%run_scoped3A_690 : memref<!tpu.dma_semaphore, #tpu.memory_space<semaphore_mem>>)
        %dma_wait3A = tpu.memref_slice %arg4[%mul3A_56] : memref<800000xi32, #tpu.memory_space<hbm>> -> memref<128xi32, #tpu.memory_space<hbm>>
        %dma_wait3A_692 = tpu.memref_slice %arg4[%mul3A_56] : memref<800000xi32, #tpu.memory_space<hbm>> -> memref<128xi32, #tpu.memory_space<hbm>>
        tpu.wait_dma2 semaphore(%run_scoped3A_690 : memref<!tpu.dma_semaphore, #tpu.memory_space<semaphore_mem>>) src(%dma_wait3A_692 : memref<128xi32, #tpu.memory_space<hbm>>) dst(%arg12 : memref<128xi32, #tpu.memory_space<vmem>>)
        tpu.yield
      }) : () -> ()
      %get3A_57 = arith.constant 0 : index
      %get3A_58 = tpu.vector_load %arg11[%get3A_57] {strides = array<i32>} : memref<128xi32, #tpu.memory_space<vmem>>, vector<16xi32>,
      %get3A_59 = arith.constant 0 : index
      %get3A_60 = tpu.vector_load %arg12[%get3A_59] {strides = array<i32>} : memref<128xi32, #tpu.memory_space<vmem>>, vector<16xi32>,
      %gather3A = tpu.vector_load_idx %arg10[%get3A_58] : memref<50048xf32, #tpu.memory_space<vmem>>[vector<16xi32>], vector<16xf32>,
      %gather3A_61 = tpu.vector_load_idx %arg10[%get3A_60] : memref<50048xf32, #tpu.memory_space<vmem>>[vector<16xi32>], vector<16xf32>,
      %sub3A = vector.broadcast %mul3A_4 : i32 to vector<16xi32>
      %sub3A_62 = arith.subi %get3A_60, %sub3A : vector<16xi32>
      %ge3A = arith.constant 0 : i32
      %ge3A_63 = vector.broadcast %ge3A : i32 to vector<16xi32>
      %ge3A_64 = arith.cmpi sge, %sub3A_62, %ge3A_63 : vector<16xi32>
      %lt3A_65 = arith.constant 6256 : i32
      %lt3A_66 = vector.broadcast %lt3A_65 : i32 to vector<16xi32>
      %lt3A_67 = arith.cmpi slt, %sub3A_62, %lt3A_66 : vector<16xi32>
      %and3A_68 = arith.andi %ge3A_64, %lt3A_67 : vector<16xi1>
      %jit3A = arith.constant 0 : i32
      %broadcast_in_dim3A_69 = vector.broadcast %jit3A : i32 to vector<16xi32>
      %select_n3A = arith.select %and3A_68, %sub3A_62, %broadcast_in_dim3A_69 : vector<16xi1>, vector<16xi32>
      %mul3A_70 = arith.mulf %gather3A, %get3A_14 : vector<16xf32>
      %mul3A_71 = arith.mulf %gather3A_61, %get3A_18 : vector<16xf32>
      %add3A_72 = arith.addf %mul3A_70, %mul3A_71 : vector<16xf32>
      %gt3A = arith.constant 0.000000e+00 : f32
      %gt3A_73 = vector.broadcast %gt3A : f32 to vector<16xf32>
      %gt3A_74 = arith.cmpf ogt, %add3A_72, %gt3A_73 : vector<16xf32>
      %mul3A_75 = arith.constant 2.000000e-01 : f32
      %mul3A_76 = vector.broadcast %mul3A_75 : f32 to vector<16xf32>
      %mul3A_77 = arith.mulf %mul3A_76, %add3A_72 : vector<16xf32>
      %select_n3A_78 = arith.select %gt3A_74, %add3A_72, %mul3A_77 : vector<16xi1>, vector<16xf32>
      %add3A_79 = arith.addf %get3A_14, %get3A_18 : vector<16xf32>
      %mul3A_80 = arith.mulf %gather3A_61, %add3A_79 : vector<16xf32>
      %gt3A_81 = arith.constant 0.000000e+00 : f32
      %gt3A_82 = vector.broadcast %gt3A_81 : f32 to vector<16xf32>
      %gt3A_83 = arith.cmpf ogt, %mul3A_80, %gt3A_82 : vector<16xf32>
      %mul3A_84 = arith.constant 2.000000e-01 : f32
      %mul3A_85 = vector.broadcast %mul3A_84 : f32 to vector<16xf32>
      %mul3A_86 = arith.mulf %mul3A_85, %mul3A_80 : vector<16xf32>
      %select_n3A_87 = arith.select %gt3A_83, %mul3A_80, %mul3A_86 : vector<16xi1>, vector<16xf32>
      %sub3A_88 = arith.subf %select_n3A_78, %select_n3A_87 : vector<16xf32>
      %exp3A = math.exp %sub3A_88 : vector<16xf32>
      %mul3A_89 = arith.constant 8 : i32
      %mul3A_90 = vector.broadcast %mul3A_89 : i32 to vector<16xi32>
      %mul3A_91 = arith.muli %select_n3A, %mul3A_90 : vector<16xi32>
      %add3A_92 = arith.constant 0 : i32
      %add3A_93 = vector.broadcast %add3A_92 : i32 to vector<16xi32>
      %add3A_94 = arith.addi %mul3A_91, %add3A_93 : vector<16xi32>
      tpu.vector_store_idx %arg13[%add3A_94], %exp3A masked %and3A_68 {add = true} : memref<50048xf32, #tpu.memory_space<vmem>>[vector<16xi32>], vector<16xf32>, vector<16xi1>
      %add3A_95 = arith.constant 2 : i32
      %add3A_96 = vector.broadcast %add3A_95 : i32 to vector<16xi32>
      %add3A_97 = arith.addi %mul3A_91, %add3A_96 : vector<16xi32>
      %mul3A_98 = arith.mulf %exp3A, %gather3A : vector<16xf32>
      tpu.vector_store_idx %arg13[%add3A_97], %mul3A_98 masked %and3A_68 {add = true} : memref<50048xf32, #tpu.memory_space<vmem>>[vector<16xi32>], vector<16xf32>, vector<16xi1>
      %mul3A_99 = arith.mulf %gather3A, %get3A_16 : vector<16xf32>
      %mul3A_100 = arith.mulf %gather3A_61, %get3A_20 : vector<16xf32>
      %add3A_101 = arith.addf %mul3A_99, %mul3A_100 : vector<16xf32>
      %gt3A_102 = arith.constant 0.000000e+00 : f32
      %gt3A_103 = vector.broadcast %gt3A_102 : f32 to vector<16xf32>
      %gt3A_104 = arith.cmpf ogt, %add3A_101, %gt3A_103 : vector<16xf32>
      %mul3A_105 = arith.constant 2.000000e-01 : f32
      %mul3A_106 = vector.broadcast %mul3A_105 : f32 to vector<16xf32>
      %mul3A_107 = arith.mulf %mul3A_106, %add3A_101 : vector<16xf32>
      %select_n3A_108 = arith.select %gt3A_104, %add3A_101, %mul3A_107 : vector<16xi1>, vector<16xf32>
      %add3A_109 = arith.addf %get3A_16, %get3A_20 : vector<16xf32>
      %mul3A_110 = arith.mulf %gather3A_61, %add3A_109 : vector<16xf32>
      %gt3A_111 = arith.constant 0.000000e+00 : f32
      %gt3A_112 = vector.broadcast %gt3A_111 : f32 to vector<16xf32>
      %gt3A_113 = arith.cmpf ogt, %mul3A_110, %gt3A_112 : vector<16xf32>
      %mul3A_114 = arith.constant 2.000000e-01 : f32
      %mul3A_115 = vector.broadcast %mul3A_114 : f32 to vector<16xf32>
      %mul3A_116 = arith.mulf %mul3A_115, %mul3A_110 : vector<16xf32>
      %select_n3A_117 = arith.select %gt3A_113, %mul3A_110, %mul3A_116 : vector<16xi1>, vector<16xf32>
      %sub3A_118 = arith.subf %select_n3A_108, %select_n3A_117 : vector<16xf32>
      %exp3A_119 = math.exp %sub3A_118 : vector<16xf32>
      %mul3A_120 = arith.constant 8 : i32
      %mul3A_121 = vector.broadcast %mul3A_120 : i32 to vector<16xi32>
      %mul3A_122 = arith.muli %select_n3A, %mul3A_121 : vector<16xi32>
      %add3A_123 = arith.constant 1 : i32
      %add3A_124 = vector.broadcast %add3A_123 : i32 to vector<16xi32>
      %add3A_125 = arith.addi %mul3A_122, %add3A_124 : vector<16xi32>
      tpu.vector_store_idx %arg13[%add3A_125], %exp3A_119 masked %and3A_68 {add = true} : memref<50048xf32, #tpu.memory_space<vmem>>[vector<16xi32>], vector<16xf32>, vector<16xi1>
      %add3A_126 = arith.constant 3 : i32
      %add3A_127 = vector.broadcast %add3A_126 : i32 to vector<16xi32>
      %add3A_128 = arith.addi %mul3A_122, %add3A_127 : vector<16xi32>
      %mul3A_129 = arith.mulf %exp3A_119, %gather3A : vector<16xf32>
      tpu.vector_store_idx %arg13[%add3A_128], %mul3A_129 masked %and3A_68 {add = true} : memref<50048xf32, #tpu.memory_space<vmem>>[vector<16xi32>], vector<16xf32>, vector<16xi1>
      %get3A_130 = arith.constant 16 : index
      %get3A_131 = tpu.vector_load %arg11[%get3A_130] {strides = array<i32>} : memref<128xi32, #tpu.memory_space<vmem>>, vector<16xi32>,
      %get3A_132 = arith.constant 16 : index
      %get3A_133 = tpu.vector_load %arg12[%get3A_132] {strides = array<i32>} : memref<128xi32, #tpu.memory_space<vmem>>, vector<16xi32>,
      %gather3A_134 = tpu.vector_load_idx %arg10[%get3A_131] : memref<50048xf32, #tpu.memory_space<vmem>>[vector<16xi32>], vector<16xf32>,
      %gather3A_135 = tpu.vector_load_idx %arg10[%get3A_133] : memref<50048xf32, #tpu.memory_space<vmem>>[vector<16xi32>], vector<16xf32>,
      %sub3A_136 = vector.broadcast %mul3A_4 : i32 to vector<16xi32>
      %sub3A_137 = arith.subi %get3A_133, %sub3A_136 : vector<16xi32>
      %ge3A_138 = arith.constant 0 : i32
      %ge3A_139 = vector.broadcast %ge3A_138 : i32 to vector<16xi32>
      %ge3A_140 = arith.cmpi sge, %sub3A_137, %ge3A_139 : vector<16xi32>
      %lt3A_141 = arith.constant 6256 : i32
      %lt3A_142 = vector.broadcast %lt3A_141 : i32 to vector<16xi32>
      %lt3A_143 = arith.cmpi slt, %sub3A_137, %lt3A_142 : vector<16xi32>
      %and3A_144 = arith.andi %ge3A_140, %lt3A_143 : vector<16xi1>
      %jit3A_145 = arith.constant 0 : i32
      %broadcast_in_dim3A_146 = vector.broadcast %jit3A_145 : i32 to vector<16xi32>
      %select_n3A_147 = arith.select %and3A_144, %sub3A_137, %broadcast_in_dim3A_146 : vector<16xi1>, vector<16xi32>
      %mul3A_148 = arith.mulf %gather3A_134, %get3A_14 : vector<16xf32>
      %mul3A_149 = arith.mulf %gather3A_135, %get3A_18 : vector<16xf32>
      %add3A_150 = arith.addf %mul3A_148, %mul3A_149 : vector<16xf32>
      %gt3A_151 = arith.constant 0.000000e+00 : f32
      %gt3A_152 = vector.broadcast %gt3A_151 : f32 to vector<16xf32>
      %gt3A_153 = arith.cmpf ogt, %add3A_150, %gt3A_152 : vector<16xf32>
      %mul3A_154 = arith.constant 2.000000e-01 : f32
      %mul3A_155 = vector.broadcast %mul3A_154 : f32 to vector<16xf32>
      %mul3A_156 = arith.mulf %mul3A_155, %add3A_150 : vector<16xf32>
      %select_n3A_157 = arith.select %gt3A_153, %add3A_150, %mul3A_156 : vector<16xi1>, vector<16xf32>
      %add3A_158 = arith.addf %get3A_14, %get3A_18 : vector<16xf32>
      %mul3A_159 = arith.mulf %gather3A_135, %add3A_158 : vector<16xf32>
      %gt3A_160 = arith.constant 0.000000e+00 : f32
      %gt3A_161 = vector.broadcast %gt3A_160 : f32 to vector<16xf32>
      %gt3A_162 = arith.cmpf ogt, %mul3A_159, %gt3A_161 : vector<16xf32>
      %mul3A_163 = arith.constant 2.000000e-01 : f32
      %mul3A_164 = vector.broadcast %mul3A_163 : f32 to vector<16xf32>
      %mul3A_165 = arith.mulf %mul3A_164, %mul3A_159 : vector<16xf32>
      %select_n3A_166 = arith.select %gt3A_162, %mul3A_159, %mul3A_165 : vector<16xi1>, vector<16xf32>
      %sub3A_167 = arith.subf %select_n3A_157, %select_n3A_166 : vector<16xf32>
      %exp3A_168 = math.exp %sub3A_167 : vector<16xf32>
      %mul3A_169 = arith.constant 8 : i32
      %mul3A_170 = vector.broadcast %mul3A_169 : i32 to vector<16xi32>
      %mul3A_171 = arith.muli %select_n3A_147, %mul3A_170 : vector<16xi32>
      %add3A_172 = arith.constant 0 : i32
      %add3A_173 = vector.broadcast %add3A_172 : i32 to vector<16xi32>
      %add3A_174 = arith.addi %mul3A_171, %add3A_173 : vector<16xi32>
      tpu.vector_store_idx %arg13[%add3A_174], %exp3A_168 masked %and3A_144 {add = true} : memref<50048xf32, #tpu.memory_space<vmem>>[vector<16xi32>], vector<16xf32>, vector<16xi1>
      %add3A_175 = arith.constant 2 : i32
      %add3A_176 = vector.broadcast %add3A_175 : i32 to vector<16xi32>
      %add3A_177 = arith.addi %mul3A_171, %add3A_176 : vector<16xi32>
      %mul3A_178 = arith.mulf %exp3A_168, %gather3A_134 : vector<16xf32>
      tpu.vector_store_idx %arg13[%add3A_177], %mul3A_178 masked %and3A_144 {add = true} : memref<50048xf32, #tpu.memory_space<vmem>>[vector<16xi32>], vector<16xf32>, vector<16xi1>
      %mul3A_179 = arith.mulf %gather3A_134, %get3A_16 : vector<16xf32>
      %mul3A_180 = arith.mulf %gather3A_135, %get3A_20 : vector<16xf32>
      %add3A_181 = arith.addf %mul3A_179, %mul3A_180 : vector<16xf32>
      %gt3A_182 = arith.constant 0.000000e+00 : f32
      %gt3A_183 = vector.broadcast %gt3A_182 : f32 to vector<16xf32>
      %gt3A_184 = arith.cmpf ogt, %add3A_181, %gt3A_183 : vector<16xf32>
      %mul3A_185 = arith.constant 2.000000e-01 : f32
      %mul3A_186 = vector.broadcast %mul3A_185 : f32 to vector<16xf32>
      %mul3A_187 = arith.mulf %mul3A_186, %add3A_181 : vector<16xf32>
      %select_n3A_188 = arith.select %gt3A_184, %add3A_181, %mul3A_187 : vector<16xi1>, vector<16xf32>
      %add3A_189 = arith.addf %get3A_16, %get3A_20 : vector<16xf32>
      %mul3A_190 = arith.mulf %gather3A_135, %add3A_189 : vector<16xf32>
      %gt3A_191 = arith.constant 0.000000e+00 : f32
      %gt3A_192 = vector.broadcast %gt3A_191 : f32 to vector<16xf32>
      %gt3A_193 = arith.cmpf ogt, %mul3A_190, %gt3A_192 : vector<16xf32>
      %mul3A_194 = arith.constant 2.000000e-01 : f32
      %mul3A_195 = vector.broadcast %mul3A_194 : f32 to vector<16xf32>
      %mul3A_196 = arith.mulf %mul3A_195, %mul3A_190 : vector<16xf32>
      %select_n3A_197 = arith.select %gt3A_193, %mul3A_190, %mul3A_196 : vector<16xi1>, vector<16xf32>
      %sub3A_198 = arith.subf %select_n3A_188, %select_n3A_197 : vector<16xf32>
      %exp3A_199 = math.exp %sub3A_198 : vector<16xf32>
      %mul3A_200 = arith.constant 8 : i32
      %mul3A_201 = vector.broadcast %mul3A_200 : i32 to vector<16xi32>
      %mul3A_202 = arith.muli %select_n3A_147, %mul3A_201 : vector<16xi32>
      %add3A_203 = arith.constant 1 : i32
      %add3A_204 = vector.broadcast %add3A_203 : i32 to vector<16xi32>
      %add3A_205 = arith.addi %mul3A_202, %add3A_204 : vector<16xi32>
      tpu.vector_store_idx %arg13[%add3A_205], %exp3A_199 masked %and3A_144 {add = true} : memref<50048xf32, #tpu.memory_space<vmem>>[vector<16xi32>], vector<16xf32>, vector<16xi1>
      %add3A_206 = arith.constant 3 : i32
      %add3A_207 = vector.broadcast %add3A_206 : i32 to vector<16xi32>
      %add3A_208 = arith.addi %mul3A_202, %add3A_207 : vector<16xi32>
      %mul3A_209 = arith.mulf %exp3A_199, %gather3A_134 : vector<16xf32>
      tpu.vector_store_idx %arg13[%add3A_208], %mul3A_209 masked %and3A_144 {add = true} : memref<50048xf32, #tpu.memory_space<vmem>>[vector<16xi32>], vector<16xf32>, vector<16xi1>
      %get3A_210 = arith.constant 32 : index
      %get3A_211 = tpu.vector_load %arg11[%get3A_210] {strides = array<i32>} : memref<128xi32, #tpu.memory_space<vmem>>, vector<16xi32>,
      %get3A_212 = arith.constant 32 : index
      %get3A_213 = tpu.vector_load %arg12[%get3A_212] {strides = array<i32>} : memref<128xi32, #tpu.memory_space<vmem>>, vector<16xi32>,
      %gather3A_214 = tpu.vector_load_idx %arg10[%get3A_211] : memref<50048xf32, #tpu.memory_space<vmem>>[vector<16xi32>], vector<16xf32>,
      %gather3A_215 = tpu.vector_load_idx %arg10[%get3A_213] : memref<50048xf32, #tpu.memory_space<vmem>>[vector<16xi32>], vector<16xf32>,
      %sub3A_216 = vector.broadcast %mul3A_4 : i32 to vector<16xi32>
      %sub3A_217 = arith.subi %get3A_213, %sub3A_216 : vector<16xi32>
      %ge3A_218 = arith.constant 0 : i32
      %ge3A_219 = vector.broadcast %ge3A_218 : i32 to vector<16xi32>
      %ge3A_220 = arith.cmpi sge, %sub3A_217, %ge3A_219 : vector<16xi32>
      %lt3A_221 = arith.constant 6256 : i32
      %lt3A_222 = vector.broadcast %lt3A_221 : i32 to vector<16xi32>
      %lt3A_223 = arith.cmpi slt, %sub3A_217, %lt3A_222 : vector<16xi32>
      %and3A_224 = arith.andi %ge3A_220, %lt3A_223 : vector<16xi1>
      %jit3A_225 = arith.constant 0 : i32
      %broadcast_in_dim3A_226 = vector.broadcast %jit3A_225 : i32 to vector<16xi32>
      %select_n3A_227 = arith.select %and3A_224, %sub3A_217, %broadcast_in_dim3A_226 : vector<16xi1>, vector<16xi32>
      %mul3A_228 = arith.mulf %gather3A_214, %get3A_14 : vector<16xf32>
      %mul3A_229 = arith.mulf %gather3A_215, %get3A_18 : vector<16xf32>
      %add3A_230 = arith.addf %mul3A_228, %mul3A_229 : vector<16xf32>
      %gt3A_231 = arith.constant 0.000000e+00 : f32
      %gt3A_232 = vector.broadcast %gt3A_231 : f32 to vector<16xf32>
      %gt3A_233 = arith.cmpf ogt, %add3A_230, %gt3A_232 : vector<16xf32>
      %mul3A_234 = arith.constant 2.000000e-01 : f32
      %mul3A_235 = vector.broadcast %mul3A_234 : f32 to vector<16xf32>
      %mul3A_236 = arith.mulf %mul3A_235, %add3A_230 : vector<16xf32>
      %select_n3A_237 = arith.select %gt3A_233, %add3A_230, %mul3A_236 : vector<16xi1>, vector<16xf32>
      %add3A_238 = arith.addf %get3A_14, %get3A_18 : vector<16xf32>
      %mul3A_239 = arith.mulf %gather3A_215, %add3A_238 : vector<16xf32>
      %gt3A_240 = arith.constant 0.000000e+00 : f32
      %gt3A_241 = vector.broadcast %gt3A_240 : f32 to vector<16xf32>
      %gt3A_242 = arith.cmpf ogt, %mul3A_239, %gt3A_241 : vector<16xf32>
      %mul3A_243 = arith.constant 2.000000e-01 : f32
      %mul3A_244 = vector.broadcast %mul3A_243 : f32 to vector<16xf32>
      %mul3A_245 = arith.mulf %mul3A_244, %mul3A_239 : vector<16xf32>
      %select_n3A_246 = arith.select %gt3A_242, %mul3A_239, %mul3A_245 : vector<16xi1>, vector<16xf32>
      %sub3A_247 = arith.subf %select_n3A_237, %select_n3A_246 : vector<16xf32>
      %exp3A_248 = math.exp %sub3A_247 : vector<16xf32>
      %mul3A_249 = arith.constant 8 : i32
      %mul3A_250 = vector.broadcast %mul3A_249 : i32 to vector<16xi32>
      %mul3A_251 = arith.muli %select_n3A_227, %mul3A_250 : vector<16xi32>
      %add3A_252 = arith.constant 0 : i32
      %add3A_253 = vector.broadcast %add3A_252 : i32 to vector<16xi32>
      %add3A_254 = arith.addi %mul3A_251, %add3A_253 : vector<16xi32>
      tpu.vector_store_idx %arg13[%add3A_254], %exp3A_248 masked %and3A_224 {add = true} : memref<50048xf32, #tpu.memory_space<vmem>>[vector<16xi32>], vector<16xf32>, vector<16xi1>
      %add3A_255 = arith.constant 2 : i32
      %add3A_256 = vector.broadcast %add3A_255 : i32 to vector<16xi32>
      %add3A_257 = arith.addi %mul3A_251, %add3A_256 : vector<16xi32>
      %mul3A_258 = arith.mulf %exp3A_248, %gather3A_214 : vector<16xf32>
      tpu.vector_store_idx %arg13[%add3A_257], %mul3A_258 masked %and3A_224 {add = true} : memref<50048xf32, #tpu.memory_space<vmem>>[vector<16xi32>], vector<16xf32>, vector<16xi1>
      %mul3A_259 = arith.mulf %gather3A_214, %get3A_16 : vector<16xf32>
      %mul3A_260 = arith.mulf %gather3A_215, %get3A_20 : vector<16xf32>
      %add3A_261 = arith.addf %mul3A_259, %mul3A_260 : vector<16xf32>
      %gt3A_262 = arith.constant 0.000000e+00 : f32
      %gt3A_263 = vector.broadcast %gt3A_262 : f32 to vector<16xf32>
      %gt3A_264 = arith.cmpf ogt, %add3A_261, %gt3A_263 : vector<16xf32>
      %mul3A_265 = arith.constant 2.000000e-01 : f32
      %mul3A_266 = vector.broadcast %mul3A_265 : f32 to vector<16xf32>
      %mul3A_267 = arith.mulf %mul3A_266, %add3A_261 : vector<16xf32>
      %select_n3A_268 = arith.select %gt3A_264, %add3A_261, %mul3A_267 : vector<16xi1>, vector<16xf32>
      %add3A_269 = arith.addf %get3A_16, %get3A_20 : vector<16xf32>
      %mul3A_270 = arith.mulf %gather3A_215, %add3A_269 : vector<16xf32>
      %gt3A_271 = arith.constant 0.000000e+00 : f32
      %gt3A_272 = vector.broadcast %gt3A_271 : f32 to vector<16xf32>
      %gt3A_273 = arith.cmpf ogt, %mul3A_270, %gt3A_272 : vector<16xf32>
      %mul3A_274 = arith.constant 2.000000e-01 : f32
      %mul3A_275 = vector.broadcast %mul3A_274 : f32 to vector<16xf32>
      %mul3A_276 = arith.mulf %mul3A_275, %mul3A_270 : vector<16xf32>
      %select_n3A_277 = arith.select %gt3A_273, %mul3A_270, %mul3A_276 : vector<16xi1>, vector<16xf32>
      %sub3A_278 = arith.subf %select_n3A_268, %select_n3A_277 : vector<16xf32>
      %exp3A_279 = math.exp %sub3A_278 : vector<16xf32>
      %mul3A_280 = arith.constant 8 : i32
      %mul3A_281 = vector.broadcast %mul3A_280 : i32 to vector<16xi32>
      %mul3A_282 = arith.muli %select_n3A_227, %mul3A_281 : vector<16xi32>
      %add3A_283 = arith.constant 1 : i32
      %add3A_284 = vector.broadcast %add3A_283 : i32 to vector<16xi32>
      %add3A_285 = arith.addi %mul3A_282, %add3A_284 : vector<16xi32>
      tpu.vector_store_idx %arg13[%add3A_285], %exp3A_279 masked %and3A_224 {add = true} : memref<50048xf32, #tpu.memory_space<vmem>>[vector<16xi32>], vector<16xf32>, vector<16xi1>
      %add3A_286 = arith.constant 3 : i32
      %add3A_287 = vector.broadcast %add3A_286 : i32 to vector<16xi32>
      %add3A_288 = arith.addi %mul3A_282, %add3A_287 : vector<16xi32>
      %mul3A_289 = arith.mulf %exp3A_279, %gather3A_214 : vector<16xf32>
      tpu.vector_store_idx %arg13[%add3A_288], %mul3A_289 masked %and3A_224 {add = true} : memref<50048xf32, #tpu.memory_space<vmem>>[vector<16xi32>], vector<16xf32>, vector<16xi1>
      %get3A_290 = arith.constant 48 : index
      %get3A_291 = tpu.vector_load %arg11[%get3A_290] {strides = array<i32>} : memref<128xi32, #tpu.memory_space<vmem>>, vector<16xi32>,
      %get3A_292 = arith.constant 48 : index
      %get3A_293 = tpu.vector_load %arg12[%get3A_292] {strides = array<i32>} : memref<128xi32, #tpu.memory_space<vmem>>, vector<16xi32>,
      %gather3A_294 = tpu.vector_load_idx %arg10[%get3A_291] : memref<50048xf32, #tpu.memory_space<vmem>>[vector<16xi32>], vector<16xf32>,
      %gather3A_295 = tpu.vector_load_idx %arg10[%get3A_293] : memref<50048xf32, #tpu.memory_space<vmem>>[vector<16xi32>], vector<16xf32>,
      %sub3A_296 = vector.broadcast %mul3A_4 : i32 to vector<16xi32>
      %sub3A_297 = arith.subi %get3A_293, %sub3A_296 : vector<16xi32>
      %ge3A_298 = arith.constant 0 : i32
      %ge3A_299 = vector.broadcast %ge3A_298 : i32 to vector<16xi32>
      %ge3A_300 = arith.cmpi sge, %sub3A_297, %ge3A_299 : vector<16xi32>
      %lt3A_301 = arith.constant 6256 : i32
      %lt3A_302 = vector.broadcast %lt3A_301 : i32 to vector<16xi32>
      %lt3A_303 = arith.cmpi slt, %sub3A_297, %lt3A_302 : vector<16xi32>
      %and3A_304 = arith.andi %ge3A_300, %lt3A_303 : vector<16xi1>
      %jit3A_305 = arith.constant 0 : i32
      %broadcast_in_dim3A_306 = vector.broadcast %jit3A_305 : i32 to vector<16xi32>
      %select_n3A_307 = arith.select %and3A_304, %sub3A_297, %broadcast_in_dim3A_306 : vector<16xi1>, vector<16xi32>
      %mul3A_308 = arith.mulf %gather3A_294, %get3A_14 : vector<16xf32>
      %mul3A_309 = arith.mulf %gather3A_295, %get3A_18 : vector<16xf32>
      %add3A_310 = arith.addf %mul3A_308, %mul3A_309 : vector<16xf32>
      %gt3A_311 = arith.constant 0.000000e+00 : f32
      %gt3A_312 = vector.broadcast %gt3A_311 : f32 to vector<16xf32>
      %gt3A_313 = arith.cmpf ogt, %add3A_310, %gt3A_312 : vector<16xf32>
      %mul3A_314 = arith.constant 2.000000e-01 : f32
      %mul3A_315 = vector.broadcast %mul3A_314 : f32 to vector<16xf32>
      %mul3A_316 = arith.mulf %mul3A_315, %add3A_310 : vector<16xf32>
      %select_n3A_317 = arith.select %gt3A_313, %add3A_310, %mul3A_316 : vector<16xi1>, vector<16xf32>
      %add3A_318 = arith.addf %get3A_14, %get3A_18 : vector<16xf32>
      %mul3A_319 = arith.mulf %gather3A_295, %add3A_318 : vector<16xf32>
      %gt3A_320 = arith.constant 0.000000e+00 : f32
      %gt3A_321 = vector.broadcast %gt3A_320 : f32 to vector<16xf32>
      %gt3A_322 = arith.cmpf ogt, %mul3A_319, %gt3A_321 : vector<16xf32>
      %mul3A_323 = arith.constant 2.000000e-01 : f32
      %mul3A_324 = vector.broadcast %mul3A_323 : f32 to vector<16xf32>
      %mul3A_325 = arith.mulf %mul3A_324, %mul3A_319 : vector<16xf32>
      %select_n3A_326 = arith.select %gt3A_322, %mul3A_319, %mul3A_325 : vector<16xi1>, vector<16xf32>
      %sub3A_327 = arith.subf %select_n3A_317, %select_n3A_326 : vector<16xf32>
      %exp3A_328 = math.exp %sub3A_327 : vector<16xf32>
      %mul3A_329 = arith.constant 8 : i32
      %mul3A_330 = vector.broadcast %mul3A_329 : i32 to vector<16xi32>
      %mul3A_331 = arith.muli %select_n3A_307, %mul3A_330 : vector<16xi32>
      %add3A_332 = arith.constant 0 : i32
      %add3A_333 = vector.broadcast %add3A_332 : i32 to vector<16xi32>
      %add3A_334 = arith.addi %mul3A_331, %add3A_333 : vector<16xi32>
      tpu.vector_store_idx %arg13[%add3A_334], %exp3A_328 masked %and3A_304 {add = true} : memref<50048xf32, #tpu.memory_space<vmem>>[vector<16xi32>], vector<16xf32>, vector<16xi1>
      %add3A_335 = arith.constant 2 : i32
      %add3A_336 = vector.broadcast %add3A_335 : i32 to vector<16xi32>
      %add3A_337 = arith.addi %mul3A_331, %add3A_336 : vector<16xi32>
      %mul3A_338 = arith.mulf %exp3A_328, %gather3A_294 : vector<16xf32>
      tpu.vector_store_idx %arg13[%add3A_337], %mul3A_338 masked %and3A_304 {add = true} : memref<50048xf32, #tpu.memory_space<vmem>>[vector<16xi32>], vector<16xf32>, vector<16xi1>
      %mul3A_339 = arith.mulf %gather3A_294, %get3A_16 : vector<16xf32>
      %mul3A_340 = arith.mulf %gather3A_295, %get3A_20 : vector<16xf32>
      %add3A_341 = arith.addf %mul3A_339, %mul3A_340 : vector<16xf32>
      %gt3A_342 = arith.constant 0.000000e+00 : f32
      %gt3A_343 = vector.broadcast %gt3A_342 : f32 to vector<16xf32>
      %gt3A_344 = arith.cmpf ogt, %add3A_341, %gt3A_343 : vector<16xf32>
      %mul3A_345 = arith.constant 2.000000e-01 : f32
      %mul3A_346 = vector.broadcast %mul3A_345 : f32 to vector<16xf32>
      %mul3A_347 = arith.mulf %mul3A_346, %add3A_341 : vector<16xf32>
      %select_n3A_348 = arith.select %gt3A_344, %add3A_341, %mul3A_347 : vector<16xi1>, vector<16xf32>
      %add3A_349 = arith.addf %get3A_16, %get3A_20 : vector<16xf32>
      %mul3A_350 = arith.mulf %gather3A_295, %add3A_349 : vector<16xf32>
      %gt3A_351 = arith.constant 0.000000e+00 : f32
      %gt3A_352 = vector.broadcast %gt3A_351 : f32 to vector<16xf32>
      %gt3A_353 = arith.cmpf ogt, %mul3A_350, %gt3A_352 : vector<16xf32>
      %mul3A_354 = arith.constant 2.000000e-01 : f32
      %mul3A_355 = vector.broadcast %mul3A_354 : f32 to vector<16xf32>
      %mul3A_356 = arith.mulf %mul3A_355, %mul3A_350 : vector<16xf32>
      %select_n3A_357 = arith.select %gt3A_353, %mul3A_350, %mul3A_356 : vector<16xi1>, vector<16xf32>
      %sub3A_358 = arith.subf %select_n3A_348, %select_n3A_357 : vector<16xf32>
      %exp3A_359 = math.exp %sub3A_358 : vector<16xf32>
      %mul3A_360 = arith.constant 8 : i32
      %mul3A_361 = vector.broadcast %mul3A_360 : i32 to vector<16xi32>
      %mul3A_362 = arith.muli %select_n3A_307, %mul3A_361 : vector<16xi32>
      %add3A_363 = arith.constant 1 : i32
      %add3A_364 = vector.broadcast %add3A_363 : i32 to vector<16xi32>
      %add3A_365 = arith.addi %mul3A_362, %add3A_364 : vector<16xi32>
      tpu.vector_store_idx %arg13[%add3A_365], %exp3A_359 masked %and3A_304 {add = true} : memref<50048xf32, #tpu.memory_space<vmem>>[vector<16xi32>], vector<16xf32>, vector<16xi1>
      %add3A_366 = arith.constant 3 : i32
      %add3A_367 = vector.broadcast %add3A_366 : i32 to vector<16xi32>
      %add3A_368 = arith.addi %mul3A_362, %add3A_367 : vector<16xi32>
      %mul3A_369 = arith.mulf %exp3A_359, %gather3A_294 : vector<16xf32>
      tpu.vector_store_idx %arg13[%add3A_368], %mul3A_369 masked %and3A_304 {add = true} : memref<50048xf32, #tpu.memory_space<vmem>>[vector<16xi32>], vector<16xf32>, vector<16xi1>
      %get3A_370 = arith.constant 64 : index
      %get3A_371 = tpu.vector_load %arg11[%get3A_370] {strides = array<i32>} : memref<128xi32, #tpu.memory_space<vmem>>, vector<16xi32>,
      %get3A_372 = arith.constant 64 : index
      %get3A_373 = tpu.vector_load %arg12[%get3A_372] {strides = array<i32>} : memref<128xi32, #tpu.memory_space<vmem>>, vector<16xi32>,
      %gather3A_374 = tpu.vector_load_idx %arg10[%get3A_371] : memref<50048xf32, #tpu.memory_space<vmem>>[vector<16xi32>], vector<16xf32>,
      %gather3A_375 = tpu.vector_load_idx %arg10[%get3A_373] : memref<50048xf32, #tpu.memory_space<vmem>>[vector<16xi32>], vector<16xf32>,
      %sub3A_376 = vector.broadcast %mul3A_4 : i32 to vector<16xi32>
      %sub3A_377 = arith.subi %get3A_373, %sub3A_376 : vector<16xi32>
      %ge3A_378 = arith.constant 0 : i32
      %ge3A_379 = vector.broadcast %ge3A_378 : i32 to vector<16xi32>
      %ge3A_380 = arith.cmpi sge, %sub3A_377, %ge3A_379 : vector<16xi32>
      %lt3A_381 = arith.constant 6256 : i32
      %lt3A_382 = vector.broadcast %lt3A_381 : i32 to vector<16xi32>
      %lt3A_383 = arith.cmpi slt, %sub3A_377, %lt3A_382 : vector<16xi32>
      %and3A_384 = arith.andi %ge3A_380, %lt3A_383 : vector<16xi1>
      %jit3A_385 = arith.constant 0 : i32
      %broadcast_in_dim3A_386 = vector.broadcast %jit3A_385 : i32 to vector<16xi32>
      %select_n3A_387 = arith.select %and3A_384, %sub3A_377, %broadcast_in_dim3A_386 : vector<16xi1>, vector<16xi32>
      %mul3A_388 = arith.mulf %gather3A_374, %get3A_14 : vector<16xf32>
      %mul3A_389 = arith.mulf %gather3A_375, %get3A_18 : vector<16xf32>
      %add3A_390 = arith.addf %mul3A_388, %mul3A_389 : vector<16xf32>
      %gt3A_391 = arith.constant 0.000000e+00 : f32
      %gt3A_392 = vector.broadcast %gt3A_391 : f32 to vector<16xf32>
      %gt3A_393 = arith.cmpf ogt, %add3A_390, %gt3A_392 : vector<16xf32>
      %mul3A_394 = arith.constant 2.000000e-01 : f32
      %mul3A_395 = vector.broadcast %mul3A_394 : f32 to vector<16xf32>
      %mul3A_396 = arith.mulf %mul3A_395, %add3A_390 : vector<16xf32>
      %select_n3A_397 = arith.select %gt3A_393, %add3A_390, %mul3A_396 : vector<16xi1>, vector<16xf32>
      %add3A_398 = arith.addf %get3A_14, %get3A_18 : vector<16xf32>
      %mul3A_399 = arith.mulf %gather3A_375, %add3A_398 : vector<16xf32>
      %gt3A_400 = arith.constant 0.000000e+00 : f32
      %gt3A_401 = vector.broadcast %gt3A_400 : f32 to vector<16xf32>
      %gt3A_402 = arith.cmpf ogt, %mul3A_399, %gt3A_401 : vector<16xf32>
      %mul3A_403 = arith.constant 2.000000e-01 : f32
      %mul3A_404 = vector.broadcast %mul3A_403 : f32 to vector<16xf32>
      %mul3A_405 = arith.mulf %mul3A_404, %mul3A_399 : vector<16xf32>
      %select_n3A_406 = arith.select %gt3A_402, %mul3A_399, %mul3A_405 : vector<16xi1>, vector<16xf32>
      %sub3A_407 = arith.subf %select_n3A_397, %select_n3A_406 : vector<16xf32>
      %exp3A_408 = math.exp %sub3A_407 : vector<16xf32>
      %mul3A_409 = arith.constant 8 : i32
      %mul3A_410 = vector.broadcast %mul3A_409 : i32 to vector<16xi32>
      %mul3A_411 = arith.muli %select_n3A_387, %mul3A_410 : vector<16xi32>
      %add3A_412 = arith.constant 0 : i32
      %add3A_413 = vector.broadcast %add3A_412 : i32 to vector<16xi32>
      %add3A_414 = arith.addi %mul3A_411, %add3A_413 : vector<16xi32>
      tpu.vector_store_idx %arg13[%add3A_414], %exp3A_408 masked %and3A_384 {add = true} : memref<50048xf32, #tpu.memory_space<vmem>>[vector<16xi32>], vector<16xf32>, vector<16xi1>
      %add3A_415 = arith.constant 2 : i32
      %add3A_416 = vector.broadcast %add3A_415 : i32 to vector<16xi32>
      %add3A_417 = arith.addi %mul3A_411, %add3A_416 : vector<16xi32>
      %mul3A_418 = arith.mulf %exp3A_408, %gather3A_374 : vector<16xf32>
      tpu.vector_store_idx %arg13[%add3A_417], %mul3A_418 masked %and3A_384 {add = true} : memref<50048xf32, #tpu.memory_space<vmem>>[vector<16xi32>], vector<16xf32>, vector<16xi1>
      %mul3A_419 = arith.mulf %gather3A_374, %get3A_16 : vector<16xf32>
      %mul3A_420 = arith.mulf %gather3A_375, %get3A_20 : vector<16xf32>
      %add3A_421 = arith.addf %mul3A_419, %mul3A_420 : vector<16xf32>
      %gt3A_422 = arith.constant 0.000000e+00 : f32
      %gt3A_423 = vector.broadcast %gt3A_422 : f32 to vector<16xf32>
      %gt3A_424 = arith.cmpf ogt, %add3A_421, %gt3A_423 : vector<16xf32>
      %mul3A_425 = arith.constant 2.000000e-01 : f32
      %mul3A_426 = vector.broadcast %mul3A_425 : f32 to vector<16xf32>
      %mul3A_427 = arith.mulf %mul3A_426, %add3A_421 : vector<16xf32>
      %select_n3A_428 = arith.select %gt3A_424, %add3A_421, %mul3A_427 : vector<16xi1>, vector<16xf32>
      %add3A_429 = arith.addf %get3A_16, %get3A_20 : vector<16xf32>
      %mul3A_430 = arith.mulf %gather3A_375, %add3A_429 : vector<16xf32>
      %gt3A_431 = arith.constant 0.000000e+00 : f32
      %gt3A_432 = vector.broadcast %gt3A_431 : f32 to vector<16xf32>
      %gt3A_433 = arith.cmpf ogt, %mul3A_430, %gt3A_432 : vector<16xf32>
      %mul3A_434 = arith.constant 2.000000e-01 : f32
      %mul3A_435 = vector.broadcast %mul3A_434 : f32 to vector<16xf32>
      %mul3A_436 = arith.mulf %mul3A_435, %mul3A_430 : vector<16xf32>
      %select_n3A_437 = arith.select %gt3A_433, %mul3A_430, %mul3A_436 : vector<16xi1>, vector<16xf32>
      %sub3A_438 = arith.subf %select_n3A_428, %select_n3A_437 : vector<16xf32>
      %exp3A_439 = math.exp %sub3A_438 : vector<16xf32>
      %mul3A_440 = arith.constant 8 : i32
      %mul3A_441 = vector.broadcast %mul3A_440 : i32 to vector<16xi32>
      %mul3A_442 = arith.muli %select_n3A_387, %mul3A_441 : vector<16xi32>
      %add3A_443 = arith.constant 1 : i32
      %add3A_444 = vector.broadcast %add3A_443 : i32 to vector<16xi32>
      %add3A_445 = arith.addi %mul3A_442, %add3A_444 : vector<16xi32>
      tpu.vector_store_idx %arg13[%add3A_445], %exp3A_439 masked %and3A_384 {add = true} : memref<50048xf32, #tpu.memory_space<vmem>>[vector<16xi32>], vector<16xf32>, vector<16xi1>
      %add3A_446 = arith.constant 3 : i32
      %add3A_447 = vector.broadcast %add3A_446 : i32 to vector<16xi32>
      %add3A_448 = arith.addi %mul3A_442, %add3A_447 : vector<16xi32>
      %mul3A_449 = arith.mulf %exp3A_439, %gather3A_374 : vector<16xf32>
      tpu.vector_store_idx %arg13[%add3A_448], %mul3A_449 masked %and3A_384 {add = true} : memref<50048xf32, #tpu.memory_space<vmem>>[vector<16xi32>], vector<16xf32>, vector<16xi1>
      %get3A_450 = arith.constant 80 : index
      %get3A_451 = tpu.vector_load %arg11[%get3A_450] {strides = array<i32>} : memref<128xi32, #tpu.memory_space<vmem>>, vector<16xi32>,
      %get3A_452 = arith.constant 80 : index
      %get3A_453 = tpu.vector_load %arg12[%get3A_452] {strides = array<i32>} : memref<128xi32, #tpu.memory_space<vmem>>, vector<16xi32>,
      %gather3A_454 = tpu.vector_load_idx %arg10[%get3A_451] : memref<50048xf32, #tpu.memory_space<vmem>>[vector<16xi32>], vector<16xf32>,
      %gather3A_455 = tpu.vector_load_idx %arg10[%get3A_453] : memref<50048xf32, #tpu.memory_space<vmem>>[vector<16xi32>], vector<16xf32>,
      %sub3A_456 = vector.broadcast %mul3A_4 : i32 to vector<16xi32>
      %sub3A_457 = arith.subi %get3A_453, %sub3A_456 : vector<16xi32>
      %ge3A_458 = arith.constant 0 : i32
      %ge3A_459 = vector.broadcast %ge3A_458 : i32 to vector<16xi32>
      %ge3A_460 = arith.cmpi sge, %sub3A_457, %ge3A_459 : vector<16xi32>
      %lt3A_461 = arith.constant 6256 : i32
      %lt3A_462 = vector.broadcast %lt3A_461 : i32 to vector<16xi32>
      %lt3A_463 = arith.cmpi slt, %sub3A_457, %lt3A_462 : vector<16xi32>
      %and3A_464 = arith.andi %ge3A_460, %lt3A_463 : vector<16xi1>
      %jit3A_465 = arith.constant 0 : i32
      %broadcast_in_dim3A_466 = vector.broadcast %jit3A_465 : i32 to vector<16xi32>
      %select_n3A_467 = arith.select %and3A_464, %sub3A_457, %broadcast_in_dim3A_466 : vector<16xi1>, vector<16xi32>
      %mul3A_468 = arith.mulf %gather3A_454, %get3A_14 : vector<16xf32>
      %mul3A_469 = arith.mulf %gather3A_455, %get3A_18 : vector<16xf32>
      %add3A_470 = arith.addf %mul3A_468, %mul3A_469 : vector<16xf32>
      %gt3A_471 = arith.constant 0.000000e+00 : f32
      %gt3A_472 = vector.broadcast %gt3A_471 : f32 to vector<16xf32>
      %gt3A_473 = arith.cmpf ogt, %add3A_470, %gt3A_472 : vector<16xf32>
      %mul3A_474 = arith.constant 2.000000e-01 : f32
      %mul3A_475 = vector.broadcast %mul3A_474 : f32 to vector<16xf32>
      %mul3A_476 = arith.mulf %mul3A_475, %add3A_470 : vector<16xf32>
      %select_n3A_477 = arith.select %gt3A_473, %add3A_470, %mul3A_476 : vector<16xi1>, vector<16xf32>
      %add3A_478 = arith.addf %get3A_14, %get3A_18 : vector<16xf32>
      %mul3A_479 = arith.mulf %gather3A_455, %add3A_478 : vector<16xf32>
      %gt3A_480 = arith.constant 0.000000e+00 : f32
      %gt3A_481 = vector.broadcast %gt3A_480 : f32 to vector<16xf32>
      %gt3A_482 = arith.cmpf ogt, %mul3A_479, %gt3A_481 : vector<16xf32>
      %mul3A_483 = arith.constant 2.000000e-01 : f32
      %mul3A_484 = vector.broadcast %mul3A_483 : f32 to vector<16xf32>
      %mul3A_485 = arith.mulf %mul3A_484, %mul3A_479 : vector<16xf32>
      %select_n3A_486 = arith.select %gt3A_482, %mul3A_479, %mul3A_485 : vector<16xi1>, vector<16xf32>
      %sub3A_487 = arith.subf %select_n3A_477, %select_n3A_486 : vector<16xf32>
      %exp3A_488 = math.exp %sub3A_487 : vector<16xf32>
      %mul3A_489 = arith.constant 8 : i32
      %mul3A_490 = vector.broadcast %mul3A_489 : i32 to vector<16xi32>
      %mul3A_491 = arith.muli %select_n3A_467, %mul3A_490 : vector<16xi32>
      %add3A_492 = arith.constant 0 : i32
      %add3A_493 = vector.broadcast %add3A_492 : i32 to vector<16xi32>
      %add3A_494 = arith.addi %mul3A_491, %add3A_493 : vector<16xi32>
      tpu.vector_store_idx %arg13[%add3A_494], %exp3A_488 masked %and3A_464 {add = true} : memref<50048xf32, #tpu.memory_space<vmem>>[vector<16xi32>], vector<16xf32>, vector<16xi1>
      %add3A_495 = arith.constant 2 : i32
      %add3A_496 = vector.broadcast %add3A_495 : i32 to vector<16xi32>
      %add3A_497 = arith.addi %mul3A_491, %add3A_496 : vector<16xi32>
      %mul3A_498 = arith.mulf %exp3A_488, %gather3A_454 : vector<16xf32>
      tpu.vector_store_idx %arg13[%add3A_497], %mul3A_498 masked %and3A_464 {add = true} : memref<50048xf32, #tpu.memory_space<vmem>>[vector<16xi32>], vector<16xf32>, vector<16xi1>
      %mul3A_499 = arith.mulf %gather3A_454, %get3A_16 : vector<16xf32>
      %mul3A_500 = arith.mulf %gather3A_455, %get3A_20 : vector<16xf32>
      %add3A_501 = arith.addf %mul3A_499, %mul3A_500 : vector<16xf32>
      %gt3A_502 = arith.constant 0.000000e+00 : f32
      %gt3A_503 = vector.broadcast %gt3A_502 : f32 to vector<16xf32>
      %gt3A_504 = arith.cmpf ogt, %add3A_501, %gt3A_503 : vector<16xf32>
      %mul3A_505 = arith.constant 2.000000e-01 : f32
      %mul3A_506 = vector.broadcast %mul3A_505 : f32 to vector<16xf32>
      %mul3A_507 = arith.mulf %mul3A_506, %add3A_501 : vector<16xf32>
      %select_n3A_508 = arith.select %gt3A_504, %add3A_501, %mul3A_507 : vector<16xi1>, vector<16xf32>
      %add3A_509 = arith.addf %get3A_16, %get3A_20 : vector<16xf32>
      %mul3A_510 = arith.mulf %gather3A_455, %add3A_509 : vector<16xf32>
      %gt3A_511 = arith.constant 0.000000e+00 : f32
      %gt3A_512 = vector.broadcast %gt3A_511 : f32 to vector<16xf32>
      %gt3A_513 = arith.cmpf ogt, %mul3A_510, %gt3A_512 : vector<16xf32>
      %mul3A_514 = arith.constant 2.000000e-01 : f32
      %mul3A_515 = vector.broadcast %mul3A_514 : f32 to vector<16xf32>
      %mul3A_516 = arith.mulf %mul3A_515, %mul3A_510 : vector<16xf32>
      %select_n3A_517 = arith.select %gt3A_513, %mul3A_510, %mul3A_516 : vector<16xi1>, vector<16xf32>
      %sub3A_518 = arith.subf %select_n3A_508, %select_n3A_517 : vector<16xf32>
      %exp3A_519 = math.exp %sub3A_518 : vector<16xf32>
      %mul3A_520 = arith.constant 8 : i32
      %mul3A_521 = vector.broadcast %mul3A_520 : i32 to vector<16xi32>
      %mul3A_522 = arith.muli %select_n3A_467, %mul3A_521 : vector<16xi32>
      %add3A_523 = arith.constant 1 : i32
      %add3A_524 = vector.broadcast %add3A_523 : i32 to vector<16xi32>
      %add3A_525 = arith.addi %mul3A_522, %add3A_524 : vector<16xi32>
      tpu.vector_store_idx %arg13[%add3A_525], %exp3A_519 masked %and3A_464 {add = true} : memref<50048xf32, #tpu.memory_space<vmem>>[vector<16xi32>], vector<16xf32>, vector<16xi1>
      %add3A_526 = arith.constant 3 : i32
      %add3A_527 = vector.broadcast %add3A_526 : i32 to vector<16xi32>
      %add3A_528 = arith.addi %mul3A_522, %add3A_527 : vector<16xi32>
      %mul3A_529 = arith.mulf %exp3A_519, %gather3A_454 : vector<16xf32>
      tpu.vector_store_idx %arg13[%add3A_528], %mul3A_529 masked %and3A_464 {add = true} : memref<50048xf32, #tpu.memory_space<vmem>>[vector<16xi32>], vector<16xf32>, vector<16xi1>
      %get3A_530 = arith.constant 96 : index
      %get3A_531 = tpu.vector_load %arg11[%get3A_530] {strides = array<i32>} : memref<128xi32, #tpu.memory_space<vmem>>, vector<16xi32>,
      %get3A_532 = arith.constant 96 : index
      %get3A_533 = tpu.vector_load %arg12[%get3A_532] {strides = array<i32>} : memref<128xi32, #tpu.memory_space<vmem>>, vector<16xi32>,
      %gather3A_534 = tpu.vector_load_idx %arg10[%get3A_531] : memref<50048xf32, #tpu.memory_space<vmem>>[vector<16xi32>], vector<16xf32>,
      %gather3A_535 = tpu.vector_load_idx %arg10[%get3A_533] : memref<50048xf32, #tpu.memory_space<vmem>>[vector<16xi32>], vector<16xf32>,
      %sub3A_536 = vector.broadcast %mul3A_4 : i32 to vector<16xi32>
      %sub3A_537 = arith.subi %get3A_533, %sub3A_536 : vector<16xi32>
      %ge3A_538 = arith.constant 0 : i32
      %ge3A_539 = vector.broadcast %ge3A_538 : i32 to vector<16xi32>
      %ge3A_540 = arith.cmpi sge, %sub3A_537, %ge3A_539 : vector<16xi32>
      %lt3A_541 = arith.constant 6256 : i32
      %lt3A_542 = vector.broadcast %lt3A_541 : i32 to vector<16xi32>
      %lt3A_543 = arith.cmpi slt, %sub3A_537, %lt3A_542 : vector<16xi32>
      %and3A_544 = arith.andi %ge3A_540, %lt3A_543 : vector<16xi1>
      %jit3A_545 = arith.constant 0 : i32
      %broadcast_in_dim3A_546 = vector.broadcast %jit3A_545 : i32 to vector<16xi32>
      %select_n3A_547 = arith.select %and3A_544, %sub3A_537, %broadcast_in_dim3A_546 : vector<16xi1>, vector<16xi32>
      %mul3A_548 = arith.mulf %gather3A_534, %get3A_14 : vector<16xf32>
      %mul3A_549 = arith.mulf %gather3A_535, %get3A_18 : vector<16xf32>
      %add3A_550 = arith.addf %mul3A_548, %mul3A_549 : vector<16xf32>
      %gt3A_551 = arith.constant 0.000000e+00 : f32
      %gt3A_552 = vector.broadcast %gt3A_551 : f32 to vector<16xf32>
      %gt3A_553 = arith.cmpf ogt, %add3A_550, %gt3A_552 : vector<16xf32>
      %mul3A_554 = arith.constant 2.000000e-01 : f32
      %mul3A_555 = vector.broadcast %mul3A_554 : f32 to vector<16xf32>
      %mul3A_556 = arith.mulf %mul3A_555, %add3A_550 : vector<16xf32>
      %select_n3A_557 = arith.select %gt3A_553, %add3A_550, %mul3A_556 : vector<16xi1>, vector<16xf32>
      %add3A_558 = arith.addf %get3A_14, %get3A_18 : vector<16xf32>
      %mul3A_559 = arith.mulf %gather3A_535, %add3A_558 : vector<16xf32>
      %gt3A_560 = arith.constant 0.000000e+00 : f32
      %gt3A_561 = vector.broadcast %gt3A_560 : f32 to vector<16xf32>
      %gt3A_562 = arith.cmpf ogt, %mul3A_559, %gt3A_561 : vector<16xf32>
      %mul3A_563 = arith.constant 2.000000e-01 : f32
      %mul3A_564 = vector.broadcast %mul3A_563 : f32 to vector<16xf32>
      %mul3A_565 = arith.mulf %mul3A_564, %mul3A_559 : vector<16xf32>
      %select_n3A_566 = arith.select %gt3A_562, %mul3A_559, %mul3A_565 : vector<16xi1>, vector<16xf32>
      %sub3A_567 = arith.subf %select_n3A_557, %select_n3A_566 : vector<16xf32>
      %exp3A_568 = math.exp %sub3A_567 : vector<16xf32>
      %mul3A_569 = arith.constant 8 : i32
      %mul3A_570 = vector.broadcast %mul3A_569 : i32 to vector<16xi32>
      %mul3A_571 = arith.muli %select_n3A_547, %mul3A_570 : vector<16xi32>
      %add3A_572 = arith.constant 0 : i32
      %add3A_573 = vector.broadcast %add3A_572 : i32 to vector<16xi32>
      %add3A_574 = arith.addi %mul3A_571, %add3A_573 : vector<16xi32>
      tpu.vector_store_idx %arg13[%add3A_574], %exp3A_568 masked %and3A_544 {add = true} : memref<50048xf32, #tpu.memory_space<vmem>>[vector<16xi32>], vector<16xf32>, vector<16xi1>
      %add3A_575 = arith.constant 2 : i32
      %add3A_576 = vector.broadcast %add3A_575 : i32 to vector<16xi32>
      %add3A_577 = arith.addi %mul3A_571, %add3A_576 : vector<16xi32>
      %mul3A_578 = arith.mulf %exp3A_568, %gather3A_534 : vector<16xf32>
      tpu.vector_store_idx %arg13[%add3A_577], %mul3A_578 masked %and3A_544 {add = true} : memref<50048xf32, #tpu.memory_space<vmem>>[vector<16xi32>], vector<16xf32>, vector<16xi1>
      %mul3A_579 = arith.mulf %gather3A_534, %get3A_16 : vector<16xf32>
      %mul3A_580 = arith.mulf %gather3A_535, %get3A_20 : vector<16xf32>
      %add3A_581 = arith.addf %mul3A_579, %mul3A_580 : vector<16xf32>
      %gt3A_582 = arith.constant 0.000000e+00 : f32
      %gt3A_583 = vector.broadcast %gt3A_582 : f32 to vector<16xf32>
      %gt3A_584 = arith.cmpf ogt, %add3A_581, %gt3A_583 : vector<16xf32>
      %mul3A_585 = arith.constant 2.000000e-01 : f32
      %mul3A_586 = vector.broadcast %mul3A_585 : f32 to vector<16xf32>
      %mul3A_587 = arith.mulf %mul3A_586, %add3A_581 : vector<16xf32>
      %select_n3A_588 = arith.select %gt3A_584, %add3A_581, %mul3A_587 : vector<16xi1>, vector<16xf32>
      %add3A_589 = arith.addf %get3A_16, %get3A_20 : vector<16xf32>
      %mul3A_590 = arith.mulf %gather3A_535, %add3A_589 : vector<16xf32>
      %gt3A_591 = arith.constant 0.000000e+00 : f32
      %gt3A_592 = vector.broadcast %gt3A_591 : f32 to vector<16xf32>
      %gt3A_593 = arith.cmpf ogt, %mul3A_590, %gt3A_592 : vector<16xf32>
      %mul3A_594 = arith.constant 2.000000e-01 : f32
      %mul3A_595 = vector.broadcast %mul3A_594 : f32 to vector<16xf32>
      %mul3A_596 = arith.mulf %mul3A_595, %mul3A_590 : vector<16xf32>
      %select_n3A_597 = arith.select %gt3A_593, %mul3A_590, %mul3A_596 : vector<16xi1>, vector<16xf32>
      %sub3A_598 = arith.subf %select_n3A_588, %select_n3A_597 : vector<16xf32>
      %exp3A_599 = math.exp %sub3A_598 : vector<16xf32>
      %mul3A_600 = arith.constant 8 : i32
      %mul3A_601 = vector.broadcast %mul3A_600 : i32 to vector<16xi32>
      %mul3A_602 = arith.muli %select_n3A_547, %mul3A_601 : vector<16xi32>
      %add3A_603 = arith.constant 1 : i32
      %add3A_604 = vector.broadcast %add3A_603 : i32 to vector<16xi32>
      %add3A_605 = arith.addi %mul3A_602, %add3A_604 : vector<16xi32>
      tpu.vector_store_idx %arg13[%add3A_605], %exp3A_599 masked %and3A_544 {add = true} : memref<50048xf32, #tpu.memory_space<vmem>>[vector<16xi32>], vector<16xf32>, vector<16xi1>
      %add3A_606 = arith.constant 3 : i32
      %add3A_607 = vector.broadcast %add3A_606 : i32 to vector<16xi32>
      %add3A_608 = arith.addi %mul3A_602, %add3A_607 : vector<16xi32>
      %mul3A_609 = arith.mulf %exp3A_599, %gather3A_534 : vector<16xf32>
      tpu.vector_store_idx %arg13[%add3A_608], %mul3A_609 masked %and3A_544 {add = true} : memref<50048xf32, #tpu.memory_space<vmem>>[vector<16xi32>], vector<16xf32>, vector<16xi1>
      %get3A_610 = arith.constant 112 : index
      %get3A_611 = tpu.vector_load %arg11[%get3A_610] {strides = array<i32>} : memref<128xi32, #tpu.memory_space<vmem>>, vector<16xi32>,
      %get3A_612 = arith.constant 112 : index
      %get3A_613 = tpu.vector_load %arg12[%get3A_612] {strides = array<i32>} : memref<128xi32, #tpu.memory_space<vmem>>, vector<16xi32>,
      %gather3A_614 = tpu.vector_load_idx %arg10[%get3A_611] : memref<50048xf32, #tpu.memory_space<vmem>>[vector<16xi32>], vector<16xf32>,
      %gather3A_615 = tpu.vector_load_idx %arg10[%get3A_613] : memref<50048xf32, #tpu.memory_space<vmem>>[vector<16xi32>], vector<16xf32>,
      %sub3A_616 = vector.broadcast %mul3A_4 : i32 to vector<16xi32>
      %sub3A_617 = arith.subi %get3A_613, %sub3A_616 : vector<16xi32>
      %ge3A_618 = arith.constant 0 : i32
      %ge3A_619 = vector.broadcast %ge3A_618 : i32 to vector<16xi32>
      %ge3A_620 = arith.cmpi sge, %sub3A_617, %ge3A_619 : vector<16xi32>
      %lt3A_621 = arith.constant 6256 : i32
      %lt3A_622 = vector.broadcast %lt3A_621 : i32 to vector<16xi32>
      %lt3A_623 = arith.cmpi slt, %sub3A_617, %lt3A_622 : vector<16xi32>
      %and3A_624 = arith.andi %ge3A_620, %lt3A_623 : vector<16xi1>
      %jit3A_625 = arith.constant 0 : i32
      %broadcast_in_dim3A_626 = vector.broadcast %jit3A_625 : i32 to vector<16xi32>
      %select_n3A_627 = arith.select %and3A_624, %sub3A_617, %broadcast_in_dim3A_626 : vector<16xi1>, vector<16xi32>
      %mul3A_628 = arith.mulf %gather3A_614, %get3A_14 : vector<16xf32>
      %mul3A_629 = arith.mulf %gather3A_615, %get3A_18 : vector<16xf32>
      %add3A_630 = arith.addf %mul3A_628, %mul3A_629 : vector<16xf32>
      %gt3A_631 = arith.constant 0.000000e+00 : f32
      %gt3A_632 = vector.broadcast %gt3A_631 : f32 to vector<16xf32>
      %gt3A_633 = arith.cmpf ogt, %add3A_630, %gt3A_632 : vector<16xf32>
      %mul3A_634 = arith.constant 2.000000e-01 : f32
      %mul3A_635 = vector.broadcast %mul3A_634 : f32 to vector<16xf32>
      %mul3A_636 = arith.mulf %mul3A_635, %add3A_630 : vector<16xf32>
      %select_n3A_637 = arith.select %gt3A_633, %add3A_630, %mul3A_636 : vector<16xi1>, vector<16xf32>
      %add3A_638 = arith.addf %get3A_14, %get3A_18 : vector<16xf32>
      %mul3A_639 = arith.mulf %gather3A_615, %add3A_638 : vector<16xf32>
      %gt3A_640 = arith.constant 0.000000e+00 : f32
      %gt3A_641 = vector.broadcast %gt3A_640 : f32 to vector<16xf32>
      %gt3A_642 = arith.cmpf ogt, %mul3A_639, %gt3A_641 : vector<16xf32>
      %mul3A_643 = arith.constant 2.000000e-01 : f32
      %mul3A_644 = vector.broadcast %mul3A_643 : f32 to vector<16xf32>
      %mul3A_645 = arith.mulf %mul3A_644, %mul3A_639 : vector<16xf32>
      %select_n3A_646 = arith.select %gt3A_642, %mul3A_639, %mul3A_645 : vector<16xi1>, vector<16xf32>
      %sub3A_647 = arith.subf %select_n3A_637, %select_n3A_646 : vector<16xf32>
      %exp3A_648 = math.exp %sub3A_647 : vector<16xf32>
      %mul3A_649 = arith.constant 8 : i32
      %mul3A_650 = vector.broadcast %mul3A_649 : i32 to vector<16xi32>
      %mul3A_651 = arith.muli %select_n3A_627, %mul3A_650 : vector<16xi32>
      %add3A_652 = arith.constant 0 : i32
      %add3A_653 = vector.broadcast %add3A_652 : i32 to vector<16xi32>
      %add3A_654 = arith.addi %mul3A_651, %add3A_653 : vector<16xi32>
      tpu.vector_store_idx %arg13[%add3A_654], %exp3A_648 masked %and3A_624 {add = true} : memref<50048xf32, #tpu.memory_space<vmem>>[vector<16xi32>], vector<16xf32>, vector<16xi1>
      %add3A_655 = arith.constant 2 : i32
      %add3A_656 = vector.broadcast %add3A_655 : i32 to vector<16xi32>
      %add3A_657 = arith.addi %mul3A_651, %add3A_656 : vector<16xi32>
      %mul3A_658 = arith.mulf %exp3A_648, %gather3A_614 : vector<16xf32>
      tpu.vector_store_idx %arg13[%add3A_657], %mul3A_658 masked %and3A_624 {add = true} : memref<50048xf32, #tpu.memory_space<vmem>>[vector<16xi32>], vector<16xf32>, vector<16xi1>
      %mul3A_659 = arith.mulf %gather3A_614, %get3A_16 : vector<16xf32>
      %mul3A_660 = arith.mulf %gather3A_615, %get3A_20 : vector<16xf32>
      %add3A_661 = arith.addf %mul3A_659, %mul3A_660 : vector<16xf32>
      %gt3A_662 = arith.constant 0.000000e+00 : f32
      %gt3A_663 = vector.broadcast %gt3A_662 : f32 to vector<16xf32>
      %gt3A_664 = arith.cmpf ogt, %add3A_661, %gt3A_663 : vector<16xf32>
      %mul3A_665 = arith.constant 2.000000e-01 : f32
      %mul3A_666 = vector.broadcast %mul3A_665 : f32 to vector<16xf32>
      %mul3A_667 = arith.mulf %mul3A_666, %add3A_661 : vector<16xf32>
      %select_n3A_668 = arith.select %gt3A_664, %add3A_661, %mul3A_667 : vector<16xi1>, vector<16xf32>
      %add3A_669 = arith.addf %get3A_16, %get3A_20 : vector<16xf32>
      %mul3A_670 = arith.mulf %gather3A_615, %add3A_669 : vector<16xf32>
      %gt3A_671 = arith.constant 0.000000e+00 : f32
      %gt3A_672 = vector.broadcast %gt3A_671 : f32 to vector<16xf32>
      %gt3A_673 = arith.cmpf ogt, %mul3A_670, %gt3A_672 : vector<16xf32>
      %mul3A_674 = arith.constant 2.000000e-01 : f32
      %mul3A_675 = vector.broadcast %mul3A_674 : f32 to vector<16xf32>
      %mul3A_676 = arith.mulf %mul3A_675, %mul3A_670 : vector<16xf32>
      %select_n3A_677 = arith.select %gt3A_673, %mul3A_670, %mul3A_676 : vector<16xi1>, vector<16xf32>
      %sub3A_678 = arith.subf %select_n3A_668, %select_n3A_677 : vector<16xf32>
      %exp3A_679 = math.exp %sub3A_678 : vector<16xf32>
      %mul3A_680 = arith.constant 8 : i32
      %mul3A_681 = vector.broadcast %mul3A_680 : i32 to vector<16xi32>
      %mul3A_682 = arith.muli %select_n3A_627, %mul3A_681 : vector<16xi32>
      %add3A_683 = arith.constant 1 : i32
      %add3A_684 = vector.broadcast %add3A_683 : i32 to vector<16xi32>
      %add3A_685 = arith.addi %mul3A_682, %add3A_684 : vector<16xi32>
      tpu.vector_store_idx %arg13[%add3A_685], %exp3A_679 masked %and3A_624 {add = true} : memref<50048xf32, #tpu.memory_space<vmem>>[vector<16xi32>], vector<16xf32>, vector<16xi1>
      %add3A_686 = arith.constant 3 : i32
      %add3A_687 = vector.broadcast %add3A_686 : i32 to vector<16xi32>
      %add3A_688 = arith.addi %mul3A_682, %add3A_687 : vector<16xi32>
      %mul3A_689 = arith.mulf %exp3A_679, %gather3A_614 : vector<16xf32>
      tpu.vector_store_idx %arg13[%add3A_688], %mul3A_689 masked %and3A_624 {add = true} : memref<50048xf32, #tpu.memory_space<vmem>>[vector<16xi32>], vector<16xf32>, vector<16xi1>
    }
    %eq3A = arith.constant 0 : i32
    %eq3A_33 = arith.cmpi eq, %and3A_1, %eq3A : i32
    %convert_element_type3A_34 = arith.extui %eq3A_33 : i1 to i32
    %cond3A = arith.constant 0 : i32
    %cond3A_35 = arith.cmpi ne, %convert_element_type3A_34, %cond3A : i32
    scf.if %cond3A_35 {
      %mul3A_51 = arith.constant 8 : i32
      %mul3A_52 = arith.muli %mul3A_4, %mul3A_51 : i32
      "tpu.region"() ({
        %run_scoped3A_53 = tpu.sem_alloc : memref<!tpu.dma_semaphore, #tpu.memory_space<semaphore_mem>>
        %dma_start3A = tpu.memref_slice %arg6[%mul3A_52] : memref<400384xf32, #tpu.memory_space<hbm>> -> memref<50048xf32, #tpu.memory_space<hbm>>
        %dma_start3A_54 = tpu.memref_slice %arg6[%mul3A_52] : memref<400384xf32, #tpu.memory_space<hbm>> -> memref<50048xf32, #tpu.memory_space<hbm>>
        tpu.enqueue_dma source(%arg13 : memref<50048xf32, #tpu.memory_space<vmem>>) target(%dma_start3A_54 : memref<50048xf32, #tpu.memory_space<hbm>>) target_semaphore(%run_scoped3A_53 : memref<!tpu.dma_semaphore, #tpu.memory_space<semaphore_mem>>)
        %dma_wait3A = tpu.memref_slice %arg6[%mul3A_52] : memref<400384xf32, #tpu.memory_space<hbm>> -> memref<50048xf32, #tpu.memory_space<hbm>>
        %dma_wait3A_55 = tpu.memref_slice %arg6[%mul3A_52] : memref<400384xf32, #tpu.memory_space<hbm>> -> memref<50048xf32, #tpu.memory_space<hbm>>
        tpu.wait_dma2 semaphore(%run_scoped3A_53 : memref<!tpu.dma_semaphore, #tpu.memory_space<semaphore_mem>>) src(%arg13 : memref<50048xf32, #tpu.memory_space<vmem>>) dst(%dma_wait3A_55 : memref<50048xf32, #tpu.memory_space<hbm>>)
        tpu.yield
      }) : () -> ()
    } else {
    }
    %eq3A_36 = arith.constant 1 : i32
    %eq3A_37 = arith.cmpi eq, %and3A_1, %eq3A_36 : i32
    %convert_element_type3A_38 = arith.extui %eq3A_37 : i1 to i32
    %cond3A_39 = arith.constant 0 : i32
    %cond3A_40 = arith.cmpi ne, %convert_element_type3A_38, %cond3A_39 : i32
    scf.if %cond3A_40 {
      %mul3A_51 = arith.constant 8 : i32
      %mul3A_52 = arith.muli %mul3A_4, %mul3A_51 : i32
      "tpu.region"() ({
        %run_scoped3A_53 = tpu.sem_alloc : memref<!tpu.dma_semaphore, #tpu.memory_space<semaphore_mem>>
        %dma_start3A = tpu.memref_slice %arg7[%mul3A_52] : memref<400384xf32, #tpu.memory_space<hbm>> -> memref<50048xf32, #tpu.memory_space<hbm>>
        %dma_start3A_54 = tpu.memref_slice %arg7[%mul3A_52] : memref<400384xf32, #tpu.memory_space<hbm>> -> memref<50048xf32, #tpu.memory_space<hbm>>
        tpu.enqueue_dma source(%arg13 : memref<50048xf32, #tpu.memory_space<vmem>>) target(%dma_start3A_54 : memref<50048xf32, #tpu.memory_space<hbm>>) target_semaphore(%run_scoped3A_53 : memref<!tpu.dma_semaphore, #tpu.memory_space<semaphore_mem>>)
        %dma_wait3A = tpu.memref_slice %arg7[%mul3A_52] : memref<400384xf32, #tpu.memory_space<hbm>> -> memref<50048xf32, #tpu.memory_space<hbm>>
        %dma_wait3A_55 = tpu.memref_slice %arg7[%mul3A_52] : memref<400384xf32, #tpu.memory_space<hbm>> -> memref<50048xf32, #tpu.memory_space<hbm>>
        tpu.wait_dma2 semaphore(%run_scoped3A_53 : memref<!tpu.dma_semaphore, #tpu.memory_space<semaphore_mem>>) src(%arg13 : memref<50048xf32, #tpu.memory_space<vmem>>) dst(%dma_wait3A_55 : memref<50048xf32, #tpu.memory_space<hbm>>)
        tpu.yield
      }) : () -> ()
    } else {
    }
    %eq3A_41 = arith.constant 2 : i32
    %eq3A_42 = arith.cmpi eq, %and3A_1, %eq3A_41 : i32
    %convert_element_type3A_43 = arith.extui %eq3A_42 : i1 to i32
    %cond3A_44 = arith.constant 0 : i32
    %cond3A_45 = arith.cmpi ne, %convert_element_type3A_43, %cond3A_44 : i32
    scf.if %cond3A_45 {
      %mul3A_51 = arith.constant 8 : i32
      %mul3A_52 = arith.muli %mul3A_4, %mul3A_51 : i32
      "tpu.region"() ({
        %run_scoped3A_53 = tpu.sem_alloc : memref<!tpu.dma_semaphore, #tpu.memory_space<semaphore_mem>>
        %dma_start3A = tpu.memref_slice %arg8[%mul3A_52] : memref<400384xf32, #tpu.memory_space<hbm>> -> memref<50048xf32, #tpu.memory_space<hbm>>
        %dma_start3A_54 = tpu.memref_slice %arg8[%mul3A_52] : memref<400384xf32, #tpu.memory_space<hbm>> -> memref<50048xf32, #tpu.memory_space<hbm>>
        tpu.enqueue_dma source(%arg13 : memref<50048xf32, #tpu.memory_space<vmem>>) target(%dma_start3A_54 : memref<50048xf32, #tpu.memory_space<hbm>>) target_semaphore(%run_scoped3A_53 : memref<!tpu.dma_semaphore, #tpu.memory_space<semaphore_mem>>)
        %dma_wait3A = tpu.memref_slice %arg8[%mul3A_52] : memref<400384xf32, #tpu.memory_space<hbm>> -> memref<50048xf32, #tpu.memory_space<hbm>>
        %dma_wait3A_55 = tpu.memref_slice %arg8[%mul3A_52] : memref<400384xf32, #tpu.memory_space<hbm>> -> memref<50048xf32, #tpu.memory_space<hbm>>
        tpu.wait_dma2 semaphore(%run_scoped3A_53 : memref<!tpu.dma_semaphore, #tpu.memory_space<semaphore_mem>>) src(%arg13 : memref<50048xf32, #tpu.memory_space<vmem>>) dst(%dma_wait3A_55 : memref<50048xf32, #tpu.memory_space<hbm>>)
        tpu.yield
      }) : () -> ()
    } else {
    }
    %eq3A_46 = arith.constant 3 : i32
    %eq3A_47 = arith.cmpi eq, %and3A_1, %eq3A_46 : i32
    %convert_element_type3A_48 = arith.extui %eq3A_47 : i1 to i32
    %cond3A_49 = arith.constant 0 : i32
    %cond3A_50 = arith.cmpi ne, %convert_element_type3A_48, %cond3A_49 : i32
    scf.if %cond3A_50 {
      %mul3A_51 = arith.constant 8 : i32
      %mul3A_52 = arith.muli %mul3A_4, %mul3A_51 : i32
      "tpu.region"() ({
        %run_scoped3A_53 = tpu.sem_alloc : memref<!tpu.dma_semaphore, #tpu.memory_space<semaphore_mem>>
        %dma_start3A = tpu.memref_slice %arg9[%mul3A_52] : memref<400384xf32, #tpu.memory_space<hbm>> -> memref<50048xf32, #tpu.memory_space<hbm>>
        %dma_start3A_54 = tpu.memref_slice %arg9[%mul3A_52] : memref<400384xf32, #tpu.memory_space<hbm>> -> memref<50048xf32, #tpu.memory_space<hbm>>
        tpu.enqueue_dma source(%arg13 : memref<50048xf32, #tpu.memory_space<vmem>>) target(%dma_start3A_54 : memref<50048xf32, #tpu.memory_space<hbm>>) target_semaphore(%run_scoped3A_53 : memref<!tpu.dma_semaphore, #tpu.memory_space<semaphore_mem>>)
        %dma_wait3A = tpu.memref_slice %arg9[%mul3A_52] : memref<400384xf32, #tpu.memory_space<hbm>> -> memref<50048xf32, #tpu.memory_space<hbm>>
        %dma_wait3A_55 = tpu.memref_slice %arg9[%mul3A_52] : memref<400384xf32, #tpu.memory_space<hbm>> -> memref<50048xf32, #tpu.memory_space<hbm>>
        tpu.wait_dma2 semaphore(%run_scoped3A_53 : memref<!tpu.dma_semaphore, #tpu.memory_space<semaphore_mem>>) src(%arg13 : memref<50048xf32, #tpu.memory_space<vmem>>) dst(%dma_wait3A_55 : memref<50048xf32, #tpu.memory_space<hbm>>)
        tpu.yield
      }) : () -> ()
    } else {
    }
    return
  }
}

module attributes {stable_mosaic.version = 14 : i64} {
  func.func @_tck1_body(%arg0: i32, %arg1: memref<128x8xf32, #tpu.memory_space<vmem>>, %arg2: memref<128x8xf32, #tpu.memory_space<vmem>>, %arg3: memref<128x8xf32, #tpu.memory_space<vmem>>, %arg4: memref<128x8xf32, #tpu.memory_space<vmem>>, %arg5: memref<1x128xf32, #tpu.memory_space<vmem>>, %arg6: memref<1x128xf32, #tpu.memory_space<vmem>>, %arg7: memref<1x128xf32, #tpu.memory_space<vmem>>) attributes {dimension_semantics = [#tpu.dimension_semantics<arbitrary>], iteration_bounds = array<i64: 391>, scalar_prefetch = 0 : i64, scratch_operands = 0 : i64, tpu.core_type = #tpu.core_type<tc>, window_params = [{transform_indices = @transform_0, window_bounds = array<i64: 128, 8>}, {transform_indices = @transform_1, window_bounds = array<i64: 128, 8>}, {transform_indices = @transform_2, window_bounds = array<i64: 128, 8>}, {transform_indices = @transform_3, window_bounds = array<i64: 128, 8>}, {transform_indices = @transform_4, window_bounds = array<i64: 1, 128>}, {transform_indices = @transform_5, window_bounds = array<i64: 1, 128>}, {transform_indices = @transform_6, window_bounds = array<i64: 1, 128>}]} {
    %get3A = arith.constant 0 : index
    %get3A_0 = arith.constant 0 : index
    %get3A_1 = vector.load %arg1[%get3A, %get3A_0] : memref<128x8xf32, #tpu.memory_space<vmem>>, vector<128x8xf32>
    %get3A_2 = arith.constant 0 : index
    %get3A_3 = arith.constant 0 : index
    %get3A_4 = vector.load %arg2[%get3A_2, %get3A_3] : memref<128x8xf32, #tpu.memory_space<vmem>>, vector<128x8xf32>
    %add3A = arith.addf %get3A_1, %get3A_4 : vector<128x8xf32>
    %get3A_5 = arith.constant 0 : index
    %get3A_6 = arith.constant 0 : index
    %get3A_7 = vector.load %arg3[%get3A_5, %get3A_6] : memref<128x8xf32, #tpu.memory_space<vmem>>, vector<128x8xf32>
    %add3A_8 = arith.addf %add3A, %get3A_7 : vector<128x8xf32>
    %get3A_9 = arith.constant 0 : index
    %get3A_10 = arith.constant 0 : index
    %get3A_11 = vector.load %arg4[%get3A_9, %get3A_10] : memref<128x8xf32, #tpu.memory_space<vmem>>, vector<128x8xf32>
    %add3A_12 = arith.addf %add3A_8, %get3A_11 : vector<128x8xf32>
    %get3A_13 = arith.constant 0 : index
    %get3A_14 = arith.constant 0 : index
    %get3A_15 = vector.load %arg5[%get3A_13, %get3A_14] : memref<1x128xf32, #tpu.memory_space<vmem>>, vector<1x128xf32>
    %get3A_16 = vector.shape_cast %get3A_15 : vector<1x128xf32> to vector<128xf32>
    %slice3A = vector.extract_strided_slice %add3A_12 {offsets = [0, 2], sizes = [128, 1], strides = [1, 1]} : vector<128x8xf32> to vector<128x1xf32>
    %squeeze3A = vector.shape_cast %slice3A : vector<128x1xf32> to vector<128xf32>
    %add3A_17 = arith.addf %squeeze3A, %get3A_16 : vector<128xf32>
    %slice3A_18 = vector.extract_strided_slice %add3A_12 {offsets = [0, 0], sizes = [128, 1], strides = [1, 1]} : vector<128x8xf32> to vector<128x1xf32>
    %squeeze3A_19 = vector.shape_cast %slice3A_18 : vector<128x1xf32> to vector<128xf32>
    %add3A_20 = arith.constant 1.000000e+00 : f32
    %add3A_21 = vector.broadcast %add3A_20 : f32 to vector<128xf32>
    %add3A_22 = arith.addf %squeeze3A_19, %add3A_21 : vector<128xf32>
    %div3A = arith.divf %add3A_17, %add3A_22 : vector<128xf32>
    %broadcast_in_dim3A = vector.shape_cast %div3A : vector<128xf32> to vector<1x128xf32>
    %swap3A = arith.constant 0 : index
    %swap3A_23 = arith.constant 0 : index
    %swap3A_24 = vector.load %arg6[%swap3A, %swap3A_23] : memref<1x128xf32, #tpu.memory_space<vmem>>, vector<1x128xf32>
    tpu.vector_store %arg6[%swap3A, %swap3A_23], %broadcast_in_dim3A {strides = array<i32>} : memref<1x128xf32, #tpu.memory_space<vmem>>, vector<1x128xf32>,
    %slice3A_25 = vector.extract_strided_slice %add3A_12 {offsets = [0, 3], sizes = [128, 1], strides = [1, 1]} : vector<128x8xf32> to vector<128x1xf32>
    %squeeze3A_26 = vector.shape_cast %slice3A_25 : vector<128x1xf32> to vector<128xf32>
    %add3A_27 = arith.addf %squeeze3A_26, %get3A_16 : vector<128xf32>
    %slice3A_28 = vector.extract_strided_slice %add3A_12 {offsets = [0, 1], sizes = [128, 1], strides = [1, 1]} : vector<128x8xf32> to vector<128x1xf32>
    %squeeze3A_29 = vector.shape_cast %slice3A_28 : vector<128x1xf32> to vector<128xf32>
    %add3A_30 = arith.constant 1.000000e+00 : f32
    %add3A_31 = vector.broadcast %add3A_30 : f32 to vector<128xf32>
    %add3A_32 = arith.addf %squeeze3A_29, %add3A_31 : vector<128xf32>
    %div3A_33 = arith.divf %add3A_27, %add3A_32 : vector<128xf32>
    %broadcast_in_dim3A_34 = vector.shape_cast %div3A_33 : vector<128xf32> to vector<1x128xf32>
    %swap3A_35 = arith.constant 0 : index
    %swap3A_36 = arith.constant 0 : index
    %swap3A_37 = vector.load %arg7[%swap3A_35, %swap3A_36] : memref<1x128xf32, #tpu.memory_space<vmem>>, vector<1x128xf32>
    tpu.vector_store %arg7[%swap3A_35, %swap3A_36], %broadcast_in_dim3A_34 {strides = array<i32>} : memref<1x128xf32, #tpu.memory_space<vmem>>, vector<1x128xf32>,
    return
  }
  func.func @transform_0(%arg0: i32) -> (i32, i32) {
    %c0_i32 = arith.constant 0 : i32
    %c0_i32_0 = arith.constant 0 : i32
    return %arg0, %c0_i32 : i32, i32
  }
  func.func @transform_1(%arg0: i32) -> (i32, i32) {
    %c0_i32 = arith.constant 0 : i32
    %c0_i32_0 = arith.constant 0 : i32
    return %arg0, %c0_i32 : i32, i32
  }
  func.func @transform_2(%arg0: i32) -> (i32, i32) {
    %c0_i32 = arith.constant 0 : i32
    %c0_i32_0 = arith.constant 0 : i32
    return %arg0, %c0_i32 : i32, i32
  }
  func.func @transform_3(%arg0: i32) -> (i32, i32) {
    %c0_i32 = arith.constant 0 : i32
    %c0_i32_0 = arith.constant 0 : i32
    return %arg0, %c0_i32 : i32, i32
  }
  func.func @transform_4(%arg0: i32) -> (i32, i32) {
    %c0_i32 = arith.constant 0 : i32
    %c0_i32_0 = arith.constant 0 : i32
    return %c0_i32, %arg0 : i32, i32
  }
  func.func @transform_5(%arg0: i32) -> (i32, i32) {
    %c0_i32 = arith.constant 0 : i32
    %c0_i32_0 = arith.constant 0 : i32
    return %c0_i32, %arg0 : i32, i32
  }
  func.func @transform_6(%arg0: i32) -> (i32, i32) {
    %c0_i32 = arith.constant 0 : i32
    %c0_i32_0 = arith.constant 0 : i32
    return %c0_i32, %arg0 : i32, i32
  }
}

module attributes {stable_mosaic.version = 14 : i64} {
  func.func @_tck2_body(%arg0: i32, %arg1: memref<128x8xf32, #tpu.memory_space<vmem>>, %arg2: memref<128x8xf32, #tpu.memory_space<vmem>>, %arg3: memref<1x128xf32, #tpu.memory_space<vmem>>, %arg4: memref<1x128xf32, #tpu.memory_space<vmem>>, %arg5: memref<1x128xi32, #tpu.memory_space<vmem>>, %arg6: memref<64x128xf32, #tpu.memory_space<vmem>>, %arg7: memref<4x64xf32, #tpu.memory_space<vmem>>, %arg8: memref<1x64xf32, #tpu.memory_space<vmem>>, %arg9: memref<128x64xf32, #tpu.memory_space<vmem>>, %arg10: memref<1x64xf32, #tpu.memory_space<vmem>>, %arg11: memref<64x64xf32, #tpu.memory_space<vmem>>, %arg12: memref<1x64xf32, #tpu.memory_space<vmem>>, %arg13: memref<64x64xf32, #tpu.memory_space<vmem>>, %arg14: memref<1x64xf32, #tpu.memory_space<vmem>>, %arg15: memref<128x2xf32, #tpu.memory_space<vmem>>, %arg16: memref<1x2xf32, #tpu.memory_space<vmem>>, %arg17: memref<64x2xf32, #tpu.memory_space<vmem>>, %arg18: memref<64x5xf32, #tpu.memory_space<vmem>>) attributes {dimension_semantics = [#tpu.dimension_semantics<arbitrary>], iteration_bounds = array<i64: 391>, scalar_prefetch = 0 : i64, scratch_operands = 1 : i64, tpu.core_type = #tpu.core_type<tc>, window_params = [{transform_indices = @transform_0, window_bounds = array<i64: 128, 8>}, {transform_indices = @transform_1, window_bounds = array<i64: 128, 8>}, {transform_indices = @transform_2, window_bounds = array<i64: 1, 128>}, {transform_indices = @transform_3, window_bounds = array<i64: 1, 128>}, {transform_indices = @transform_4, window_bounds = array<i64: 1, 128>}, {pipeline_mode = #tpu.pipeline_mode<synchronous>, transform_indices = @transform_5, window_bounds = array<i64: 64, 128>}, {pipeline_mode = #tpu.pipeline_mode<synchronous>, transform_indices = @transform_6, window_bounds = array<i64: 4, 64>}, {pipeline_mode = #tpu.pipeline_mode<synchronous>, transform_indices = @transform_7, window_bounds = array<i64: 1, 64>}, {pipeline_mode = #tpu.pipeline_mode<synchronous>, transform_indices = @transform_8, window_bounds = array<i64: 128, 64>}, {pipeline_mode = #tpu.pipeline_mode<synchronous>, transform_indices = @transform_9, window_bounds = array<i64: 1, 64>}, {pipeline_mode = #tpu.pipeline_mode<synchronous>, transform_indices = @transform_10, window_bounds = array<i64: 64, 64>}, {pipeline_mode = #tpu.pipeline_mode<synchronous>, transform_indices = @transform_11, window_bounds = array<i64: 1, 64>}, {pipeline_mode = #tpu.pipeline_mode<synchronous>, transform_indices = @transform_12, window_bounds = array<i64: 64, 64>}, {pipeline_mode = #tpu.pipeline_mode<synchronous>, transform_indices = @transform_13, window_bounds = array<i64: 1, 64>}, {pipeline_mode = #tpu.pipeline_mode<synchronous>, transform_indices = @transform_14, window_bounds = array<i64: 128, 2>}, {pipeline_mode = #tpu.pipeline_mode<synchronous>, transform_indices = @transform_15, window_bounds = array<i64: 1, 2>}, {pipeline_mode = #tpu.pipeline_mode<synchronous>, transform_indices = @transform_16, window_bounds = array<i64: 64, 2>}]} {
    %get3A = arith.constant 0 : index
    %get3A_0 = arith.constant 0 : index
    %get3A_1 = vector.load %arg1[%get3A, %get3A_0] : memref<128x8xf32, #tpu.memory_space<vmem>>, vector<128x8xf32>
    %get3A_2 = arith.constant 0 : index
    %get3A_3 = arith.constant 0 : index
    %get3A_4 = vector.load %arg2[%get3A_2, %get3A_3] : memref<128x8xf32, #tpu.memory_space<vmem>>, vector<128x8xf32>
    %add3A = arith.addf %get3A_1, %get3A_4 : vector<128x8xf32>
    %get3A_5 = arith.constant 0 : index
    %get3A_6 = arith.constant 0 : index
    %get3A_7 = vector.load %arg3[%get3A_5, %get3A_6] : memref<1x128xf32, #tpu.memory_space<vmem>>, vector<1x128xf32>
    %get3A_8 = vector.shape_cast %get3A_7 : vector<1x128xf32> to vector<128xf32>
    %get3A_9 = arith.constant 0 : index
    %get3A_10 = arith.constant 0 : index
    %get3A_11 = vector.load %arg4[%get3A_9, %get3A_10] : memref<1x128xf32, #tpu.memory_space<vmem>>, vector<1x128xf32>
    %get3A_12 = vector.shape_cast %get3A_11 : vector<1x128xf32> to vector<128xf32>
    %max3A = arith.constant 0.000000e+00 : f32
    %max3A_13 = vector.broadcast %max3A : f32 to vector<128xf32>
    %max3A_14 = arith.maximumf %get3A_8, %max3A_13 : vector<128xf32>
    %neg3A = arith.constant 0.000000e+00 : f32
    %neg3A_15 = vector.broadcast %neg3A : f32 to vector<128xf32>
    %neg3A_16 = arith.subf %neg3A_15, %get3A_8 : vector<128xf32>
    %max3A_17 = arith.constant 0.000000e+00 : f32
    %max3A_18 = vector.broadcast %max3A_17 : f32 to vector<128xf32>
    %max3A_19 = arith.maximumf %neg3A_16, %max3A_18 : vector<128xf32>
    %max3A_20 = arith.constant 0.000000e+00 : f32
    %max3A_21 = vector.broadcast %max3A_20 : f32 to vector<128xf32>
    %max3A_22 = arith.maximumf %get3A_12, %max3A_21 : vector<128xf32>
    %neg3A_23 = arith.constant 0.000000e+00 : f32
    %neg3A_24 = vector.broadcast %neg3A_23 : f32 to vector<128xf32>
    %neg3A_25 = arith.subf %neg3A_24, %get3A_12 : vector<128xf32>
    %max3A_26 = arith.constant 0.000000e+00 : f32
    %max3A_27 = vector.broadcast %max3A_26 : f32 to vector<128xf32>
    %max3A_28 = arith.maximumf %neg3A_25, %max3A_27 : vector<128xf32>
    %stack3A = vector.shape_cast %max3A_14 : vector<128xf32> to vector<128x1xf32>
    %stack3A_29 = vector.shape_cast %max3A_19 : vector<128xf32> to vector<128x1xf32>
    %stack3A_30 = vector.shape_cast %max3A_22 : vector<128xf32> to vector<128x1xf32>
    %stack3A_31 = vector.shape_cast %max3A_28 : vector<128xf32> to vector<128x1xf32>
    %stack3A_32 = tpu.concatenate %stack3A, %stack3A_29, %stack3A_30, %stack3A_31 in 1 : vector<128x1xf32>, vector<128x1xf32>, vector<128x1xf32>, vector<128x1xf32> -> vector<128x4xf32>
    %slice3A = vector.extract_strided_slice %add3A {offsets = [0, 4], sizes = [128, 1], strides = [1, 1]} : vector<128x8xf32> to vector<128x1xf32>
    %squeeze3A = vector.shape_cast %slice3A : vector<128x1xf32> to vector<128xf32>
    %add3A_33 = arith.constant 1.000000e+00 : f32
    %add3A_34 = vector.broadcast %add3A_33 : f32 to vector<128xf32>
    %add3A_35 = arith.addf %squeeze3A, %add3A_34 : vector<128xf32>
    %slice3A_36 = vector.extract_strided_slice %add3A {offsets = [0, 0], sizes = [128, 4], strides = [1, 1]} : vector<128x8xf32> to vector<128x4xf32>
    %add3A_37 = arith.addf %slice3A_36, %stack3A_32 : vector<128x4xf32>
    %broadcast_in_dim3A = vector.shape_cast %add3A_35 : vector<128xf32> to vector<128x1xf32>
    %div3A = vector.broadcast %broadcast_in_dim3A : vector<128x1xf32> to vector<128x4xf32>
    %div3A_38 = arith.divf %add3A_37, %div3A : vector<128x4xf32>
    %mul3A = arith.constant 128 : i32
    %mul3A_39 = arith.muli %arg0, %mul3A : i32
    %iota3A = tpu.iota {dimensions = array<i32: 0>} : vector<128x1xi32>
    %add3A_40 = vector.broadcast %mul3A_39 : i32 to vector<128x1xi32>
    %add3A_41 = arith.addi %add3A_40, %iota3A : vector<128x1xi32>
    %lt3A = arith.constant 50000 : i32
    %lt3A_42 = vector.broadcast %lt3A : i32 to vector<128x1xi32>
    %lt3A_43 = arith.cmpi slt, %add3A_41, %lt3A_42 : vector<128x1xi32>
    %convert_element_type3A = arith.extui %lt3A_43 : vector<128x1xi1> to vector<128x1xi32>
    %convert_element_type3A_44 = arith.sitofp %convert_element_type3A : vector<128x1xi32> to vector<128x1xf32>
    %concatenate3A = tpu.concatenate %div3A_38, %convert_element_type3A_44 in 1 : vector<128x4xf32>, vector<128x1xf32> -> vector<128x5xf32>
    %iota3A_45 = tpu.iota {dimensions = array<i32: 0>} : vector<64x128xi32>
    %get3A_46 = arith.constant 0 : index
    %get3A_47 = arith.constant 0 : index
    %get3A_48 = vector.load %arg5[%get3A_46, %get3A_47] : memref<1x128xi32, #tpu.memory_space<vmem>>, vector<1x128xi32>
    %get3A_49 = vector.shape_cast %get3A_48 : vector<1x128xi32> to vector<128xi32>
    %broadcast_in_dim3A_50 = vector.shape_cast %get3A_49 : vector<128xi32> to vector<1x128xi32>
    %eq3A = vector.broadcast %broadcast_in_dim3A_50 : vector<1x128xi32> to vector<64x128xi32>
    %eq3A_51 = arith.cmpi eq, %iota3A_45, %eq3A : vector<64x128xi32>
    %convert_element_type3A_52 = arith.extui %eq3A_51 : vector<64x128xi1> to vector<64x128xi32>
    %convert_element_type3A_53 = arith.sitofp %convert_element_type3A_52 : vector<64x128xi32> to vector<64x128xf32>
    %eq3A_54 = arith.constant 0 : i32
    %eq3A_55 = arith.cmpi eq, %arg0, %eq3A_54 : i32
    %convert_element_type3A_56 = arith.extui %eq3A_55 : i1 to i32
    %cond3A = arith.constant 0 : i32
    %cond3A_57 = arith.cmpi ne, %convert_element_type3A_56, %cond3A : i32
    scf.if %cond3A_57 {
      %broadcast_in_dim3A_75 = arith.constant 0.000000e+00 : f32
      %broadcast_in_dim3A_76 = vector.broadcast %broadcast_in_dim3A_75 : f32 to vector<64x5xf32>
      %swap3A_77 = arith.constant 0 : index
      %swap3A_78 = arith.constant 0 : index
      %swap3A_79 = vector.load %arg18[%swap3A_77, %swap3A_78] : memref<64x5xf32, #tpu.memory_space<vmem>>, vector<64x5xf32>
      tpu.vector_store %arg18[%swap3A_77, %swap3A_78], %broadcast_in_dim3A_76 {strides = array<i32>} : memref<64x5xf32, #tpu.memory_space<vmem>>, vector<64x5xf32>,
    } else {
    }
    %get3A_58 = arith.constant 0 : index
    %get3A_59 = arith.constant 0 : index
    %get3A_60 = vector.load %arg18[%get3A_58, %get3A_59] : memref<64x5xf32, #tpu.memory_space<vmem>>, vector<64x5xf32>
    %dot_general3A = arith.constant dense<0.000000e+00> : vector<64x5xf32>
    %dot_general3A_61 = tpu.matmul %convert_element_type3A_53, %concatenate3A, %dot_general3A {dimension_numbers = #tpu.dot_dimension_numbers<[1], [0], [0], [1], [0, 0, 1, 1], [], []>, transpose_lhs_hint = false} : vector<64x128xf32>, vector<128x5xf32>, vector<64x5xf32> -> vector<64x5xf32>
    %add3A_62 = arith.addf %get3A_60, %dot_general3A_61 : vector<64x5xf32>
    %swap3A = arith.constant 0 : index
    %swap3A_63 = arith.constant 0 : index
    %swap3A_64 = vector.load %arg18[%swap3A, %swap3A_63] : memref<64x5xf32, #tpu.memory_space<vmem>>, vector<64x5xf32>
    tpu.vector_store %arg18[%swap3A, %swap3A_63], %add3A_62 {strides = array<i32>} : memref<64x5xf32, #tpu.memory_space<vmem>>, vector<64x5xf32>,
    %lt3A_65 = arith.constant 390 : i32
    %lt3A_66 = arith.cmpi slt, %arg0, %lt3A_65 : i32
    %convert_element_type3A_67 = arith.extui %lt3A_66 : i1 to i32
    %cond3A_68 = arith.constant 0 : i32
    %cond3A_69 = arith.cmpi ne, %convert_element_type3A_67, %cond3A_68 : i32
    scf.if %cond3A_69 {
      %broadcast_in_dim3A_75 = arith.constant 0.000000e+00 : f32
      %broadcast_in_dim3A_76 = vector.broadcast %broadcast_in_dim3A_75 : f32 to vector<64x2xf32>
      %swap3A_77 = arith.constant 0 : index
      %swap3A_78 = arith.constant 0 : index
      %swap3A_79 = vector.load %arg17[%swap3A_77, %swap3A_78] : memref<64x2xf32, #tpu.memory_space<vmem>>, vector<64x2xf32>
      tpu.vector_store %arg17[%swap3A_77, %swap3A_78], %broadcast_in_dim3A_76 {strides = array<i32>} : memref<64x2xf32, #tpu.memory_space<vmem>>, vector<64x2xf32>,
    } else {
    }
    %eq3A_70 = arith.constant 390 : i32
    %eq3A_71 = arith.cmpi eq, %arg0, %eq3A_70 : i32
    %convert_element_type3A_72 = arith.extui %eq3A_71 : i1 to i32
    %cond3A_73 = arith.constant 0 : i32
    %cond3A_74 = arith.cmpi ne, %convert_element_type3A_72, %cond3A_73 : i32
    scf.if %cond3A_74 {
      %get3A_75 = arith.constant 0 : index
      %get3A_76 = arith.constant 0 : index
      %get3A_77 = vector.load %arg18[%get3A_75, %get3A_76] : memref<64x5xf32, #tpu.memory_space<vmem>>, vector<64x5xf32>
      %slice3A_78 = vector.extract_strided_slice %get3A_77 {offsets = [0, 0], sizes = [64, 4], strides = [1, 1]} : vector<64x5xf32> to vector<64x4xf32>
      %slice3A_79 = vector.extract_strided_slice %get3A_77 {offsets = [0, 4], sizes = [64, 1], strides = [1, 1]} : vector<64x5xf32> to vector<64x1xf32>
      %squeeze3A_80 = vector.shape_cast %slice3A_79 : vector<64x1xf32> to vector<64xf32>
      %get3A_81 = arith.constant 0 : index
      %get3A_82 = arith.constant 0 : index
      %get3A_83 = vector.load %arg7[%get3A_81, %get3A_82] : memref<4x64xf32, #tpu.memory_space<vmem>>, vector<4x64xf32>
      %dot_general3A_84 = arith.constant dense<0.000000e+00> : vector<64x64xf32>
      %dot_general3A_85 = tpu.matmul %slice3A_78, %get3A_83, %dot_general3A_84 {dimension_numbers = #tpu.dot_dimension_numbers<[1], [0], [0], [1], [0, 0, 1, 1], [], []>, transpose_lhs_hint = false} : vector<64x4xf32>, vector<4x64xf32>, vector<64x64xf32> -> vector<64x64xf32>
      %broadcast_in_dim3A_86 = vector.shape_cast %squeeze3A_80 : vector<64xf32> to vector<64x1xf32>
      %get3A_87 = arith.constant 0 : index
      %get3A_88 = arith.constant 0 : index
      %get3A_89 = vector.load %arg8[%get3A_87, %get3A_88] : memref<1x64xf32, #tpu.memory_space<vmem>>, vector<1x64xf32>
      %mul3A_90 = vector.broadcast %broadcast_in_dim3A_86 : vector<64x1xf32> to vector<64x64xf32>
      %mul3A_91 = vector.broadcast %get3A_89 : vector<1x64xf32> to vector<64x64xf32>
      %mul3A_92 = arith.mulf %mul3A_90, %mul3A_91 : vector<64x64xf32>
      %add3A_93 = arith.addf %dot_general3A_85, %mul3A_92 : vector<64x64xf32>
      %max3A_94 = arith.constant 1.000000e+00 : f32
      %max3A_95 = vector.broadcast %max3A_94 : f32 to vector<64xf32>
      %max3A_96 = arith.maximumf %squeeze3A_80, %max3A_95 : vector<64xf32>
      %broadcast_in_dim3A_97 = vector.shape_cast %max3A_96 : vector<64xf32> to vector<64x1xf32>
      %div3A_98 = vector.broadcast %broadcast_in_dim3A_97 : vector<64x1xf32> to vector<64x64xf32>
      %div3A_99 = arith.divf %add3A_93, %div3A_98 : vector<64x64xf32>
      %get3A_100 = arith.constant 0 : index
      %get3A_101 = arith.constant 0 : index
      %get3A_102 = vector.load %arg6[%get3A_100, %get3A_101] : memref<64x128xf32, #tpu.memory_space<vmem>>, vector<64x128xf32>
      %get3A_103 = arith.constant 0 : index
      %get3A_104 = arith.constant 0 : index
      %get3A_105 = vector.load %arg9[%get3A_103, %get3A_104] : memref<128x64xf32, #tpu.memory_space<vmem>>, vector<128x64xf32>
      %dot_general3A_106 = arith.constant dense<0.000000e+00> : vector<64x64xf32>
      %dot_general3A_107 = tpu.matmul %get3A_102, %get3A_105, %dot_general3A_106 {dimension_numbers = #tpu.dot_dimension_numbers<[1], [0], [0], [1], [0, 0, 1, 1], [], []>, transpose_lhs_hint = false} : vector<64x128xf32>, vector<128x64xf32>, vector<64x64xf32> -> vector<64x64xf32>
      %get3A_108 = arith.constant 0 : index
      %get3A_109 = arith.constant 0 : index
      %get3A_110 = vector.load %arg10[%get3A_108, %get3A_109] : memref<1x64xf32, #tpu.memory_space<vmem>>, vector<1x64xf32>
      %add3A_111 = vector.broadcast %get3A_110 : vector<1x64xf32> to vector<64x64xf32>
      %add3A_112 = arith.addf %dot_general3A_107, %add3A_111 : vector<64x64xf32>
      %max3A_113 = arith.constant 0.000000e+00 : f32
      %max3A_114 = vector.broadcast %max3A_113 : f32 to vector<64x64xf32>
      %max3A_115 = arith.maximumf %add3A_112, %max3A_114 : vector<64x64xf32>
      %get3A_116 = arith.constant 0 : index
      %get3A_117 = arith.constant 0 : index
      %get3A_118 = vector.load %arg11[%get3A_116, %get3A_117] : memref<64x64xf32, #tpu.memory_space<vmem>>, vector<64x64xf32>
      %dot_general3A_119 = arith.constant dense<0.000000e+00> : vector<64x64xf32>
      %dot_general3A_120 = tpu.matmul %max3A_115, %get3A_118, %dot_general3A_119 {dimension_numbers = #tpu.dot_dimension_numbers<[1], [0], [0], [1], [0, 0, 1, 1], [], []>, transpose_lhs_hint = false} : vector<64x64xf32>, vector<64x64xf32>, vector<64x64xf32> -> vector<64x64xf32>
      %get3A_121 = arith.constant 0 : index
      %get3A_122 = arith.constant 0 : index
      %get3A_123 = vector.load %arg12[%get3A_121, %get3A_122] : memref<1x64xf32, #tpu.memory_space<vmem>>, vector<1x64xf32>
      %add3A_124 = vector.broadcast %get3A_123 : vector<1x64xf32> to vector<64x64xf32>
      %add3A_125 = arith.addf %dot_general3A_120, %add3A_124 : vector<64x64xf32>
      %max3A_126 = arith.constant 0.000000e+00 : f32
      %max3A_127 = vector.broadcast %max3A_126 : f32 to vector<64x64xf32>
      %max3A_128 = arith.maximumf %add3A_125, %max3A_127 : vector<64x64xf32>
      %get3A_129 = arith.constant 0 : index
      %get3A_130 = arith.constant 0 : index
      %get3A_131 = vector.load %arg13[%get3A_129, %get3A_130] : memref<64x64xf32, #tpu.memory_space<vmem>>, vector<64x64xf32>
      %dot_general3A_132 = arith.constant dense<0.000000e+00> : vector<64x64xf32>
      %dot_general3A_133 = tpu.matmul %max3A_128, %get3A_131, %dot_general3A_132 {dimension_numbers = #tpu.dot_dimension_numbers<[1], [0], [0], [1], [0, 0, 1, 1], [], []>, transpose_lhs_hint = false} : vector<64x64xf32>, vector<64x64xf32>, vector<64x64xf32> -> vector<64x64xf32>
      %get3A_134 = arith.constant 0 : index
      %get3A_135 = arith.constant 0 : index
      %get3A_136 = vector.load %arg14[%get3A_134, %get3A_135] : memref<1x64xf32, #tpu.memory_space<vmem>>, vector<1x64xf32>
      %add3A_137 = vector.broadcast %get3A_136 : vector<1x64xf32> to vector<64x64xf32>
      %add3A_138 = arith.addf %dot_general3A_133, %add3A_137 : vector<64x64xf32>
      %concatenate3A_139 = tpu.concatenate %div3A_99, %add3A_138 in 1 : vector<64x64xf32>, vector<64x64xf32> -> vector<64x128xf32>
      %get3A_140 = arith.constant 0 : index
      %get3A_141 = arith.constant 0 : index
      %get3A_142 = vector.load %arg15[%get3A_140, %get3A_141] : memref<128x2xf32, #tpu.memory_space<vmem>>, vector<128x2xf32>
      %dot_general3A_143 = arith.constant dense<0.000000e+00> : vector<64x2xf32>
      %dot_general3A_144 = tpu.matmul %concatenate3A_139, %get3A_142, %dot_general3A_143 {dimension_numbers = #tpu.dot_dimension_numbers<[1], [0], [0], [1], [0, 0, 1, 1], [], []>, transpose_lhs_hint = false} : vector<64x128xf32>, vector<128x2xf32>, vector<64x2xf32> -> vector<64x2xf32>
      %get3A_145 = arith.constant 0 : index
      %get3A_146 = arith.constant 0 : index
      %get3A_147 = vector.load %arg16[%get3A_145, %get3A_146] : memref<1x2xf32, #tpu.memory_space<vmem>>, vector<1x2xf32>
      %add3A_148 = vector.broadcast %get3A_147 : vector<1x2xf32> to vector<64x2xf32>
      %add3A_149 = arith.addf %dot_general3A_144, %add3A_148 : vector<64x2xf32>
      %swap3A_150 = arith.constant 0 : index
      %swap3A_151 = arith.constant 0 : index
      %swap3A_152 = vector.load %arg17[%swap3A_150, %swap3A_151] : memref<64x2xf32, #tpu.memory_space<vmem>>, vector<64x2xf32>
      tpu.vector_store %arg17[%swap3A_150, %swap3A_151], %add3A_149 {strides = array<i32>} : memref<64x2xf32, #tpu.memory_space<vmem>>, vector<64x2xf32>,
    } else {
    }
    return
  }
  func.func @transform_0(%arg0: i32) -> (i32, i32) {
    %c0_i32 = arith.constant 0 : i32
    %c0_i32_0 = arith.constant 0 : i32
    return %arg0, %c0_i32 : i32, i32
  }
  func.func @transform_1(%arg0: i32) -> (i32, i32) {
    %c0_i32 = arith.constant 0 : i32
    %c0_i32_0 = arith.constant 0 : i32
    return %arg0, %c0_i32 : i32, i32
  }
  func.func @transform_2(%arg0: i32) -> (i32, i32) {
    %c0_i32 = arith.constant 0 : i32
    %c0_i32_0 = arith.constant 0 : i32
    return %c0_i32, %arg0 : i32, i32
  }
  func.func @transform_3(%arg0: i32) -> (i32, i32) {
    %c0_i32 = arith.constant 0 : i32
    %c0_i32_0 = arith.constant 0 : i32
    return %c0_i32, %arg0 : i32, i32
  }
  func.func @transform_4(%arg0: i32) -> (i32, i32) {
    %c0_i32 = arith.constant 0 : i32
    %c0_i32_0 = arith.constant 0 : i32
    return %c0_i32, %arg0 : i32, i32
  }
  func.func @transform_5(%arg0: i32) -> (i32, i32) {
    %c0_i32 = arith.constant 0 : i32
    %c0_i32_0 = arith.constant 0 : i32
    %c0_i32_1 = arith.constant 0 : i32
    return %c0_i32, %c0_i32_0 : i32, i32
  }
  func.func @transform_6(%arg0: i32) -> (i32, i32) {
    %c0_i32 = arith.constant 0 : i32
    %c0_i32_0 = arith.constant 0 : i32
    %c0_i32_1 = arith.constant 0 : i32
    return %c0_i32, %c0_i32_0 : i32, i32
  }
  func.func @transform_7(%arg0: i32) -> (i32, i32) {
    %c0_i32 = arith.constant 0 : i32
    %c0_i32_0 = arith.constant 0 : i32
    %c0_i32_1 = arith.constant 0 : i32
    return %c0_i32, %c0_i32_0 : i32, i32
  }
  func.func @transform_8(%arg0: i32) -> (i32, i32) {
    %c0_i32 = arith.constant 0 : i32
    %c0_i32_0 = arith.constant 0 : i32
    %c0_i32_1 = arith.constant 0 : i32
    return %c0_i32, %c0_i32_0 : i32, i32
  }
  func.func @transform_9(%arg0: i32) -> (i32, i32) {
    %c0_i32 = arith.constant 0 : i32
    %c0_i32_0 = arith.constant 0 : i32
    %c0_i32_1 = arith.constant 0 : i32
    return %c0_i32, %c0_i32_0 : i32, i32
  }
  func.func @transform_10(%arg0: i32) -> (i32, i32) {
    %c0_i32 = arith.constant 0 : i32
    %c0_i32_0 = arith.constant 0 : i32
    %c0_i32_1 = arith.constant 0 : i32
    return %c0_i32, %c0_i32_0 : i32, i32
  }
  func.func @transform_11(%arg0: i32) -> (i32, i32) {
    %c0_i32 = arith.constant 0 : i32
    %c0_i32_0 = arith.constant 0 : i32
    %c0_i32_1 = arith.constant 0 : i32
    return %c0_i32, %c0_i32_0 : i32, i32
  }
  func.func @transform_12(%arg0: i32) -> (i32, i32) {
    %c0_i32 = arith.constant 0 : i32
    %c0_i32_0 = arith.constant 0 : i32
    %c0_i32_1 = arith.constant 0 : i32
    return %c0_i32, %c0_i32_0 : i32, i32
  }
  func.func @transform_13(%arg0: i32) -> (i32, i32) {
    %c0_i32 = arith.constant 0 : i32
    %c0_i32_0 = arith.constant 0 : i32
    %c0_i32_1 = arith.constant 0 : i32
    return %c0_i32, %c0_i32_0 : i32, i32
  }
  func.func @transform_14(%arg0: i32) -> (i32, i32) {
    %c0_i32 = arith.constant 0 : i32
    %c0_i32_0 = arith.constant 0 : i32
    %c0_i32_1 = arith.constant 0 : i32
    return %c0_i32, %c0_i32_0 : i32, i32
  }
  func.func @transform_15(%arg0: i32) -> (i32, i32) {
    %c0_i32 = arith.constant 0 : i32
    %c0_i32_0 = arith.constant 0 : i32
    %c0_i32_1 = arith.constant 0 : i32
    return %c0_i32, %c0_i32_0 : i32, i32
  }
  func.func @transform_16(%arg0: i32) -> (i32, i32) {
    %c0_i32 = arith.constant 0 : i32
    %c0_i32_0 = arith.constant 0 : i32
    %c0_i32_1 = arith.constant 0 : i32
    return %c0_i32, %c0_i32_0 : i32, i32
  }
}

</mosaic_0001>

<sc_bundles>
// kernel: kernel.6.cloned.1.call-start
scs
__scs_entry_jumppad:
0x0: {  	(pc) =	sbr.rel $0x88, $3  }
0x1: {  	(tag) =	ssettag $0x0;
	lr =	simm.s32 $0x1  }
0x2: {  	[smem:$0x3F8E] =	sst lr;
	_ =	strace $0xD0000000  }
0x3: {  	_ = 	snop  }
0x4: {  	_ = 	snop  }
0x5: {  	_ = 	snop  }
0x6: {  	_ = 	snop  }
0x7: {  	_ = 	snop  }
__scs_overlays_trampoline_lowered:
0x8: {  	[smem:$0x3F9D] =	sst s0  }
0x9: {  	[smem:$0x3F9E] =	sst s1  }
0xa: {  	[smem:$0x3F9F] =	sst s2  }
0xb: {  	[smem:$0x3FA0] =	sst s3  }
0xc: {  	[smem:$0x3FA1] =	sst s4  }
0xd: {  	[smem:$0x3FA2] =	sst s5  }
0xe: {  	[smem:$0x3FA3] =	sst s6  }
0xf: {  	[smem:$0x3FA4] =	sst s7  }
0x10: {  	[smem:$0x3FA5] =	sst s8  }
0x11: {  	[smem:$0x3FA6] =	sst s9;
	s0 =	simm.s32 @!p0 $0x0  }
0x12: {  	s1 =	sld [smem:$0x3F8C];
	s0 =	simm.s32 @p0 $0x1  }
0x13: {  	[smem:$0x3FA7] =	sst s0;
	s0 =	simm.s32 @!p1 $0x0  }
0x14: {  	s2 =	sld [smem:$0x3F8B];
	s0 =	simm.s32 @p1 $0x1  }
0x15: {  	[smem:$0x3FA8] =	sst s0;
	s0 =	simm.s32 @!p2 $0x0  }
0x16: {  	s3 =	sld [smem:$0x3FDB];
	s0 =	simm.s32 @p2 $0x1  }
0x17: {  	s4 =	simm.s32 $0x1BF5;
	[smem:$0x3FAA] =	sst s0  }
0x18: {  	s0 =	sld [smem:$0x3F8D];
	_ =	swait.ge [sflag:s4], $0x0  }
0x19: {  	s7 =	sld [smem:$0x3F8E]  }
0x1a: {  	s8 =	sadd.s32 $0xFFFFE003, lr  }
0x1b: {  	s9 =	sadd.s32 $0xFFFFFEF7, lr;
	s5 =	simm.s32 $0xFFFFFFFF;
	p2 =	slt.u32 s8, $0xFFFFF086  }
0x1c: {  	p1 =	slt.u32 s9, $0xF7A;
	s5 =	simm.s32 @!p2 $0x0  }
0x1d: {  	s5 =	simm.s32 @p1 $0x1;
	p0 =	seq.s32 s7, s2  }
0x1e: {  	s7 =	smul.u32 @!p0 $0xF7A, s2;
	p2 =	seq.s32 @!p0 s5, $0x0  }
0x1f: {  	s9 =	smul.u32 $0xF7A, s1;
	s8 =	simm.s32 @!p0 $0x1BF5;
	p2 =	por !p2, p0  }
0x20: {  	[sflag:s8] =	ssyncset.s32 @!p0 $0xFFFFF086;
	s6 =	sadd.s32 @!p0 s3, s7;
	s7 =	simm.s32 @!p0 $0x108  }
0x21: {  	s3 =	sadd.s32 s3, s9;
	s6 =	sadd.s32 @!p0 $0x88, s6;
	s7 =	simm.s32 @p2 $0x1082  }
0x22: {  	[simem:s7], [sflag:s8] =	dma.local @!p0 [hbm:s6], $0xF7A  }
0x23: {  	s9 =	sor.u32 $0xD0000000, s2;
	s6 =	simm.s32 $0x108;
	_ =	swait.ge @!p0 [sflag:s8], $0x0  }
0x24: {  	s3 =	sadd.s32 $0x88, s3;
	s6 =	simm.s32 @!p1 $0x1082;
	[sflag:s4] =	ssyncset.s32 $0xFFFFF086  }
0x25: {  	[simem:s6], [sflag:s4] =	dma.local [hbm:s3], $0xF7A  }
0x26: {  	[smem:$0x3F8E] =	sst s1;
	(tag) =	ssettag s2;
	_ =	strace s9  }
0x27: {  	s1 =	sld [smem:$0x3F9E]  }
0x28: {  	s2 =	sld [smem:$0x3F9F]  }
0x29: {  	s4 =	sld [smem:$0x3FA1]  }
0x2a: {  	p0 =	seq.s32 s5, $0x0;
	s5 =	sld [smem:$0x3FA2]  }
0x2b: {  	s6 =	sld [smem:$0x3FA3]  }
0x2c: {  	s7 =	sld [smem:$0x3FA4]  }
0x2d: {  	s3 =	simm.s32 $0x108;
	s8 =	sld [smem:$0x3FA5]  }
0x2e: {  	s3 =	simm.s32 @!p0 $0x1082;
	s9 =	sld [smem:$0x3FA6]  }
0x2f: {  	lr =	sadd.s32 s0, s3;
	s0 =	sld [smem:$0x3F9D]  }
0x30: {  	s3 =	sld [smem:$0x3FA0]  }
0x31: {  	[smem:$0x3FA9] =	sst s10  }
0x32: {  	s10 =	sld [smem:$0x3FA7];
	_ =	sdelay $0x3  }
0x33: {  	p0 =	seq.s32 s10, $0x1;
	s10 =	sld [smem:$0x3FA9];
	_ =	sdelay $0x3  }
0x34: {  	[smem:$0x3FA9] =	sst s10  }
0x35: {  	s10 =	sld [smem:$0x3FA8];
	_ =	sdelay $0x3  }
0x36: {  	p1 =	seq.s32 s10, $0x1;
	s10 =	sld [smem:$0x3FA9];
	_ =	sdelay $0x3  }
0x37: {  	[smem:$0x3FA9] =	sst s10  }
0x38: {  	s10 =	sld [smem:$0x3FAA]  }
0x39: {  	_ = 	snop;
	(pc) =	sbr.ind lr, $3  }
0x3a: {  	_ = 	snop  }
0x3b: {  	_ = 	snop  }
0x3c: {  	p2 =	seq.s32 s10, $0x1;
	s10 =	sld [smem:$0x3FA9]  }
0x3d: {  	_ =	shalt  }
0x3e: {  	_ =	shalt  }
0x3f: {  	_ =	shalt  }
0x40: {  	_ =	shalt  }
0x41: {  	_ =	shalt  }
0x42: {  	_ =	shalt  }
0x43: {  	_ =	shalt  }
0x44: {  	_ =	shalt  }
0x45: {  	_ =	shalt  }
0x46: {  	_ =	shalt  }
0x47: {  	_ =	shalt  }
0x48: {  	_ =	shalt  }
0x49: {  	_ =	shalt  }
0x4a: {  	_ =	shalt  }
0x4b: {  	_ =	shalt  }
0x4c: {  	_ =	shalt  }
0x4d: {  	_ =	shalt  }
0x4e: {  	_ =	shalt  }
0x4f: {  	_ =	shalt  }
0x50: {  	_ =	shalt  }
0x51: {  	_ =	shalt  }
0x52: {  	_ =	shalt  }
0x53: {  	_ =	shalt  }
0x54: {  	_ =	shalt  }
0x55: {  	_ =	shalt  }
0x56: {  	_ =	shalt  }
0x57: {  	_ =	shalt  }
0x58: {  	_ =	shalt  }
0x59: {  	_ =	shalt  }
0x5a: {  	_ =	shalt  }
0x5b: {  	_ =	shalt  }
0x5c: {  	_ =	shalt  }
0x5d: {  	_ =	shalt  }
0x5e: {  	_ =	shalt  }
0x5f: {  	_ =	shalt  }
0x60: {  	_ =	shalt  }
0x61: {  	_ =	shalt  }
0x62: {  	_ =	shalt  }
0x63: {  	_ =	shalt  }
0x64: {  	_ =	shalt  }
0x65: {  	_ =	shalt  }
0x66: {  	_ =	shalt  }
0x67: {  	_ =	shalt  }
0x68: {  	_ =	shalt  }
0x69: {  	_ =	shalt  }
0x6a: {  	_ =	shalt  }
0x6b: {  	_ =	shalt  }
0x6c: {  	_ =	shalt  }
0x6d: {  	_ =	shalt  }
0x6e: {  	_ =	shalt  }
0x6f: {  	_ =	shalt  }
0x70: {  	_ =	shalt  }
0x71: {  	_ =	shalt  }
0x72: {  	_ =	shalt  }
0x73: {  	_ =	shalt  }
0x74: {  	_ =	shalt  }
0x75: {  	_ =	shalt  }
0x76: {  	_ =	shalt  }
0x77: {  	_ =	shalt  }
0x78: {  	_ =	shalt  }
0x79: {  	_ =	shalt  }
0x7a: {  	_ =	shalt  }
0x7b: {  	_ =	shalt  }
0x7c: {  	_ =	shalt  }
0x7d: {  	_ =	shalt  }
0x7e: {  	_ =	shalt  }
0x7f: {  	_ =	shalt  }
0x80: {  	_ =	shalt  }
0x81: {  	_ =	shalt  }
0x82: {  	_ =	shalt  }
0x83: {  	_ =	shalt  }
0x84: {  	_ =	shalt  }
0x85: {  	_ =	shalt  }
0x86: {  	_ =	shalt  }
0x87: {  	_ =	shalt  }
.Lfunc_end0:
.L_simem_size_0:
called_computation_lowered:
.L_overlay_start_0:
0x88: {  	s2 =	sld [smem:$0x3FD9]  }
0x89: {  	s3 =	sld [smem:$0x3FFE];
	_ =	sdelay $0x1  }
0x8a: {  	s1 =	srdreg.scid  }
0x8b: {  	s0 =	sand.u32 $0x1, s1  }
0x8c: {  	s16 =	sshll.u32 s0, $0xA;
	s2 =	sadd.s32 s3, s2  }
0x8d: {  	s2 =	sadd.s32 s2, s16  }
0x8e: {  	[smem:$0x3FB5] =	sst s2  }
0x8f: {  	_ = 	snop  }
0x90: {  	(tm) =	ssettm $0x1  }
0x91: {  	s17 =	sld [smem:$0x3FFB];
	_ =	sdelay $0x3  }
0x92: {  	_ =	strace s17  }
0x93: {  	s2 =	sld [smem:$0x3FFC];
	_ =	sdelay $0x3  }
0x94: {  	_ =	strace s2  }
0x95: {  	s2 =	sld [smem:$0x3FFD];
	_ =	sdelay $0x3  }
0x96: {  	_ =	strace s2  }
0x97: {  	_ =	strace $0x8FFFFFFF  }
0x98: {  	s18 =	sld [smem:$0x3FDB];
	_ =	sdelay $0x1  }
0x99: {  	s19 =	simm.s32 $_scs_section_size  }
0x9a: {  	s4 =	simm.s32 $_size__tile_overlayer_lowered;
	s5 =	simm.s32 $_tile_overlayer_lowered  }
0x9b: {  	s22 =	simm.s32 $0x1BFF;
	s21 =	sshll.u32 s5, $0x1;
	s2 =	sadd.s32 s19, s18  }
0x9c: {  	s6 =	simm.s32 $0x0;
	s20 =	sshll.u32 s4, $0x1;
	s4 =	sadd.s32 s21, s2  }
0x9d: {  	[timem:s6], [sflag:s22] =	dma.local [hbm:s4], s20  }
0x9e: {  	_ =	swait.ge [sflag:s22], s20  }
0x9f: {  	s3 =	ssub.s32 $0x0, s20;
	[sflag:s22] =	ssyncset.done $0x0  }
0xa0: {  	[sflag:s22] =	ssyncadd.s32 s3;
	_ =	sdelay $0x1  }
0xa1: {  	s23 =	simm.s32 $0x1B8B  }
0xa2: {  	_ =	swait.ge [sflag:s23], $0x1  }
0xa3: {  	[sflag:s23] =	ssyncset.done $0x0  }
0xa4: {  	s25 =	simm.s32 $0x1B8E;
	s24 =	sld [smem:$0x3FFE];
	[sflag:s23] =	ssyncadd.s32 $0xFFFFFFFF  }
0xa5: {  	s26 =	simm.s32 $execute0_lowered;
	[smem:$0x3FD2] =	sst s25  }
0xa6: {  	s4 =	sshll.u32 s26, $0x1;
	_ =	strace $0x80000046;
	[dreg:$0x1] =	wrdreg $0xFFFFFFFF  }
0xa7: {  	s28 =	simm.s32 $_size_execute0_lowered;
	s2 =	sadd.s32 s2, s4;
	[dreg:$0x0] =	wrdreg $0x0  }
0xa8: {  	s4 =	sshll.u32 s28, $0x1;
	[dreg:$0x2] =	wrdreg s2  }
0xa9: {  	[dreg:$0x3] =	wrdreg s4  }
0xaa: {  	[dreg:$0x4] =	wrdreg $0xC0  }
0xab: {  	_ =	task [dreg:s6], $0x5FFFF  }
0xac: {  	[dreg:$0x1] =	wrdreg $0xFFFFFFFF  }
0xad: {  	[dreg:$0x0] =	wrdreg $0x60  }
0xae: {  	[dreg:$0x2] =	wrdreg s24  }
0xaf: {  	[dreg:$0x3] =	wrdreg $0x9  }
0xb0: {  	_ =	task.clear_ibuf [dreg:s6], $0x4FFFF;
	_ =	strace $0x90000046  }
0xb1: {  	s29 =	simm.s32 $0x9;
	_ =	strace $0x80000048  }
0xb2: {  	_ =	swait.ge [sflag:s29], $0x1  }
0xb3: {  	[sflag:s29] =	ssyncadd.s32 $0xFFFFFFFF  }
0xb4: {  	_ =	strace $0x90000048  }
0xb5: {  	_ =	sfence  }
0xb6: {  	s30 =	sld [smem:$0x0];
	_ =	sdelay $0x2  }
0xb7: {  	s31 =	sshll.u32 s1, $0xD;
	s1 =	sshrl.u32 s1, $0x2  }
0xb8: {  	s3 =	sand.u32 $0x4000, s31;
	s1 =	sadd.s32 s1, s30  }
0xb9: {  	s0 =	sor.u32 s3, s0;
	s1 =	sshll.u32 s1, $0x11  }
0xba: {  	s0 =	sor.u32 s1, s0  }
0xbb: {  	s0 =	sadd.s32 $0x8F2B, s0  }
0xbc: {  	[sflag:s0] =	ssyncadd.remote.s32 $0x1  }
0xbd: {  	_ =	sfence.sel $0xFFFF  }
0xbe: {  	[dreg:$0x0] =	wrdreg $0xFFFFFFFF;
	(pc) =	sbr.abs _section_cstart, $3  }
0xbf: {  	[dreg:$0x1] =	wrdreg $0xFFFFFFFF  }
0xc0: {  	_ =	task.clear_ibuf [dreg:s6], $0x2FFFF;
	_ =	strace $0x9FFFFFFF  }
0xc1: {  	(tm) =	ssettm $0x7FFFFFFF  }
tec
execute0_lowered:
.L_overlay_start_1:
0x0: {  	(tag) =	ssettag $0x1  }
0x1: {  	s7 =	rddreg [dreg:$0x0]  }
0x2: {  	s0 =	rddreg [dreg:$0x1];
	s2 =	simm.s32 $0x0  }
0x3: {  	s1 =	stileid.u32;
	s5 =	srdreg.scid;
	s15 =	simm.s32 $0x18900  }
0x4: {  	s16 =	simm.s32 $0x18980;
	s18 =	simm.s32 $0xC380;
	[smem:$0x7FF] =	sst s2  }
0x5: {  	s4 =	sand.u32 $0x1, s1;
	s3 =	sadd.s32 $0x32E00, s7;
	s20 =	sadd.s32 $0x34A00, s7  }
0x6: {  	s17 =	sadd.s32 $0x40E00, s7;
	s9 =	sand.u32 $0x1, s5;
	s19 =	sadd.s32 $0x4D200, s7  }
0x7: {  	s6 =	sshll.u32 s1, $0x1;
	s13 =	sadd.s32 $0x59600, s7;
	s30 =	sshrl.u32 s1, $0x1  }
0x8: {  	_ =	strace $0x80000047;
	s4 =	sshll.u32 s4, $0x5;
	s5 =	ssub.s32 $0x2, s9  }
0x9: {  	s11 =	sand.u32 $0x2, s6;
	s21 =	smul.u32 $0x1870, s30;
	s6 =	sadd.s32 $0x34820, s7  }
0xa: {  	s31 =	sshll.u32 s9, $0x4;
	s8 =	sshrl.u32 s5, $0x1;
	s14 =	sor.u32 s9, s11  }
0xb: {  	p0 =	seq.s32 s11, $0x0;
	s12 =	ssub.s32 s5, s8;
	s8 =	simm.s32 $0x61B  }
0xc: {  	s10 =	sadd.s32 s4, s7;
	s8 =	simm.s32 @!p0 $0x61A;
	p0 =	sgt.s32 s14, $0x1  }
0xd: {  	s4 =	sadd.s32 $0x34800, s7;
	s5 =	sadd.s32 $0x34810, s7;
	p1 =	seq.s32 @p0 s14, $0x2  }
0xe: {  	s7 =	sadd.s32 $0x34830, s7;
	s11 =	sadd.s32 s31, s10;
	p1 =	por !p1, !p0  }
0xf: {  	s9 =	smax.u32 s12, $0x1;
	s19 =	smov.u32 @p1 s13;
	p1 =	seq.s32 @!p0 s14, $0x0  }
0x10: {  	s10 =	sadd.s32 $0x1E00, s11;
	s11 =	sadd.s32 $0x1A600, s11;
	p1 =	por !p1, p0  }
0x11: {  	s12 =	simm.s32 $0x1;
	s13 =	simm.s32 $0x18800;
	s20 =	smov.u32 @p1 s17  }
0x12: {  	s14 =	simm.s32 $0x18880;
	s17 =	simm.s32 $0xC480;
	s20 =	smov.u32 @p0 s19  }
0x13: {  	v1 =	vlaneseq.u32;
	v2 =	vimm.f32 $0.0e+00;
	v0 =	vmov s21;
	s19 =	simm.s32 $0xC400;
	s20 =	sadd.s32 s20, s21;
	s21 =	simm.s32 $0x0  }
.LBB2_1:
0x14: {  	[tilespmem:s2], [sflag:$0x1] =	stream.linear.gather [hbm4b:s3+s2], $0xC380, $0x38;
	[tilespmem:$0x18A00] =	vst v63  }
0x15: {  	_ =	swait.ge [sflag:s12], $0xC380  }
0x16: {  	[sflag:s12] =	ssyncset.done $0x0  }
0x17: {  	[sflag:s12] =	ssyncadd.s32 $0xFFFF3C80  }
0x18: {  	[tilespmem:s13], [sflag:$0x1] =	stream.linear.gather [hbm4b:s4+s2], $0x80, $0x38;
	[tilespmem:$0x18A00] =	vst v63  }
0x19: {  	_ =	swait.ge [sflag:s12], $0x80  }
0x1a: {  	[sflag:s12] =	ssyncset.done $0x0  }
0x1b: {  	[sflag:s12] =	ssyncadd.s32 $0xFFFFFF80  }
0x1c: {  	[tilespmem:s14], [sflag:$0x1] =	stream.linear.gather [hbm4b:s5+s2], $0x80, $0x38;
	[tilespmem:$0x18A00] =	vst v63  }
0x1d: {  	_ =	swait.ge [sflag:s12], $0x80  }
0x1e: {  	[sflag:s12] =	ssyncset.done $0x0  }
0x1f: {  	[sflag:s12] =	ssyncadd.s32 $0xFFFFFF80  }
0x20: {  	[tilespmem:s15], [sflag:$0x1] =	stream.linear.gather [hbm4b:s6+s2], $0x80, $0x38;
	[tilespmem:$0x18A00] =	vst v63  }
0x21: {  	_ =	swait.ge [sflag:s12], $0x80  }
0x22: {  	[sflag:s12] =	ssyncset.done $0x0  }
0x23: {  	[sflag:s12] =	ssyncadd.s32 $0xFFFFFF80  }
0x24: {  	[tilespmem:s16], [sflag:$0x1] =	stream.linear.gather [hbm4b:s7+s2], $0x80, $0x38;
	[tilespmem:$0x18A00] =	vst v63  }
0x25: {  	_ =	swait.ge [sflag:s12], $0x80  }
0x26: {  	[sflag:s12] =	ssyncset.done $0x0  }
0x27: {  	s22 =	simm.s32 $0x10;
	v3 =	vor.u32 s2, v1;
	[sflag:s12] =	ssyncadd.s32 $0xFFFFFF80  }
.LBB2_2:
0x28: {  	p0 =	sne.s32 s22, $0xC370  }
.Ltmp0:
0x29: {  	_ = 	snop;
	(pc) =	sbr.rel @p0 .LBB2_2-.Ltmp0, $3  }
0x2a: {  	_ =	sdelay $0x1  }
0x2b: {  	[tilespmem:v3+s17+$0x0] =	vst.idx.msk $0xffff, v2;
	s23 =	smov.u32 s22;
	s22 =	sadd.s32 $0x10, s22  }
0x2c: {  	v3 =	vor.u32 s23, v1  }
0x2d: {  	_ =	sdelay $0x3  }
0x2e: {  	[tilespmem:v3+s17+$0x0] =	vst.idx.msk $0xffff, v2  }
0x2f: {  	v3 =	vld [tilespmem:$0x18800]  }
0x30: {  	v4 =	vld [tilespmem:$0x18880]  }
0x31: {  	v5 =	vld [tilespmem:$0x18900]  }
0x32: {  	v6 =	vld [tilespmem:$0x18980];
	_ =	sdelay $0x4  }
0x33: {  	s22 =	smov.u32 s8;
	s23 =	smov.u32 s11;
	s24 =	smov.u32 s10;
	v7 =	vadd.f32 v5, v3;
	v8 =	vadd.f32 v6, v4  }
.LBB2_4:
0x34: {  	[tilespmem:s18], [sflag:$0x1] =	stream.linear.gather [hbm4b:s23+s2], $0x80, $0x38;
	[tilespmem:$0x18A00] =	vst v63  }
0x35: {  	_ =	swait.ge [sflag:s12], $0x80  }
0x36: {  	[sflag:s12] =	ssyncset.done $0x0  }
0x37: {  	[sflag:s12] =	ssyncadd.s32 $0xFFFFFF80  }
0x38: {  	[tilespmem:s19], [sflag:$0x1] =	stream.linear.gather [hbm4b:s24+s2], $0x80, $0x38;
	[tilespmem:$0x18A00] =	vst v63  }
0x39: {  	_ =	swait.ge [sflag:s12], $0x80  }
0x3a: {  	[sflag:s12] =	ssyncset.done $0x0  }
0x3b: {  	[sflag:s12] =	ssyncadd.s32 $0xFFFFFF80  }
0x3c: {  	v9 =	vld [tilespmem:$0xC380]  }
0x3d: {  	v10 =	vld [tilespmem:$0xC400];
	_ =	sdelay $0x6  }
0x3e: {  	v9 =	vld.idx.msk [tilespmem:v9+s2+$0x0], $0xffff  }
0x3f: {  	v11 =	vld.idx.msk [tilespmem:v10+s2+$0x0], $0xffff;
	_ =	sdelay $0x4  }
0x40: {  	v12 =	vmul.f32 v9, v3;
	v13 =	vmul.f32 v11, v5  }
0x41: {  	v49 =	vmul.f32 v11, v7  }
0x42: {  	v14 =	vmul.f32 v9, v4;
	v15 =	vmul.f32 v11, v6;
	v12 =	vadd.f32 v13, v12  }
0x43: {  	v11 =	vmul.f32 v11, v8  }
0x44: {  	v14 =	vadd.f32 v15, v14;
	v50 =	vmul.f32 $2.000000030e-01, v49;
	v16 =	vmul.f32 $2.000000030e-01, v12  }
0x45: {  	vm14 =	vgt.f32 v49, $0.0e+00;
	v52 =	vmul.f32 $2.000000030e-01, v11;
	vm0 =	vgt.f32 v12, $0.0e+00  }
0x46: {  	v13 =	vsel vm14, v49, v50;
	v51 =	vmul.f32 $2.000000030e-01, v14;
	v12 =	vsel vm0, v12, v16  }
0x47: {  	vm1 =	vgt.f32 v11, $0.0e+00;
	vm15 =	vgt.f32 v14, $0.0e+00;
	v12 =	vsub.f32 v12, v13  }
0x48: {  	v11 =	vsel vm1, v11, v52;
	v53 =	vsel vm15, v14, v51  }
0x49: {  	v11 =	vsub.f32 v53, v11;
	v12 =	vmul.f32 $1.442695020e+00, v12;
	_ =	sdelay $0x1  }
0x4a: {  	v11 =	vmul.f32 $1.442695020e+00, v11;
	(erf) = vpow2.f32 v12;
	_ =	sdelay $0x1  }
0x4b: {  	(erf) = vpow2.f32 v11;
	_ =	sdelay $0x1  }
0x4c: {  	v10 =	vsub.s32 v10, v0  }
0x4d: {  	vm4 =	vlt.u32 v10, $0x1870;
	v10 =	vshll.u32 v10, $0x3  }
0x4e: {  	v10 =	vnsel vm4, $0x0, v10  }
0x4f: {  	v11 =	vor.u32 $0x2, v10  }
0x50: {  	v54 =	vor.u32 $0x1, v10  }
0x51: {  	v56 =	vor.u32 $0x3, v10;
	v55 =	vpop (erf)  }
0x52: {  	v57 =	vmul.f32 v55, v9  }
0x53: {  	[tilespmem:v10+s17+$0x0] =	vst.idx.add.f32.msk vm4, v55;
	v10 =	vpop (erf)  }
0x54: {  	v9 =	vmul.f32 v10, v9;
	[tilespmem:v11+s17+$0x0] =	vst.idx.add.f32.msk vm4, v57  }
0x55: {  	[tilespmem:v54+s17+$0x0] =	vst.idx.add.f32.msk vm4, v10  }
0x56: {  	[tilespmem:v56+s17+$0x0] =	vst.idx.add.f32.msk vm4, v9  }
0x57: {  	v9 =	vld [tilespmem:$0xC390]  }
0x58: {  	v10 =	vld [tilespmem:$0xC410];
	_ =	sdelay $0x6  }
0x59: {  	v9 =	vld.idx.msk [tilespmem:v9+s2+$0x0], $0xffff  }
0x5a: {  	v11 =	vld.idx.msk [tilespmem:v10+s2+$0x0], $0xffff;
	_ =	sdelay $0x4  }
0x5b: {  	v58 =	vmul.f32 v9, v3;
	v59 =	vmul.f32 v11, v5  }
0x5c: {  	v60 =	vmul.f32 v11, v7  }
0x5d: {  	v61 =	vmul.f32 v9, v4;
	v62 =	vmul.f32 v11, v6;
	v12 =	vadd.f32 v59, v58  }
0x5e: {  	v11 =	vmul.f32 v11, v8  }
0x5f: {  	v14 =	vadd.f32 v62, v61;
	v19 =	vmul.f32 $2.000000030e-01, v60;
	v63 =	vmul.f32 $2.000000030e-01, v12  }
0x60: {  	vm6 =	vgt.f32 v60, $0.0e+00;
	v21 =	vmul.f32 $2.000000030e-01, v11;
	vm5 =	vgt.f32 v12, $0.0e+00  }
0x61: {  	v13 =	vsel vm6, v60, v19;
	v20 =	vmul.f32 $2.000000030e-01, v14;
	v12 =	vsel vm5, v12, v63  }
0x62: {  	vm8 =	vgt.f32 v11, $0.0e+00;
	vm7 =	vgt.f32 v14, $0.0e+00;
	v12 =	vsub.f32 v12, v13  }
0x63: {  	v11 =	vsel vm8, v11, v21;
	v22 =	vsel vm7, v14, v20  }
0x64: {  	v11 =	vsub.f32 v22, v11;
	v12 =	vmul.f32 $1.442695020e+00, v12;
	_ =	sdelay $0x1  }
0x65: {  	v11 =	vmul.f32 $1.442695020e+00, v11;
	(erf) = vpow2.f32 v12;
	_ =	sdelay $0x1  }
0x66: {  	(erf) = vpow2.f32 v11;
	_ =	sdelay $0x1  }
0x67: {  	v10 =	vsub.s32 v10, v0  }
0x68: {  	vm9 =	vlt.u32 v10, $0x1870;
	v10 =	vshll.u32 v10, $0x3  }
0x69: {  	v10 =	vnsel vm9, $0x0, v10  }
0x6a: {  	v11 =	vor.u32 $0x2, v10  }
0x6b: {  	v23 =	vor.u32 $0x1, v10  }
0x6c: {  	v25 =	vor.u32 $0x3, v10;
	v24 =	vpop (erf)  }
0x6d: {  	v26 =	vmul.f32 v24, v9  }
0x6e: {  	[tilespmem:v10+s17+$0x0] =	vst.idx.add.f32.msk vm9, v24;
	v10 =	vpop (erf)  }
0x6f: {  	v9 =	vmul.f32 v10, v9;
	[tilespmem:v11+s17+$0x0] =	vst.idx.add.f32.msk vm9, v26  }
0x70: {  	[tilespmem:v23+s17+$0x0] =	vst.idx.add.f32.msk vm9, v10  }
0x71: {  	[tilespmem:v25+s17+$0x0] =	vst.idx.add.f32.msk vm9, v9  }
0x72: {  	v9 =	vld [tilespmem:$0xC3A0]  }
0x73: {  	v10 =	vld [tilespmem:$0xC420];
	_ =	sdelay $0x6  }
0x74: {  	v9 =	vld.idx.msk [tilespmem:v9+s2+$0x0], $0xffff  }
0x75: {  	v11 =	vld.idx.msk [tilespmem:v10+s2+$0x0], $0xffff;
	_ =	sdelay $0x4  }
0x76: {  	v27 =	vmul.f32 v9, v3;
	v28 =	vmul.f32 v11, v5  }
0x77: {  	v29 =	vmul.f32 v11, v7  }
0x78: {  	v30 =	vmul.f32 v9, v4;
	v31 =	vmul.f32 v11, v6;
	v12 =	vadd.f32 v28, v27  }
0x79: {  	v11 =	vmul.f32 v11, v8  }
0x7a: {  	v14 =	vadd.f32 v31, v30;
	v33 =	vmul.f32 $2.000000030e-01, v29;
	v32 =	vmul.f32 $2.000000030e-01, v12  }
0x7b: {  	vm11 =	vgt.f32 v29, $0.0e+00;
	v35 =	vmul.f32 $2.000000030e-01, v11;
	vm10 =	vgt.f32 v12, $0.0e+00  }
0x7c: {  	v13 =	vsel vm11, v29, v33;
	v34 =	vmul.f32 $2.000000030e-01, v14;
	v12 =	vsel vm10, v12, v32  }
0x7d: {  	vm13 =	vgt.f32 v11, $0.0e+00;
	vm12 =	vgt.f32 v14, $0.0e+00;
	v12 =	vsub.f32 v12, v13  }
0x7e: {  	v11 =	vsel vm13, v11, v35;
	v36 =	vsel vm12, v14, v34  }
0x7f: {  	v11 =	vsub.f32 v36, v11;
	v12 =	vmul.f32 $1.442695020e+00, v12;
	_ =	sdelay $0x1  }
0x80: {  	v11 =	vmul.f32 $1.442695020e+00, v11;
	(erf) = vpow2.f32 v12;
	_ =	sdelay $0x1  }
0x81: {  	(erf) = vpow2.f32 v11;
	_ =	sdelay $0x1  }
0x82: {  	v10 =	vsub.s32 v10, v0  }
0x83: {  	vm14 =	vlt.u32 v10, $0x1870;
	v10 =	vshll.u32 v10, $0x3  }
0x84: {  	v10 =	vnsel vm14, $0x0, v10  }
0x85: {  	v11 =	vor.u32 $0x2, v10  }
0x86: {  	v37 =	vor.u32 $0x1, v10  }
0x87: {  	v39 =	vor.u32 $0x3, v10;
	v38 =	vpop (erf)  }
0x88: {  	v40 =	vmul.f32 v38, v9  }
0x89: {  	[tilespmem:v10+s17+$0x0] =	vst.idx.add.f32.msk vm14, v38;
	v10 =	vpop (erf)  }
0x8a: {  	v9 =	vmul.f32 v10, v9;
	[tilespmem:v11+s17+$0x0] =	vst.idx.add.f32.msk vm14, v40  }
0x8b: {  	[tilespmem:v37+s17+$0x0] =	vst.idx.add.f32.msk vm14, v10  }
0x8c: {  	[tilespmem:v39+s17+$0x0] =	vst.idx.add.f32.msk vm14, v9  }
0x8d: {  	v9 =	vld [tilespmem:$0xC3B0]  }
0x8e: {  	v10 =	vld [tilespmem:$0xC430];
	_ =	sdelay $0x6  }
0x8f: {  	v9 =	vld.idx.msk [tilespmem:v9+s2+$0x0], $0xffff  }
0x90: {  	v11 =	vld.idx.msk [tilespmem:v10+s2+$0x0], $0xffff;
	_ =	sdelay $0x4  }
0x91: {  	v41 =	vmul.f32 v9, v3;
	v42 =	vmul.f32 v11, v5  }
0x92: {  	v43 =	vmul.f32 v11, v7  }
0x93: {  	v44 =	vmul.f32 v9, v4;
	v45 =	vmul.f32 v11, v6;
	v12 =	vadd.f32 v42, v41  }
0x94: {  	v11 =	vmul.f32 v11, v8  }
0x95: {  	v14 =	vadd.f32 v45, v44;
	v47 =	vmul.f32 $2.000000030e-01, v43;
	v46 =	vmul.f32 $2.000000030e-01, v12  }
0x96: {  	vm4 =	vgt.f32 v43, $0.0e+00;
	v49 =	vmul.f32 $2.000000030e-01, v11;
	vm15 =	vgt.f32 v12, $0.0e+00  }
0x97: {  	v13 =	vsel vm4, v43, v47;
	v48 =	vmul.f32 $2.000000030e-01, v14;
	v12 =	vsel vm15, v12, v46  }
0x98: {  	vm6 =	vgt.f32 v11, $0.0e+00;
	vm5 =	vgt.f32 v14, $0.0e+00;
	v12 =	vsub.f32 v12, v13  }
0x99: {  	v11 =	vsel vm6, v11, v49;
	v50 =	vsel vm5, v14, v48  }
0x9a: {  	v11 =	vsub.f32 v50, v11;
	v12 =	vmul.f32 $1.442695020e+00, v12;
	_ =	sdelay $0x1  }
0x9b: {  	v11 =	vmul.f32 $1.442695020e+00, v11;
	(erf) = vpow2.f32 v12;
	_ =	sdelay $0x1  }
0x9c: {  	(erf) = vpow2.f32 v11;
	_ =	sdelay $0x1  }
0x9d: {  	v10 =	vsub.s32 v10, v0  }
0x9e: {  	vm7 =	vlt.u32 v10, $0x1870;
	v10 =	vshll.u32 v10, $0x3  }
0x9f: {  	v10 =	vnsel vm7, $0x0, v10  }
0xa0: {  	v11 =	vor.u32 $0x2, v10  }
0xa1: {  	v51 =	vor.u32 $0x1, v10  }
0xa2: {  	v53 =	vor.u32 $0x3, v10;
	v52 =	vpop (erf)  }
0xa3: {  	v54 =	vmul.f32 v52, v9  }
0xa4: {  	[tilespmem:v10+s17+$0x0] =	vst.idx.add.f32.msk vm7, v52;
	v10 =	vpop (erf)  }
0xa5: {  	v9 =	vmul.f32 v10, v9;
	[tilespmem:v11+s17+$0x0] =	vst.idx.add.f32.msk vm7, v54  }
0xa6: {  	[tilespmem:v51+s17+$0x0] =	vst.idx.add.f32.msk vm7, v10  }
0xa7: {  	[tilespmem:v53+s17+$0x0] =	vst.idx.add.f32.msk vm7, v9  }
0xa8: {  	v9 =	vld [tilespmem:$0xC3C0]  }
0xa9: {  	v10 =	vld [tilespmem:$0xC440];
	_ =	sdelay $0x6  }
0xaa: {  	v9 =	vld.idx.msk [tilespmem:v9+s2+$0x0], $0xffff  }
0xab: {  	v11 =	vld.idx.msk [tilespmem:v10+s2+$0x0], $0xffff;
	_ =	sdelay $0x4  }
0xac: {  	v55 =	vmul.f32 v9, v3;
	v56 =	vmul.f32 v11, v5  }
0xad: {  	v57 =	vmul.f32 v11, v7  }
0xae: {  	v58 =	vmul.f32 v9, v4;
	v59 =	vmul.f32 v11, v6;
	v12 =	vadd.f32 v56, v55  }
0xaf: {  	v11 =	vmul.f32 v11, v8  }
0xb0: {  	v14 =	vadd.f32 v59, v58;
	v61 =	vmul.f32 $2.000000030e-01, v57;
	v60 =	vmul.f32 $2.000000030e-01, v12  }
0xb1: {  	vm9 =	vgt.f32 v57, $0.0e+00;
	v63 =	vmul.f32 $2.000000030e-01, v11;
	vm8 =	vgt.f32 v12, $0.0e+00  }
0xb2: {  	v13 =	vsel vm9, v57, v61;
	v62 =	vmul.f32 $2.000000030e-01, v14;
	v12 =	vsel vm8, v12, v60  }
0xb3: {  	vm11 =	vgt.f32 v11, $0.0e+00;
	vm10 =	vgt.f32 v14, $0.0e+00;
	v12 =	vsub.f32 v12, v13  }
0xb4: {  	v11 =	vsel vm11, v11, v63;
	v17 =	vsel vm10, v14, v62  }
0xb5: {  	v11 =	vsub.f32 v17, v11;
	v12 =	vmul.f32 $1.442695020e+00, v12;
	_ =	sdelay $0x1  }
0xb6: {  	v11 =	vmul.f32 $1.442695020e+00, v11;
	(erf) = vpow2.f32 v12;
	_ =	sdelay $0x1  }
0xb7: {  	(erf) = vpow2.f32 v11;
	_ =	sdelay $0x1  }
0xb8: {  	v10 =	vsub.s32 v10, v0  }
0xb9: {  	vm12 =	vlt.u32 v10, $0x1870;
	v10 =	vshll.u32 v10, $0x3  }
0xba: {  	v10 =	vnsel vm12, $0x0, v10  }
0xbb: {  	v11 =	vor.u32 $0x2, v10  }
0xbc: {  	v18 =	vor.u32 $0x1, v10  }
0xbd: {  	v20 =	vor.u32 $0x3, v10;
	v19 =	vpop (erf)  }
0xbe: {  	v21 =	vmul.f32 v19, v9  }
0xbf: {  	[tilespmem:v10+s17+$0x0] =	vst.idx.add.f32.msk vm12, v19;
	v10 =	vpop (erf)  }
0xc0: {  	v9 =	vmul.f32 v10, v9;
	[tilespmem:v11+s17+$0x0] =	vst.idx.add.f32.msk vm12, v21  }
0xc1: {  	[tilespmem:v18+s17+$0x0] =	vst.idx.add.f32.msk vm12, v10  }
0xc2: {  	[tilespmem:v20+s17+$0x0] =	vst.idx.add.f32.msk vm12, v9  }
0xc3: {  	v9 =	vld [tilespmem:$0xC3D0]  }
0xc4: {  	v10 =	vld [tilespmem:$0xC450];
	_ =	sdelay $0x6  }
0xc5: {  	v9 =	vld.idx.msk [tilespmem:v9+s2+$0x0], $0xffff  }
0xc6: {  	v11 =	vld.idx.msk [tilespmem:v10+s2+$0x0], $0xffff;
	_ =	sdelay $0x4  }
0xc7: {  	v22 =	vmul.f32 v9, v3;
	v23 =	vmul.f32 v11, v5  }
0xc8: {  	v24 =	vmul.f32 v11, v7  }
0xc9: {  	v25 =	vmul.f32 v9, v4;
	v26 =	vmul.f32 v11, v6;
	v12 =	vadd.f32 v23, v22  }
0xca: {  	v11 =	vmul.f32 v11, v8  }
0xcb: {  	v14 =	vadd.f32 v26, v25;
	v28 =	vmul.f32 $2.000000030e-01, v24;
	v27 =	vmul.f32 $2.000000030e-01, v12  }
0xcc: {  	vm14 =	vgt.f32 v24, $0.0e+00;
	v30 =	vmul.f32 $2.000000030e-01, v11;
	vm13 =	vgt.f32 v12, $0.0e+00  }
0xcd: {  	v13 =	vsel vm14, v24, v28;
	v29 =	vmul.f32 $2.000000030e-01, v14;
	v12 =	vsel vm13, v12, v27  }
0xce: {  	vm4 =	vgt.f32 v11, $0.0e+00;
	vm15 =	vgt.f32 v14, $0.0e+00;
	v12 =	vsub.f32 v12, v13  }
0xcf: {  	v11 =	vsel vm4, v11, v30;
	v31 =	vsel vm15, v14, v29  }
0xd0: {  	v11 =	vsub.f32 v31, v11;
	v12 =	vmul.f32 $1.442695020e+00, v12;
	_ =	sdelay $0x1  }
0xd1: {  	v11 =	vmul.f32 $1.442695020e+00, v11;
	(erf) = vpow2.f32 v12;
	_ =	sdelay $0x1  }
0xd2: {  	(erf) = vpow2.f32 v11;
	_ =	sdelay $0x1  }
0xd3: {  	v10 =	vsub.s32 v10, v0  }
0xd4: {  	vm5 =	vlt.u32 v10, $0x1870;
	v10 =	vshll.u32 v10, $0x3  }
0xd5: {  	v10 =	vnsel vm5, $0x0, v10  }
0xd6: {  	v11 =	vor.u32 $0x2, v10  }
0xd7: {  	v32 =	vor.u32 $0x1, v10  }
0xd8: {  	v34 =	vor.u32 $0x3, v10;
	v33 =	vpop (erf)  }
0xd9: {  	v35 =	vmul.f32 v33, v9  }
0xda: {  	[tilespmem:v10+s17+$0x0] =	vst.idx.add.f32.msk vm5, v33;
	v10 =	vpop (erf)  }
0xdb: {  	v9 =	vmul.f32 v10, v9;
	[tilespmem:v11+s17+$0x0] =	vst.idx.add.f32.msk vm5, v35  }
0xdc: {  	[tilespmem:v32+s17+$0x0] =	vst.idx.add.f32.msk vm5, v10  }
0xdd: {  	[tilespmem:v34+s17+$0x0] =	vst.idx.add.f32.msk vm5, v9  }
0xde: {  	v9 =	vld [tilespmem:$0xC3E0]  }
0xdf: {  	v10 =	vld [tilespmem:$0xC460];
	_ =	sdelay $0x6  }
0xe0: {  	v9 =	vld.idx.msk [tilespmem:v9+s2+$0x0], $0xffff  }
0xe1: {  	v11 =	vld.idx.msk [tilespmem:v10+s2+$0x0], $0xffff;
	_ =	sdelay $0x4  }
0xe2: {  	v36 =	vmul.f32 v9, v3;
	v37 =	vmul.f32 v11, v5  }
0xe3: {  	v38 =	vmul.f32 v11, v7  }
0xe4: {  	v39 =	vmul.f32 v9, v4;
	v40 =	vmul.f32 v11, v6;
	v12 =	vadd.f32 v37, v36  }
0xe5: {  	v11 =	vmul.f32 v11, v8  }
0xe6: {  	v14 =	vadd.f32 v40, v39;
	v42 =	vmul.f32 $2.000000030e-01, v38;
	v41 =	vmul.f32 $2.000000030e-01, v12  }
0xe7: {  	vm7 =	vgt.f32 v38, $0.0e+00;
	v44 =	vmul.f32 $2.000000030e-01, v11;
	vm6 =	vgt.f32 v12, $0.0e+00  }
0xe8: {  	v13 =	vsel vm7, v38, v42;
	v43 =	vmul.f32 $2.000000030e-01, v14;
	v12 =	vsel vm6, v12, v41  }
0xe9: {  	vm9 =	vgt.f32 v11, $0.0e+00;
	vm8 =	vgt.f32 v14, $0.0e+00;
	v12 =	vsub.f32 v12, v13  }
0xea: {  	v11 =	vsel vm9, v11, v44;
	v45 =	vsel vm8, v14, v43  }
0xeb: {  	v11 =	vsub.f32 v45, v11;
	v12 =	vmul.f32 $1.442695020e+00, v12;
	_ =	sdelay $0x1  }
0xec: {  	v11 =	vmul.f32 $1.442695020e+00, v11;
	(erf) = vpow2.f32 v12;
	_ =	sdelay $0x1  }
0xed: {  	(erf) = vpow2.f32 v11;
	_ =	sdelay $0x1  }
0xee: {  	v10 =	vsub.s32 v10, v0  }
0xef: {  	vm10 =	vlt.u32 v10, $0x1870;
	v10 =	vshll.u32 v10, $0x3  }
0xf0: {  	v10 =	vnsel vm10, $0x0, v10  }
0xf1: {  	v11 =	vor.u32 $0x2, v10  }
0xf2: {  	v46 =	vor.u32 $0x1, v10  }
0xf3: {  	v48 =	vor.u32 $0x3, v10;
	v47 =	vpop (erf)  }
0xf4: {  	v49 =	vmul.f32 v47, v9  }
0xf5: {  	[tilespmem:v10+s17+$0x0] =	vst.idx.add.f32.msk vm10, v47;
	v10 =	vpop (erf)  }
0xf6: {  	v9 =	vmul.f32 v10, v9;
	[tilespmem:v11+s17+$0x0] =	vst.idx.add.f32.msk vm10, v49  }
0xf7: {  	[tilespmem:v46+s17+$0x0] =	vst.idx.add.f32.msk vm10, v10  }
0xf8: {  	[tilespmem:v48+s17+$0x0] =	vst.idx.add.f32.msk vm10, v9  }
0xf9: {  	v9 =	vld [tilespmem:$0xC3F0]  }
0xfa: {  	v10 =	vld [tilespmem:$0xC470];
	_ =	sdelay $0x6  }
0xfb: {  	v9 =	vld.idx.msk [tilespmem:v9+s2+$0x0], $0xffff  }
0xfc: {  	v11 =	vld.idx.msk [tilespmem:v10+s2+$0x0], $0xffff;
	_ =	sdelay $0x4  }
0xfd: {  	v50 =	vmul.f32 v9, v3;
	v51 =	vmul.f32 v11, v5  }
0xfe: {  	v52 =	vmul.f32 v11, v7  }
0xff: {  	v53 =	vmul.f32 v9, v4;
	v54 =	vmul.f32 v11, v6;
	v12 =	vadd.f32 v51, v50  }
0x100: {  	v11 =	vmul.f32 v11, v8  }
0x101: {  	v14 =	vadd.f32 v54, v53;
	v56 =	vmul.f32 $2.000000030e-01, v52;
	v55 =	vmul.f32 $2.000000030e-01, v12  }
0x102: {  	vm12 =	vgt.f32 v52, $0.0e+00;
	v58 =	vmul.f32 $2.000000030e-01, v11;
	vm11 =	vgt.f32 v12, $0.0e+00  }
0x103: {  	v13 =	vsel vm12, v52, v56;
	v57 =	vmul.f32 $2.000000030e-01, v14;
	v12 =	vsel vm11, v12, v55  }
0x104: {  	vm14 =	vgt.f32 v11, $0.0e+00;
	vm13 =	vgt.f32 v14, $0.0e+00;
	v12 =	vsub.f32 v12, v13  }
0x105: {  	v11 =	vsel vm14, v11, v58;
	v59 =	vsel vm13, v14, v57  }
0x106: {  	v11 =	vsub.f32 v59, v11;
	v12 =	vmul.f32 $1.442695020e+00, v12;
	_ =	sdelay $0x1  }
0x107: {  	v11 =	vmul.f32 $1.442695020e+00, v11;
	(erf) = vpow2.f32 v12;
	_ =	sdelay $0x1  }
0x108: {  	(erf) = vpow2.f32 v11;
	_ =	sdelay $0x1  }
0x109: {  	v10 =	vsub.s32 v10, v0  }
0x10a: {  	vm15 =	vlt.u32 v10, $0x1870;
	v10 =	vshll.u32 v10, $0x3  }
0x10b: {  	v10 =	vnsel vm15, $0x0, v10  }
0x10c: {  	v11 =	vor.u32 $0x2, v10  }
0x10d: {  	v60 =	vor.u32 $0x1, v10  }
0x10e: {  	p0 =	sne.s32 s22, $0x1;
	v62 =	vor.u32 $0x3, v10;
	v61 =	vpop (erf)  }
.Ltmp1:
0x10f: {  	v63 =	vmul.f32 v61, v9;
	(pc) =	sbr.rel @p0 .LBB2_4-.Ltmp1, $4  }
0x110: {  	[tilespmem:v10+s17+$0x0] =	vst.idx.add.f32.msk vm15, v61;
	v10 =	vpop (erf)  }
0x111: {  	v9 =	vmul.f32 v10, v9;
	[tilespmem:v11+s17+$0x0] =	vst.idx.add.f32.msk vm15, v63  }
0x112: {  	[tilespmem:v60+s17+$0x0] =	vst.idx.add.f32.msk vm15, v10  }
0x113: {  	s23 =	sadd.s32 $0x40, s23;
	s22 =	sadd.s32 $0xFFFFFFFF, s22;
	s24 =	sadd.s32 $0x40, s24;
	[tilespmem:v62+s17+$0x0] =	vst.idx.add.f32.msk vm15, v9  }
0x114: {  	s21 =	sadd.s32 $0x1, s21  }
0x115: {  	p0 =	sne.s32 s21, s9  }
.Ltmp2:
0x116: {  	_ = 	snop;
	(pc) =	sbr.rel @p0 .LBB2_1-.Ltmp2, $4  }
0x117: {  	[hbm4b:s20+s2] =	stream.linear.scatter [tilespmem:s17], [sflag:$0x1], $0xC380, $0x38;
	[tilespmem:$0x18A00] =	vst v63  }
0x118: {  	_ =	swait.ge [sflag:s12], $0xC380  }
0x119: {  	[sflag:s12] =	ssyncset.done $0x0  }
0x11a: {  	[sflag:s12] =	ssyncadd.s32 $0xFFFF3C80  }
0x11b: {  	_ =	sfence.sel $0x180000  }
0x11c: {  	[bflag:$0x0] =	sbarrier.arrive $0xFFFF  }
0x11d: {  	p0 =	sne.s32 s1, $0x0;
	_ =	strace $0x90000047  }
0x11e: {  	s0 =	sadd.s32 @!p0 $0x100000, s0;
	[bflag:$0x2] =	sbarrier.arrive $0xFFFF  }
0x11f: {  	[sflag:s0] =	ssyncadd.tile.s32 @!p0 $0x1;
	_ =	shalt  }
.Lfunc_end2:
_tile_overlayer_lowered:
.L_overlay_start_2:
0x120: {  	(tag) =	ssettag $0x2  }
0x121: {  	s0 =	rddreg [dreg:$0x0];
	s2 =	stileid.u32  }
0x122: {  	s1 =	rddreg [dreg:$0x1];
	p0 =	sne.s32 s2, $0x0  }
0x123: {  	s3 =	rddreg [dreg:$0x2];
	[bflag:$0x3] =	sbarrier.arrive $0xFFFF;
	s2 =	simm.s32 @!p0 $0x1C01  }
0x124: {  	[timem:s3], [sflag:s2] =	dma.local @!p0 [hbm:s0], s1  }
0x125: {  	s0 =	simm.s32 @!p0 $0x1  }
0x126: {  	_ =	swait.ge @!p0 [sflag:s0], s1  }
0x127: {  	s1 =	ssub.s32 @!p0 $0x0, s1;
	[sflag:s0] =	ssyncset.done @!p0 $0x0  }
0x128: {  	[sflag:s0] =	ssyncadd.s32 @!p0 s1  }
0x129: {  	[bflag:$0x3] =	sbarrier.arrive $0xFFFF  }
0x12a: {  	_ =	shalt  }

// kernel: kernel.9.cloned.1.call-start
scs
__scs_entry_jumppad:
0x0: {  	(pc) =	sbr.rel $0x88, $3  }
0x1: {  	(tag) =	ssettag $0x0;
	lr =	simm.s32 $0x1  }
0x2: {  	[smem:$0x3F8E] =	sst lr;
	_ =	strace $0xD0000000  }
0x3: {  	_ = 	snop  }
0x4: {  	_ = 	snop  }
0x5: {  	_ = 	snop  }
0x6: {  	_ = 	snop  }
0x7: {  	_ = 	snop  }
__scs_overlays_trampoline_lowered:
0x8: {  	[smem:$0x3F9D] =	sst s0  }
0x9: {  	[smem:$0x3F9E] =	sst s1  }
0xa: {  	[smem:$0x3F9F] =	sst s2  }
0xb: {  	[smem:$0x3FA0] =	sst s3  }
0xc: {  	[smem:$0x3FA1] =	sst s4  }
0xd: {  	[smem:$0x3FA2] =	sst s5  }
0xe: {  	[smem:$0x3FA3] =	sst s6  }
0xf: {  	[smem:$0x3FA4] =	sst s7  }
0x10: {  	[smem:$0x3FA5] =	sst s8  }
0x11: {  	[smem:$0x3FA6] =	sst s9;
	s0 =	simm.s32 @!p0 $0x0  }
0x12: {  	s1 =	sld [smem:$0x3F8C];
	s0 =	simm.s32 @p0 $0x1  }
0x13: {  	[smem:$0x3FA7] =	sst s0;
	s0 =	simm.s32 @!p1 $0x0  }
0x14: {  	s2 =	sld [smem:$0x3F8B];
	s0 =	simm.s32 @p1 $0x1  }
0x15: {  	[smem:$0x3FA8] =	sst s0;
	s0 =	simm.s32 @!p2 $0x0  }
0x16: {  	s3 =	sld [smem:$0x3FDB];
	s0 =	simm.s32 @p2 $0x1  }
0x17: {  	s4 =	simm.s32 $0x1BF5;
	[smem:$0x3FAA] =	sst s0  }
0x18: {  	s0 =	sld [smem:$0x3F8D];
	_ =	swait.ge [sflag:s4], $0x0  }
0x19: {  	s7 =	sld [smem:$0x3F8E]  }
0x1a: {  	s8 =	sadd.s32 $0xFFFFE003, lr  }
0x1b: {  	s9 =	sadd.s32 $0xFFFFFEF7, lr;
	s5 =	simm.s32 $0xFFFFFFFF;
	p2 =	slt.u32 s8, $0xFFFFF086  }
0x1c: {  	p1 =	slt.u32 s9, $0xF7A;
	s5 =	simm.s32 @!p2 $0x0  }
0x1d: {  	s5 =	simm.s32 @p1 $0x1;
	p0 =	seq.s32 s7, s2  }
0x1e: {  	s7 =	smul.u32 @!p0 $0xF7A, s2;
	p2 =	seq.s32 @!p0 s5, $0x0  }
0x1f: {  	s9 =	smul.u32 $0xF7A, s1;
	s8 =	simm.s32 @!p0 $0x1BF5;
	p2 =	por !p2, p0  }
0x20: {  	[sflag:s8] =	ssyncset.s32 @!p0 $0xFFFFF086;
	s6 =	sadd.s32 @!p0 s3, s7;
	s7 =	simm.s32 @!p0 $0x108  }
0x21: {  	s3 =	sadd.s32 s3, s9;
	s6 =	sadd.s32 @!p0 $0x88, s6;
	s7 =	simm.s32 @p2 $0x1082  }
0x22: {  	[simem:s7], [sflag:s8] =	dma.local @!p0 [hbm:s6], $0xF7A  }
0x23: {  	s9 =	sor.u32 $0xD0000000, s2;
	s6 =	simm.s32 $0x108;
	_ =	swait.ge @!p0 [sflag:s8], $0x0  }
0x24: {  	s3 =	sadd.s32 $0x88, s3;
	s6 =	simm.s32 @!p1 $0x1082;
	[sflag:s4] =	ssyncset.s32 $0xFFFFF086  }
0x25: {  	[simem:s6], [sflag:s4] =	dma.local [hbm:s3], $0xF7A  }
0x26: {  	[smem:$0x3F8E] =	sst s1;
	(tag) =	ssettag s2;
	_ =	strace s9  }
0x27: {  	s1 =	sld [smem:$0x3F9E]  }
0x28: {  	s2 =	sld [smem:$0x3F9F]  }
0x29: {  	s4 =	sld [smem:$0x3FA1]  }
0x2a: {  	p0 =	seq.s32 s5, $0x0;
	s5 =	sld [smem:$0x3FA2]  }
0x2b: {  	s6 =	sld [smem:$0x3FA3]  }
0x2c: {  	s7 =	sld [smem:$0x3FA4]  }
0x2d: {  	s3 =	simm.s32 $0x108;
	s8 =	sld [smem:$0x3FA5]  }
0x2e: {  	s3 =	simm.s32 @!p0 $0x1082;
	s9 =	sld [smem:$0x3FA6]  }
0x2f: {  	lr =	sadd.s32 s0, s3;
	s0 =	sld [smem:$0x3F9D]  }
0x30: {  	s3 =	sld [smem:$0x3FA0]  }
0x31: {  	[smem:$0x3FA9] =	sst s10  }
0x32: {  	s10 =	sld [smem:$0x3FA7];
	_ =	sdelay $0x3  }
0x33: {  	p0 =	seq.s32 s10, $0x1;
	s10 =	sld [smem:$0x3FA9];
	_ =	sdelay $0x3  }
0x34: {  	[smem:$0x3FA9] =	sst s10  }
0x35: {  	s10 =	sld [smem:$0x3FA8];
	_ =	sdelay $0x3  }
0x36: {  	p1 =	seq.s32 s10, $0x1;
	s10 =	sld [smem:$0x3FA9];
	_ =	sdelay $0x3  }
0x37: {  	[smem:$0x3FA9] =	sst s10  }
0x38: {  	s10 =	sld [smem:$0x3FAA]  }
0x39: {  	_ = 	snop;
	(pc) =	sbr.ind lr, $3  }
0x3a: {  	_ = 	snop  }
0x3b: {  	_ = 	snop  }
0x3c: {  	p2 =	seq.s32 s10, $0x1;
	s10 =	sld [smem:$0x3FA9]  }
0x3d: {  	_ =	shalt  }
0x3e: {  	_ =	shalt  }
0x3f: {  	_ =	shalt  }
0x40: {  	_ =	shalt  }
0x41: {  	_ =	shalt  }
0x42: {  	_ =	shalt  }
0x43: {  	_ =	shalt  }
0x44: {  	_ =	shalt  }
0x45: {  	_ =	shalt  }
0x46: {  	_ =	shalt  }
0x47: {  	_ =	shalt  }
0x48: {  	_ =	shalt  }
0x49: {  	_ =	shalt  }
0x4a: {  	_ =	shalt  }
0x4b: {  	_ =	shalt  }
0x4c: {  	_ =	shalt  }
0x4d: {  	_ =	shalt  }
0x4e: {  	_ =	shalt  }
0x4f: {  	_ =	shalt  }
0x50: {  	_ =	shalt  }
0x51: {  	_ =	shalt  }
0x52: {  	_ =	shalt  }
0x53: {  	_ =	shalt  }
0x54: {  	_ =	shalt  }
0x55: {  	_ =	shalt  }
0x56: {  	_ =	shalt  }
0x57: {  	_ =	shalt  }
0x58: {  	_ =	shalt  }
0x59: {  	_ =	shalt  }
0x5a: {  	_ =	shalt  }
0x5b: {  	_ =	shalt  }
0x5c: {  	_ =	shalt  }
0x5d: {  	_ =	shalt  }
0x5e: {  	_ =	shalt  }
0x5f: {  	_ =	shalt  }
0x60: {  	_ =	shalt  }
0x61: {  	_ =	shalt  }
0x62: {  	_ =	shalt  }
0x63: {  	_ =	shalt  }
0x64: {  	_ =	shalt  }
0x65: {  	_ =	shalt  }
0x66: {  	_ =	shalt  }
0x67: {  	_ =	shalt  }
0x68: {  	_ =	shalt  }
0x69: {  	_ =	shalt  }
0x6a: {  	_ =	shalt  }
0x6b: {  	_ =	shalt  }
0x6c: {  	_ =	shalt  }
0x6d: {  	_ =	shalt  }
0x6e: {  	_ =	shalt  }
0x6f: {  	_ =	shalt  }
0x70: {  	_ =	shalt  }
0x71: {  	_ =	shalt  }
0x72: {  	_ =	shalt  }
0x73: {  	_ =	shalt  }
0x74: {  	_ =	shalt  }
0x75: {  	_ =	shalt  }
0x76: {  	_ =	shalt  }
0x77: {  	_ =	shalt  }
0x78: {  	_ =	shalt  }
0x79: {  	_ =	shalt  }
0x7a: {  	_ =	shalt  }
0x7b: {  	_ =	shalt  }
0x7c: {  	_ =	shalt  }
0x7d: {  	_ =	shalt  }
0x7e: {  	_ =	shalt  }
0x7f: {  	_ =	shalt  }
0x80: {  	_ =	shalt  }
0x81: {  	_ =	shalt  }
0x82: {  	_ =	shalt  }
0x83: {  	_ =	shalt  }
0x84: {  	_ =	shalt  }
0x85: {  	_ =	shalt  }
0x86: {  	_ =	shalt  }
0x87: {  	_ =	shalt  }
.Lfunc_end0:
.L_simem_size_0:
called_computation.1_lowered:
.L_overlay_start_0:
0x88: {  	s2 =	sld [smem:$0x3FD9]  }
0x89: {  	s3 =	sld [smem:$0x3FFE];
	_ =	sdelay $0x1  }
0x8a: {  	s1 =	srdreg.scid  }
0x8b: {  	s0 =	sand.u32 $0x1, s1  }
0x8c: {  	s16 =	sshll.u32 s0, $0xA;
	s2 =	sadd.s32 s3, s2  }
0x8d: {  	s2 =	sadd.s32 s2, s16  }
0x8e: {  	[smem:$0x3FB5] =	sst s2  }
0x8f: {  	_ = 	snop  }
0x90: {  	(tm) =	ssettm $0x1  }
0x91: {  	s17 =	sld [smem:$0x3FFB];
	_ =	sdelay $0x3  }
0x92: {  	_ =	strace s17  }
0x93: {  	s2 =	sld [smem:$0x3FFC];
	_ =	sdelay $0x3  }
0x94: {  	_ =	strace s2  }
0x95: {  	s2 =	sld [smem:$0x3FFD];
	_ =	sdelay $0x3  }
0x96: {  	_ =	strace s2  }
0x97: {  	_ =	strace $0x8FFFFFFF  }
0x98: {  	s18 =	sld [smem:$0x3FDB];
	_ =	sdelay $0x1  }
0x99: {  	s19 =	simm.s32 $_scs_section_size  }
0x9a: {  	s4 =	simm.s32 $_size__tile_overlayer_lowered;
	s5 =	simm.s32 $_tile_overlayer_lowered  }
0x9b: {  	s22 =	simm.s32 $0x1BFF;
	s21 =	sshll.u32 s5, $0x1;
	s2 =	sadd.s32 s19, s18  }
0x9c: {  	s6 =	simm.s32 $0x0;
	s20 =	sshll.u32 s4, $0x1;
	s4 =	sadd.s32 s21, s2  }
0x9d: {  	[timem:s6], [sflag:s22] =	dma.local [hbm:s4], s20  }
0x9e: {  	_ =	swait.ge [sflag:s22], s20  }
0x9f: {  	s3 =	ssub.s32 $0x0, s20;
	[sflag:s22] =	ssyncset.done $0x0  }
0xa0: {  	[sflag:s22] =	ssyncadd.s32 s3;
	_ =	sdelay $0x1  }
0xa1: {  	s23 =	simm.s32 $0x1B8B  }
0xa2: {  	_ =	swait.ge [sflag:s23], $0x1  }
0xa3: {  	[sflag:s23] =	ssyncset.done $0x0  }
0xa4: {  	s25 =	simm.s32 $0x1B8E;
	s24 =	sld [smem:$0x3FFE];
	[sflag:s23] =	ssyncadd.s32 $0xFFFFFFFF  }
0xa5: {  	s26 =	simm.s32 $execute0_lowered;
	[smem:$0x3FD2] =	sst s25  }
0xa6: {  	s4 =	sshll.u32 s26, $0x1;
	_ =	strace $0x80000049;
	[dreg:$0x1] =	wrdreg $0xFFFFFFFF  }
0xa7: {  	s28 =	simm.s32 $_size_execute0_lowered;
	s2 =	sadd.s32 s2, s4;
	[dreg:$0x0] =	wrdreg $0x0  }
0xa8: {  	s4 =	sshll.u32 s28, $0x1;
	[dreg:$0x2] =	wrdreg s2  }
0xa9: {  	[dreg:$0x3] =	wrdreg s4  }
0xaa: {  	[dreg:$0x4] =	wrdreg $0xC0  }
0xab: {  	_ =	task [dreg:s6], $0x5FFFF  }
0xac: {  	[dreg:$0x1] =	wrdreg $0xFFFFFFFF  }
0xad: {  	[dreg:$0x0] =	wrdreg $0x60  }
0xae: {  	[dreg:$0x2] =	wrdreg s24  }
0xaf: {  	[dreg:$0x3] =	wrdreg $0x9  }
0xb0: {  	_ =	task.clear_ibuf [dreg:s6], $0x4FFFF;
	_ =	strace $0x90000049  }
0xb1: {  	s29 =	simm.s32 $0x9;
	_ =	strace $0x8000004B  }
0xb2: {  	_ =	swait.ge [sflag:s29], $0x1  }
0xb3: {  	[sflag:s29] =	ssyncadd.s32 $0xFFFFFFFF  }
0xb4: {  	_ =	strace $0x9000004B  }
0xb5: {  	_ =	sfence  }
0xb6: {  	s30 =	sld [smem:$0x0];
	_ =	sdelay $0x2  }
0xb7: {  	s31 =	sshll.u32 s1, $0xD;
	s1 =	sshrl.u32 s1, $0x2  }
0xb8: {  	s3 =	sand.u32 $0x4000, s31;
	s1 =	sadd.s32 s1, s30  }
0xb9: {  	s0 =	sor.u32 s3, s0;
	s1 =	sshll.u32 s1, $0x11  }
0xba: {  	s0 =	sor.u32 s1, s0  }
0xbb: {  	s0 =	sadd.s32 $0x8F2B, s0  }
0xbc: {  	[sflag:s0] =	ssyncadd.remote.s32 $0x1  }
0xbd: {  	_ =	sfence.sel $0xFFFF  }
0xbe: {  	[dreg:$0x0] =	wrdreg $0xFFFFFFFF;
	(pc) =	sbr.abs _section_cstart, $3  }
0xbf: {  	[dreg:$0x1] =	wrdreg $0xFFFFFFFF  }
0xc0: {  	_ =	task.clear_ibuf [dreg:s6], $0x2FFFF;
	_ =	strace $0x9FFFFFFF  }
0xc1: {  	(tm) =	ssettm $0x7FFFFFFF  }
tec
execute0_lowered:
.L_overlay_start_1:
0x0: {  	(tag) =	ssettag $0x1  }
0x1: {  	s0 =	rddreg [dreg:$0x0];
	s1 =	simm.s32 $0x0;
	s2 =	srdreg.scid  }
0x2: {  	s26 =	stileid.u32;
	s14 =	simm.s32 $0x42800;
	s17 =	simm.s32 $0x1  }
0x3: {  	s18 =	simm.s32 $0xC380;
	s19 =	simm.s32 $0x1EA00;
	s20 =	simm.s32 $0x1EA80  }
0x4: {  	s21 =	simm.s32 $0x1EB00;
	s22 =	simm.s32 $0x1EB80;
	s23 =	simm.s32 $0x1EC00  }
0x5: {  	s24 =	simm.s32 $0x1EC80;
	s25 =	simm.s32 $0x1ED00;
	s28 =	simm.s32 $0x18800  }
0x6: {  	s30 =	simm.s32 $0x18780;
	s31 =	simm.s32 $0x0;
	[smem:$0x7FF] =	sst s1  }
0x7: {  	s9 =	sand.u32 $0x1, s2;
	s2 =	sadd.s32 $0x32E00, s0;
	s4 =	sadd.s32 $0x34800, s0  }
0x8: {  	s5 =	sadd.s32 $0x36200, s0;
	s29 =	smul.u32 $0xC38, s26;
	s8 =	sadd.s32 $0x36230, s0  }
0x9: {  	s10 =	sadd.s32 $0x36250, s0;
	s11 =	sadd.s32 $0x36260, s0;
	s12 =	sadd.s32 $0x36270, s0  }
0xa: {  	s26 =	simm.s32 $0x1ED80;
	_ =	strace $0x8000004A;
	s3 =	sshll.u32 s9, $0x4  }
0xb: {  	s6 =	ssub.s32 $0x2, s9;
	p0 =	seq.s32 s9, $0x1;
	s9 =	sadd.s32 $0x36240, s0  }
0xc: {  	s16 =	sadd.s32 s3, s0;
	s7 =	sshrl.u32 s6, $0x1;
	s14 =	simm.s32 @!p0 $0x36400  }
0xd: {  	s13 =	ssub.s32 s6, s7;
	s6 =	sadd.s32 $0x36210, s0;
	s7 =	sadd.s32 $0x36220, s0  }
0xe: {  	s0 =	sadd.s32 s14, s0;
	s15 =	sadd.s32 $0x1A600, s16;
	s16 =	sadd.s32 $0x1E00, s16  }
0xf: {  	v1 =	vlaneseq.u32;
	v2 =	vimm.f32 $0.0e+00;
	v0 =	vmov s29;
	s13 =	smax.u32 s13, $0x1;
	s14 =	sadd.s32 s0, s29;
	s29 =	simm.s32 $0x18700  }
.LBB2_1:
0x10: {  	[tilespmem:s1], [sflag:$0x1] =	stream.linear.gather [hbm4b:s2+s1], $0xC380, $0x38;
	[tilespmem:$0x1EE00] =	vst v63  }
0x11: {  	_ =	swait.ge [sflag:s17], $0xC380  }
0x12: {  	[sflag:s17] =	ssyncset.done $0x0  }
0x13: {  	[sflag:s17] =	ssyncadd.s32 $0xFFFF3C80  }
0x14: {  	[tilespmem:s18], [sflag:$0x1] =	stream.linear.gather [hbm4b:s4+s1], $0xC380, $0x38;
	[tilespmem:$0x1EE00] =	vst v63  }
0x15: {  	_ =	swait.ge [sflag:s17], $0xC380  }
0x16: {  	[sflag:s17] =	ssyncset.done $0x0  }
0x17: {  	[sflag:s17] =	ssyncadd.s32 $0xFFFF3C80  }
0x18: {  	[tilespmem:s19], [sflag:$0x1] =	stream.linear.gather [hbm4b:s5+s1], $0x80, $0x38;
	[tilespmem:$0x1EE00] =	vst v63  }
0x19: {  	_ =	swait.ge [sflag:s17], $0x80  }
0x1a: {  	[sflag:s17] =	ssyncset.done $0x0  }
0x1b: {  	[sflag:s17] =	ssyncadd.s32 $0xFFFFFF80  }
0x1c: {  	[tilespmem:s20], [sflag:$0x1] =	stream.linear.gather [hbm4b:s6+s1], $0x80, $0x38;
	[tilespmem:$0x1EE00] =	vst v63  }
0x1d: {  	_ =	swait.ge [sflag:s17], $0x80  }
0x1e: {  	[sflag:s17] =	ssyncset.done $0x0  }
0x1f: {  	[sflag:s17] =	ssyncadd.s32 $0xFFFFFF80  }
0x20: {  	[tilespmem:s21], [sflag:$0x1] =	stream.linear.gather [hbm4b:s7+s1], $0x80, $0x38;
	[tilespmem:$0x1EE00] =	vst v63  }
0x21: {  	_ =	swait.ge [sflag:s17], $0x80  }
0x22: {  	[sflag:s17] =	ssyncset.done $0x0  }
0x23: {  	[sflag:s17] =	ssyncadd.s32 $0xFFFFFF80  }
0x24: {  	[tilespmem:s22], [sflag:$0x1] =	stream.linear.gather [hbm4b:s8+s1], $0x80, $0x38;
	[tilespmem:$0x1EE00] =	vst v63  }
0x25: {  	_ =	swait.ge [sflag:s17], $0x80  }
0x26: {  	[sflag:s17] =	ssyncset.done $0x0  }
0x27: {  	[sflag:s17] =	ssyncadd.s32 $0xFFFFFF80  }
0x28: {  	[tilespmem:s23], [sflag:$0x1] =	stream.linear.gather [hbm4b:s9+s1], $0x80, $0x38;
	[tilespmem:$0x1EE00] =	vst v63  }
0x29: {  	_ =	swait.ge [sflag:s17], $0x80  }
0x2a: {  	[sflag:s17] =	ssyncset.done $0x0  }
0x2b: {  	[sflag:s17] =	ssyncadd.s32 $0xFFFFFF80  }
0x2c: {  	[tilespmem:s24], [sflag:$0x1] =	stream.linear.gather [hbm4b:s10+s1], $0x80, $0x38;
	[tilespmem:$0x1EE00] =	vst v63  }
0x2d: {  	_ =	swait.ge [sflag:s17], $0x80  }
0x2e: {  	[sflag:s17] =	ssyncset.done $0x0  }
0x2f: {  	[sflag:s17] =	ssyncadd.s32 $0xFFFFFF80  }
0x30: {  	[tilespmem:s25], [sflag:$0x1] =	stream.linear.gather [hbm4b:s11+s1], $0x80, $0x38;
	[tilespmem:$0x1EE00] =	vst v63  }
0x31: {  	_ =	swait.ge [sflag:s17], $0x80  }
0x32: {  	[sflag:s17] =	ssyncset.done $0x0  }
0x33: {  	[sflag:s17] =	ssyncadd.s32 $0xFFFFFF80  }
0x34: {  	[tilespmem:s26], [sflag:$0x1] =	stream.linear.gather [hbm4b:s12+s1], $0x80, $0x38;
	[tilespmem:$0x1EE00] =	vst v63  }
0x35: {  	_ =	swait.ge [sflag:s17], $0x80  }
0x36: {  	[sflag:s17] =	ssyncset.done $0x0  }
0x37: {  	s0 =	simm.s32 $0x10;
	v3 =	vor.u32 s1, v1;
	[sflag:s17] =	ssyncadd.s32 $0xFFFFFF80  }
.LBB2_2:
0x38: {  	p0 =	sne.s32 s0, $0x61B0  }
.Ltmp0:
0x39: {  	_ = 	snop;
	(pc) =	sbr.rel @p0 .LBB2_2-.Ltmp0, $3  }
0x3a: {  	_ =	sdelay $0x1  }
0x3b: {  	[tilespmem:v3+s28+$0x0] =	vst.idx.msk $0xffff, v2;
	s3 =	smov.u32 s0;
	s0 =	sadd.s32 $0x10, s0  }
0x3c: {  	v3 =	vor.u32 s3, v1  }
0x3d: {  	_ =	sdelay $0x3  }
0x3e: {  	[tilespmem:v3+s28+$0x0] =	vst.idx.msk $0xffff, v2  }
0x3f: {  	v3 =	vld [tilespmem:$0x1EA00]  }
0x40: {  	v4 =	vld [tilespmem:$0x1EA80]  }
0x41: {  	v5 =	vld [tilespmem:$0x1EB00]  }
0x42: {  	v6 =	vld [tilespmem:$0x1EB80]  }
0x43: {  	v7 =	vld [tilespmem:$0x1EC00]  }
0x44: {  	v8 =	vld [tilespmem:$0x1EC80]  }
0x45: {  	v9 =	vld [tilespmem:$0x1ED00]  }
0x46: {  	s0 =	simm.s32 $0x0;
	v10 =	vld [tilespmem:$0x1ED80]  }
.LBB2_4:
0x47: {  	s3 =	sadd.s32 s0, s15  }
0x48: {  	[tilespmem:s29], [sflag:$0x1] =	stream.linear.gather [hbm4b:s3+s1], $0x80, $0x38;
	[tilespmem:$0x1EE00] =	vst v63  }
0x49: {  	_ =	swait.ge [sflag:s17], $0x80  }
0x4a: {  	[sflag:s17] =	ssyncset.done $0x0  }
0x4b: {  	s3 =	sadd.s32 s0, s16;
	[sflag:s17] =	ssyncadd.s32 $0xFFFFFF80  }
0x4c: {  	[tilespmem:s30], [sflag:$0x1] =	stream.linear.gather [hbm4b:s3+s1], $0x80, $0x38;
	[tilespmem:$0x1EE00] =	vst v63  }
0x4d: {  	_ =	swait.ge [sflag:s17], $0x80  }
0x4e: {  	[sflag:s17] =	ssyncset.done $0x0  }
0x4f: {  	[sflag:s17] =	ssyncadd.s32 $0xFFFFFF80  }
0x50: {  	v11 =	vld [tilespmem:$0x18700]  }
0x51: {  	v12 =	vld [tilespmem:$0x18780];
	_ =	sdelay $0x6  }
0x52: {  	v13 =	vld.idx.msk [tilespmem:v11+s1+$0x0], $0xffff  }
0x53: {  	v14 =	vld.idx.msk [tilespmem:v12+s1+$0x0], $0xffff  }
0x54: {  	v11 =	vld.idx.msk [tilespmem:v11+s18+$0x0], $0xffff  }
0x55: {  	v16 =	vld.idx.msk [tilespmem:v12+s18+$0x0], $0xffff;
	_ =	sdelay $0x2  }
0x56: {  	v15 =	vsub.f32 $0.0e+00, v13  }
0x57: {  	v13 =	vmax.f32 v13, $0.0e+00;
	v17 =	vsub.f32 $0.0e+00, v14;
	v18 =	vmax.f32 v11, $0.0e+00  }
0x58: {  	v14 =	vmax.f32 v14, $0.0e+00;
	v11 =	vsub.f32 $0.0e+00, v11;
	v47 =	vmax.f32 v16, $0.0e+00  }
0x59: {  	v16 =	vsub.f32 $0.0e+00, v16;
	v19 =	vmul.f32 v13, v3;
	v21 =	vmul.f32 v14, v3  }
0x5a: {  	v14 =	vmul.f32 v14, v7;
	v48 =	vmul.f32 v18, v5;
	v15 =	vmax.f32 v15, $0.0e+00  }
0x5b: {  	v49 =	vmul.f32 v47, v5;
	v17 =	vmax.f32 v17, $0.0e+00;
	v20 =	vmul.f32 v15, v4  }
0x5c: {  	v22 =	vmul.f32 v17, v4;
	v17 =	vmul.f32 v17, v8  }
0x5d: {  	v11 =	vmax.f32 v11, $0.0e+00;
	v16 =	vmax.f32 v16, $0.0e+00;
	v19 =	vadd.f32 v20, v19  }
0x5e: {  	v21 =	vadd.f32 v22, v21;
	v14 =	vadd.f32 v17, v14;
	v20 =	vmul.f32 v47, v9  }
0x5f: {  	v50 =	vmul.f32 v11, v6;
	v51 =	vmul.f32 v16, v6;
	v19 =	vadd.f32 v19, v48  }
0x60: {  	v16 =	vmul.f32 v16, v10;
	v17 =	vadd.f32 v21, v49;
	v14 =	vadd.f32 v14, v20  }
0x61: {  	v19 =	vadd.f32 v19, v50  }
0x62: {  	v17 =	vadd.f32 v17, v51;
	v14 =	vadd.f32 v14, v16;
	_ =	sdelay $0x1  }
0x63: {  	v16 =	vadd.f32 v14, v17;
	v14 =	vadd.f32 v14, v19;
	_ =	sdelay $0x1  }
0x64: {  	v17 =	vmul.f32 $2.000000030e-01, v16;
	v19 =	vmul.f32 $2.000000030e-01, v14  }
0x65: {  	vm0 =	vgt.f32 v16, $0.0e+00;
	vm1 =	vgt.f32 v14, $0.0e+00  }
0x66: {  	v16 =	vsel vm0, v16, v17;
	v14 =	vsel vm1, v14, v19  }
0x67: {  	v14 =	vsub.f32 v14, v16;
	_ =	sdelay $0x1  }
0x68: {  	v14 =	vmul.f32 $1.442695020e+00, v14;
	_ =	sdelay $0x1  }
0x69: {  	(erf) = vpow2.f32 v14;
	_ =	sdelay $0x4  }
0x6a: {  	v12 =	vsub.s32 v12, v0  }
0x6b: {  	vm6 =	vlt.u32 v12, $0xC38;
	v12 =	vshll.u32 v12, $0x3  }
0x6c: {  	v12 =	vnsel vm6, $0x0, v12  }
0x6d: {  	v52 =	vor.u32 $0x1, v12  }
0x6e: {  	v54 =	vor.u32 $0x2, v12;
	v53 =	vpop (erf)  }
0x6f: {  	v55 =	vor.u32 $0x3, v12;
	v13 =	vmul.f32 v53, v13  }
0x70: {  	v56 =	vor.u32 $0x4, v12;
	v15 =	vmul.f32 v53, v15  }
0x71: {  	v57 =	vmul.f32 v53, v18;
	[tilespmem:v12+s28+$0x0] =	vst.idx.add.f32.msk vm6, v13  }
0x72: {  	v11 =	vmul.f32 v53, v11;
	[tilespmem:v52+s28+$0x0] =	vst.idx.add.f32.msk vm6, v15  }
0x73: {  	[tilespmem:v54+s28+$0x0] =	vst.idx.add.f32.msk vm6, v57  }
0x74: {  	[tilespmem:v55+s28+$0x0] =	vst.idx.add.f32.msk vm6, v11  }
0x75: {  	[tilespmem:v56+s28+$0x0] =	vst.idx.add.f32.msk vm6, v53  }
0x76: {  	v11 =	vld [tilespmem:$0x18710]  }
0x77: {  	v12 =	vld [tilespmem:$0x18790];
	_ =	sdelay $0x6  }
0x78: {  	v13 =	vld.idx.msk [tilespmem:v11+s1+$0x0], $0xffff  }
0x79: {  	v14 =	vld.idx.msk [tilespmem:v12+s1+$0x0], $0xffff  }
0x7a: {  	v11 =	vld.idx.msk [tilespmem:v11+s18+$0x0], $0xffff  }
0x7b: {  	v16 =	vld.idx.msk [tilespmem:v12+s18+$0x0], $0xffff;
	_ =	sdelay $0x2  }
0x7c: {  	v58 =	vsub.f32 $0.0e+00, v13;
	v13 =	vmax.f32 v13, $0.0e+00;
	v59 =	vsub.f32 $0.0e+00, v14  }
0x7d: {  	v60 =	vmax.f32 v11, $0.0e+00;
	v14 =	vmax.f32 v14, $0.0e+00;
	v11 =	vsub.f32 $0.0e+00, v11  }
0x7e: {  	v25 =	vmax.f32 v16, $0.0e+00;
	v61 =	vmul.f32 v13, v3;
	v63 =	vmul.f32 v14, v3  }
0x7f: {  	v14 =	vmul.f32 v14, v7;
	v26 =	vmul.f32 v60, v5;
	v15 =	vmax.f32 v58, $0.0e+00  }
0x80: {  	v27 =	vmul.f32 v25, v5;
	v17 =	vmax.f32 v59, $0.0e+00;
	v62 =	vmul.f32 v15, v4  }
0x81: {  	v16 =	vsub.f32 $0.0e+00, v16;
	v24 =	vmul.f32 v17, v4;
	v17 =	vmul.f32 v17, v8  }
0x82: {  	v20 =	vmul.f32 v25, v9;
	v11 =	vmax.f32 v11, $0.0e+00;
	v19 =	vadd.f32 v62, v61  }
0x83: {  	v16 =	vmax.f32 v16, $0.0e+00;
	v21 =	vadd.f32 v24, v63;
	v14 =	vadd.f32 v17, v14  }
0x84: {  	v28 =	vmul.f32 v11, v6;
	v29 =	vmul.f32 v16, v6;
	v19 =	vadd.f32 v19, v26  }
0x85: {  	v16 =	vmul.f32 v16, v10;
	v17 =	vadd.f32 v21, v27;
	v14 =	vadd.f32 v14, v20  }
0x86: {  	v19 =	vadd.f32 v19, v28  }
0x87: {  	v17 =	vadd.f32 v17, v29;
	v14 =	vadd.f32 v14, v16;
	_ =	sdelay $0x1  }
0x88: {  	v16 =	vadd.f32 v14, v17;
	v14 =	vadd.f32 v14, v19;
	_ =	sdelay $0x1  }
0x89: {  	v17 =	vmul.f32 $2.000000030e-01, v16;
	v19 =	vmul.f32 $2.000000030e-01, v14  }
0x8a: {  	vm7 =	vgt.f32 v16, $0.0e+00;
	vm8 =	vgt.f32 v14, $0.0e+00  }
0x8b: {  	v16 =	vsel vm7, v16, v17;
	v14 =	vsel vm8, v14, v19  }
0x8c: {  	v14 =	vsub.f32 v14, v16;
	_ =	sdelay $0x1  }
0x8d: {  	v14 =	vmul.f32 $1.442695020e+00, v14;
	_ =	sdelay $0x1  }
0x8e: {  	(erf) = vpow2.f32 v14;
	_ =	sdelay $0x4  }
0x8f: {  	v12 =	vsub.s32 v12, v0  }
0x90: {  	vm9 =	vlt.u32 v12, $0xC38;
	v12 =	vshll.u32 v12, $0x3  }
0x91: {  	v12 =	vnsel vm9, $0x0, v12  }
0x92: {  	v30 =	vor.u32 $0x1, v12  }
0x93: {  	v32 =	vor.u32 $0x2, v12;
	v31 =	vpop (erf)  }
0x94: {  	v33 =	vor.u32 $0x3, v12;
	v13 =	vmul.f32 v31, v13  }
0x95: {  	v34 =	vor.u32 $0x4, v12;
	v15 =	vmul.f32 v31, v15  }
0x96: {  	v35 =	vmul.f32 v31, v60;
	[tilespmem:v12+s28+$0x0] =	vst.idx.add.f32.msk vm9, v13  }
0x97: {  	v11 =	vmul.f32 v31, v11;
	[tilespmem:v30+s28+$0x0] =	vst.idx.add.f32.msk vm9, v15  }
0x98: {  	[tilespmem:v32+s28+$0x0] =	vst.idx.add.f32.msk vm9, v35  }
0x99: {  	[tilespmem:v33+s28+$0x0] =	vst.idx.add.f32.msk vm9, v11  }
0x9a: {  	[tilespmem:v34+s28+$0x0] =	vst.idx.add.f32.msk vm9, v31  }
0x9b: {  	v11 =	vld [tilespmem:$0x18720]  }
0x9c: {  	v12 =	vld [tilespmem:$0x187A0];
	_ =	sdelay $0x6  }
0x9d: {  	v13 =	vld.idx.msk [tilespmem:v11+s1+$0x0], $0xffff  }
0x9e: {  	v14 =	vld.idx.msk [tilespmem:v12+s1+$0x0], $0xffff  }
0x9f: {  	v11 =	vld.idx.msk [tilespmem:v11+s18+$0x0], $0xffff  }
0xa0: {  	v16 =	vld.idx.msk [tilespmem:v12+s18+$0x0], $0xffff;
	_ =	sdelay $0x2  }
0xa1: {  	v36 =	vsub.f32 $0.0e+00, v13;
	v13 =	vmax.f32 v13, $0.0e+00;
	v37 =	vsub.f32 $0.0e+00, v14  }
0xa2: {  	v38 =	vmax.f32 v11, $0.0e+00;
	v14 =	vmax.f32 v14, $0.0e+00;
	v11 =	vsub.f32 $0.0e+00, v11  }
0xa3: {  	v43 =	vmax.f32 v16, $0.0e+00;
	v39 =	vmul.f32 v13, v3;
	v41 =	vmul.f32 v14, v3  }
0xa4: {  	v14 =	vmul.f32 v14, v7;
	v44 =	vmul.f32 v38, v5;
	v15 =	vmax.f32 v36, $0.0e+00  }
0xa5: {  	v45 =	vmul.f32 v43, v5;
	v17 =	vmax.f32 v37, $0.0e+00;
	v40 =	vmul.f32 v15, v4  }
0xa6: {  	v16 =	vsub.f32 $0.0e+00, v16;
	v42 =	vmul.f32 v17, v4;
	v17 =	vmul.f32 v17, v8  }
0xa7: {  	v20 =	vmul.f32 v43, v9;
	v11 =	vmax.f32 v11, $0.0e+00;
	v19 =	vadd.f32 v40, v39  }
0xa8: {  	v16 =	vmax.f32 v16, $0.0e+00;
	v21 =	vadd.f32 v42, v41;
	v14 =	vadd.f32 v17, v14  }
0xa9: {  	v46 =	vmul.f32 v11, v6;
	v47 =	vmul.f32 v16, v6;
	v19 =	vadd.f32 v19, v44  }
0xaa: {  	v16 =	vmul.f32 v16, v10;
	v17 =	vadd.f32 v21, v45;
	v14 =	vadd.f32 v14, v20  }
0xab: {  	v19 =	vadd.f32 v19, v46  }
0xac: {  	v17 =	vadd.f32 v17, v47;
	v14 =	vadd.f32 v14, v16;
	_ =	sdelay $0x1  }
0xad: {  	v16 =	vadd.f32 v14, v17;
	v14 =	vadd.f32 v14, v19;
	_ =	sdelay $0x1  }
0xae: {  	v17 =	vmul.f32 $2.000000030e-01, v16;
	v19 =	vmul.f32 $2.000000030e-01, v14  }
0xaf: {  	vm10 =	vgt.f32 v16, $0.0e+00;
	vm11 =	vgt.f32 v14, $0.0e+00  }
0xb0: {  	v16 =	vsel vm10, v16, v17;
	v14 =	vsel vm11, v14, v19  }
0xb1: {  	v14 =	vsub.f32 v14, v16;
	_ =	sdelay $0x1  }
0xb2: {  	v14 =	vmul.f32 $1.442695020e+00, v14;
	_ =	sdelay $0x1  }
0xb3: {  	(erf) = vpow2.f32 v14;
	_ =	sdelay $0x4  }
0xb4: {  	v12 =	vsub.s32 v12, v0  }
0xb5: {  	vm12 =	vlt.u32 v12, $0xC38;
	v12 =	vshll.u32 v12, $0x3  }
0xb6: {  	v12 =	vnsel vm12, $0x0, v12  }
0xb7: {  	v48 =	vor.u32 $0x1, v12  }
0xb8: {  	v50 =	vor.u32 $0x2, v12;
	v49 =	vpop (erf)  }
0xb9: {  	v51 =	vor.u32 $0x3, v12;
	v13 =	vmul.f32 v49, v13  }
0xba: {  	v52 =	vor.u32 $0x4, v12;
	v15 =	vmul.f32 v49, v15  }
0xbb: {  	v53 =	vmul.f32 v49, v38;
	[tilespmem:v12+s28+$0x0] =	vst.idx.add.f32.msk vm12, v13  }
0xbc: {  	v11 =	vmul.f32 v49, v11;
	[tilespmem:v48+s28+$0x0] =	vst.idx.add.f32.msk vm12, v15  }
0xbd: {  	[tilespmem:v50+s28+$0x0] =	vst.idx.add.f32.msk vm12, v53  }
0xbe: {  	[tilespmem:v51+s28+$0x0] =	vst.idx.add.f32.msk vm12, v11  }
0xbf: {  	[tilespmem:v52+s28+$0x0] =	vst.idx.add.f32.msk vm12, v49  }
0xc0: {  	v11 =	vld [tilespmem:$0x18730]  }
0xc1: {  	v12 =	vld [tilespmem:$0x187B0];
	_ =	sdelay $0x6  }
0xc2: {  	v13 =	vld.idx.msk [tilespmem:v11+s1+$0x0], $0xffff  }
0xc3: {  	v14 =	vld.idx.msk [tilespmem:v12+s1+$0x0], $0xffff  }
0xc4: {  	v11 =	vld.idx.msk [tilespmem:v11+s18+$0x0], $0xffff  }
0xc5: {  	v16 =	vld.idx.msk [tilespmem:v12+s18+$0x0], $0xffff;
	_ =	sdelay $0x2  }
0xc6: {  	v54 =	vsub.f32 $0.0e+00, v13;
	v13 =	vmax.f32 v13, $0.0e+00;
	v55 =	vsub.f32 $0.0e+00, v14  }
0xc7: {  	v56 =	vmax.f32 v11, $0.0e+00;
	v14 =	vmax.f32 v14, $0.0e+00;
	v11 =	vsub.f32 $0.0e+00, v11  }
0xc8: {  	v61 =	vmax.f32 v16, $0.0e+00;
	v57 =	vmul.f32 v13, v3;
	v59 =	vmul.f32 v14, v3  }
0xc9: {  	v14 =	vmul.f32 v14, v7;
	v62 =	vmul.f32 v56, v5;
	v15 =	vmax.f32 v54, $0.0e+00  }
0xca: {  	v63 =	vmul.f32 v61, v5;
	v17 =	vmax.f32 v55, $0.0e+00;
	v58 =	vmul.f32 v15, v4  }
0xcb: {  	v16 =	vsub.f32 $0.0e+00, v16;
	v60 =	vmul.f32 v17, v4;
	v17 =	vmul.f32 v17, v8  }
0xcc: {  	v20 =	vmul.f32 v61, v9;
	v11 =	vmax.f32 v11, $0.0e+00;
	v19 =	vadd.f32 v58, v57  }
0xcd: {  	v16 =	vmax.f32 v16, $0.0e+00;
	v21 =	vadd.f32 v60, v59;
	v14 =	vadd.f32 v17, v14  }
0xce: {  	v24 =	vmul.f32 v11, v6;
	v25 =	vmul.f32 v16, v6;
	v19 =	vadd.f32 v19, v62  }
0xcf: {  	v16 =	vmul.f32 v16, v10;
	v17 =	vadd.f32 v21, v63;
	v14 =	vadd.f32 v14, v20  }
0xd0: {  	v19 =	vadd.f32 v19, v24  }
0xd1: {  	v17 =	vadd.f32 v17, v25;
	v14 =	vadd.f32 v14, v16;
	_ =	sdelay $0x1  }
0xd2: {  	v16 =	vadd.f32 v14, v17;
	v14 =	vadd.f32 v14, v19;
	_ =	sdelay $0x1  }
0xd3: {  	v17 =	vmul.f32 $2.000000030e-01, v16;
	v19 =	vmul.f32 $2.000000030e-01, v14  }
0xd4: {  	vm13 =	vgt.f32 v16, $0.0e+00;
	vm14 =	vgt.f32 v14, $0.0e+00  }
0xd5: {  	v16 =	vsel vm13, v16, v17;
	v14 =	vsel vm14, v14, v19  }
0xd6: {  	v14 =	vsub.f32 v14, v16;
	_ =	sdelay $0x1  }
0xd7: {  	v14 =	vmul.f32 $1.442695020e+00, v14;
	_ =	sdelay $0x1  }
0xd8: {  	(erf) = vpow2.f32 v14;
	_ =	sdelay $0x4  }
0xd9: {  	v12 =	vsub.s32 v12, v0  }
0xda: {  	vm15 =	vlt.u32 v12, $0xC38;
	v12 =	vshll.u32 v12, $0x3  }
0xdb: {  	v12 =	vnsel vm15, $0x0, v12  }
0xdc: {  	v26 =	vor.u32 $0x1, v12  }
0xdd: {  	v28 =	vor.u32 $0x2, v12;
	v27 =	vpop (erf)  }
0xde: {  	v29 =	vor.u32 $0x3, v12;
	v13 =	vmul.f32 v27, v13  }
0xdf: {  	v30 =	vor.u32 $0x4, v12;
	v15 =	vmul.f32 v27, v15  }
0xe0: {  	v31 =	vmul.f32 v27, v56;
	[tilespmem:v12+s28+$0x0] =	vst.idx.add.f32.msk vm15, v13  }
0xe1: {  	v11 =	vmul.f32 v27, v11;
	[tilespmem:v26+s28+$0x0] =	vst.idx.add.f32.msk vm15, v15  }
0xe2: {  	[tilespmem:v28+s28+$0x0] =	vst.idx.add.f32.msk vm15, v31  }
0xe3: {  	[tilespmem:v29+s28+$0x0] =	vst.idx.add.f32.msk vm15, v11  }
0xe4: {  	[tilespmem:v30+s28+$0x0] =	vst.idx.add.f32.msk vm15, v27  }
0xe5: {  	v11 =	vld [tilespmem:$0x18740]  }
0xe6: {  	v12 =	vld [tilespmem:$0x187C0];
	_ =	sdelay $0x6  }
0xe7: {  	v13 =	vld.idx.msk [tilespmem:v11+s1+$0x0], $0xffff  }
0xe8: {  	v14 =	vld.idx.msk [tilespmem:v12+s1+$0x0], $0xffff  }
0xe9: {  	v11 =	vld.idx.msk [tilespmem:v11+s18+$0x0], $0xffff  }
0xea: {  	v16 =	vld.idx.msk [tilespmem:v12+s18+$0x0], $0xffff;
	_ =	sdelay $0x2  }
0xeb: {  	v32 =	vsub.f32 $0.0e+00, v13;
	v13 =	vmax.f32 v13, $0.0e+00;
	v33 =	vsub.f32 $0.0e+00, v14  }
0xec: {  	v34 =	vmax.f32 v11, $0.0e+00;
	v14 =	vmax.f32 v14, $0.0e+00;
	v11 =	vsub.f32 $0.0e+00, v11  }
0xed: {  	v39 =	vmax.f32 v16, $0.0e+00;
	v35 =	vmul.f32 v13, v3;
	v37 =	vmul.f32 v14, v3  }
0xee: {  	v14 =	vmul.f32 v14, v7;
	v40 =	vmul.f32 v34, v5;
	v15 =	vmax.f32 v32, $0.0e+00  }
0xef: {  	v41 =	vmul.f32 v39, v5;
	v17 =	vmax.f32 v33, $0.0e+00;
	v36 =	vmul.f32 v15, v4  }
0xf0: {  	v16 =	vsub.f32 $0.0e+00, v16;
	v38 =	vmul.f32 v17, v4;
	v17 =	vmul.f32 v17, v8  }
0xf1: {  	v20 =	vmul.f32 v39, v9;
	v11 =	vmax.f32 v11, $0.0e+00;
	v19 =	vadd.f32 v36, v35  }
0xf2: {  	v16 =	vmax.f32 v16, $0.0e+00;
	v21 =	vadd.f32 v38, v37;
	v14 =	vadd.f32 v17, v14  }
0xf3: {  	v42 =	vmul.f32 v11, v6;
	v43 =	vmul.f32 v16, v6;
	v19 =	vadd.f32 v19, v40  }
0xf4: {  	v16 =	vmul.f32 v16, v10;
	v17 =	vadd.f32 v21, v41;
	v14 =	vadd.f32 v14, v20  }
0xf5: {  	v19 =	vadd.f32 v19, v42  }
0xf6: {  	v17 =	vadd.f32 v17, v43;
	v14 =	vadd.f32 v14, v16;
	_ =	sdelay $0x1  }
0xf7: {  	v16 =	vadd.f32 v14, v17;
	v14 =	vadd.f32 v14, v19;
	_ =	sdelay $0x1  }
0xf8: {  	v17 =	vmul.f32 $2.000000030e-01, v16;
	v19 =	vmul.f32 $2.000000030e-01, v14  }
0xf9: {  	vm4 =	vgt.f32 v16, $0.0e+00;
	vm5 =	vgt.f32 v14, $0.0e+00  }
0xfa: {  	v16 =	vsel vm4, v16, v17;
	v14 =	vsel vm5, v14, v19  }
0xfb: {  	v14 =	vsub.f32 v14, v16;
	_ =	sdelay $0x1  }
0xfc: {  	v14 =	vmul.f32 $1.442695020e+00, v14;
	_ =	sdelay $0x1  }
0xfd: {  	(erf) = vpow2.f32 v14;
	_ =	sdelay $0x4  }
0xfe: {  	v12 =	vsub.s32 v12, v0  }
0xff: {  	vm6 =	vlt.u32 v12, $0xC38;
	v12 =	vshll.u32 v12, $0x3  }
0x100: {  	v12 =	vnsel vm6, $0x0, v12  }
0x101: {  	v44 =	vor.u32 $0x1, v12  }
0x102: {  	v46 =	vor.u32 $0x2, v12;
	v45 =	vpop (erf)  }
0x103: {  	v47 =	vor.u32 $0x3, v12;
	v13 =	vmul.f32 v45, v13  }
0x104: {  	v48 =	vor.u32 $0x4, v12;
	v15 =	vmul.f32 v45, v15  }
0x105: {  	v49 =	vmul.f32 v45, v34;
	[tilespmem:v12+s28+$0x0] =	vst.idx.add.f32.msk vm6, v13  }
0x106: {  	v11 =	vmul.f32 v45, v11;
	[tilespmem:v44+s28+$0x0] =	vst.idx.add.f32.msk vm6, v15  }
0x107: {  	[tilespmem:v46+s28+$0x0] =	vst.idx.add.f32.msk vm6, v49  }
0x108: {  	[tilespmem:v47+s28+$0x0] =	vst.idx.add.f32.msk vm6, v11  }
0x109: {  	[tilespmem:v48+s28+$0x0] =	vst.idx.add.f32.msk vm6, v45  }
0x10a: {  	v11 =	vld [tilespmem:$0x18750]  }
0x10b: {  	v12 =	vld [tilespmem:$0x187D0];
	_ =	sdelay $0x6  }
0x10c: {  	v13 =	vld.idx.msk [tilespmem:v11+s1+$0x0], $0xffff  }
0x10d: {  	v14 =	vld.idx.msk [tilespmem:v12+s1+$0x0], $0xffff  }
0x10e: {  	v11 =	vld.idx.msk [tilespmem:v11+s18+$0x0], $0xffff  }
0x10f: {  	v16 =	vld.idx.msk [tilespmem:v12+s18+$0x0], $0xffff;
	_ =	sdelay $0x2  }
0x110: {  	v50 =	vsub.f32 $0.0e+00, v13;
	v13 =	vmax.f32 v13, $0.0e+00;
	v51 =	vsub.f32 $0.0e+00, v14  }
0x111: {  	v52 =	vmax.f32 v11, $0.0e+00;
	v14 =	vmax.f32 v14, $0.0e+00;
	v11 =	vsub.f32 $0.0e+00, v11  }
0x112: {  	v57 =	vmax.f32 v16, $0.0e+00;
	v53 =	vmul.f32 v13, v3;
	v55 =	vmul.f32 v14, v3  }
0x113: {  	v14 =	vmul.f32 v14, v7;
	v58 =	vmul.f32 v52, v5;
	v15 =	vmax.f32 v50, $0.0e+00  }
0x114: {  	v59 =	vmul.f32 v57, v5;
	v17 =	vmax.f32 v51, $0.0e+00;
	v54 =	vmul.f32 v15, v4  }
0x115: {  	v16 =	vsub.f32 $0.0e+00, v16;
	v56 =	vmul.f32 v17, v4;
	v17 =	vmul.f32 v17, v8  }
0x116: {  	v20 =	vmul.f32 v57, v9;
	v11 =	vmax.f32 v11, $0.0e+00;
	v19 =	vadd.f32 v54, v53  }
0x117: {  	v16 =	vmax.f32 v16, $0.0e+00;
	v21 =	vadd.f32 v56, v55;
	v14 =	vadd.f32 v17, v14  }
0x118: {  	v60 =	vmul.f32 v11, v6;
	v61 =	vmul.f32 v16, v6;
	v19 =	vadd.f32 v19, v58  }
0x119: {  	v16 =	vmul.f32 v16, v10;
	v17 =	vadd.f32 v21, v59;
	v14 =	vadd.f32 v14, v20  }
0x11a: {  	v19 =	vadd.f32 v19, v60  }
0x11b: {  	v17 =	vadd.f32 v17, v61;
	v14 =	vadd.f32 v14, v16;
	_ =	sdelay $0x1  }
0x11c: {  	v16 =	vadd.f32 v14, v17;
	v14 =	vadd.f32 v14, v19;
	_ =	sdelay $0x1  }
0x11d: {  	v17 =	vmul.f32 $2.000000030e-01, v16;
	v19 =	vmul.f32 $2.000000030e-01, v14  }
0x11e: {  	vm7 =	vgt.f32 v16, $0.0e+00;
	vm8 =	vgt.f32 v14, $0.0e+00  }
0x11f: {  	v16 =	vsel vm7, v16, v17;
	v14 =	vsel vm8, v14, v19  }
0x120: {  	v14 =	vsub.f32 v14, v16;
	_ =	sdelay $0x1  }
0x121: {  	v14 =	vmul.f32 $1.442695020e+00, v14;
	_ =	sdelay $0x1  }
0x122: {  	(erf) = vpow2.f32 v14;
	_ =	sdelay $0x4  }
0x123: {  	v12 =	vsub.s32 v12, v0  }
0x124: {  	vm9 =	vlt.u32 v12, $0xC38;
	v12 =	vshll.u32 v12, $0x3  }
0x125: {  	v12 =	vnsel vm9, $0x0, v12  }
0x126: {  	v62 =	vor.u32 $0x1, v12  }
0x127: {  	v24 =	vor.u32 $0x2, v12;
	v63 =	vpop (erf)  }
0x128: {  	v25 =	vor.u32 $0x3, v12;
	v13 =	vmul.f32 v63, v13  }
0x129: {  	v26 =	vor.u32 $0x4, v12;
	v15 =	vmul.f32 v63, v15  }
0x12a: {  	v27 =	vmul.f32 v63, v52;
	[tilespmem:v12+s28+$0x0] =	vst.idx.add.f32.msk vm9, v13  }
0x12b: {  	v11 =	vmul.f32 v63, v11;
	[tilespmem:v62+s28+$0x0] =	vst.idx.add.f32.msk vm9, v15  }
0x12c: {  	[tilespmem:v24+s28+$0x0] =	vst.idx.add.f32.msk vm9, v27  }
0x12d: {  	[tilespmem:v25+s28+$0x0] =	vst.idx.add.f32.msk vm9, v11  }
0x12e: {  	[tilespmem:v26+s28+$0x0] =	vst.idx.add.f32.msk vm9, v63  }
0x12f: {  	v11 =	vld [tilespmem:$0x18760]  }
0x130: {  	v12 =	vld [tilespmem:$0x187E0];
	_ =	sdelay $0x6  }
0x131: {  	v13 =	vld.idx.msk [tilespmem:v11+s1+$0x0], $0xffff  }
0x132: {  	v14 =	vld.idx.msk [tilespmem:v12+s1+$0x0], $0xffff  }
0x133: {  	v11 =	vld.idx.msk [tilespmem:v11+s18+$0x0], $0xffff  }
0x134: {  	v16 =	vld.idx.msk [tilespmem:v12+s18+$0x0], $0xffff;
	_ =	sdelay $0x2  }
0x135: {  	v28 =	vsub.f32 $0.0e+00, v13;
	v13 =	vmax.f32 v13, $0.0e+00;
	v29 =	vsub.f32 $0.0e+00, v14  }
0x136: {  	v30 =	vmax.f32 v11, $0.0e+00;
	v14 =	vmax.f32 v14, $0.0e+00;
	v11 =	vsub.f32 $0.0e+00, v11  }
0x137: {  	v35 =	vmax.f32 v16, $0.0e+00;
	v31 =	vmul.f32 v13, v3;
	v33 =	vmul.f32 v14, v3  }
0x138: {  	v14 =	vmul.f32 v14, v7;
	v36 =	vmul.f32 v30, v5;
	v15 =	vmax.f32 v28, $0.0e+00  }
0x139: {  	v37 =	vmul.f32 v35, v5;
	v17 =	vmax.f32 v29, $0.0e+00;
	v32 =	vmul.f32 v15, v4  }
0x13a: {  	v16 =	vsub.f32 $0.0e+00, v16;
	v34 =	vmul.f32 v17, v4;
	v17 =	vmul.f32 v17, v8  }
0x13b: {  	v20 =	vmul.f32 v35, v9;
	v11 =	vmax.f32 v11, $0.0e+00;
	v19 =	vadd.f32 v32, v31  }
0x13c: {  	v16 =	vmax.f32 v16, $0.0e+00;
	v21 =	vadd.f32 v34, v33;
	v14 =	vadd.f32 v17, v14  }
0x13d: {  	v38 =	vmul.f32 v11, v6;
	v39 =	vmul.f32 v16, v6;
	v19 =	vadd.f32 v19, v36  }
0x13e: {  	v16 =	vmul.f32 v16, v10;
	v17 =	vadd.f32 v21, v37;
	v14 =	vadd.f32 v14, v20  }
0x13f: {  	v19 =	vadd.f32 v19, v38  }
0x140: {  	v17 =	vadd.f32 v17, v39;
	v14 =	vadd.f32 v14, v16;
	_ =	sdelay $0x1  }
0x141: {  	v16 =	vadd.f32 v14, v17;
	v14 =	vadd.f32 v14, v19;
	_ =	sdelay $0x1  }
0x142: {  	v17 =	vmul.f32 $2.000000030e-01, v16;
	v19 =	vmul.f32 $2.000000030e-01, v14  }
0x143: {  	vm10 =	vgt.f32 v16, $0.0e+00;
	vm11 =	vgt.f32 v14, $0.0e+00  }
0x144: {  	v16 =	vsel vm10, v16, v17;
	v14 =	vsel vm11, v14, v19  }
0x145: {  	v14 =	vsub.f32 v14, v16;
	_ =	sdelay $0x1  }
0x146: {  	v14 =	vmul.f32 $1.442695020e+00, v14;
	_ =	sdelay $0x1  }
0x147: {  	(erf) = vpow2.f32 v14;
	_ =	sdelay $0x4  }
0x148: {  	v12 =	vsub.s32 v12, v0  }
0x149: {  	vm12 =	vlt.u32 v12, $0xC38;
	v12 =	vshll.u32 v12, $0x3  }
0x14a: {  	v12 =	vnsel vm12, $0x0, v12  }
0x14b: {  	v40 =	vor.u32 $0x1, v12  }
0x14c: {  	v42 =	vor.u32 $0x2, v12;
	v41 =	vpop (erf)  }
0x14d: {  	v43 =	vor.u32 $0x3, v12;
	v13 =	vmul.f32 v41, v13  }
0x14e: {  	v44 =	vor.u32 $0x4, v12;
	v15 =	vmul.f32 v41, v15  }
0x14f: {  	v45 =	vmul.f32 v41, v30;
	[tilespmem:v12+s28+$0x0] =	vst.idx.add.f32.msk vm12, v13  }
0x150: {  	v11 =	vmul.f32 v41, v11;
	[tilespmem:v40+s28+$0x0] =	vst.idx.add.f32.msk vm12, v15  }
0x151: {  	[tilespmem:v42+s28+$0x0] =	vst.idx.add.f32.msk vm12, v45  }
0x152: {  	[tilespmem:v43+s28+$0x0] =	vst.idx.add.f32.msk vm12, v11  }
0x153: {  	[tilespmem:v44+s28+$0x0] =	vst.idx.add.f32.msk vm12, v41  }
0x154: {  	v11 =	vld [tilespmem:$0x18770]  }
0x155: {  	v12 =	vld [tilespmem:$0x187F0];
	_ =	sdelay $0x6  }
0x156: {  	v13 =	vld.idx.msk [tilespmem:v11+s1+$0x0], $0xffff  }
0x157: {  	v14 =	vld.idx.msk [tilespmem:v12+s1+$0x0], $0xffff  }
0x158: {  	v11 =	vld.idx.msk [tilespmem:v11+s18+$0x0], $0xffff  }
0x159: {  	v16 =	vld.idx.msk [tilespmem:v12+s18+$0x0], $0xffff;
	_ =	sdelay $0x2  }
0x15a: {  	v46 =	vsub.f32 $0.0e+00, v13;
	v13 =	vmax.f32 v13, $0.0e+00;
	v47 =	vsub.f32 $0.0e+00, v14  }
0x15b: {  	v48 =	vmax.f32 v11, $0.0e+00;
	v14 =	vmax.f32 v14, $0.0e+00;
	v11 =	vsub.f32 $0.0e+00, v11  }
0x15c: {  	v53 =	vmax.f32 v16, $0.0e+00;
	v49 =	vmul.f32 v13, v3;
	v51 =	vmul.f32 v14, v3  }
0x15d: {  	v14 =	vmul.f32 v14, v7;
	v54 =	vmul.f32 v48, v5;
	v15 =	vmax.f32 v46, $0.0e+00  }
0x15e: {  	v55 =	vmul.f32 v53, v5;
	v17 =	vmax.f32 v47, $0.0e+00;
	v50 =	vmul.f32 v15, v4  }
0x15f: {  	v16 =	vsub.f32 $0.0e+00, v16;
	v52 =	vmul.f32 v17, v4;
	v17 =	vmul.f32 v17, v8  }
0x160: {  	v20 =	vmul.f32 v53, v9;
	v11 =	vmax.f32 v11, $0.0e+00;
	v19 =	vadd.f32 v50, v49  }
0x161: {  	v16 =	vmax.f32 v16, $0.0e+00;
	v21 =	vadd.f32 v52, v51;
	v14 =	vadd.f32 v17, v14  }
0x162: {  	v56 =	vmul.f32 v11, v6;
	v57 =	vmul.f32 v16, v6;
	v19 =	vadd.f32 v19, v54  }
0x163: {  	v16 =	vmul.f32 v16, v10;
	v17 =	vadd.f32 v21, v55;
	v14 =	vadd.f32 v14, v20  }
0x164: {  	v19 =	vadd.f32 v19, v56  }
0x165: {  	v17 =	vadd.f32 v17, v57;
	v14 =	vadd.f32 v14, v16;
	_ =	sdelay $0x1  }
0x166: {  	v16 =	vadd.f32 v14, v17;
	v14 =	vadd.f32 v14, v19;
	_ =	sdelay $0x1  }
0x167: {  	v17 =	vmul.f32 $2.000000030e-01, v16;
	v19 =	vmul.f32 $2.000000030e-01, v14  }
0x168: {  	vm13 =	vgt.f32 v16, $0.0e+00;
	vm14 =	vgt.f32 v14, $0.0e+00  }
0x169: {  	v16 =	vsel vm13, v16, v17;
	v14 =	vsel vm14, v14, v19  }
0x16a: {  	v14 =	vsub.f32 v14, v16;
	_ =	sdelay $0x1  }
0x16b: {  	v14 =	vmul.f32 $1.442695020e+00, v14;
	_ =	sdelay $0x1  }
0x16c: {  	(erf) = vpow2.f32 v14;
	_ =	sdelay $0x4  }
0x16d: {  	v12 =	vsub.s32 v12, v0  }
0x16e: {  	vm15 =	vlt.u32 v12, $0xC38;
	v12 =	vshll.u32 v12, $0x3  }
0x16f: {  	v12 =	vnsel vm15, $0x0, v12  }
0x170: {  	v58 =	vor.u32 $0x1, v12  }
0x171: {  	v60 =	vor.u32 $0x2, v12;
	v59 =	vpop (erf)  }
0x172: {  	v61 =	vor.u32 $0x3, v12;
	v13 =	vmul.f32 v59, v13  }
0x173: {  	p0 =	sne.s32 s0, $0x18680;
	v62 =	vor.u32 $0x4, v12;
	v15 =	vmul.f32 v59, v15  }
.Ltmp1:
0x174: {  	v63 =	vmul.f32 v59, v48;
	[tilespmem:v12+s28+$0x0] =	vst.idx.add.f32.msk vm15, v13;
	(pc) =	sbr.rel @p0 .LBB2_4-.Ltmp1, $4  }
0x175: {  	v11 =	vmul.f32 v59, v11;
	[tilespmem:v58+s28+$0x0] =	vst.idx.add.f32.msk vm15, v15  }
0x176: {  	[tilespmem:v60+s28+$0x0] =	vst.idx.add.f32.msk vm15, v63  }
0x177: {  	[tilespmem:v61+s28+$0x0] =	vst.idx.add.f32.msk vm15, v11  }
0x178: {  	s0 =	sadd.s32 $0x20, s0;
	[tilespmem:v62+s28+$0x0] =	vst.idx.add.f32.msk vm15, v59  }
0x179: {  	s31 =	sadd.s32 $0x1, s31  }
0x17a: {  	p0 =	sne.s32 s31, s13  }
.Ltmp2:
0x17b: {  	_ = 	snop;
	(pc) =	sbr.rel @p0 .LBB2_1-.Ltmp2, $4  }
0x17c: {  	[hbm4b:s14+s1] =	stream.linear.scatter [tilespmem:s28], [sflag:$0x1], $0x61C0, $0x38;
	[tilespmem:$0x1EE00] =	vst v63  }
0x17d: {  	_ =	swait.ge [sflag:s17], $0x61C0  }
0x17e: {  	[sflag:s17] =	ssyncset.done $0x0  }
0x17f: {  	[sflag:s17] =	ssyncadd.s32 $0xFFFF9E40  }
0x180: {  	_ =	sfence.sel $0x180000  }
0x181: {  	[bflag:$0x0] =	sbarrier.arrive $0xFFFF  }
0x182: {  	_ =	strace $0x9000004A  }
0x183: {  	s0 =	stileid.u32;
	[bflag:$0x2] =	sbarrier.arrive $0xFFFF  }
0x184: {  	p0 =	sne.s32 s0, $0x0;
	s0 =	rddreg [dreg:$0x1]  }
0x185: {  	s0 =	sadd.s32 @!p0 $0x100000, s0  }
0x186: {  	[sflag:s0] =	ssyncadd.tile.s32 @!p0 $0x1;
	_ =	shalt  }
.Lfunc_end2:
_tile_overlayer_lowered:
.L_overlay_start_2:
0x187: {  	(tag) =	ssettag $0x2  }
0x188: {  	s0 =	rddreg [dreg:$0x0];
	s2 =	stileid.u32  }
0x189: {  	s1 =	rddreg [dreg:$0x1];
	p0 =	sne.s32 s2, $0x0  }
0x18a: {  	s3 =	rddreg [dreg:$0x2];
	[bflag:$0x3] =	sbarrier.arrive $0xFFFF;
	s2 =	simm.s32 @!p0 $0x1C01  }
0x18b: {  	[timem:s3], [sflag:s2] =	dma.local @!p0 [hbm:s0], s1  }
0x18c: {  	s0 =	simm.s32 @!p0 $0x1  }
0x18d: {  	_ =	swait.ge @!p0 [sflag:s0], s1  }
0x18e: {  	s1 =	ssub.s32 @!p0 $0x0, s1;
	[sflag:s0] =	ssyncset.done @!p0 $0x0  }
0x18f: {  	[sflag:s0] =	ssyncadd.s32 @!p0 s1  }
0x190: {  	[bflag:$0x3] =	sbarrier.arrive $0xFFFF  }
0x191: {  	_ =	shalt  }

</sc_bundles>
